<compile_context>
chip_gen: v7x
topology: tpu7x:2x2x1
jax: 0.10.2.dev20260603
libtpu: 0.0.44.dev20260713+nightly
codegen_flags: <defaults>
</compile_context>

<pallas_src>
import functools

import jax
import jax.numpy as jnp
from jax import lax
from jax.experimental import pallas as pl
from jax.experimental.pallas import tpu as pltpu
from jax.experimental.pallas import tpu_sc as plsc

_NW = 32


def _leaky(v):
    return jnp.where(v >= 0, v, 0.01 * v)



def _sc_gather(table, idx2d):
    n_rows, d = table.shape
    b = idx2d.shape[0] * 128
    b_per_w = b // _NW
    n_chunks = b_per_w // 128
    mesh = plsc.VectorSubcoreMesh(core_axis_name="c", subcore_axis_name="s")

    @functools.partial(
        pl.kernel, mesh=mesh,
        out_type=jax.ShapeDtypeStruct((b, d), jnp.float32),
        scratch_types=[
            pltpu.VMEM((n_chunks, 128), jnp.int32),
            pltpu.VMEM((b_per_w, d), jnp.float32),
            pltpu.SemaphoreType.DMA,
        ],
    )
    def k(table_hbm, idx_hbm, out_hbm, idx_v, rows_v, sem):
        w = lax.axis_index("s") * 2 + lax.axis_index("c")
        pltpu.sync_copy(idx_hbm.at[pl.ds(w * n_chunks, n_chunks)], idx_v)
        for j in range(n_chunks):
            pltpu.async_copy(
                table_hbm.at[idx_v.at[j]],
                rows_v.at[pl.ds(j * 128, 128)], sem).wait()
        pltpu.sync_copy(rows_v, out_hbm.at[pl.ds(w * b_per_w, b_per_w)])

    return k(table, idx2d)


def _sc_scatter_add(rows, idx2d, n_out, zeros_hbm):
    b, d = rows.shape
    n_slab = d // 128
    b_per_w = b // _NW
    n_chunks = b_per_w // 128
    n_per_s = n_out // 16
    mesh = plsc.VectorSubcoreMesh(core_axis_name="c", subcore_axis_name="s")

    @functools.partial(
        pl.kernel, mesh=mesh,
        out_type=jax.ShapeDtypeStruct((2, n_out, d), jnp.float32),
        scratch_types=[
            pltpu.VMEM((n_chunks, 128), jnp.int32),
            pltpu.VMEM((b_per_w, 128), jnp.float32),
            pltpu.VMEM_SHARED((n_out, 128), jnp.float32),
            pltpu.SemaphoreType.DMA,
        ],
    )
    def k(rows_hbm, idx_hbm, zr_hbm, out_hbm, idx_v, rows_v, acc_sh, sem):
        c = lax.axis_index("c")
        s = lax.axis_index("s")
        w = s * 2 + c
        pltpu.sync_copy(idx_hbm.at[pl.ds(w * n_chunks, n_chunks)], idx_v)
        for sl in range(n_slab):
            pltpu.sync_copy(zr_hbm.at[pl.ds(s * n_per_s, n_per_s)],
                            acc_sh.at[pl.ds(s * n_per_s, n_per_s)])
            plsc.subcore_barrier()
            pltpu.sync_copy(
                rows_hbm.at[pl.ds(w * b_per_w, b_per_w),
                            pl.ds(sl * 128, 128)], rows_v)
            for j in range(n_chunks):
                pltpu.sync_copy(rows_v.at[pl.ds(j * 128, 128)],
                                acc_sh.at[idx_v.at[j]], add=True)
            plsc.subcore_barrier()
            pltpu.sync_copy(
                acc_sh.at[pl.ds(s * n_per_s, n_per_s)],
                out_hbm.at[c, pl.ds(s * n_per_s, n_per_s),
                           pl.ds(sl * 128, 128)])
            plsc.subcore_barrier()

    return k(rows, idx2d, zeros_hbm)



def _edge_mlp(ea, w1s, b1rs):
    e = ea.shape[0]

    def body(ea_ref, wa, ba, wb, bb, wc, bc, oa, ob, oc):
        v = ea_ref[...]
        oa[...] = _leaky(jnp.dot(v, wa[...],
                                 preferred_element_type=jnp.float32) + ba[...])
        ob[...] = _leaky(jnp.dot(v, wb[...],
                                 preferred_element_type=jnp.float32) + bb[...])
        oc[...] = _leaky(jnp.dot(v, wc[...],
                                 preferred_element_type=jnp.float32) + bc[...])

    hids = [w.shape[1] for w in w1s]
    return pl.pallas_call(
        body,
        out_shape=[jax.ShapeDtypeStruct((e, h), jnp.float32) for h in hids],
    )(ea, w1s[0], b1rs[0], w1s[1], b1rs[1], w1s[2], b1rs[2])


def _msg(h, xs, w2b, in_ch, out_ch, be):
    e, hid = h.shape
    inp = xs.shape[1]
    io = w2b.shape[1]

    def body(h_ref, xs_ref, w2_ref, o_ref):
        hb = h_ref[...].astype(jnp.bfloat16)
        web = jnp.dot(hb, w2_ref[...],
                      preferred_element_type=jnp.float32)
        web = web.astype(jnp.bfloat16).astype(jnp.float32)
        xsb = xs_ref[...].astype(jnp.bfloat16).astype(jnp.float32)
        acc = xsb[:, 0:1] * web[:, 0:out_ch]
        for i in range(1, in_ch):
            acc += xsb[:, i:i + 1] * web[:, i * out_ch:(i + 1) * out_ch]
        o_ref[...] = acc

    return pl.pallas_call(
        body,
        grid=(e // be,),
        in_specs=[
            pl.BlockSpec((be, hid), lambda b: (b, 0)),
            pl.BlockSpec((be, inp), lambda b: (b, 0)),
            pl.BlockSpec((hid, io), lambda b: (0, 0)),
        ],
        out_specs=pl.BlockSpec((be, out_ch), lambda b: (b, 0)),
        out_shape=jax.ShapeDtypeStruct((e, out_ch), jnp.float32),
    )(h, xs, w2b)


def _node_update(scat, cnt2, dprev, rootp, bias_row):
    n, out_ch = scat.shape[1], scat.shape[2]

    def body(sc_ref, cn_ref, dp_ref, rt_ref, b_ref, o_ref):
        s = sc_ref[0] + sc_ref[1]
        cnt = jnp.max(cn_ref[0] + cn_ref[1], axis=1, keepdims=True)
        inv = 1.0 / jnp.maximum(cnt, 1.0)
        o_ref[...] = _leaky(s * inv + jnp.dot(dp_ref[...], rt_ref[...],
                                              preferred_element_type=jnp.float32)
                            + b_ref[...])

    return pl.pallas_call(
        body,
        out_shape=jax.ShapeDtypeStruct((n, out_ch), jnp.float32),
    )(scat, cnt2, dprev, rootp, bias_row)


def _head(scat4, cntg2, fc1wp, fc1b, fc2w, fc2b, fc3wr, fc3b):
    g = scat4.shape[1]

    def body(sc_ref, cg_ref, w1_ref, b1_ref, w2_ref, b2_ref, w3r_ref, b3_ref,
             o_ref):
        s = sc_ref[0] + sc_ref[1]
        cnt = jnp.max(cg_ref[0] + cg_ref[1], axis=1, keepdims=True)
        inv = 1.0 / jnp.maximum(cnt, 1.0)
        p = s * inv
        h1 = _leaky(jnp.dot(p, w1_ref[...],
                            preferred_element_type=jnp.float32) + b1_ref[...])
        h2 = _leaky(jnp.dot(h1, w2_ref[...],
                            preferred_element_type=jnp.float32) + b2_ref[...])
        h2b = h2.astype(jnp.bfloat16).astype(jnp.float32)
        w3b = w3r_ref[...].astype(jnp.bfloat16).astype(jnp.float32)
        o_ref[...] = (jnp.sum(h2b * w3b, axis=1, keepdims=True)
                      + b3_ref[...])

    return pl.pallas_call(
        body,
        out_shape=jax.ShapeDtypeStruct((g, 1), jnp.float32),
    )(scat4, cntg2, fc1wp, fc1b, fc2w, fc2b, fc3wr, fc3b)



def _prep_layer(p, in_ch, out_ch, inp):
    w2b = p["w2"].astype(jnp.bfloat16)
    rootp = jnp.pad(p["root"], ((0, inp - in_ch), (0, 0)))
    return w2b, rootp, p["bias"][None, :]


def kernel(x, edge_index, edge_attr, batch, params):
    n, d_node = x.shape
    e = edge_attr.shape[0]
    g = 256
    src2 = edge_index[0].reshape(-1, 128)
    dst2 = edge_index[1].reshape(-1, 128)
    batch2 = batch.reshape(-1, 128)

    p1, p2, p3 = params["conv1"], params["conv2"], params["conv3"]
    inp1 = 128
    inp23 = 256
    cat_ch = 128 + d_node

    w1s = [p["w1"] for p in (p1, p2, p3)]
    b1rs = [p["b1"][None, :] for p in (p1, p2, p3)]
    h1, h2, h3 = _edge_mlp(edge_attr, w1s, b1rs)

    w2b1, rootp1, biasr1 = _prep_layer(p1, d_node, 128, inp1)
    w2b2, rootp2, biasr2 = _prep_layer(p2, cat_ch, 128, inp23)
    w2b3, rootp3, biasr3 = _prep_layer(p3, cat_ch, 256, inp23)

    zrn128 = jnp.zeros((n, 128), jnp.float32)
    zrg128 = jnp.zeros((g, 128), jnp.float32)

    cnt_e2 = _sc_scatter_add(jnp.ones((e, 128), jnp.float32), dst2, n, zrn128)
    cnt_g2 = _sc_scatter_add(jnp.ones((n, 128), jnp.float32), batch2, g,
                             zrg128)

    xp = jnp.pad(x, ((0, 0), (0, inp1 - d_node)))
    xs1 = _sc_gather(xp, src2)
    msg1 = _msg(h1, xs1, w2b1, d_node, 128, 512)
    scat1 = _sc_scatter_add(msg1, dst2, n, zrn128)
    d1 = _node_update(scat1, cnt_e2, xp, rootp1, biasr1)
    d1cat = jnp.concatenate(
        [d1, x, jnp.zeros((n, inp23 - 128 - d_node), jnp.float32)], axis=1)

    xs2 = _sc_gather(d1cat, src2)
    msg2 = _msg(h2, xs2, w2b2, cat_ch, 128, 256)
    scat2 = _sc_scatter_add(msg2, dst2, n, zrn128)
    d2 = _node_update(scat2, cnt_e2, d1cat, rootp2, biasr2)
    d2cat = jnp.concatenate(
        [d2, x, jnp.zeros((n, inp23 - 128 - d_node), jnp.float32)], axis=1)

    xs3 = _sc_gather(d2cat, src2)
    msg3 = _msg(h3, xs3, w2b3, cat_ch, 256, 128)
    scat3 = _sc_scatter_add(msg3, dst2, n, zrn128)
    d3 = _node_update(scat3, cnt_e2, d2cat, rootp3, biasr3)

    pin = jnp.concatenate(
        [d3, x, jnp.zeros((n, 384 - 256 - d_node), jnp.float32)], axis=1)
    scat4 = _sc_scatter_add(pin, batch2, g, zrg128)

    fc1wp = jnp.pad(params["fc1"]["w"], ((0, 384 - (256 + d_node)), (0, 0)))
    return _head(scat4, cnt_g2, fc1wp, params["fc1"]["b"][None, :],
                 params["fc2"]["w"], params["fc2"]["b"][None, :],
                 params["fc3"]["w"].T, params["fc3"]["b"][None, :])

# --- scband reference (transcript-rebuilt; emitter-appended) ---
"""Pipeline reference for scband-critic-7576322310714 (READ-ONLY COPY).

The authoritative reference and input builder live on the scoring server;
editing this copy changes nothing except your own understanding.
"""

import jax, jax.numpy as jnp
import numpy as np

N_NODES = 4096
N_EDGES = 8192
D_NODE = 11
D_EDGE = 4
N_GRAPHS = 256


def _leaky(x):
    return jnp.where(x >= 0, x, 0.01 * x)


def _lin(key, fan_in, fan_out, scale=1.0):
    w = scale * jax.random.normal(key, (fan_in, fan_out), jnp.float32) / np.sqrt(fan_in)
    b = jnp.zeros((fan_out,), jnp.float32)
    return w, b


def _conv_params(key, in_ch, out_ch, hid):
    k1, k2, k3 = jax.random.split(key, 3)
    w1, b1 = _lin(k1, D_EDGE, hid)
    w2, b2 = _lin(k2, hid, in_ch * out_ch, scale=0.1)
    root, _ = _lin(k3, in_ch, out_ch)
    return {"w1": w1, "b1": b1, "w2": w2, "b2": b2, "root": root, "bias": jnp.zeros((out_ch,), jnp.float32)}


def setup_inputs(seed: int = 0):
    key = jax.random.key(seed)
    ks = jax.random.split(key, 10)
    x = jax.random.normal(ks[0], (N_NODES, D_NODE), jnp.float32)
    edge_index = jax.random.randint(ks[1], (2, N_EDGES), 0, N_NODES, jnp.int32)
    edge_attr = jax.random.uniform(ks[2], (N_EDGES, D_EDGE), dtype=jnp.float32)
    batch = jnp.sort(jax.random.randint(ks[3], (N_NODES,), 0, N_GRAPHS, jnp.int32))
    params = {
        "conv1": _conv_params(ks[4], D_NODE, 128, 128),
        "conv2": _conv_params(ks[5], 128 + D_NODE, 128, 256),
        "conv3": _conv_params(ks[6], 128 + D_NODE, 256, 256),
    }
    fc1w, fc1b = _lin(ks[7], 256 + D_NODE, 256)
    fc2w, fc2b = _lin(ks[8], 256, 512)
    fc3w, fc3b = _lin(ks[9], 512, 1)
    params["fc1"] = {"w": fc1w, "b": fc1b}
    params["fc2"] = {"w": fc2w, "b": fc2b}
    params["fc3"] = {"w": fc3w, "b": fc3b}
    return {"x": x, "edge_index": edge_index, "edge_attr": edge_attr, "batch": batch, "params": params}


def _nnconv(x, edge_index, edge_attr, p, in_ch, out_ch):
    # PyG NNConv with aggr='mean', root_weight=True, bias=True.
    src = edge_index[0]
    dst = edge_index[1]
    h = _leaky(edge_attr @ p["w1"] + p["b1"])  # edge MLP hidden (LeakyReLU)
    we = (h @ p["w2"] + p["b2"]).reshape(-1, in_ch, out_ch)  # per-edge weight matrix
    msg = jnp.einsum("ei,eio->eo", x[src], we)
    n = x.shape[0]
    s = jax.ops.segment_sum(msg, dst, num_segments=n)
    cnt = jax.ops.segment_sum(jnp.ones((msg.shape[0],), jnp.float32), dst, num_segments=n)
    agg = s / jnp.maximum(cnt, 1.0)[:, None]
    return agg + x @ p["root"] + p["bias"]


def _forward(x, edge_index, edge_attr, batch, params):
    d1 = _leaky(_nnconv(x, edge_index, edge_attr, params["conv1"], D_NODE, 128))
    d1 = jnp.concatenate([d1, x], axis=-1)
    d2 = _leaky(_nnconv(d1, edge_index, edge_attr, params["conv2"], 128 + D_NODE, 128))
    d2 = jnp.concatenate([d2, x], axis=-1)
    d3 = _leaky(_nnconv(d2, edge_index, edge_attr, params["conv3"], 128 + D_NODE, 256))
    d3 = jnp.concatenate([d3, x], axis=-1)
    s = jax.ops.segment_sum(d3, batch, num_segments=N_GRAPHS)
    cnt = jax.ops.segment_sum(jnp.ones((x.shape[0],), jnp.float32), batch, num_segments=N_GRAPHS)
    pooled = s / jnp.maximum(cnt, 1.0)[:, None]  # torch_scatter.scatter_mean
    h = _leaky(pooled @ params["fc1"]["w"] + params["fc1"]["b"])
    h = _leaky(h @ params["fc2"]["w"] + params["fc2"]["b"])
    return h @ params["fc3"]["w"] + params["fc3"]["b"]


def reference(x, edge_index, edge_attr, batch, params):
    return _forward(x, edge_index, edge_attr, batch, params)

if __name__ == "__main__":
    import jax
    _d = setup_inputs()
    print(jax.jit(kernel)(*tuple(_d.values())))

</pallas_src>

<mosaic_0001>
#map = affine_map<(d0, d1) -> (0, 0)>
module attributes {stable_mosaic.version = 14 : i64} {
  func.func @k(%arg0: i32, %arg1: i32, %arg2: memref<4096x128xf32, #tpu.memory_space<hbm>>, %arg3: memref<64x128xi32, #tpu.memory_space<hbm>>, %arg4: memref<8192x128xf32, #tpu.memory_space<hbm>>, %arg5: memref<2x128xi32, #tpu.memory_space<vmem>>, %arg6: memref<256x128xf32, #tpu.memory_space<vmem>>, %arg7: memref<!tpu.dma_semaphore, #tpu.memory_space<semaphore_mem>>) attributes {dimension_semantics = [#tpu.dimension_semantics<core_parallel>, #tpu.dimension_semantics<subcore_parallel>], iteration_bounds = array<i64: 2, 16>, scalar_prefetch = 0 : i64, scratch_operands = 3 : i64, tpu.core_type = #tpu.core_type<sc_vector_subcore>, window_params = [{transform_indices = #map}, {transform_indices = #map}, {transform_indices = #map}]} {
    %mul3A = arith.constant 2 : i32
    %mul3A_0 = arith.muli %arg1, %mul3A : i32
    %add3A = arith.addi %mul3A_0, %arg0 : i32
    %mul3A_1 = arith.constant 2 : i32
    %mul3A_2 = arith.muli %add3A, %mul3A_1 : i32
    "tpu.region"() ({
      %run_scoped3A = tpu.sem_alloc : memref<!tpu.dma_semaphore, #tpu.memory_space<semaphore_mem>>
      %dma_start3A_43 = arith.constant 0 : i32
      %dma_start3A_44 = tpu.memref_slice %arg3[%mul3A_2, %dma_start3A_43] : memref<64x128xi32, #tpu.memory_space<hbm>> -> memref<2x128xi32, #tpu.memory_space<hbm>>
      %dma_start3A_45 = arith.constant 0 : i32
      %dma_start3A_46 = tpu.memref_slice %arg3[%mul3A_2, %dma_start3A_45] : memref<64x128xi32, #tpu.memory_space<hbm>> -> memref<2x128xi32, #tpu.memory_space<hbm>>
      tpu.enqueue_dma source(%dma_start3A_46 : memref<2x128xi32, #tpu.memory_space<hbm>>) target(%arg5 : memref<2x128xi32, #tpu.memory_space<vmem>>) target_semaphore(%run_scoped3A : memref<!tpu.dma_semaphore, #tpu.memory_space<semaphore_mem>>)
      %dma_wait3A_47 = arith.constant 0 : i32
      %dma_wait3A_48 = tpu.memref_slice %arg3[%mul3A_2, %dma_wait3A_47] : memref<64x128xi32, #tpu.memory_space<hbm>> -> memref<2x128xi32, #tpu.memory_space<hbm>>
      %dma_wait3A_49 = arith.constant 0 : i32
      %dma_wait3A_50 = tpu.memref_slice %arg3[%mul3A_2, %dma_wait3A_49] : memref<64x128xi32, #tpu.memory_space<hbm>> -> memref<2x128xi32, #tpu.memory_space<hbm>>
      tpu.wait_dma2 semaphore(%run_scoped3A : memref<!tpu.dma_semaphore, #tpu.memory_space<semaphore_mem>>) src(%dma_wait3A_50 : memref<2x128xi32, #tpu.memory_space<hbm>>) dst(%arg5 : memref<2x128xi32, #tpu.memory_space<vmem>>)
      tpu.yield
    }) : () -> ()
    %dma_start3A = arith.constant 0 : i32
    %dma_start3A_3 = arith.constant 0 : i32
    %dma_start3A_4 = arith.constant 0 : i32
    %dma_start3A_5 = tpu.memref_slice %arg6[%dma_start3A_3, %dma_start3A_4] : memref<256x128xf32, #tpu.memory_space<vmem>> -> memref<128x128xf32, #tpu.memory_space<vmem>>
    %dma_start3A_6 = arith.constant 0 : i32
    %dma_start3A_7 = tpu.memref_slice %arg5[%dma_start3A, %dma_start3A_6] : memref<2x128xi32, #tpu.memory_space<vmem>> -> memref<1x128xi32, #tpu.memory_space<vmem>>
    %dma_start3A_8 = tpu.memref_squeeze %dma_start3A_7 : memref<1x128xi32, #tpu.memory_space<vmem>> -> memref<128xi32, #tpu.memory_space<vmem>>
    %dma_start3A_9 = arith.constant 0 : i32
    %dma_start3A_10 = arith.constant 0 : i32
    %dma_start3A_11 = tpu.memref_slice %arg2[%dma_start3A_9, %dma_start3A_10] : memref<4096x128xf32, #tpu.memory_space<hbm>> -> memref<4096x128xf32, #tpu.memory_space<hbm>>
    tpu.enqueue_indirect_dma source(%dma_start3A_11 : memref<4096x128xf32, #tpu.memory_space<hbm>>) target(%dma_start3A_5 : memref<128x128xf32, #tpu.memory_space<vmem>>) offsets(%dma_start3A_8 : memref<128xi32, #tpu.memory_space<vmem>>) semaphore(%arg7 : memref<!tpu.dma_semaphore, #tpu.memory_space<semaphore_mem>>)
    %dma_wait3A = arith.constant 0 : i32
    %dma_wait3A_12 = arith.constant 0 : i32
    %dma_wait3A_13 = arith.constant 0 : i32
    %dma_wait3A_14 = tpu.memref_slice %arg6[%dma_wait3A_12, %dma_wait3A_13] : memref<256x128xf32, #tpu.memory_space<vmem>> -> memref<128x128xf32, #tpu.memory_space<vmem>>
    %dma_wait3A_15 = arith.constant 0 : i32
    %dma_wait3A_16 = tpu.memref_slice %arg5[%dma_wait3A, %dma_wait3A_15] : memref<2x128xi32, #tpu.memory_space<vmem>> -> memref<1x128xi32, #tpu.memory_space<vmem>>
    %dma_wait3A_17 = tpu.memref_squeeze %dma_wait3A_16 : memref<1x128xi32, #tpu.memory_space<vmem>> -> memref<128xi32, #tpu.memory_space<vmem>>
    %dma_wait3A_18 = arith.constant 0 : i32
    %dma_wait3A_19 = arith.constant 0 : i32
    %dma_wait3A_20 = tpu.memref_slice %arg2[%dma_wait3A_18, %dma_wait3A_19] : memref<4096x128xf32, #tpu.memory_space<hbm>> -> memref<4096x128xf32, #tpu.memory_space<hbm>>
    tpu.wait_indirect_dma semaphore(%arg7 : memref<!tpu.dma_semaphore, #tpu.memory_space<semaphore_mem>>) src(%dma_wait3A_20 : memref<4096x128xf32, #tpu.memory_space<hbm>>) dst(%dma_wait3A_14 : memref<128x128xf32, #tpu.memory_space<vmem>>)
    %dma_start3A_21 = arith.constant 1 : i32
    %dma_start3A_22 = arith.constant 128 : i32
    %dma_start3A_23 = arith.constant 0 : i32
    %dma_start3A_24 = tpu.memref_slice %arg6[%dma_start3A_22, %dma_start3A_23] : memref<256x128xf32, #tpu.memory_space<vmem>> -> memref<128x128xf32, #tpu.memory_space<vmem>>
    %dma_start3A_25 = arith.constant 0 : i32
    %dma_start3A_26 = tpu.memref_slice %arg5[%dma_start3A_21, %dma_start3A_25] : memref<2x128xi32, #tpu.memory_space<vmem>> -> memref<1x128xi32, #tpu.memory_space<vmem>>
    %dma_start3A_27 = tpu.memref_squeeze %dma_start3A_26 : memref<1x128xi32, #tpu.memory_space<vmem>> -> memref<128xi32, #tpu.memory_space<vmem>>
    %dma_start3A_28 = arith.constant 0 : i32
    %dma_start3A_29 = arith.constant 0 : i32
    %dma_start3A_30 = tpu.memref_slice %arg2[%dma_start3A_28, %dma_start3A_29] : memref<4096x128xf32, #tpu.memory_space<hbm>> -> memref<4096x128xf32, #tpu.memory_space<hbm>>
    tpu.enqueue_indirect_dma source(%dma_start3A_30 : memref<4096x128xf32, #tpu.memory_space<hbm>>) target(%dma_start3A_24 : memref<128x128xf32, #tpu.memory_space<vmem>>) offsets(%dma_start3A_27 : memref<128xi32, #tpu.memory_space<vmem>>) semaphore(%arg7 : memref<!tpu.dma_semaphore, #tpu.memory_space<semaphore_mem>>)
    %dma_wait3A_31 = arith.constant 1 : i32
    %dma_wait3A_32 = arith.constant 128 : i32
    %dma_wait3A_33 = arith.constant 0 : i32
    %dma_wait3A_34 = tpu.memref_slice %arg6[%dma_wait3A_32, %dma_wait3A_33] : memref<256x128xf32, #tpu.memory_space<vmem>> -> memref<128x128xf32, #tpu.memory_space<vmem>>
    %dma_wait3A_35 = arith.constant 0 : i32
    %dma_wait3A_36 = tpu.memref_slice %arg5[%dma_wait3A_31, %dma_wait3A_35] : memref<2x128xi32, #tpu.memory_space<vmem>> -> memref<1x128xi32, #tpu.memory_space<vmem>>
    %dma_wait3A_37 = tpu.memref_squeeze %dma_wait3A_36 : memref<1x128xi32, #tpu.memory_space<vmem>> -> memref<128xi32, #tpu.memory_space<vmem>>
    %dma_wait3A_38 = arith.constant 0 : i32
    %dma_wait3A_39 = arith.constant 0 : i32
    %dma_wait3A_40 = tpu.memref_slice %arg2[%dma_wait3A_38, %dma_wait3A_39] : memref<4096x128xf32, #tpu.memory_space<hbm>> -> memref<4096x128xf32, #tpu.memory_space<hbm>>
    tpu.wait_indirect_dma semaphore(%arg7 : memref<!tpu.dma_semaphore, #tpu.memory_space<semaphore_mem>>) src(%dma_wait3A_40 : memref<4096x128xf32, #tpu.memory_space<hbm>>) dst(%dma_wait3A_34 : memref<128x128xf32, #tpu.memory_space<vmem>>)
    %mul3A_41 = arith.constant 256 : i32
    %mul3A_42 = arith.muli %add3A, %mul3A_41 : i32
    "tpu.region"() ({
      %run_scoped3A = tpu.sem_alloc : memref<!tpu.dma_semaphore, #tpu.memory_space<semaphore_mem>>
      %dma_start3A_43 = arith.constant 0 : i32
      %dma_start3A_44 = tpu.memref_slice %arg4[%mul3A_42, %dma_start3A_43] : memref<8192x128xf32, #tpu.memory_space<hbm>> -> memref<256x128xf32, #tpu.memory_space<hbm>>
      %dma_start3A_45 = arith.constant 0 : i32
      %dma_start3A_46 = tpu.memref_slice %arg4[%mul3A_42, %dma_start3A_45] : memref<8192x128xf32, #tpu.memory_space<hbm>> -> memref<256x128xf32, #tpu.memory_space<hbm>>
      tpu.enqueue_dma source(%arg6 : memref<256x128xf32, #tpu.memory_space<vmem>>) target(%dma_start3A_46 : memref<256x128xf32, #tpu.memory_space<hbm>>) target_semaphore(%run_scoped3A : memref<!tpu.dma_semaphore, #tpu.memory_space<semaphore_mem>>)
      %dma_wait3A_47 = arith.constant 0 : i32
      %dma_wait3A_48 = tpu.memref_slice %arg4[%mul3A_42, %dma_wait3A_47] : memref<8192x128xf32, #tpu.memory_space<hbm>> -> memref<256x128xf32, #tpu.memory_space<hbm>>
      %dma_wait3A_49 = arith.constant 0 : i32
      %dma_wait3A_50 = tpu.memref_slice %arg4[%mul3A_42, %dma_wait3A_49] : memref<8192x128xf32, #tpu.memory_space<hbm>> -> memref<256x128xf32, #tpu.memory_space<hbm>>
      tpu.wait_dma2 semaphore(%run_scoped3A : memref<!tpu.dma_semaphore, #tpu.memory_space<semaphore_mem>>) src(%arg6 : memref<256x128xf32, #tpu.memory_space<vmem>>) dst(%dma_wait3A_50 : memref<256x128xf32, #tpu.memory_space<hbm>>)
      tpu.yield
    }) : () -> ()
    return
  }
}

#map = affine_map<(d0, d1) -> (0, 0)>
#map1 = affine_map<(d0, d1) -> (0, 0, 0)>
module attributes {stable_mosaic.version = 14 : i64} {
  func.func @k(%arg0: i32, %arg1: i32, %arg2: memref<8192x128xf32, #tpu.memory_space<hbm>>, %arg3: memref<64x128xi32, #tpu.memory_space<hbm>>, %arg4: memref<4096x128xf32, #tpu.memory_space<hbm>>, %arg5: memref<2x4096x128xf32, #tpu.memory_space<hbm>>, %arg6: memref<2x128xi32, #tpu.memory_space<vmem>>, %arg7: memref<256x128xf32, #tpu.memory_space<vmem>>, %arg8: memref<4096x128xf32, #tpu.memory_space<vmem_shared>>, %arg9: memref<!tpu.dma_semaphore, #tpu.memory_space<semaphore_mem>>) attributes {dimension_semantics = [#tpu.dimension_semantics<core_parallel>, #tpu.dimension_semantics<subcore_parallel>], iteration_bounds = array<i64: 2, 16>, scalar_prefetch = 0 : i64, scratch_operands = 4 : i64, tpu.core_type = #tpu.core_type<sc_vector_subcore>, window_params = [{transform_indices = #map}, {transform_indices = #map}, {transform_indices = #map}, {transform_indices = #map1}]} {
    %mul3A = arith.constant 2 : i32
    %mul3A_0 = arith.muli %arg1, %mul3A : i32
    %add3A = arith.addi %mul3A_0, %arg0 : i32
    %mul3A_1 = arith.constant 2 : i32
    %mul3A_2 = arith.muli %add3A, %mul3A_1 : i32
    "tpu.region"() ({
      %run_scoped3A_16 = tpu.sem_alloc : memref<!tpu.dma_semaphore, #tpu.memory_space<semaphore_mem>>
      %dma_start3A = arith.constant 0 : i32
      %dma_start3A_17 = tpu.memref_slice %arg3[%mul3A_2, %dma_start3A] : memref<64x128xi32, #tpu.memory_space<hbm>> -> memref<2x128xi32, #tpu.memory_space<hbm>>
      %dma_start3A_18 = arith.constant 0 : i32
      %dma_start3A_19 = tpu.memref_slice %arg3[%mul3A_2, %dma_start3A_18] : memref<64x128xi32, #tpu.memory_space<hbm>> -> memref<2x128xi32, #tpu.memory_space<hbm>>
      tpu.enqueue_dma source(%dma_start3A_19 : memref<2x128xi32, #tpu.memory_space<hbm>>) target(%arg6 : memref<2x128xi32, #tpu.memory_space<vmem>>) target_semaphore(%run_scoped3A_16 : memref<!tpu.dma_semaphore, #tpu.memory_space<semaphore_mem>>)
      %dma_wait3A = arith.constant 0 : i32
      %dma_wait3A_20 = tpu.memref_slice %arg3[%mul3A_2, %dma_wait3A] : memref<64x128xi32, #tpu.memory_space<hbm>> -> memref<2x128xi32, #tpu.memory_space<hbm>>
      %dma_wait3A_21 = arith.constant 0 : i32
      %dma_wait3A_22 = tpu.memref_slice %arg3[%mul3A_2, %dma_wait3A_21] : memref<64x128xi32, #tpu.memory_space<hbm>> -> memref<2x128xi32, #tpu.memory_space<hbm>>
      tpu.wait_dma2 semaphore(%run_scoped3A_16 : memref<!tpu.dma_semaphore, #tpu.memory_space<semaphore_mem>>) src(%dma_wait3A_22 : memref<2x128xi32, #tpu.memory_space<hbm>>) dst(%arg6 : memref<2x128xi32, #tpu.memory_space<vmem>>)
      tpu.yield
    }) : () -> ()
    %mul3A_3 = arith.constant 256 : i32
    %mul3A_4 = arith.muli %arg1, %mul3A_3 : i32
    %mul3A_5 = arith.constant 256 : i32
    %mul3A_6 = arith.muli %arg1, %mul3A_5 : i32
    "tpu.region"() ({
      %run_scoped3A_16 = tpu.sem_alloc : memref<!tpu.dma_semaphore, #tpu.memory_space<semaphore_mem>>
      %dma_start3A = arith.constant 0 : i32
      %dma_start3A_17 = tpu.memref_slice %arg8[%mul3A_6, %dma_start3A] : memref<4096x128xf32, #tpu.memory_space<vmem_shared>> -> memref<256x128xf32, #tpu.memory_space<vmem_shared>>
      %dma_start3A_18 = arith.constant 0 : i32
      %dma_start3A_19 = tpu.memref_slice %arg4[%mul3A_4, %dma_start3A_18] : memref<4096x128xf32, #tpu.memory_space<hbm>> -> memref<256x128xf32, #tpu.memory_space<hbm>>
      tpu.enqueue_dma source(%dma_start3A_19 : memref<256x128xf32, #tpu.memory_space<hbm>>) target(%dma_start3A_17 : memref<256x128xf32, #tpu.memory_space<vmem_shared>>) target_semaphore(%run_scoped3A_16 : memref<!tpu.dma_semaphore, #tpu.memory_space<semaphore_mem>>)
      %dma_wait3A = arith.constant 0 : i32
      %dma_wait3A_20 = tpu.memref_slice %arg8[%mul3A_6, %dma_wait3A] : memref<4096x128xf32, #tpu.memory_space<vmem_shared>> -> memref<256x128xf32, #tpu.memory_space<vmem_shared>>
      %dma_wait3A_21 = arith.constant 0 : i32
      %dma_wait3A_22 = tpu.memref_slice %arg4[%mul3A_4, %dma_wait3A_21] : memref<4096x128xf32, #tpu.memory_space<hbm>> -> memref<256x128xf32, #tpu.memory_space<hbm>>
      tpu.wait_dma2 semaphore(%run_scoped3A_16 : memref<!tpu.dma_semaphore, #tpu.memory_space<semaphore_mem>>) src(%dma_wait3A_22 : memref<256x128xf32, #tpu.memory_space<hbm>>) dst(%dma_wait3A_20 : memref<256x128xf32, #tpu.memory_space<vmem_shared>>)
      tpu.yield
    }) : () -> ()
    %barrier3A = arith.constant 0 : index
    tpu.barrier barrier_id(%barrier3A)
    %mul3A_7 = arith.constant 256 : i32
    %mul3A_8 = arith.muli %add3A, %mul3A_7 : i32
    "tpu.region"() ({
      %run_scoped3A_16 = tpu.sem_alloc : memref<!tpu.dma_semaphore, #tpu.memory_space<semaphore_mem>>
      %dma_start3A = arith.constant 0 : i32
      %dma_start3A_17 = tpu.memref_slice %arg2[%mul3A_8, %dma_start3A] : memref<8192x128xf32, #tpu.memory_space<hbm>> -> memref<256x128xf32, #tpu.memory_space<hbm>>
      %dma_start3A_18 = arith.constant 0 : i32
      %dma_start3A_19 = tpu.memref_slice %arg2[%mul3A_8, %dma_start3A_18] : memref<8192x128xf32, #tpu.memory_space<hbm>> -> memref<256x128xf32, #tpu.memory_space<hbm>>
      tpu.enqueue_dma source(%dma_start3A_19 : memref<256x128xf32, #tpu.memory_space<hbm>>) target(%arg7 : memref<256x128xf32, #tpu.memory_space<vmem>>) target_semaphore(%run_scoped3A_16 : memref<!tpu.dma_semaphore, #tpu.memory_space<semaphore_mem>>)
      %dma_wait3A = arith.constant 0 : i32
      %dma_wait3A_20 = tpu.memref_slice %arg2[%mul3A_8, %dma_wait3A] : memref<8192x128xf32, #tpu.memory_space<hbm>> -> memref<256x128xf32, #tpu.memory_space<hbm>>
      %dma_wait3A_21 = arith.constant 0 : i32
      %dma_wait3A_22 = tpu.memref_slice %arg2[%mul3A_8, %dma_wait3A_21] : memref<8192x128xf32, #tpu.memory_space<hbm>> -> memref<256x128xf32, #tpu.memory_space<hbm>>
      tpu.wait_dma2 semaphore(%run_scoped3A_16 : memref<!tpu.dma_semaphore, #tpu.memory_space<semaphore_mem>>) src(%dma_wait3A_22 : memref<256x128xf32, #tpu.memory_space<hbm>>) dst(%arg7 : memref<256x128xf32, #tpu.memory_space<vmem>>)
      tpu.yield
    }) : () -> ()
    %run_scoped3A = arith.constant 0 : i32
    "tpu.region"() ({
      %run_scoped3A_16 = tpu.sem_alloc : memref<!tpu.dma_semaphore, #tpu.memory_space<semaphore_mem>>
      %dma_start3A = arith.constant 0 : i32
      %dma_start3A_17 = arith.constant 0 : i32
      %dma_start3A_18 = tpu.memref_slice %arg7[%dma_start3A, %dma_start3A_17] : memref<256x128xf32, #tpu.memory_space<vmem>> -> memref<128x128xf32, #tpu.memory_space<vmem>>
      %dma_start3A_19 = arith.constant 0 : i32
      %dma_start3A_20 = tpu.memref_slice %arg6[%run_scoped3A, %dma_start3A_19] : memref<2x128xi32, #tpu.memory_space<vmem>> -> memref<1x128xi32, #tpu.memory_space<vmem>>
      %dma_start3A_21 = tpu.memref_squeeze %dma_start3A_20 : memref<1x128xi32, #tpu.memory_space<vmem>> -> memref<128xi32, #tpu.memory_space<vmem>>
      %dma_start3A_22 = arith.constant 0 : i32
      %dma_start3A_23 = arith.constant 0 : i32
      %dma_start3A_24 = tpu.memref_slice %arg8[%dma_start3A_22, %dma_start3A_23] : memref<4096x128xf32, #tpu.memory_space<vmem_shared>> -> memref<4096x128xf32, #tpu.memory_space<vmem_shared>>
      tpu.enqueue_indirect_dma source(%dma_start3A_18 : memref<128x128xf32, #tpu.memory_space<vmem>>) target(%dma_start3A_24 : memref<4096x128xf32, #tpu.memory_space<vmem_shared>>) offsets(%dma_start3A_21 : memref<128xi32, #tpu.memory_space<vmem>>) semaphore(%run_scoped3A_16 : memref<!tpu.dma_semaphore, #tpu.memory_space<semaphore_mem>>) {add = true}
      %dma_wait3A = arith.constant 0 : i32
      %dma_wait3A_25 = arith.constant 0 : i32
      %dma_wait3A_26 = tpu.memref_slice %arg7[%dma_wait3A, %dma_wait3A_25] : memref<256x128xf32, #tpu.memory_space<vmem>> -> memref<128x128xf32, #tpu.memory_space<vmem>>
      %dma_wait3A_27 = arith.constant 0 : i32
      %dma_wait3A_28 = tpu.memref_slice %arg6[%run_scoped3A, %dma_wait3A_27] : memref<2x128xi32, #tpu.memory_space<vmem>> -> memref<1x128xi32, #tpu.memory_space<vmem>>
      %dma_wait3A_29 = tpu.memref_squeeze %dma_wait3A_28 : memref<1x128xi32, #tpu.memory_space<vmem>> -> memref<128xi32, #tpu.memory_space<vmem>>
      %dma_wait3A_30 = arith.constant 0 : i32
      %dma_wait3A_31 = arith.constant 0 : i32
      %dma_wait3A_32 = tpu.memref_slice %arg8[%dma_wait3A_30, %dma_wait3A_31] : memref<4096x128xf32, #tpu.memory_space<vmem_shared>> -> memref<4096x128xf32, #tpu.memory_space<vmem_shared>>
      tpu.wait_indirect_dma semaphore(%run_scoped3A_16 : memref<!tpu.dma_semaphore, #tpu.memory_space<semaphore_mem>>) src(%dma_wait3A_26 : memref<128x128xf32, #tpu.memory_space<vmem>>) dst(%dma_wait3A_32 : memref<4096x128xf32, #tpu.memory_space<vmem_shared>>)
      tpu.yield
    }) : () -> ()
    %run_scoped3A_9 = arith.constant 1 : i32
    "tpu.region"() ({
      %run_scoped3A_16 = tpu.sem_alloc : memref<!tpu.dma_semaphore, #tpu.memory_space<semaphore_mem>>
      %dma_start3A = arith.constant 128 : i32
      %dma_start3A_17 = arith.constant 0 : i32
      %dma_start3A_18 = tpu.memref_slice %arg7[%dma_start3A, %dma_start3A_17] : memref<256x128xf32, #tpu.memory_space<vmem>> -> memref<128x128xf32, #tpu.memory_space<vmem>>
      %dma_start3A_19 = arith.constant 0 : i32
      %dma_start3A_20 = tpu.memref_slice %arg6[%run_scoped3A_9, %dma_start3A_19] : memref<2x128xi32, #tpu.memory_space<vmem>> -> memref<1x128xi32, #tpu.memory_space<vmem>>
      %dma_start3A_21 = tpu.memref_squeeze %dma_start3A_20 : memref<1x128xi32, #tpu.memory_space<vmem>> -> memref<128xi32, #tpu.memory_space<vmem>>
      %dma_start3A_22 = arith.constant 0 : i32
      %dma_start3A_23 = arith.constant 0 : i32
      %dma_start3A_24 = tpu.memref_slice %arg8[%dma_start3A_22, %dma_start3A_23] : memref<4096x128xf32, #tpu.memory_space<vmem_shared>> -> memref<4096x128xf32, #tpu.memory_space<vmem_shared>>
      tpu.enqueue_indirect_dma source(%dma_start3A_18 : memref<128x128xf32, #tpu.memory_space<vmem>>) target(%dma_start3A_24 : memref<4096x128xf32, #tpu.memory_space<vmem_shared>>) offsets(%dma_start3A_21 : memref<128xi32, #tpu.memory_space<vmem>>) semaphore(%run_scoped3A_16 : memref<!tpu.dma_semaphore, #tpu.memory_space<semaphore_mem>>) {add = true}
      %dma_wait3A = arith.constant 128 : i32
      %dma_wait3A_25 = arith.constant 0 : i32
      %dma_wait3A_26 = tpu.memref_slice %arg7[%dma_wait3A, %dma_wait3A_25] : memref<256x128xf32, #tpu.memory_space<vmem>> -> memref<128x128xf32, #tpu.memory_space<vmem>>
      %dma_wait3A_27 = arith.constant 0 : i32
      %dma_wait3A_28 = tpu.memref_slice %arg6[%run_scoped3A_9, %dma_wait3A_27] : memref<2x128xi32, #tpu.memory_space<vmem>> -> memref<1x128xi32, #tpu.memory_space<vmem>>
      %dma_wait3A_29 = tpu.memref_squeeze %dma_wait3A_28 : memref<1x128xi32, #tpu.memory_space<vmem>> -> memref<128xi32, #tpu.memory_space<vmem>>
      %dma_wait3A_30 = arith.constant 0 : i32
      %dma_wait3A_31 = arith.constant 0 : i32
      %dma_wait3A_32 = tpu.memref_slice %arg8[%dma_wait3A_30, %dma_wait3A_31] : memref<4096x128xf32, #tpu.memory_space<vmem_shared>> -> memref<4096x128xf32, #tpu.memory_space<vmem_shared>>
      tpu.wait_indirect_dma semaphore(%run_scoped3A_16 : memref<!tpu.dma_semaphore, #tpu.memory_space<semaphore_mem>>) src(%dma_wait3A_26 : memref<128x128xf32, #tpu.memory_space<vmem>>) dst(%dma_wait3A_32 : memref<4096x128xf32, #tpu.memory_space<vmem_shared>>)
      tpu.yield
    }) : () -> ()
    %barrier3A_10 = arith.constant 0 : index
    tpu.barrier barrier_id(%barrier3A_10)
    %mul3A_11 = arith.constant 256 : i32
    %mul3A_12 = arith.muli %arg1, %mul3A_11 : i32
    %mul3A_13 = arith.constant 256 : i32
    %mul3A_14 = arith.muli %arg1, %mul3A_13 : i32
    "tpu.region"() ({
      %run_scoped3A_16 = tpu.sem_alloc : memref<!tpu.dma_semaphore, #tpu.memory_space<semaphore_mem>>
      %dma_start3A = arith.constant 0 : i32
      %dma_start3A_17 = tpu.memref_slice %arg5[%arg0, %mul3A_14, %dma_start3A] : memref<2x4096x128xf32, #tpu.memory_space<hbm>> -> memref<1x256x128xf32, #tpu.memory_space<hbm>>
      %dma_start3A_18 = tpu.memref_squeeze %dma_start3A_17 : memref<1x256x128xf32, #tpu.memory_space<hbm>> -> memref<256x128xf32, #tpu.memory_space<hbm>>
      %dma_start3A_19 = arith.constant 0 : i32
      %dma_start3A_20 = tpu.memref_slice %arg8[%mul3A_12, %dma_start3A_19] : memref<4096x128xf32, #tpu.memory_space<vmem_shared>> -> memref<256x128xf32, #tpu.memory_space<vmem_shared>>
      tpu.enqueue_dma source(%dma_start3A_20 : memref<256x128xf32, #tpu.memory_space<vmem_shared>>) target(%dma_start3A_18 : memref<256x128xf32, #tpu.memory_space<hbm>>) target_semaphore(%run_scoped3A_16 : memref<!tpu.dma_semaphore, #tpu.memory_space<semaphore_mem>>)
      %dma_wait3A = arith.constant 0 : i32
      %dma_wait3A_21 = tpu.memref_slice %arg5[%arg0, %mul3A_14, %dma_wait3A] : memref<2x4096x128xf32, #tpu.memory_space<hbm>> -> memref<1x256x128xf32, #tpu.memory_space<hbm>>
      %dma_wait3A_22 = tpu.memref_squeeze %dma_wait3A_21 : memref<1x256x128xf32, #tpu.memory_space<hbm>> -> memref<256x128xf32, #tpu.memory_space<hbm>>
      %dma_wait3A_23 = arith.constant 0 : i32
      %dma_wait3A_24 = tpu.memref_slice %arg8[%mul3A_12, %dma_wait3A_23] : memref<4096x128xf32, #tpu.memory_space<vmem_shared>> -> memref<256x128xf32, #tpu.memory_space<vmem_shared>>
      tpu.wait_dma2 semaphore(%run_scoped3A_16 : memref<!tpu.dma_semaphore, #tpu.memory_space<semaphore_mem>>) src(%dma_wait3A_24 : memref<256x128xf32, #tpu.memory_space<vmem_shared>>) dst(%dma_wait3A_22 : memref<256x128xf32, #tpu.memory_space<hbm>>)
      tpu.yield
    }) : () -> ()
    %barrier3A_15 = arith.constant 0 : index
    tpu.barrier barrier_id(%barrier3A_15)
    return
  }
}

#map = affine_map<(d0, d1) -> (0, 0)>
module attributes {stable_mosaic.version = 14 : i64} {
  func.func @k(%arg0: i32, %arg1: i32, %arg2: memref<4096x256xf32, #tpu.memory_space<hbm>>, %arg3: memref<64x128xi32, #tpu.memory_space<hbm>>, %arg4: memref<8192x256xf32, #tpu.memory_space<hbm>>, %arg5: memref<2x128xi32, #tpu.memory_space<vmem>>, %arg6: memref<256x256xf32, #tpu.memory_space<vmem>>, %arg7: memref<!tpu.dma_semaphore, #tpu.memory_space<semaphore_mem>>) attributes {dimension_semantics = [#tpu.dimension_semantics<core_parallel>, #tpu.dimension_semantics<subcore_parallel>], iteration_bounds = array<i64: 2, 16>, scalar_prefetch = 0 : i64, scratch_operands = 3 : i64, tpu.core_type = #tpu.core_type<sc_vector_subcore>, window_params = [{transform_indices = #map}, {transform_indices = #map}, {transform_indices = #map}]} {
    %mul3A = arith.constant 2 : i32
    %mul3A_0 = arith.muli %arg1, %mul3A : i32
    %add3A = arith.addi %mul3A_0, %arg0 : i32
    %mul3A_1 = arith.constant 2 : i32
    %mul3A_2 = arith.muli %add3A, %mul3A_1 : i32
    "tpu.region"() ({
      %run_scoped3A = tpu.sem_alloc : memref<!tpu.dma_semaphore, #tpu.memory_space<semaphore_mem>>
      %dma_start3A_43 = arith.constant 0 : i32
      %dma_start3A_44 = tpu.memref_slice %arg3[%mul3A_2, %dma_start3A_43] : memref<64x128xi32, #tpu.memory_space<hbm>> -> memref<2x128xi32, #tpu.memory_space<hbm>>
      %dma_start3A_45 = arith.constant 0 : i32
      %dma_start3A_46 = tpu.memref_slice %arg3[%mul3A_2, %dma_start3A_45] : memref<64x128xi32, #tpu.memory_space<hbm>> -> memref<2x128xi32, #tpu.memory_space<hbm>>
      tpu.enqueue_dma source(%dma_start3A_46 : memref<2x128xi32, #tpu.memory_space<hbm>>) target(%arg5 : memref<2x128xi32, #tpu.memory_space<vmem>>) target_semaphore(%run_scoped3A : memref<!tpu.dma_semaphore, #tpu.memory_space<semaphore_mem>>)
      %dma_wait3A_47 = arith.constant 0 : i32
      %dma_wait3A_48 = tpu.memref_slice %arg3[%mul3A_2, %dma_wait3A_47] : memref<64x128xi32, #tpu.memory_space<hbm>> -> memref<2x128xi32, #tpu.memory_space<hbm>>
      %dma_wait3A_49 = arith.constant 0 : i32
      %dma_wait3A_50 = tpu.memref_slice %arg3[%mul3A_2, %dma_wait3A_49] : memref<64x128xi32, #tpu.memory_space<hbm>> -> memref<2x128xi32, #tpu.memory_space<hbm>>
      tpu.wait_dma2 semaphore(%run_scoped3A : memref<!tpu.dma_semaphore, #tpu.memory_space<semaphore_mem>>) src(%dma_wait3A_50 : memref<2x128xi32, #tpu.memory_space<hbm>>) dst(%arg5 : memref<2x128xi32, #tpu.memory_space<vmem>>)
      tpu.yield
    }) : () -> ()
    %dma_start3A = arith.constant 0 : i32
    %dma_start3A_3 = arith.constant 0 : i32
    %dma_start3A_4 = arith.constant 0 : i32
    %dma_start3A_5 = tpu.memref_slice %arg6[%dma_start3A_3, %dma_start3A_4] : memref<256x256xf32, #tpu.memory_space<vmem>> -> memref<128x256xf32, #tpu.memory_space<vmem>>
    %dma_start3A_6 = arith.constant 0 : i32
    %dma_start3A_7 = tpu.memref_slice %arg5[%dma_start3A, %dma_start3A_6] : memref<2x128xi32, #tpu.memory_space<vmem>> -> memref<1x128xi32, #tpu.memory_space<vmem>>
    %dma_start3A_8 = tpu.memref_squeeze %dma_start3A_7 : memref<1x128xi32, #tpu.memory_space<vmem>> -> memref<128xi32, #tpu.memory_space<vmem>>
    %dma_start3A_9 = arith.constant 0 : i32
    %dma_start3A_10 = arith.constant 0 : i32
    %dma_start3A_11 = tpu.memref_slice %arg2[%dma_start3A_9, %dma_start3A_10] : memref<4096x256xf32, #tpu.memory_space<hbm>> -> memref<4096x256xf32, #tpu.memory_space<hbm>>
    tpu.enqueue_indirect_dma source(%dma_start3A_11 : memref<4096x256xf32, #tpu.memory_space<hbm>>) target(%dma_start3A_5 : memref<128x256xf32, #tpu.memory_space<vmem>>) offsets(%dma_start3A_8 : memref<128xi32, #tpu.memory_space<vmem>>) semaphore(%arg7 : memref<!tpu.dma_semaphore, #tpu.memory_space<semaphore_mem>>)
    %dma_wait3A = arith.constant 0 : i32
    %dma_wait3A_12 = arith.constant 0 : i32
    %dma_wait3A_13 = arith.constant 0 : i32
    %dma_wait3A_14 = tpu.memref_slice %arg6[%dma_wait3A_12, %dma_wait3A_13] : memref<256x256xf32, #tpu.memory_space<vmem>> -> memref<128x256xf32, #tpu.memory_space<vmem>>
    %dma_wait3A_15 = arith.constant 0 : i32
    %dma_wait3A_16 = tpu.memref_slice %arg5[%dma_wait3A, %dma_wait3A_15] : memref<2x128xi32, #tpu.memory_space<vmem>> -> memref<1x128xi32, #tpu.memory_space<vmem>>
    %dma_wait3A_17 = tpu.memref_squeeze %dma_wait3A_16 : memref<1x128xi32, #tpu.memory_space<vmem>> -> memref<128xi32, #tpu.memory_space<vmem>>
    %dma_wait3A_18 = arith.constant 0 : i32
    %dma_wait3A_19 = arith.constant 0 : i32
    %dma_wait3A_20 = tpu.memref_slice %arg2[%dma_wait3A_18, %dma_wait3A_19] : memref<4096x256xf32, #tpu.memory_space<hbm>> -> memref<4096x256xf32, #tpu.memory_space<hbm>>
    tpu.wait_indirect_dma semaphore(%arg7 : memref<!tpu.dma_semaphore, #tpu.memory_space<semaphore_mem>>) src(%dma_wait3A_20 : memref<4096x256xf32, #tpu.memory_space<hbm>>) dst(%dma_wait3A_14 : memref<128x256xf32, #tpu.memory_space<vmem>>)
    %dma_start3A_21 = arith.constant 1 : i32
    %dma_start3A_22 = arith.constant 128 : i32
    %dma_start3A_23 = arith.constant 0 : i32
    %dma_start3A_24 = tpu.memref_slice %arg6[%dma_start3A_22, %dma_start3A_23] : memref<256x256xf32, #tpu.memory_space<vmem>> -> memref<128x256xf32, #tpu.memory_space<vmem>>
    %dma_start3A_25 = arith.constant 0 : i32
    %dma_start3A_26 = tpu.memref_slice %arg5[%dma_start3A_21, %dma_start3A_25] : memref<2x128xi32, #tpu.memory_space<vmem>> -> memref<1x128xi32, #tpu.memory_space<vmem>>
    %dma_start3A_27 = tpu.memref_squeeze %dma_start3A_26 : memref<1x128xi32, #tpu.memory_space<vmem>> -> memref<128xi32, #tpu.memory_space<vmem>>
    %dma_start3A_28 = arith.constant 0 : i32
    %dma_start3A_29 = arith.constant 0 : i32
    %dma_start3A_30 = tpu.memref_slice %arg2[%dma_start3A_28, %dma_start3A_29] : memref<4096x256xf32, #tpu.memory_space<hbm>> -> memref<4096x256xf32, #tpu.memory_space<hbm>>
    tpu.enqueue_indirect_dma source(%dma_start3A_30 : memref<4096x256xf32, #tpu.memory_space<hbm>>) target(%dma_start3A_24 : memref<128x256xf32, #tpu.memory_space<vmem>>) offsets(%dma_start3A_27 : memref<128xi32, #tpu.memory_space<vmem>>) semaphore(%arg7 : memref<!tpu.dma_semaphore, #tpu.memory_space<semaphore_mem>>)
    %dma_wait3A_31 = arith.constant 1 : i32
    %dma_wait3A_32 = arith.constant 128 : i32
    %dma_wait3A_33 = arith.constant 0 : i32
    %dma_wait3A_34 = tpu.memref_slice %arg6[%dma_wait3A_32, %dma_wait3A_33] : memref<256x256xf32, #tpu.memory_space<vmem>> -> memref<128x256xf32, #tpu.memory_space<vmem>>
    %dma_wait3A_35 = arith.constant 0 : i32
    %dma_wait3A_36 = tpu.memref_slice %arg5[%dma_wait3A_31, %dma_wait3A_35] : memref<2x128xi32, #tpu.memory_space<vmem>> -> memref<1x128xi32, #tpu.memory_space<vmem>>
    %dma_wait3A_37 = tpu.memref_squeeze %dma_wait3A_36 : memref<1x128xi32, #tpu.memory_space<vmem>> -> memref<128xi32, #tpu.memory_space<vmem>>
    %dma_wait3A_38 = arith.constant 0 : i32
    %dma_wait3A_39 = arith.constant 0 : i32
    %dma_wait3A_40 = tpu.memref_slice %arg2[%dma_wait3A_38, %dma_wait3A_39] : memref<4096x256xf32, #tpu.memory_space<hbm>> -> memref<4096x256xf32, #tpu.memory_space<hbm>>
    tpu.wait_indirect_dma semaphore(%arg7 : memref<!tpu.dma_semaphore, #tpu.memory_space<semaphore_mem>>) src(%dma_wait3A_40 : memref<4096x256xf32, #tpu.memory_space<hbm>>) dst(%dma_wait3A_34 : memref<128x256xf32, #tpu.memory_space<vmem>>)
    %mul3A_41 = arith.constant 256 : i32
    %mul3A_42 = arith.muli %add3A, %mul3A_41 : i32
    "tpu.region"() ({
      %run_scoped3A = tpu.sem_alloc : memref<!tpu.dma_semaphore, #tpu.memory_space<semaphore_mem>>
      %dma_start3A_43 = arith.constant 0 : i32
      %dma_start3A_44 = tpu.memref_slice %arg4[%mul3A_42, %dma_start3A_43] : memref<8192x256xf32, #tpu.memory_space<hbm>> -> memref<256x256xf32, #tpu.memory_space<hbm>>
      %dma_start3A_45 = arith.constant 0 : i32
      %dma_start3A_46 = tpu.memref_slice %arg4[%mul3A_42, %dma_start3A_45] : memref<8192x256xf32, #tpu.memory_space<hbm>> -> memref<256x256xf32, #tpu.memory_space<hbm>>
      tpu.enqueue_dma source(%arg6 : memref<256x256xf32, #tpu.memory_space<vmem>>) target(%dma_start3A_46 : memref<256x256xf32, #tpu.memory_space<hbm>>) target_semaphore(%run_scoped3A : memref<!tpu.dma_semaphore, #tpu.memory_space<semaphore_mem>>)
      %dma_wait3A_47 = arith.constant 0 : i32
      %dma_wait3A_48 = tpu.memref_slice %arg4[%mul3A_42, %dma_wait3A_47] : memref<8192x256xf32, #tpu.memory_space<hbm>> -> memref<256x256xf32, #tpu.memory_space<hbm>>
      %dma_wait3A_49 = arith.constant 0 : i32
      %dma_wait3A_50 = tpu.memref_slice %arg4[%mul3A_42, %dma_wait3A_49] : memref<8192x256xf32, #tpu.memory_space<hbm>> -> memref<256x256xf32, #tpu.memory_space<hbm>>
      tpu.wait_dma2 semaphore(%run_scoped3A : memref<!tpu.dma_semaphore, #tpu.memory_space<semaphore_mem>>) src(%arg6 : memref<256x256xf32, #tpu.memory_space<vmem>>) dst(%dma_wait3A_50 : memref<256x256xf32, #tpu.memory_space<hbm>>)
      tpu.yield
    }) : () -> ()
    return
  }
}

#map = affine_map<(d0, d1) -> (0, 0)>
#map1 = affine_map<(d0, d1) -> (0, 0, 0)>
module attributes {stable_mosaic.version = 14 : i64} {
  func.func @k(%arg0: i32, %arg1: i32, %arg2: memref<8192x128xf32, #tpu.memory_space<hbm>>, %arg3: memref<64x128xi32, #tpu.memory_space<hbm>>, %arg4: memref<4096x128xf32, #tpu.memory_space<hbm>>, %arg5: memref<2x4096x128xf32, #tpu.memory_space<hbm>>, %arg6: memref<2x128xi32, #tpu.memory_space<vmem>>, %arg7: memref<256x128xf32, #tpu.memory_space<vmem>>, %arg8: memref<4096x128xf32, #tpu.memory_space<vmem_shared>>, %arg9: memref<!tpu.dma_semaphore, #tpu.memory_space<semaphore_mem>>) attributes {dimension_semantics = [#tpu.dimension_semantics<core_parallel>, #tpu.dimension_semantics<subcore_parallel>], iteration_bounds = array<i64: 2, 16>, scalar_prefetch = 0 : i64, scratch_operands = 4 : i64, tpu.core_type = #tpu.core_type<sc_vector_subcore>, window_params = [{transform_indices = #map}, {transform_indices = #map}, {transform_indices = #map}, {transform_indices = #map1}]} {
    %mul3A = arith.constant 2 : i32
    %mul3A_0 = arith.muli %arg1, %mul3A : i32
    %add3A = arith.addi %mul3A_0, %arg0 : i32
    %mul3A_1 = arith.constant 2 : i32
    %mul3A_2 = arith.muli %add3A, %mul3A_1 : i32
    "tpu.region"() ({
      %run_scoped3A_16 = tpu.sem_alloc : memref<!tpu.dma_semaphore, #tpu.memory_space<semaphore_mem>>
      %dma_start3A = arith.constant 0 : i32
      %dma_start3A_17 = tpu.memref_slice %arg3[%mul3A_2, %dma_start3A] : memref<64x128xi32, #tpu.memory_space<hbm>> -> memref<2x128xi32, #tpu.memory_space<hbm>>
      %dma_start3A_18 = arith.constant 0 : i32
      %dma_start3A_19 = tpu.memref_slice %arg3[%mul3A_2, %dma_start3A_18] : memref<64x128xi32, #tpu.memory_space<hbm>> -> memref<2x128xi32, #tpu.memory_space<hbm>>
      tpu.enqueue_dma source(%dma_start3A_19 : memref<2x128xi32, #tpu.memory_space<hbm>>) target(%arg6 : memref<2x128xi32, #tpu.memory_space<vmem>>) target_semaphore(%run_scoped3A_16 : memref<!tpu.dma_semaphore, #tpu.memory_space<semaphore_mem>>)
      %dma_wait3A = arith.constant 0 : i32
      %dma_wait3A_20 = tpu.memref_slice %arg3[%mul3A_2, %dma_wait3A] : memref<64x128xi32, #tpu.memory_space<hbm>> -> memref<2x128xi32, #tpu.memory_space<hbm>>
      %dma_wait3A_21 = arith.constant 0 : i32
      %dma_wait3A_22 = tpu.memref_slice %arg3[%mul3A_2, %dma_wait3A_21] : memref<64x128xi32, #tpu.memory_space<hbm>> -> memref<2x128xi32, #tpu.memory_space<hbm>>
      tpu.wait_dma2 semaphore(%run_scoped3A_16 : memref<!tpu.dma_semaphore, #tpu.memory_space<semaphore_mem>>) src(%dma_wait3A_22 : memref<2x128xi32, #tpu.memory_space<hbm>>) dst(%arg6 : memref<2x128xi32, #tpu.memory_space<vmem>>)
      tpu.yield
    }) : () -> ()
    %mul3A_3 = arith.constant 256 : i32
    %mul3A_4 = arith.muli %arg1, %mul3A_3 : i32
    %mul3A_5 = arith.constant 256 : i32
    %mul3A_6 = arith.muli %arg1, %mul3A_5 : i32
    "tpu.region"() ({
      %run_scoped3A_16 = tpu.sem_alloc : memref<!tpu.dma_semaphore, #tpu.memory_space<semaphore_mem>>
      %dma_start3A = arith.constant 0 : i32
      %dma_start3A_17 = tpu.memref_slice %arg8[%mul3A_6, %dma_start3A] : memref<4096x128xf32, #tpu.memory_space<vmem_shared>> -> memref<256x128xf32, #tpu.memory_space<vmem_shared>>
      %dma_start3A_18 = arith.constant 0 : i32
      %dma_start3A_19 = tpu.memref_slice %arg4[%mul3A_4, %dma_start3A_18] : memref<4096x128xf32, #tpu.memory_space<hbm>> -> memref<256x128xf32, #tpu.memory_space<hbm>>
      tpu.enqueue_dma source(%dma_start3A_19 : memref<256x128xf32, #tpu.memory_space<hbm>>) target(%dma_start3A_17 : memref<256x128xf32, #tpu.memory_space<vmem_shared>>) target_semaphore(%run_scoped3A_16 : memref<!tpu.dma_semaphore, #tpu.memory_space<semaphore_mem>>)
      %dma_wait3A = arith.constant 0 : i32
      %dma_wait3A_20 = tpu.memref_slice %arg8[%mul3A_6, %dma_wait3A] : memref<4096x128xf32, #tpu.memory_space<vmem_shared>> -> memref<256x128xf32, #tpu.memory_space<vmem_shared>>
      %dma_wait3A_21 = arith.constant 0 : i32
      %dma_wait3A_22 = tpu.memref_slice %arg4[%mul3A_4, %dma_wait3A_21] : memref<4096x128xf32, #tpu.memory_space<hbm>> -> memref<256x128xf32, #tpu.memory_space<hbm>>
      tpu.wait_dma2 semaphore(%run_scoped3A_16 : memref<!tpu.dma_semaphore, #tpu.memory_space<semaphore_mem>>) src(%dma_wait3A_22 : memref<256x128xf32, #tpu.memory_space<hbm>>) dst(%dma_wait3A_20 : memref<256x128xf32, #tpu.memory_space<vmem_shared>>)
      tpu.yield
    }) : () -> ()
    %barrier3A = arith.constant 0 : index
    tpu.barrier barrier_id(%barrier3A)
    %mul3A_7 = arith.constant 256 : i32
    %mul3A_8 = arith.muli %add3A, %mul3A_7 : i32
    "tpu.region"() ({
      %run_scoped3A_16 = tpu.sem_alloc : memref<!tpu.dma_semaphore, #tpu.memory_space<semaphore_mem>>
      %dma_start3A = arith.constant 0 : i32
      %dma_start3A_17 = tpu.memref_slice %arg2[%mul3A_8, %dma_start3A] : memref<8192x128xf32, #tpu.memory_space<hbm>> -> memref<256x128xf32, #tpu.memory_space<hbm>>
      %dma_start3A_18 = arith.constant 0 : i32
      %dma_start3A_19 = tpu.memref_slice %arg2[%mul3A_8, %dma_start3A_18] : memref<8192x128xf32, #tpu.memory_space<hbm>> -> memref<256x128xf32, #tpu.memory_space<hbm>>
      tpu.enqueue_dma source(%dma_start3A_19 : memref<256x128xf32, #tpu.memory_space<hbm>>) target(%arg7 : memref<256x128xf32, #tpu.memory_space<vmem>>) target_semaphore(%run_scoped3A_16 : memref<!tpu.dma_semaphore, #tpu.memory_space<semaphore_mem>>)
      %dma_wait3A = arith.constant 0 : i32
      %dma_wait3A_20 = tpu.memref_slice %arg2[%mul3A_8, %dma_wait3A] : memref<8192x128xf32, #tpu.memory_space<hbm>> -> memref<256x128xf32, #tpu.memory_space<hbm>>
      %dma_wait3A_21 = arith.constant 0 : i32
      %dma_wait3A_22 = tpu.memref_slice %arg2[%mul3A_8, %dma_wait3A_21] : memref<8192x128xf32, #tpu.memory_space<hbm>> -> memref<256x128xf32, #tpu.memory_space<hbm>>
      tpu.wait_dma2 semaphore(%run_scoped3A_16 : memref<!tpu.dma_semaphore, #tpu.memory_space<semaphore_mem>>) src(%dma_wait3A_22 : memref<256x128xf32, #tpu.memory_space<hbm>>) dst(%arg7 : memref<256x128xf32, #tpu.memory_space<vmem>>)
      tpu.yield
    }) : () -> ()
    %run_scoped3A = arith.constant 0 : i32
    "tpu.region"() ({
      %run_scoped3A_16 = tpu.sem_alloc : memref<!tpu.dma_semaphore, #tpu.memory_space<semaphore_mem>>
      %dma_start3A = arith.constant 0 : i32
      %dma_start3A_17 = arith.constant 0 : i32
      %dma_start3A_18 = tpu.memref_slice %arg7[%dma_start3A, %dma_start3A_17] : memref<256x128xf32, #tpu.memory_space<vmem>> -> memref<128x128xf32, #tpu.memory_space<vmem>>
      %dma_start3A_19 = arith.constant 0 : i32
      %dma_start3A_20 = tpu.memref_slice %arg6[%run_scoped3A, %dma_start3A_19] : memref<2x128xi32, #tpu.memory_space<vmem>> -> memref<1x128xi32, #tpu.memory_space<vmem>>
      %dma_start3A_21 = tpu.memref_squeeze %dma_start3A_20 : memref<1x128xi32, #tpu.memory_space<vmem>> -> memref<128xi32, #tpu.memory_space<vmem>>
      %dma_start3A_22 = arith.constant 0 : i32
      %dma_start3A_23 = arith.constant 0 : i32
      %dma_start3A_24 = tpu.memref_slice %arg8[%dma_start3A_22, %dma_start3A_23] : memref<4096x128xf32, #tpu.memory_space<vmem_shared>> -> memref<4096x128xf32, #tpu.memory_space<vmem_shared>>
      tpu.enqueue_indirect_dma source(%dma_start3A_18 : memref<128x128xf32, #tpu.memory_space<vmem>>) target(%dma_start3A_24 : memref<4096x128xf32, #tpu.memory_space<vmem_shared>>) offsets(%dma_start3A_21 : memref<128xi32, #tpu.memory_space<vmem>>) semaphore(%run_scoped3A_16 : memref<!tpu.dma_semaphore, #tpu.memory_space<semaphore_mem>>) {add = true}
      %dma_wait3A = arith.constant 0 : i32
      %dma_wait3A_25 = arith.constant 0 : i32
      %dma_wait3A_26 = tpu.memref_slice %arg7[%dma_wait3A, %dma_wait3A_25] : memref<256x128xf32, #tpu.memory_space<vmem>> -> memref<128x128xf32, #tpu.memory_space<vmem>>
      %dma_wait3A_27 = arith.constant 0 : i32
      %dma_wait3A_28 = tpu.memref_slice %arg6[%run_scoped3A, %dma_wait3A_27] : memref<2x128xi32, #tpu.memory_space<vmem>> -> memref<1x128xi32, #tpu.memory_space<vmem>>
      %dma_wait3A_29 = tpu.memref_squeeze %dma_wait3A_28 : memref<1x128xi32, #tpu.memory_space<vmem>> -> memref<128xi32, #tpu.memory_space<vmem>>
      %dma_wait3A_30 = arith.constant 0 : i32
      %dma_wait3A_31 = arith.constant 0 : i32
      %dma_wait3A_32 = tpu.memref_slice %arg8[%dma_wait3A_30, %dma_wait3A_31] : memref<4096x128xf32, #tpu.memory_space<vmem_shared>> -> memref<4096x128xf32, #tpu.memory_space<vmem_shared>>
      tpu.wait_indirect_dma semaphore(%run_scoped3A_16 : memref<!tpu.dma_semaphore, #tpu.memory_space<semaphore_mem>>) src(%dma_wait3A_26 : memref<128x128xf32, #tpu.memory_space<vmem>>) dst(%dma_wait3A_32 : memref<4096x128xf32, #tpu.memory_space<vmem_shared>>)
      tpu.yield
    }) : () -> ()
    %run_scoped3A_9 = arith.constant 1 : i32
    "tpu.region"() ({
      %run_scoped3A_16 = tpu.sem_alloc : memref<!tpu.dma_semaphore, #tpu.memory_space<semaphore_mem>>
      %dma_start3A = arith.constant 128 : i32
      %dma_start3A_17 = arith.constant 0 : i32
      %dma_start3A_18 = tpu.memref_slice %arg7[%dma_start3A, %dma_start3A_17] : memref<256x128xf32, #tpu.memory_space<vmem>> -> memref<128x128xf32, #tpu.memory_space<vmem>>
      %dma_start3A_19 = arith.constant 0 : i32
      %dma_start3A_20 = tpu.memref_slice %arg6[%run_scoped3A_9, %dma_start3A_19] : memref<2x128xi32, #tpu.memory_space<vmem>> -> memref<1x128xi32, #tpu.memory_space<vmem>>
      %dma_start3A_21 = tpu.memref_squeeze %dma_start3A_20 : memref<1x128xi32, #tpu.memory_space<vmem>> -> memref<128xi32, #tpu.memory_space<vmem>>
      %dma_start3A_22 = arith.constant 0 : i32
      %dma_start3A_23 = arith.constant 0 : i32
      %dma_start3A_24 = tpu.memref_slice %arg8[%dma_start3A_22, %dma_start3A_23] : memref<4096x128xf32, #tpu.memory_space<vmem_shared>> -> memref<4096x128xf32, #tpu.memory_space<vmem_shared>>
      tpu.enqueue_indirect_dma source(%dma_start3A_18 : memref<128x128xf32, #tpu.memory_space<vmem>>) target(%dma_start3A_24 : memref<4096x128xf32, #tpu.memory_space<vmem_shared>>) offsets(%dma_start3A_21 : memref<128xi32, #tpu.memory_space<vmem>>) semaphore(%run_scoped3A_16 : memref<!tpu.dma_semaphore, #tpu.memory_space<semaphore_mem>>) {add = true}
      %dma_wait3A = arith.constant 128 : i32
      %dma_wait3A_25 = arith.constant 0 : i32
      %dma_wait3A_26 = tpu.memref_slice %arg7[%dma_wait3A, %dma_wait3A_25] : memref<256x128xf32, #tpu.memory_space<vmem>> -> memref<128x128xf32, #tpu.memory_space<vmem>>
      %dma_wait3A_27 = arith.constant 0 : i32
      %dma_wait3A_28 = tpu.memref_slice %arg6[%run_scoped3A_9, %dma_wait3A_27] : memref<2x128xi32, #tpu.memory_space<vmem>> -> memref<1x128xi32, #tpu.memory_space<vmem>>
      %dma_wait3A_29 = tpu.memref_squeeze %dma_wait3A_28 : memref<1x128xi32, #tpu.memory_space<vmem>> -> memref<128xi32, #tpu.memory_space<vmem>>
      %dma_wait3A_30 = arith.constant 0 : i32
      %dma_wait3A_31 = arith.constant 0 : i32
      %dma_wait3A_32 = tpu.memref_slice %arg8[%dma_wait3A_30, %dma_wait3A_31] : memref<4096x128xf32, #tpu.memory_space<vmem_shared>> -> memref<4096x128xf32, #tpu.memory_space<vmem_shared>>
      tpu.wait_indirect_dma semaphore(%run_scoped3A_16 : memref<!tpu.dma_semaphore, #tpu.memory_space<semaphore_mem>>) src(%dma_wait3A_26 : memref<128x128xf32, #tpu.memory_space<vmem>>) dst(%dma_wait3A_32 : memref<4096x128xf32, #tpu.memory_space<vmem_shared>>)
      tpu.yield
    }) : () -> ()
    %barrier3A_10 = arith.constant 0 : index
    tpu.barrier barrier_id(%barrier3A_10)
    %mul3A_11 = arith.constant 256 : i32
    %mul3A_12 = arith.muli %arg1, %mul3A_11 : i32
    %mul3A_13 = arith.constant 256 : i32
    %mul3A_14 = arith.muli %arg1, %mul3A_13 : i32
    "tpu.region"() ({
      %run_scoped3A_16 = tpu.sem_alloc : memref<!tpu.dma_semaphore, #tpu.memory_space<semaphore_mem>>
      %dma_start3A = arith.constant 0 : i32
      %dma_start3A_17 = tpu.memref_slice %arg5[%arg0, %mul3A_14, %dma_start3A] : memref<2x4096x128xf32, #tpu.memory_space<hbm>> -> memref<1x256x128xf32, #tpu.memory_space<hbm>>
      %dma_start3A_18 = tpu.memref_squeeze %dma_start3A_17 : memref<1x256x128xf32, #tpu.memory_space<hbm>> -> memref<256x128xf32, #tpu.memory_space<hbm>>
      %dma_start3A_19 = arith.constant 0 : i32
      %dma_start3A_20 = tpu.memref_slice %arg8[%mul3A_12, %dma_start3A_19] : memref<4096x128xf32, #tpu.memory_space<vmem_shared>> -> memref<256x128xf32, #tpu.memory_space<vmem_shared>>
      tpu.enqueue_dma source(%dma_start3A_20 : memref<256x128xf32, #tpu.memory_space<vmem_shared>>) target(%dma_start3A_18 : memref<256x128xf32, #tpu.memory_space<hbm>>) target_semaphore(%run_scoped3A_16 : memref<!tpu.dma_semaphore, #tpu.memory_space<semaphore_mem>>)
      %dma_wait3A = arith.constant 0 : i32
      %dma_wait3A_21 = tpu.memref_slice %arg5[%arg0, %mul3A_14, %dma_wait3A] : memref<2x4096x128xf32, #tpu.memory_space<hbm>> -> memref<1x256x128xf32, #tpu.memory_space<hbm>>
      %dma_wait3A_22 = tpu.memref_squeeze %dma_wait3A_21 : memref<1x256x128xf32, #tpu.memory_space<hbm>> -> memref<256x128xf32, #tpu.memory_space<hbm>>
      %dma_wait3A_23 = arith.constant 0 : i32
      %dma_wait3A_24 = tpu.memref_slice %arg8[%mul3A_12, %dma_wait3A_23] : memref<4096x128xf32, #tpu.memory_space<vmem_shared>> -> memref<256x128xf32, #tpu.memory_space<vmem_shared>>
      tpu.wait_dma2 semaphore(%run_scoped3A_16 : memref<!tpu.dma_semaphore, #tpu.memory_space<semaphore_mem>>) src(%dma_wait3A_24 : memref<256x128xf32, #tpu.memory_space<vmem_shared>>) dst(%dma_wait3A_22 : memref<256x128xf32, #tpu.memory_space<hbm>>)
      tpu.yield
    }) : () -> ()
    %barrier3A_15 = arith.constant 0 : index
    tpu.barrier barrier_id(%barrier3A_15)
    return
  }
}

#map = affine_map<(d0, d1) -> (0, 0)>
#map1 = affine_map<(d0, d1) -> (0, 0, 0)>
module attributes {stable_mosaic.version = 14 : i64} {
  func.func @k(%arg0: i32, %arg1: i32, %arg2: memref<8192x128xf32, #tpu.memory_space<hbm>>, %arg3: memref<64x128xi32, #tpu.memory_space<hbm>>, %arg4: memref<4096x128xf32, #tpu.memory_space<hbm>>, %arg5: memref<2x4096x128xf32, #tpu.memory_space<hbm>>, %arg6: memref<2x128xi32, #tpu.memory_space<vmem>>, %arg7: memref<256x128xf32, #tpu.memory_space<vmem>>, %arg8: memref<4096x128xf32, #tpu.memory_space<vmem_shared>>, %arg9: memref<!tpu.dma_semaphore, #tpu.memory_space<semaphore_mem>>) attributes {dimension_semantics = [#tpu.dimension_semantics<core_parallel>, #tpu.dimension_semantics<subcore_parallel>], iteration_bounds = array<i64: 2, 16>, scalar_prefetch = 0 : i64, scratch_operands = 4 : i64, tpu.core_type = #tpu.core_type<sc_vector_subcore>, window_params = [{transform_indices = #map}, {transform_indices = #map}, {transform_indices = #map}, {transform_indices = #map1}]} {
    %mul3A = arith.constant 2 : i32
    %mul3A_0 = arith.muli %arg1, %mul3A : i32
    %add3A = arith.addi %mul3A_0, %arg0 : i32
    %mul3A_1 = arith.constant 2 : i32
    %mul3A_2 = arith.muli %add3A, %mul3A_1 : i32
    "tpu.region"() ({
      %run_scoped3A_16 = tpu.sem_alloc : memref<!tpu.dma_semaphore, #tpu.memory_space<semaphore_mem>>
      %dma_start3A = arith.constant 0 : i32
      %dma_start3A_17 = tpu.memref_slice %arg3[%mul3A_2, %dma_start3A] : memref<64x128xi32, #tpu.memory_space<hbm>> -> memref<2x128xi32, #tpu.memory_space<hbm>>
      %dma_start3A_18 = arith.constant 0 : i32
      %dma_start3A_19 = tpu.memref_slice %arg3[%mul3A_2, %dma_start3A_18] : memref<64x128xi32, #tpu.memory_space<hbm>> -> memref<2x128xi32, #tpu.memory_space<hbm>>
      tpu.enqueue_dma source(%dma_start3A_19 : memref<2x128xi32, #tpu.memory_space<hbm>>) target(%arg6 : memref<2x128xi32, #tpu.memory_space<vmem>>) target_semaphore(%run_scoped3A_16 : memref<!tpu.dma_semaphore, #tpu.memory_space<semaphore_mem>>)
      %dma_wait3A = arith.constant 0 : i32
      %dma_wait3A_20 = tpu.memref_slice %arg3[%mul3A_2, %dma_wait3A] : memref<64x128xi32, #tpu.memory_space<hbm>> -> memref<2x128xi32, #tpu.memory_space<hbm>>
      %dma_wait3A_21 = arith.constant 0 : i32
      %dma_wait3A_22 = tpu.memref_slice %arg3[%mul3A_2, %dma_wait3A_21] : memref<64x128xi32, #tpu.memory_space<hbm>> -> memref<2x128xi32, #tpu.memory_space<hbm>>
      tpu.wait_dma2 semaphore(%run_scoped3A_16 : memref<!tpu.dma_semaphore, #tpu.memory_space<semaphore_mem>>) src(%dma_wait3A_22 : memref<2x128xi32, #tpu.memory_space<hbm>>) dst(%arg6 : memref<2x128xi32, #tpu.memory_space<vmem>>)
      tpu.yield
    }) : () -> ()
    %mul3A_3 = arith.constant 256 : i32
    %mul3A_4 = arith.muli %arg1, %mul3A_3 : i32
    %mul3A_5 = arith.constant 256 : i32
    %mul3A_6 = arith.muli %arg1, %mul3A_5 : i32
    "tpu.region"() ({
      %run_scoped3A_16 = tpu.sem_alloc : memref<!tpu.dma_semaphore, #tpu.memory_space<semaphore_mem>>
      %dma_start3A = arith.constant 0 : i32
      %dma_start3A_17 = tpu.memref_slice %arg8[%mul3A_6, %dma_start3A] : memref<4096x128xf32, #tpu.memory_space<vmem_shared>> -> memref<256x128xf32, #tpu.memory_space<vmem_shared>>
      %dma_start3A_18 = arith.constant 0 : i32
      %dma_start3A_19 = tpu.memref_slice %arg4[%mul3A_4, %dma_start3A_18] : memref<4096x128xf32, #tpu.memory_space<hbm>> -> memref<256x128xf32, #tpu.memory_space<hbm>>
      tpu.enqueue_dma source(%dma_start3A_19 : memref<256x128xf32, #tpu.memory_space<hbm>>) target(%dma_start3A_17 : memref<256x128xf32, #tpu.memory_space<vmem_shared>>) target_semaphore(%run_scoped3A_16 : memref<!tpu.dma_semaphore, #tpu.memory_space<semaphore_mem>>)
      %dma_wait3A = arith.constant 0 : i32
      %dma_wait3A_20 = tpu.memref_slice %arg8[%mul3A_6, %dma_wait3A] : memref<4096x128xf32, #tpu.memory_space<vmem_shared>> -> memref<256x128xf32, #tpu.memory_space<vmem_shared>>
      %dma_wait3A_21 = arith.constant 0 : i32
      %dma_wait3A_22 = tpu.memref_slice %arg4[%mul3A_4, %dma_wait3A_21] : memref<4096x128xf32, #tpu.memory_space<hbm>> -> memref<256x128xf32, #tpu.memory_space<hbm>>
      tpu.wait_dma2 semaphore(%run_scoped3A_16 : memref<!tpu.dma_semaphore, #tpu.memory_space<semaphore_mem>>) src(%dma_wait3A_22 : memref<256x128xf32, #tpu.memory_space<hbm>>) dst(%dma_wait3A_20 : memref<256x128xf32, #tpu.memory_space<vmem_shared>>)
      tpu.yield
    }) : () -> ()
    %barrier3A = arith.constant 0 : index
    tpu.barrier barrier_id(%barrier3A)
    %mul3A_7 = arith.constant 256 : i32
    %mul3A_8 = arith.muli %add3A, %mul3A_7 : i32
    "tpu.region"() ({
      %run_scoped3A_16 = tpu.sem_alloc : memref<!tpu.dma_semaphore, #tpu.memory_space<semaphore_mem>>
      %dma_start3A = arith.constant 0 : i32
      %dma_start3A_17 = tpu.memref_slice %arg2[%mul3A_8, %dma_start3A] : memref<8192x128xf32, #tpu.memory_space<hbm>> -> memref<256x128xf32, #tpu.memory_space<hbm>>
      %dma_start3A_18 = arith.constant 0 : i32
      %dma_start3A_19 = tpu.memref_slice %arg2[%mul3A_8, %dma_start3A_18] : memref<8192x128xf32, #tpu.memory_space<hbm>> -> memref<256x128xf32, #tpu.memory_space<hbm>>
      tpu.enqueue_dma source(%dma_start3A_19 : memref<256x128xf32, #tpu.memory_space<hbm>>) target(%arg7 : memref<256x128xf32, #tpu.memory_space<vmem>>) target_semaphore(%run_scoped3A_16 : memref<!tpu.dma_semaphore, #tpu.memory_space<semaphore_mem>>)
      %dma_wait3A = arith.constant 0 : i32
      %dma_wait3A_20 = tpu.memref_slice %arg2[%mul3A_8, %dma_wait3A] : memref<8192x128xf32, #tpu.memory_space<hbm>> -> memref<256x128xf32, #tpu.memory_space<hbm>>
      %dma_wait3A_21 = arith.constant 0 : i32
      %dma_wait3A_22 = tpu.memref_slice %arg2[%mul3A_8, %dma_wait3A_21] : memref<8192x128xf32, #tpu.memory_space<hbm>> -> memref<256x128xf32, #tpu.memory_space<hbm>>
      tpu.wait_dma2 semaphore(%run_scoped3A_16 : memref<!tpu.dma_semaphore, #tpu.memory_space<semaphore_mem>>) src(%dma_wait3A_22 : memref<256x128xf32, #tpu.memory_space<hbm>>) dst(%arg7 : memref<256x128xf32, #tpu.memory_space<vmem>>)
      tpu.yield
    }) : () -> ()
    %run_scoped3A = arith.constant 0 : i32
    "tpu.region"() ({
      %run_scoped3A_16 = tpu.sem_alloc : memref<!tpu.dma_semaphore, #tpu.memory_space<semaphore_mem>>
      %dma_start3A = arith.constant 0 : i32
      %dma_start3A_17 = arith.constant 0 : i32
      %dma_start3A_18 = tpu.memref_slice %arg7[%dma_start3A, %dma_start3A_17] : memref<256x128xf32, #tpu.memory_space<vmem>> -> memref<128x128xf32, #tpu.memory_space<vmem>>
      %dma_start3A_19 = arith.constant 0 : i32
      %dma_start3A_20 = tpu.memref_slice %arg6[%run_scoped3A, %dma_start3A_19] : memref<2x128xi32, #tpu.memory_space<vmem>> -> memref<1x128xi32, #tpu.memory_space<vmem>>
      %dma_start3A_21 = tpu.memref_squeeze %dma_start3A_20 : memref<1x128xi32, #tpu.memory_space<vmem>> -> memref<128xi32, #tpu.memory_space<vmem>>
      %dma_start3A_22 = arith.constant 0 : i32
      %dma_start3A_23 = arith.constant 0 : i32
      %dma_start3A_24 = tpu.memref_slice %arg8[%dma_start3A_22, %dma_start3A_23] : memref<4096x128xf32, #tpu.memory_space<vmem_shared>> -> memref<4096x128xf32, #tpu.memory_space<vmem_shared>>
      tpu.enqueue_indirect_dma source(%dma_start3A_18 : memref<128x128xf32, #tpu.memory_space<vmem>>) target(%dma_start3A_24 : memref<4096x128xf32, #tpu.memory_space<vmem_shared>>) offsets(%dma_start3A_21 : memref<128xi32, #tpu.memory_space<vmem>>) semaphore(%run_scoped3A_16 : memref<!tpu.dma_semaphore, #tpu.memory_space<semaphore_mem>>) {add = true}
      %dma_wait3A = arith.constant 0 : i32
      %dma_wait3A_25 = arith.constant 0 : i32
      %dma_wait3A_26 = tpu.memref_slice %arg7[%dma_wait3A, %dma_wait3A_25] : memref<256x128xf32, #tpu.memory_space<vmem>> -> memref<128x128xf32, #tpu.memory_space<vmem>>
      %dma_wait3A_27 = arith.constant 0 : i32
      %dma_wait3A_28 = tpu.memref_slice %arg6[%run_scoped3A, %dma_wait3A_27] : memref<2x128xi32, #tpu.memory_space<vmem>> -> memref<1x128xi32, #tpu.memory_space<vmem>>
      %dma_wait3A_29 = tpu.memref_squeeze %dma_wait3A_28 : memref<1x128xi32, #tpu.memory_space<vmem>> -> memref<128xi32, #tpu.memory_space<vmem>>
      %dma_wait3A_30 = arith.constant 0 : i32
      %dma_wait3A_31 = arith.constant 0 : i32
      %dma_wait3A_32 = tpu.memref_slice %arg8[%dma_wait3A_30, %dma_wait3A_31] : memref<4096x128xf32, #tpu.memory_space<vmem_shared>> -> memref<4096x128xf32, #tpu.memory_space<vmem_shared>>
      tpu.wait_indirect_dma semaphore(%run_scoped3A_16 : memref<!tpu.dma_semaphore, #tpu.memory_space<semaphore_mem>>) src(%dma_wait3A_26 : memref<128x128xf32, #tpu.memory_space<vmem>>) dst(%dma_wait3A_32 : memref<4096x128xf32, #tpu.memory_space<vmem_shared>>)
      tpu.yield
    }) : () -> ()
    %run_scoped3A_9 = arith.constant 1 : i32
    "tpu.region"() ({
      %run_scoped3A_16 = tpu.sem_alloc : memref<!tpu.dma_semaphore, #tpu.memory_space<semaphore_mem>>
      %dma_start3A = arith.constant 128 : i32
      %dma_start3A_17 = arith.constant 0 : i32
      %dma_start3A_18 = tpu.memref_slice %arg7[%dma_start3A, %dma_start3A_17] : memref<256x128xf32, #tpu.memory_space<vmem>> -> memref<128x128xf32, #tpu.memory_space<vmem>>
      %dma_start3A_19 = arith.constant 0 : i32
      %dma_start3A_20 = tpu.memref_slice %arg6[%run_scoped3A_9, %dma_start3A_19] : memref<2x128xi32, #tpu.memory_space<vmem>> -> memref<1x128xi32, #tpu.memory_space<vmem>>
      %dma_start3A_21 = tpu.memref_squeeze %dma_start3A_20 : memref<1x128xi32, #tpu.memory_space<vmem>> -> memref<128xi32, #tpu.memory_space<vmem>>
      %dma_start3A_22 = arith.constant 0 : i32
      %dma_start3A_23 = arith.constant 0 : i32
      %dma_start3A_24 = tpu.memref_slice %arg8[%dma_start3A_22, %dma_start3A_23] : memref<4096x128xf32, #tpu.memory_space<vmem_shared>> -> memref<4096x128xf32, #tpu.memory_space<vmem_shared>>
      tpu.enqueue_indirect_dma source(%dma_start3A_18 : memref<128x128xf32, #tpu.memory_space<vmem>>) target(%dma_start3A_24 : memref<4096x128xf32, #tpu.memory_space<vmem_shared>>) offsets(%dma_start3A_21 : memref<128xi32, #tpu.memory_space<vmem>>) semaphore(%run_scoped3A_16 : memref<!tpu.dma_semaphore, #tpu.memory_space<semaphore_mem>>) {add = true}
      %dma_wait3A = arith.constant 128 : i32
      %dma_wait3A_25 = arith.constant 0 : i32
      %dma_wait3A_26 = tpu.memref_slice %arg7[%dma_wait3A, %dma_wait3A_25] : memref<256x128xf32, #tpu.memory_space<vmem>> -> memref<128x128xf32, #tpu.memory_space<vmem>>
      %dma_wait3A_27 = arith.constant 0 : i32
      %dma_wait3A_28 = tpu.memref_slice %arg6[%run_scoped3A_9, %dma_wait3A_27] : memref<2x128xi32, #tpu.memory_space<vmem>> -> memref<1x128xi32, #tpu.memory_space<vmem>>
      %dma_wait3A_29 = tpu.memref_squeeze %dma_wait3A_28 : memref<1x128xi32, #tpu.memory_space<vmem>> -> memref<128xi32, #tpu.memory_space<vmem>>
      %dma_wait3A_30 = arith.constant 0 : i32
      %dma_wait3A_31 = arith.constant 0 : i32
      %dma_wait3A_32 = tpu.memref_slice %arg8[%dma_wait3A_30, %dma_wait3A_31] : memref<4096x128xf32, #tpu.memory_space<vmem_shared>> -> memref<4096x128xf32, #tpu.memory_space<vmem_shared>>
      tpu.wait_indirect_dma semaphore(%run_scoped3A_16 : memref<!tpu.dma_semaphore, #tpu.memory_space<semaphore_mem>>) src(%dma_wait3A_26 : memref<128x128xf32, #tpu.memory_space<vmem>>) dst(%dma_wait3A_32 : memref<4096x128xf32, #tpu.memory_space<vmem_shared>>)
      tpu.yield
    }) : () -> ()
    %barrier3A_10 = arith.constant 0 : index
    tpu.barrier barrier_id(%barrier3A_10)
    %mul3A_11 = arith.constant 256 : i32
    %mul3A_12 = arith.muli %arg1, %mul3A_11 : i32
    %mul3A_13 = arith.constant 256 : i32
    %mul3A_14 = arith.muli %arg1, %mul3A_13 : i32
    "tpu.region"() ({
      %run_scoped3A_16 = tpu.sem_alloc : memref<!tpu.dma_semaphore, #tpu.memory_space<semaphore_mem>>
      %dma_start3A = arith.constant 0 : i32
      %dma_start3A_17 = tpu.memref_slice %arg5[%arg0, %mul3A_14, %dma_start3A] : memref<2x4096x128xf32, #tpu.memory_space<hbm>> -> memref<1x256x128xf32, #tpu.memory_space<hbm>>
      %dma_start3A_18 = tpu.memref_squeeze %dma_start3A_17 : memref<1x256x128xf32, #tpu.memory_space<hbm>> -> memref<256x128xf32, #tpu.memory_space<hbm>>
      %dma_start3A_19 = arith.constant 0 : i32
      %dma_start3A_20 = tpu.memref_slice %arg8[%mul3A_12, %dma_start3A_19] : memref<4096x128xf32, #tpu.memory_space<vmem_shared>> -> memref<256x128xf32, #tpu.memory_space<vmem_shared>>
      tpu.enqueue_dma source(%dma_start3A_20 : memref<256x128xf32, #tpu.memory_space<vmem_shared>>) target(%dma_start3A_18 : memref<256x128xf32, #tpu.memory_space<hbm>>) target_semaphore(%run_scoped3A_16 : memref<!tpu.dma_semaphore, #tpu.memory_space<semaphore_mem>>)
      %dma_wait3A = arith.constant 0 : i32
      %dma_wait3A_21 = tpu.memref_slice %arg5[%arg0, %mul3A_14, %dma_wait3A] : memref<2x4096x128xf32, #tpu.memory_space<hbm>> -> memref<1x256x128xf32, #tpu.memory_space<hbm>>
      %dma_wait3A_22 = tpu.memref_squeeze %dma_wait3A_21 : memref<1x256x128xf32, #tpu.memory_space<hbm>> -> memref<256x128xf32, #tpu.memory_space<hbm>>
      %dma_wait3A_23 = arith.constant 0 : i32
      %dma_wait3A_24 = tpu.memref_slice %arg8[%mul3A_12, %dma_wait3A_23] : memref<4096x128xf32, #tpu.memory_space<vmem_shared>> -> memref<256x128xf32, #tpu.memory_space<vmem_shared>>
      tpu.wait_dma2 semaphore(%run_scoped3A_16 : memref<!tpu.dma_semaphore, #tpu.memory_space<semaphore_mem>>) src(%dma_wait3A_24 : memref<256x128xf32, #tpu.memory_space<vmem_shared>>) dst(%dma_wait3A_22 : memref<256x128xf32, #tpu.memory_space<hbm>>)
      tpu.yield
    }) : () -> ()
    %barrier3A_15 = arith.constant 0 : index
    tpu.barrier barrier_id(%barrier3A_15)
    return
  }
}

#map = affine_map<(d0, d1) -> (0, 0)>
module attributes {stable_mosaic.version = 14 : i64} {
  func.func @k(%arg0: i32, %arg1: i32, %arg2: memref<4096x256xf32, #tpu.memory_space<hbm>>, %arg3: memref<64x128xi32, #tpu.memory_space<hbm>>, %arg4: memref<8192x256xf32, #tpu.memory_space<hbm>>, %arg5: memref<2x128xi32, #tpu.memory_space<vmem>>, %arg6: memref<256x256xf32, #tpu.memory_space<vmem>>, %arg7: memref<!tpu.dma_semaphore, #tpu.memory_space<semaphore_mem>>) attributes {dimension_semantics = [#tpu.dimension_semantics<core_parallel>, #tpu.dimension_semantics<subcore_parallel>], iteration_bounds = array<i64: 2, 16>, scalar_prefetch = 0 : i64, scratch_operands = 3 : i64, tpu.core_type = #tpu.core_type<sc_vector_subcore>, window_params = [{transform_indices = #map}, {transform_indices = #map}, {transform_indices = #map}]} {
    %mul3A = arith.constant 2 : i32
    %mul3A_0 = arith.muli %arg1, %mul3A : i32
    %add3A = arith.addi %mul3A_0, %arg0 : i32
    %mul3A_1 = arith.constant 2 : i32
    %mul3A_2 = arith.muli %add3A, %mul3A_1 : i32
    "tpu.region"() ({
      %run_scoped3A = tpu.sem_alloc : memref<!tpu.dma_semaphore, #tpu.memory_space<semaphore_mem>>
      %dma_start3A_43 = arith.constant 0 : i32
      %dma_start3A_44 = tpu.memref_slice %arg3[%mul3A_2, %dma_start3A_43] : memref<64x128xi32, #tpu.memory_space<hbm>> -> memref<2x128xi32, #tpu.memory_space<hbm>>
      %dma_start3A_45 = arith.constant 0 : i32
      %dma_start3A_46 = tpu.memref_slice %arg3[%mul3A_2, %dma_start3A_45] : memref<64x128xi32, #tpu.memory_space<hbm>> -> memref<2x128xi32, #tpu.memory_space<hbm>>
      tpu.enqueue_dma source(%dma_start3A_46 : memref<2x128xi32, #tpu.memory_space<hbm>>) target(%arg5 : memref<2x128xi32, #tpu.memory_space<vmem>>) target_semaphore(%run_scoped3A : memref<!tpu.dma_semaphore, #tpu.memory_space<semaphore_mem>>)
      %dma_wait3A_47 = arith.constant 0 : i32
      %dma_wait3A_48 = tpu.memref_slice %arg3[%mul3A_2, %dma_wait3A_47] : memref<64x128xi32, #tpu.memory_space<hbm>> -> memref<2x128xi32, #tpu.memory_space<hbm>>
      %dma_wait3A_49 = arith.constant 0 : i32
      %dma_wait3A_50 = tpu.memref_slice %arg3[%mul3A_2, %dma_wait3A_49] : memref<64x128xi32, #tpu.memory_space<hbm>> -> memref<2x128xi32, #tpu.memory_space<hbm>>
      tpu.wait_dma2 semaphore(%run_scoped3A : memref<!tpu.dma_semaphore, #tpu.memory_space<semaphore_mem>>) src(%dma_wait3A_50 : memref<2x128xi32, #tpu.memory_space<hbm>>) dst(%arg5 : memref<2x128xi32, #tpu.memory_space<vmem>>)
      tpu.yield
    }) : () -> ()
    %dma_start3A = arith.constant 0 : i32
    %dma_start3A_3 = arith.constant 0 : i32
    %dma_start3A_4 = arith.constant 0 : i32
    %dma_start3A_5 = tpu.memref_slice %arg6[%dma_start3A_3, %dma_start3A_4] : memref<256x256xf32, #tpu.memory_space<vmem>> -> memref<128x256xf32, #tpu.memory_space<vmem>>
    %dma_start3A_6 = arith.constant 0 : i32
    %dma_start3A_7 = tpu.memref_slice %arg5[%dma_start3A, %dma_start3A_6] : memref<2x128xi32, #tpu.memory_space<vmem>> -> memref<1x128xi32, #tpu.memory_space<vmem>>
    %dma_start3A_8 = tpu.memref_squeeze %dma_start3A_7 : memref<1x128xi32, #tpu.memory_space<vmem>> -> memref<128xi32, #tpu.memory_space<vmem>>
    %dma_start3A_9 = arith.constant 0 : i32
    %dma_start3A_10 = arith.constant 0 : i32
    %dma_start3A_11 = tpu.memref_slice %arg2[%dma_start3A_9, %dma_start3A_10] : memref<4096x256xf32, #tpu.memory_space<hbm>> -> memref<4096x256xf32, #tpu.memory_space<hbm>>
    tpu.enqueue_indirect_dma source(%dma_start3A_11 : memref<4096x256xf32, #tpu.memory_space<hbm>>) target(%dma_start3A_5 : memref<128x256xf32, #tpu.memory_space<vmem>>) offsets(%dma_start3A_8 : memref<128xi32, #tpu.memory_space<vmem>>) semaphore(%arg7 : memref<!tpu.dma_semaphore, #tpu.memory_space<semaphore_mem>>)
    %dma_wait3A = arith.constant 0 : i32
    %dma_wait3A_12 = arith.constant 0 : i32
    %dma_wait3A_13 = arith.constant 0 : i32
    %dma_wait3A_14 = tpu.memref_slice %arg6[%dma_wait3A_12, %dma_wait3A_13] : memref<256x256xf32, #tpu.memory_space<vmem>> -> memref<128x256xf32, #tpu.memory_space<vmem>>
    %dma_wait3A_15 = arith.constant 0 : i32
    %dma_wait3A_16 = tpu.memref_slice %arg5[%dma_wait3A, %dma_wait3A_15] : memref<2x128xi32, #tpu.memory_space<vmem>> -> memref<1x128xi32, #tpu.memory_space<vmem>>
    %dma_wait3A_17 = tpu.memref_squeeze %dma_wait3A_16 : memref<1x128xi32, #tpu.memory_space<vmem>> -> memref<128xi32, #tpu.memory_space<vmem>>
    %dma_wait3A_18 = arith.constant 0 : i32
    %dma_wait3A_19 = arith.constant 0 : i32
    %dma_wait3A_20 = tpu.memref_slice %arg2[%dma_wait3A_18, %dma_wait3A_19] : memref<4096x256xf32, #tpu.memory_space<hbm>> -> memref<4096x256xf32, #tpu.memory_space<hbm>>
    tpu.wait_indirect_dma semaphore(%arg7 : memref<!tpu.dma_semaphore, #tpu.memory_space<semaphore_mem>>) src(%dma_wait3A_20 : memref<4096x256xf32, #tpu.memory_space<hbm>>) dst(%dma_wait3A_14 : memref<128x256xf32, #tpu.memory_space<vmem>>)
    %dma_start3A_21 = arith.constant 1 : i32
    %dma_start3A_22 = arith.constant 128 : i32
    %dma_start3A_23 = arith.constant 0 : i32
    %dma_start3A_24 = tpu.memref_slice %arg6[%dma_start3A_22, %dma_start3A_23] : memref<256x256xf32, #tpu.memory_space<vmem>> -> memref<128x256xf32, #tpu.memory_space<vmem>>
    %dma_start3A_25 = arith.constant 0 : i32
    %dma_start3A_26 = tpu.memref_slice %arg5[%dma_start3A_21, %dma_start3A_25] : memref<2x128xi32, #tpu.memory_space<vmem>> -> memref<1x128xi32, #tpu.memory_space<vmem>>
    %dma_start3A_27 = tpu.memref_squeeze %dma_start3A_26 : memref<1x128xi32, #tpu.memory_space<vmem>> -> memref<128xi32, #tpu.memory_space<vmem>>
    %dma_start3A_28 = arith.constant 0 : i32
    %dma_start3A_29 = arith.constant 0 : i32
    %dma_start3A_30 = tpu.memref_slice %arg2[%dma_start3A_28, %dma_start3A_29] : memref<4096x256xf32, #tpu.memory_space<hbm>> -> memref<4096x256xf32, #tpu.memory_space<hbm>>
    tpu.enqueue_indirect_dma source(%dma_start3A_30 : memref<4096x256xf32, #tpu.memory_space<hbm>>) target(%dma_start3A_24 : memref<128x256xf32, #tpu.memory_space<vmem>>) offsets(%dma_start3A_27 : memref<128xi32, #tpu.memory_space<vmem>>) semaphore(%arg7 : memref<!tpu.dma_semaphore, #tpu.memory_space<semaphore_mem>>)
    %dma_wait3A_31 = arith.constant 1 : i32
    %dma_wait3A_32 = arith.constant 128 : i32
    %dma_wait3A_33 = arith.constant 0 : i32
    %dma_wait3A_34 = tpu.memref_slice %arg6[%dma_wait3A_32, %dma_wait3A_33] : memref<256x256xf32, #tpu.memory_space<vmem>> -> memref<128x256xf32, #tpu.memory_space<vmem>>
    %dma_wait3A_35 = arith.constant 0 : i32
    %dma_wait3A_36 = tpu.memref_slice %arg5[%dma_wait3A_31, %dma_wait3A_35] : memref<2x128xi32, #tpu.memory_space<vmem>> -> memref<1x128xi32, #tpu.memory_space<vmem>>
    %dma_wait3A_37 = tpu.memref_squeeze %dma_wait3A_36 : memref<1x128xi32, #tpu.memory_space<vmem>> -> memref<128xi32, #tpu.memory_space<vmem>>
    %dma_wait3A_38 = arith.constant 0 : i32
    %dma_wait3A_39 = arith.constant 0 : i32
    %dma_wait3A_40 = tpu.memref_slice %arg2[%dma_wait3A_38, %dma_wait3A_39] : memref<4096x256xf32, #tpu.memory_space<hbm>> -> memref<4096x256xf32, #tpu.memory_space<hbm>>
    tpu.wait_indirect_dma semaphore(%arg7 : memref<!tpu.dma_semaphore, #tpu.memory_space<semaphore_mem>>) src(%dma_wait3A_40 : memref<4096x256xf32, #tpu.memory_space<hbm>>) dst(%dma_wait3A_34 : memref<128x256xf32, #tpu.memory_space<vmem>>)
    %mul3A_41 = arith.constant 256 : i32
    %mul3A_42 = arith.muli %add3A, %mul3A_41 : i32
    "tpu.region"() ({
      %run_scoped3A = tpu.sem_alloc : memref<!tpu.dma_semaphore, #tpu.memory_space<semaphore_mem>>
      %dma_start3A_43 = arith.constant 0 : i32
      %dma_start3A_44 = tpu.memref_slice %arg4[%mul3A_42, %dma_start3A_43] : memref<8192x256xf32, #tpu.memory_space<hbm>> -> memref<256x256xf32, #tpu.memory_space<hbm>>
      %dma_start3A_45 = arith.constant 0 : i32
      %dma_start3A_46 = tpu.memref_slice %arg4[%mul3A_42, %dma_start3A_45] : memref<8192x256xf32, #tpu.memory_space<hbm>> -> memref<256x256xf32, #tpu.memory_space<hbm>>
      tpu.enqueue_dma source(%arg6 : memref<256x256xf32, #tpu.memory_space<vmem>>) target(%dma_start3A_46 : memref<256x256xf32, #tpu.memory_space<hbm>>) target_semaphore(%run_scoped3A : memref<!tpu.dma_semaphore, #tpu.memory_space<semaphore_mem>>)
      %dma_wait3A_47 = arith.constant 0 : i32
      %dma_wait3A_48 = tpu.memref_slice %arg4[%mul3A_42, %dma_wait3A_47] : memref<8192x256xf32, #tpu.memory_space<hbm>> -> memref<256x256xf32, #tpu.memory_space<hbm>>
      %dma_wait3A_49 = arith.constant 0 : i32
      %dma_wait3A_50 = tpu.memref_slice %arg4[%mul3A_42, %dma_wait3A_49] : memref<8192x256xf32, #tpu.memory_space<hbm>> -> memref<256x256xf32, #tpu.memory_space<hbm>>
      tpu.wait_dma2 semaphore(%run_scoped3A : memref<!tpu.dma_semaphore, #tpu.memory_space<semaphore_mem>>) src(%arg6 : memref<256x256xf32, #tpu.memory_space<vmem>>) dst(%dma_wait3A_50 : memref<256x256xf32, #tpu.memory_space<hbm>>)
      tpu.yield
    }) : () -> ()
    return
  }
}

#map = affine_map<(d0, d1) -> (0, 0)>
#map1 = affine_map<(d0, d1) -> (0, 0, 0)>
module attributes {stable_mosaic.version = 14 : i64} {
  func.func @k(%arg0: i32, %arg1: i32, %arg2: memref<8192x256xf32, #tpu.memory_space<hbm>>, %arg3: memref<64x128xi32, #tpu.memory_space<hbm>>, %arg4: memref<4096x128xf32, #tpu.memory_space<hbm>>, %arg5: memref<2x4096x256xf32, #tpu.memory_space<hbm>>, %arg6: memref<2x128xi32, #tpu.memory_space<vmem>>, %arg7: memref<256x128xf32, #tpu.memory_space<vmem>>, %arg8: memref<4096x128xf32, #tpu.memory_space<vmem_shared>>, %arg9: memref<!tpu.dma_semaphore, #tpu.memory_space<semaphore_mem>>) attributes {dimension_semantics = [#tpu.dimension_semantics<core_parallel>, #tpu.dimension_semantics<subcore_parallel>], iteration_bounds = array<i64: 2, 16>, scalar_prefetch = 0 : i64, scratch_operands = 4 : i64, tpu.core_type = #tpu.core_type<sc_vector_subcore>, window_params = [{transform_indices = #map}, {transform_indices = #map}, {transform_indices = #map}, {transform_indices = #map1}]} {
    %mul3A = arith.constant 2 : i32
    %mul3A_0 = arith.muli %arg1, %mul3A : i32
    %add3A = arith.addi %mul3A_0, %arg0 : i32
    %mul3A_1 = arith.constant 2 : i32
    %mul3A_2 = arith.muli %add3A, %mul3A_1 : i32
    "tpu.region"() ({
      %run_scoped3A_31 = tpu.sem_alloc : memref<!tpu.dma_semaphore, #tpu.memory_space<semaphore_mem>>
      %dma_start3A = arith.constant 0 : i32
      %dma_start3A_32 = tpu.memref_slice %arg3[%mul3A_2, %dma_start3A] : memref<64x128xi32, #tpu.memory_space<hbm>> -> memref<2x128xi32, #tpu.memory_space<hbm>>
      %dma_start3A_33 = arith.constant 0 : i32
      %dma_start3A_34 = tpu.memref_slice %arg3[%mul3A_2, %dma_start3A_33] : memref<64x128xi32, #tpu.memory_space<hbm>> -> memref<2x128xi32, #tpu.memory_space<hbm>>
      tpu.enqueue_dma source(%dma_start3A_34 : memref<2x128xi32, #tpu.memory_space<hbm>>) target(%arg6 : memref<2x128xi32, #tpu.memory_space<vmem>>) target_semaphore(%run_scoped3A_31 : memref<!tpu.dma_semaphore, #tpu.memory_space<semaphore_mem>>)
      %dma_wait3A = arith.constant 0 : i32
      %dma_wait3A_35 = tpu.memref_slice %arg3[%mul3A_2, %dma_wait3A] : memref<64x128xi32, #tpu.memory_space<hbm>> -> memref<2x128xi32, #tpu.memory_space<hbm>>
      %dma_wait3A_36 = arith.constant 0 : i32
      %dma_wait3A_37 = tpu.memref_slice %arg3[%mul3A_2, %dma_wait3A_36] : memref<64x128xi32, #tpu.memory_space<hbm>> -> memref<2x128xi32, #tpu.memory_space<hbm>>
      tpu.wait_dma2 semaphore(%run_scoped3A_31 : memref<!tpu.dma_semaphore, #tpu.memory_space<semaphore_mem>>) src(%dma_wait3A_37 : memref<2x128xi32, #tpu.memory_space<hbm>>) dst(%arg6 : memref<2x128xi32, #tpu.memory_space<vmem>>)
      tpu.yield
    }) : () -> ()
    %mul3A_3 = arith.constant 256 : i32
    %mul3A_4 = arith.muli %arg1, %mul3A_3 : i32
    %mul3A_5 = arith.constant 256 : i32
    %mul3A_6 = arith.muli %arg1, %mul3A_5 : i32
    "tpu.region"() ({
      %run_scoped3A_31 = tpu.sem_alloc : memref<!tpu.dma_semaphore, #tpu.memory_space<semaphore_mem>>
      %dma_start3A = arith.constant 0 : i32
      %dma_start3A_32 = tpu.memref_slice %arg8[%mul3A_6, %dma_start3A] : memref<4096x128xf32, #tpu.memory_space<vmem_shared>> -> memref<256x128xf32, #tpu.memory_space<vmem_shared>>
      %dma_start3A_33 = arith.constant 0 : i32
      %dma_start3A_34 = tpu.memref_slice %arg4[%mul3A_4, %dma_start3A_33] : memref<4096x128xf32, #tpu.memory_space<hbm>> -> memref<256x128xf32, #tpu.memory_space<hbm>>
      tpu.enqueue_dma source(%dma_start3A_34 : memref<256x128xf32, #tpu.memory_space<hbm>>) target(%dma_start3A_32 : memref<256x128xf32, #tpu.memory_space<vmem_shared>>) target_semaphore(%run_scoped3A_31 : memref<!tpu.dma_semaphore, #tpu.memory_space<semaphore_mem>>)
      %dma_wait3A = arith.constant 0 : i32
      %dma_wait3A_35 = tpu.memref_slice %arg8[%mul3A_6, %dma_wait3A] : memref<4096x128xf32, #tpu.memory_space<vmem_shared>> -> memref<256x128xf32, #tpu.memory_space<vmem_shared>>
      %dma_wait3A_36 = arith.constant 0 : i32
      %dma_wait3A_37 = tpu.memref_slice %arg4[%mul3A_4, %dma_wait3A_36] : memref<4096x128xf32, #tpu.memory_space<hbm>> -> memref<256x128xf32, #tpu.memory_space<hbm>>
      tpu.wait_dma2 semaphore(%run_scoped3A_31 : memref<!tpu.dma_semaphore, #tpu.memory_space<semaphore_mem>>) src(%dma_wait3A_37 : memref<256x128xf32, #tpu.memory_space<hbm>>) dst(%dma_wait3A_35 : memref<256x128xf32, #tpu.memory_space<vmem_shared>>)
      tpu.yield
    }) : () -> ()
    %barrier3A = arith.constant 0 : index
    tpu.barrier barrier_id(%barrier3A)
    %mul3A_7 = arith.constant 256 : i32
    %mul3A_8 = arith.muli %add3A, %mul3A_7 : i32
    "tpu.region"() ({
      %run_scoped3A_31 = tpu.sem_alloc : memref<!tpu.dma_semaphore, #tpu.memory_space<semaphore_mem>>
      %dma_start3A = arith.constant 0 : i32
      %dma_start3A_32 = tpu.memref_slice %arg2[%mul3A_8, %dma_start3A] : memref<8192x256xf32, #tpu.memory_space<hbm>> -> memref<256x128xf32, #tpu.memory_space<hbm>>
      %dma_start3A_33 = arith.constant 0 : i32
      %dma_start3A_34 = tpu.memref_slice %arg2[%mul3A_8, %dma_start3A_33] : memref<8192x256xf32, #tpu.memory_space<hbm>> -> memref<256x128xf32, #tpu.memory_space<hbm>>
      tpu.enqueue_dma source(%dma_start3A_34 : memref<256x128xf32, #tpu.memory_space<hbm>>) target(%arg7 : memref<256x128xf32, #tpu.memory_space<vmem>>) target_semaphore(%run_scoped3A_31 : memref<!tpu.dma_semaphore, #tpu.memory_space<semaphore_mem>>)
      %dma_wait3A = arith.constant 0 : i32
      %dma_wait3A_35 = tpu.memref_slice %arg2[%mul3A_8, %dma_wait3A] : memref<8192x256xf32, #tpu.memory_space<hbm>> -> memref<256x128xf32, #tpu.memory_space<hbm>>
      %dma_wait3A_36 = arith.constant 0 : i32
      %dma_wait3A_37 = tpu.memref_slice %arg2[%mul3A_8, %dma_wait3A_36] : memref<8192x256xf32, #tpu.memory_space<hbm>> -> memref<256x128xf32, #tpu.memory_space<hbm>>
      tpu.wait_dma2 semaphore(%run_scoped3A_31 : memref<!tpu.dma_semaphore, #tpu.memory_space<semaphore_mem>>) src(%dma_wait3A_37 : memref<256x128xf32, #tpu.memory_space<hbm>>) dst(%arg7 : memref<256x128xf32, #tpu.memory_space<vmem>>)
      tpu.yield
    }) : () -> ()
    %run_scoped3A = arith.constant 0 : i32
    "tpu.region"() ({
      %run_scoped3A_31 = tpu.sem_alloc : memref<!tpu.dma_semaphore, #tpu.memory_space<semaphore_mem>>
      %dma_start3A = arith.constant 0 : i32
      %dma_start3A_32 = arith.constant 0 : i32
      %dma_start3A_33 = tpu.memref_slice %arg7[%dma_start3A, %dma_start3A_32] : memref<256x128xf32, #tpu.memory_space<vmem>> -> memref<128x128xf32, #tpu.memory_space<vmem>>
      %dma_start3A_34 = arith.constant 0 : i32
      %dma_start3A_35 = tpu.memref_slice %arg6[%run_scoped3A, %dma_start3A_34] : memref<2x128xi32, #tpu.memory_space<vmem>> -> memref<1x128xi32, #tpu.memory_space<vmem>>
      %dma_start3A_36 = tpu.memref_squeeze %dma_start3A_35 : memref<1x128xi32, #tpu.memory_space<vmem>> -> memref<128xi32, #tpu.memory_space<vmem>>
      %dma_start3A_37 = arith.constant 0 : i32
      %dma_start3A_38 = arith.constant 0 : i32
      %dma_start3A_39 = tpu.memref_slice %arg8[%dma_start3A_37, %dma_start3A_38] : memref<4096x128xf32, #tpu.memory_space<vmem_shared>> -> memref<4096x128xf32, #tpu.memory_space<vmem_shared>>
      tpu.enqueue_indirect_dma source(%dma_start3A_33 : memref<128x128xf32, #tpu.memory_space<vmem>>) target(%dma_start3A_39 : memref<4096x128xf32, #tpu.memory_space<vmem_shared>>) offsets(%dma_start3A_36 : memref<128xi32, #tpu.memory_space<vmem>>) semaphore(%run_scoped3A_31 : memref<!tpu.dma_semaphore, #tpu.memory_space<semaphore_mem>>) {add = true}
      %dma_wait3A = arith.constant 0 : i32
      %dma_wait3A_40 = arith.constant 0 : i32
      %dma_wait3A_41 = tpu.memref_slice %arg7[%dma_wait3A, %dma_wait3A_40] : memref<256x128xf32, #tpu.memory_space<vmem>> -> memref<128x128xf32, #tpu.memory_space<vmem>>
      %dma_wait3A_42 = arith.constant 0 : i32
      %dma_wait3A_43 = tpu.memref_slice %arg6[%run_scoped3A, %dma_wait3A_42] : memref<2x128xi32, #tpu.memory_space<vmem>> -> memref<1x128xi32, #tpu.memory_space<vmem>>
      %dma_wait3A_44 = tpu.memref_squeeze %dma_wait3A_43 : memref<1x128xi32, #tpu.memory_space<vmem>> -> memref<128xi32, #tpu.memory_space<vmem>>
      %dma_wait3A_45 = arith.constant 0 : i32
      %dma_wait3A_46 = arith.constant 0 : i32
      %dma_wait3A_47 = tpu.memref_slice %arg8[%dma_wait3A_45, %dma_wait3A_46] : memref<4096x128xf32, #tpu.memory_space<vmem_shared>> -> memref<4096x128xf32, #tpu.memory_space<vmem_shared>>
      tpu.wait_indirect_dma semaphore(%run_scoped3A_31 : memref<!tpu.dma_semaphore, #tpu.memory_space<semaphore_mem>>) src(%dma_wait3A_41 : memref<128x128xf32, #tpu.memory_space<vmem>>) dst(%dma_wait3A_47 : memref<4096x128xf32, #tpu.memory_space<vmem_shared>>)
      tpu.yield
    }) : () -> ()
    %run_scoped3A_9 = arith.constant 1 : i32
    "tpu.region"() ({
      %run_scoped3A_31 = tpu.sem_alloc : memref<!tpu.dma_semaphore, #tpu.memory_space<semaphore_mem>>
      %dma_start3A = arith.constant 128 : i32
      %dma_start3A_32 = arith.constant 0 : i32
      %dma_start3A_33 = tpu.memref_slice %arg7[%dma_start3A, %dma_start3A_32] : memref<256x128xf32, #tpu.memory_space<vmem>> -> memref<128x128xf32, #tpu.memory_space<vmem>>
      %dma_start3A_34 = arith.constant 0 : i32
      %dma_start3A_35 = tpu.memref_slice %arg6[%run_scoped3A_9, %dma_start3A_34] : memref<2x128xi32, #tpu.memory_space<vmem>> -> memref<1x128xi32, #tpu.memory_space<vmem>>
      %dma_start3A_36 = tpu.memref_squeeze %dma_start3A_35 : memref<1x128xi32, #tpu.memory_space<vmem>> -> memref<128xi32, #tpu.memory_space<vmem>>
      %dma_start3A_37 = arith.constant 0 : i32
      %dma_start3A_38 = arith.constant 0 : i32
      %dma_start3A_39 = tpu.memref_slice %arg8[%dma_start3A_37, %dma_start3A_38] : memref<4096x128xf32, #tpu.memory_space<vmem_shared>> -> memref<4096x128xf32, #tpu.memory_space<vmem_shared>>
      tpu.enqueue_indirect_dma source(%dma_start3A_33 : memref<128x128xf32, #tpu.memory_space<vmem>>) target(%dma_start3A_39 : memref<4096x128xf32, #tpu.memory_space<vmem_shared>>) offsets(%dma_start3A_36 : memref<128xi32, #tpu.memory_space<vmem>>) semaphore(%run_scoped3A_31 : memref<!tpu.dma_semaphore, #tpu.memory_space<semaphore_mem>>) {add = true}
      %dma_wait3A = arith.constant 128 : i32
      %dma_wait3A_40 = arith.constant 0 : i32
      %dma_wait3A_41 = tpu.memref_slice %arg7[%dma_wait3A, %dma_wait3A_40] : memref<256x128xf32, #tpu.memory_space<vmem>> -> memref<128x128xf32, #tpu.memory_space<vmem>>
      %dma_wait3A_42 = arith.constant 0 : i32
      %dma_wait3A_43 = tpu.memref_slice %arg6[%run_scoped3A_9, %dma_wait3A_42] : memref<2x128xi32, #tpu.memory_space<vmem>> -> memref<1x128xi32, #tpu.memory_space<vmem>>
      %dma_wait3A_44 = tpu.memref_squeeze %dma_wait3A_43 : memref<1x128xi32, #tpu.memory_space<vmem>> -> memref<128xi32, #tpu.memory_space<vmem>>
      %dma_wait3A_45 = arith.constant 0 : i32
      %dma_wait3A_46 = arith.constant 0 : i32
      %dma_wait3A_47 = tpu.memref_slice %arg8[%dma_wait3A_45, %dma_wait3A_46] : memref<4096x128xf32, #tpu.memory_space<vmem_shared>> -> memref<4096x128xf32, #tpu.memory_space<vmem_shared>>
      tpu.wait_indirect_dma semaphore(%run_scoped3A_31 : memref<!tpu.dma_semaphore, #tpu.memory_space<semaphore_mem>>) src(%dma_wait3A_41 : memref<128x128xf32, #tpu.memory_space<vmem>>) dst(%dma_wait3A_47 : memref<4096x128xf32, #tpu.memory_space<vmem_shared>>)
      tpu.yield
    }) : () -> ()
    %barrier3A_10 = arith.constant 0 : index
    tpu.barrier barrier_id(%barrier3A_10)
    %mul3A_11 = arith.constant 256 : i32
    %mul3A_12 = arith.muli %arg1, %mul3A_11 : i32
    %mul3A_13 = arith.constant 256 : i32
    %mul3A_14 = arith.muli %arg1, %mul3A_13 : i32
    "tpu.region"() ({
      %run_scoped3A_31 = tpu.sem_alloc : memref<!tpu.dma_semaphore, #tpu.memory_space<semaphore_mem>>
      %dma_start3A = arith.constant 0 : i32
      %dma_start3A_32 = tpu.memref_slice %arg5[%arg0, %mul3A_14, %dma_start3A] : memref<2x4096x256xf32, #tpu.memory_space<hbm>> -> memref<1x256x128xf32, #tpu.memory_space<hbm>>
      %dma_start3A_33 = tpu.memref_squeeze %dma_start3A_32 : memref<1x256x128xf32, #tpu.memory_space<hbm>> -> memref<256x128xf32, #tpu.memory_space<hbm>>
      %dma_start3A_34 = arith.constant 0 : i32
      %dma_start3A_35 = tpu.memref_slice %arg8[%mul3A_12, %dma_start3A_34] : memref<4096x128xf32, #tpu.memory_space<vmem_shared>> -> memref<256x128xf32, #tpu.memory_space<vmem_shared>>
      tpu.enqueue_dma source(%dma_start3A_35 : memref<256x128xf32, #tpu.memory_space<vmem_shared>>) target(%dma_start3A_33 : memref<256x128xf32, #tpu.memory_space<hbm>>) target_semaphore(%run_scoped3A_31 : memref<!tpu.dma_semaphore, #tpu.memory_space<semaphore_mem>>)
      %dma_wait3A = arith.constant 0 : i32
      %dma_wait3A_36 = tpu.memref_slice %arg5[%arg0, %mul3A_14, %dma_wait3A] : memref<2x4096x256xf32, #tpu.memory_space<hbm>> -> memref<1x256x128xf32, #tpu.memory_space<hbm>>
      %dma_wait3A_37 = tpu.memref_squeeze %dma_wait3A_36 : memref<1x256x128xf32, #tpu.memory_space<hbm>> -> memref<256x128xf32, #tpu.memory_space<hbm>>
      %dma_wait3A_38 = arith.constant 0 : i32
      %dma_wait3A_39 = tpu.memref_slice %arg8[%mul3A_12, %dma_wait3A_38] : memref<4096x128xf32, #tpu.memory_space<vmem_shared>> -> memref<256x128xf32, #tpu.memory_space<vmem_shared>>
      tpu.wait_dma2 semaphore(%run_scoped3A_31 : memref<!tpu.dma_semaphore, #tpu.memory_space<semaphore_mem>>) src(%dma_wait3A_39 : memref<256x128xf32, #tpu.memory_space<vmem_shared>>) dst(%dma_wait3A_37 : memref<256x128xf32, #tpu.memory_space<hbm>>)
      tpu.yield
    }) : () -> ()
    %barrier3A_15 = arith.constant 0 : index
    tpu.barrier barrier_id(%barrier3A_15)
    %mul3A_16 = arith.constant 256 : i32
    %mul3A_17 = arith.muli %arg1, %mul3A_16 : i32
    %mul3A_18 = arith.constant 256 : i32
    %mul3A_19 = arith.muli %arg1, %mul3A_18 : i32
    "tpu.region"() ({
      %run_scoped3A_31 = tpu.sem_alloc : memref<!tpu.dma_semaphore, #tpu.memory_space<semaphore_mem>>
      %dma_start3A = arith.constant 0 : i32
      %dma_start3A_32 = tpu.memref_slice %arg8[%mul3A_19, %dma_start3A] : memref<4096x128xf32, #tpu.memory_space<vmem_shared>> -> memref<256x128xf32, #tpu.memory_space<vmem_shared>>
      %dma_start3A_33 = arith.constant 0 : i32
      %dma_start3A_34 = tpu.memref_slice %arg4[%mul3A_17, %dma_start3A_33] : memref<4096x128xf32, #tpu.memory_space<hbm>> -> memref<256x128xf32, #tpu.memory_space<hbm>>
      tpu.enqueue_dma source(%dma_start3A_34 : memref<256x128xf32, #tpu.memory_space<hbm>>) target(%dma_start3A_32 : memref<256x128xf32, #tpu.memory_space<vmem_shared>>) target_semaphore(%run_scoped3A_31 : memref<!tpu.dma_semaphore, #tpu.memory_space<semaphore_mem>>)
      %dma_wait3A = arith.constant 0 : i32
      %dma_wait3A_35 = tpu.memref_slice %arg8[%mul3A_19, %dma_wait3A] : memref<4096x128xf32, #tpu.memory_space<vmem_shared>> -> memref<256x128xf32, #tpu.memory_space<vmem_shared>>
      %dma_wait3A_36 = arith.constant 0 : i32
      %dma_wait3A_37 = tpu.memref_slice %arg4[%mul3A_17, %dma_wait3A_36] : memref<4096x128xf32, #tpu.memory_space<hbm>> -> memref<256x128xf32, #tpu.memory_space<hbm>>
      tpu.wait_dma2 semaphore(%run_scoped3A_31 : memref<!tpu.dma_semaphore, #tpu.memory_space<semaphore_mem>>) src(%dma_wait3A_37 : memref<256x128xf32, #tpu.memory_space<hbm>>) dst(%dma_wait3A_35 : memref<256x128xf32, #tpu.memory_space<vmem_shared>>)
      tpu.yield
    }) : () -> ()
    %barrier3A_20 = arith.constant 0 : index
    tpu.barrier barrier_id(%barrier3A_20)
    %mul3A_21 = arith.constant 256 : i32
    %mul3A_22 = arith.muli %add3A, %mul3A_21 : i32
    "tpu.region"() ({
      %run_scoped3A_31 = tpu.sem_alloc : memref<!tpu.dma_semaphore, #tpu.memory_space<semaphore_mem>>
      %dma_start3A = arith.constant 128 : i32
      %dma_start3A_32 = tpu.memref_slice %arg2[%mul3A_22, %dma_start3A] : memref<8192x256xf32, #tpu.memory_space<hbm>> -> memref<256x128xf32, #tpu.memory_space<hbm>>
      %dma_start3A_33 = arith.constant 128 : i32
      %dma_start3A_34 = tpu.memref_slice %arg2[%mul3A_22, %dma_start3A_33] : memref<8192x256xf32, #tpu.memory_space<hbm>> -> memref<256x128xf32, #tpu.memory_space<hbm>>
      tpu.enqueue_dma source(%dma_start3A_34 : memref<256x128xf32, #tpu.memory_space<hbm>>) target(%arg7 : memref<256x128xf32, #tpu.memory_space<vmem>>) target_semaphore(%run_scoped3A_31 : memref<!tpu.dma_semaphore, #tpu.memory_space<semaphore_mem>>)
      %dma_wait3A = arith.constant 128 : i32
      %dma_wait3A_35 = tpu.memref_slice %arg2[%mul3A_22, %dma_wait3A] : memref<8192x256xf32, #tpu.memory_space<hbm>> -> memref<256x128xf32, #tpu.memory_space<hbm>>
      %dma_wait3A_36 = arith.constant 128 : i32
      %dma_wait3A_37 = tpu.memref_slice %arg2[%mul3A_22, %dma_wait3A_36] : memref<8192x256xf32, #tpu.memory_space<hbm>> -> memref<256x128xf32, #tpu.memory_space<hbm>>
      tpu.wait_dma2 semaphore(%run_scoped3A_31 : memref<!tpu.dma_semaphore, #tpu.memory_space<semaphore_mem>>) src(%dma_wait3A_37 : memref<256x128xf32, #tpu.memory_space<hbm>>) dst(%arg7 : memref<256x128xf32, #tpu.memory_space<vmem>>)
      tpu.yield
    }) : () -> ()
    %run_scoped3A_23 = arith.constant 0 : i32
    "tpu.region"() ({
      %run_scoped3A_31 = tpu.sem_alloc : memref<!tpu.dma_semaphore, #tpu.memory_space<semaphore_mem>>
      %dma_start3A = arith.constant 0 : i32
      %dma_start3A_32 = arith.constant 0 : i32
      %dma_start3A_33 = tpu.memref_slice %arg7[%dma_start3A, %dma_start3A_32] : memref<256x128xf32, #tpu.memory_space<vmem>> -> memref<128x128xf32, #tpu.memory_space<vmem>>
      %dma_start3A_34 = arith.constant 0 : i32
      %dma_start3A_35 = tpu.memref_slice %arg6[%run_scoped3A_23, %dma_start3A_34] : memref<2x128xi32, #tpu.memory_space<vmem>> -> memref<1x128xi32, #tpu.memory_space<vmem>>
      %dma_start3A_36 = tpu.memref_squeeze %dma_start3A_35 : memref<1x128xi32, #tpu.memory_space<vmem>> -> memref<128xi32, #tpu.memory_space<vmem>>
      %dma_start3A_37 = arith.constant 0 : i32
      %dma_start3A_38 = arith.constant 0 : i32
      %dma_start3A_39 = tpu.memref_slice %arg8[%dma_start3A_37, %dma_start3A_38] : memref<4096x128xf32, #tpu.memory_space<vmem_shared>> -> memref<4096x128xf32, #tpu.memory_space<vmem_shared>>
      tpu.enqueue_indirect_dma source(%dma_start3A_33 : memref<128x128xf32, #tpu.memory_space<vmem>>) target(%dma_start3A_39 : memref<4096x128xf32, #tpu.memory_space<vmem_shared>>) offsets(%dma_start3A_36 : memref<128xi32, #tpu.memory_space<vmem>>) semaphore(%run_scoped3A_31 : memref<!tpu.dma_semaphore, #tpu.memory_space<semaphore_mem>>) {add = true}
      %dma_wait3A = arith.constant 0 : i32
      %dma_wait3A_40 = arith.constant 0 : i32
      %dma_wait3A_41 = tpu.memref_slice %arg7[%dma_wait3A, %dma_wait3A_40] : memref<256x128xf32, #tpu.memory_space<vmem>> -> memref<128x128xf32, #tpu.memory_space<vmem>>
      %dma_wait3A_42 = arith.constant 0 : i32
      %dma_wait3A_43 = tpu.memref_slice %arg6[%run_scoped3A_23, %dma_wait3A_42] : memref<2x128xi32, #tpu.memory_space<vmem>> -> memref<1x128xi32, #tpu.memory_space<vmem>>
      %dma_wait3A_44 = tpu.memref_squeeze %dma_wait3A_43 : memref<1x128xi32, #tpu.memory_space<vmem>> -> memref<128xi32, #tpu.memory_space<vmem>>
      %dma_wait3A_45 = arith.constant 0 : i32
      %dma_wait3A_46 = arith.constant 0 : i32
      %dma_wait3A_47 = tpu.memref_slice %arg8[%dma_wait3A_45, %dma_wait3A_46] : memref<4096x128xf32, #tpu.memory_space<vmem_shared>> -> memref<4096x128xf32, #tpu.memory_space<vmem_shared>>
      tpu.wait_indirect_dma semaphore(%run_scoped3A_31 : memref<!tpu.dma_semaphore, #tpu.memory_space<semaphore_mem>>) src(%dma_wait3A_41 : memref<128x128xf32, #tpu.memory_space<vmem>>) dst(%dma_wait3A_47 : memref<4096x128xf32, #tpu.memory_space<vmem_shared>>)
      tpu.yield
    }) : () -> ()
    %run_scoped3A_24 = arith.constant 1 : i32
    "tpu.region"() ({
      %run_scoped3A_31 = tpu.sem_alloc : memref<!tpu.dma_semaphore, #tpu.memory_space<semaphore_mem>>
      %dma_start3A = arith.constant 128 : i32
      %dma_start3A_32 = arith.constant 0 : i32
      %dma_start3A_33 = tpu.memref_slice %arg7[%dma_start3A, %dma_start3A_32] : memref<256x128xf32, #tpu.memory_space<vmem>> -> memref<128x128xf32, #tpu.memory_space<vmem>>
      %dma_start3A_34 = arith.constant 0 : i32
      %dma_start3A_35 = tpu.memref_slice %arg6[%run_scoped3A_24, %dma_start3A_34] : memref<2x128xi32, #tpu.memory_space<vmem>> -> memref<1x128xi32, #tpu.memory_space<vmem>>
      %dma_start3A_36 = tpu.memref_squeeze %dma_start3A_35 : memref<1x128xi32, #tpu.memory_space<vmem>> -> memref<128xi32, #tpu.memory_space<vmem>>
      %dma_start3A_37 = arith.constant 0 : i32
      %dma_start3A_38 = arith.constant 0 : i32
      %dma_start3A_39 = tpu.memref_slice %arg8[%dma_start3A_37, %dma_start3A_38] : memref<4096x128xf32, #tpu.memory_space<vmem_shared>> -> memref<4096x128xf32, #tpu.memory_space<vmem_shared>>
      tpu.enqueue_indirect_dma source(%dma_start3A_33 : memref<128x128xf32, #tpu.memory_space<vmem>>) target(%dma_start3A_39 : memref<4096x128xf32, #tpu.memory_space<vmem_shared>>) offsets(%dma_start3A_36 : memref<128xi32, #tpu.memory_space<vmem>>) semaphore(%run_scoped3A_31 : memref<!tpu.dma_semaphore, #tpu.memory_space<semaphore_mem>>) {add = true}
      %dma_wait3A = arith.constant 128 : i32
      %dma_wait3A_40 = arith.constant 0 : i32
      %dma_wait3A_41 = tpu.memref_slice %arg7[%dma_wait3A, %dma_wait3A_40] : memref<256x128xf32, #tpu.memory_space<vmem>> -> memref<128x128xf32, #tpu.memory_space<vmem>>
      %dma_wait3A_42 = arith.constant 0 : i32
      %dma_wait3A_43 = tpu.memref_slice %arg6[%run_scoped3A_24, %dma_wait3A_42] : memref<2x128xi32, #tpu.memory_space<vmem>> -> memref<1x128xi32, #tpu.memory_space<vmem>>
      %dma_wait3A_44 = tpu.memref_squeeze %dma_wait3A_43 : memref<1x128xi32, #tpu.memory_space<vmem>> -> memref<128xi32, #tpu.memory_space<vmem>>
      %dma_wait3A_45 = arith.constant 0 : i32
      %dma_wait3A_46 = arith.constant 0 : i32
      %dma_wait3A_47 = tpu.memref_slice %arg8[%dma_wait3A_45, %dma_wait3A_46] : memref<4096x128xf32, #tpu.memory_space<vmem_shared>> -> memref<4096x128xf32, #tpu.memory_space<vmem_shared>>
      tpu.wait_indirect_dma semaphore(%run_scoped3A_31 : memref<!tpu.dma_semaphore, #tpu.memory_space<semaphore_mem>>) src(%dma_wait3A_41 : memref<128x128xf32, #tpu.memory_space<vmem>>) dst(%dma_wait3A_47 : memref<4096x128xf32, #tpu.memory_space<vmem_shared>>)
      tpu.yield
    }) : () -> ()
    %barrier3A_25 = arith.constant 0 : index
    tpu.barrier barrier_id(%barrier3A_25)
    %mul3A_26 = arith.constant 256 : i32
    %mul3A_27 = arith.muli %arg1, %mul3A_26 : i32
    %mul3A_28 = arith.constant 256 : i32
    %mul3A_29 = arith.muli %arg1, %mul3A_28 : i32
    "tpu.region"() ({
      %run_scoped3A_31 = tpu.sem_alloc : memref<!tpu.dma_semaphore, #tpu.memory_space<semaphore_mem>>
      %dma_start3A = arith.constant 128 : i32
      %dma_start3A_32 = tpu.memref_slice %arg5[%arg0, %mul3A_29, %dma_start3A] : memref<2x4096x256xf32, #tpu.memory_space<hbm>> -> memref<1x256x128xf32, #tpu.memory_space<hbm>>
      %dma_start3A_33 = tpu.memref_squeeze %dma_start3A_32 : memref<1x256x128xf32, #tpu.memory_space<hbm>> -> memref<256x128xf32, #tpu.memory_space<hbm>>
      %dma_start3A_34 = arith.constant 0 : i32
      %dma_start3A_35 = tpu.memref_slice %arg8[%mul3A_27, %dma_start3A_34] : memref<4096x128xf32, #tpu.memory_space<vmem_shared>> -> memref<256x128xf32, #tpu.memory_space<vmem_shared>>
      tpu.enqueue_dma source(%dma_start3A_35 : memref<256x128xf32, #tpu.memory_space<vmem_shared>>) target(%dma_start3A_33 : memref<256x128xf32, #tpu.memory_space<hbm>>) target_semaphore(%run_scoped3A_31 : memref<!tpu.dma_semaphore, #tpu.memory_space<semaphore_mem>>)
      %dma_wait3A = arith.constant 128 : i32
      %dma_wait3A_36 = tpu.memref_slice %arg5[%arg0, %mul3A_29, %dma_wait3A] : memref<2x4096x256xf32, #tpu.memory_space<hbm>> -> memref<1x256x128xf32, #tpu.memory_space<hbm>>
      %dma_wait3A_37 = tpu.memref_squeeze %dma_wait3A_36 : memref<1x256x128xf32, #tpu.memory_space<hbm>> -> memref<256x128xf32, #tpu.memory_space<hbm>>
      %dma_wait3A_38 = arith.constant 0 : i32
      %dma_wait3A_39 = tpu.memref_slice %arg8[%mul3A_27, %dma_wait3A_38] : memref<4096x128xf32, #tpu.memory_space<vmem_shared>> -> memref<256x128xf32, #tpu.memory_space<vmem_shared>>
      tpu.wait_dma2 semaphore(%run_scoped3A_31 : memref<!tpu.dma_semaphore, #tpu.memory_space<semaphore_mem>>) src(%dma_wait3A_39 : memref<256x128xf32, #tpu.memory_space<vmem_shared>>) dst(%dma_wait3A_37 : memref<256x128xf32, #tpu.memory_space<hbm>>)
      tpu.yield
    }) : () -> ()
    %barrier3A_30 = arith.constant 0 : index
    tpu.barrier barrier_id(%barrier3A_30)
    return
  }
}

#map = affine_map<(d0, d1) -> (0, 0)>
#map1 = affine_map<(d0, d1) -> (0, 0, 0)>
module attributes {stable_mosaic.version = 14 : i64} {
  func.func @k(%arg0: i32, %arg1: i32, %arg2: memref<4096x128xf32, #tpu.memory_space<hbm>>, %arg3: memref<32x128xi32, #tpu.memory_space<hbm>>, %arg4: memref<256x128xf32, #tpu.memory_space<hbm>>, %arg5: memref<2x256x128xf32, #tpu.memory_space<hbm>>, %arg6: memref<1x128xi32, #tpu.memory_space<vmem>>, %arg7: memref<128x128xf32, #tpu.memory_space<vmem>>, %arg8: memref<256x128xf32, #tpu.memory_space<vmem_shared>>, %arg9: memref<!tpu.dma_semaphore, #tpu.memory_space<semaphore_mem>>) attributes {dimension_semantics = [#tpu.dimension_semantics<core_parallel>, #tpu.dimension_semantics<subcore_parallel>], iteration_bounds = array<i64: 2, 16>, scalar_prefetch = 0 : i64, scratch_operands = 4 : i64, tpu.core_type = #tpu.core_type<sc_vector_subcore>, window_params = [{transform_indices = #map}, {transform_indices = #map}, {transform_indices = #map}, {transform_indices = #map1}]} {
    %mul3A = arith.constant 2 : i32
    %mul3A_0 = arith.muli %arg1, %mul3A : i32
    %add3A = arith.addi %mul3A_0, %arg0 : i32
    %mul3A_1 = arith.constant 1 : i32
    %mul3A_2 = arith.muli %add3A, %mul3A_1 : i32
    "tpu.region"() ({
      %run_scoped3A_15 = tpu.sem_alloc : memref<!tpu.dma_semaphore, #tpu.memory_space<semaphore_mem>>
      %dma_start3A = arith.constant 0 : i32
      %dma_start3A_16 = tpu.memref_slice %arg3[%mul3A_2, %dma_start3A] : memref<32x128xi32, #tpu.memory_space<hbm>> -> memref<1x128xi32, #tpu.memory_space<hbm>>
      %dma_start3A_17 = arith.constant 0 : i32
      %dma_start3A_18 = tpu.memref_slice %arg3[%mul3A_2, %dma_start3A_17] : memref<32x128xi32, #tpu.memory_space<hbm>> -> memref<1x128xi32, #tpu.memory_space<hbm>>
      tpu.enqueue_dma source(%dma_start3A_18 : memref<1x128xi32, #tpu.memory_space<hbm>>) target(%arg6 : memref<1x128xi32, #tpu.memory_space<vmem>>) target_semaphore(%run_scoped3A_15 : memref<!tpu.dma_semaphore, #tpu.memory_space<semaphore_mem>>)
      %dma_wait3A = arith.constant 0 : i32
      %dma_wait3A_19 = tpu.memref_slice %arg3[%mul3A_2, %dma_wait3A] : memref<32x128xi32, #tpu.memory_space<hbm>> -> memref<1x128xi32, #tpu.memory_space<hbm>>
      %dma_wait3A_20 = arith.constant 0 : i32
      %dma_wait3A_21 = tpu.memref_slice %arg3[%mul3A_2, %dma_wait3A_20] : memref<32x128xi32, #tpu.memory_space<hbm>> -> memref<1x128xi32, #tpu.memory_space<hbm>>
      tpu.wait_dma2 semaphore(%run_scoped3A_15 : memref<!tpu.dma_semaphore, #tpu.memory_space<semaphore_mem>>) src(%dma_wait3A_21 : memref<1x128xi32, #tpu.memory_space<hbm>>) dst(%arg6 : memref<1x128xi32, #tpu.memory_space<vmem>>)
      tpu.yield
    }) : () -> ()
    %mul3A_3 = arith.constant 16 : i32
    %mul3A_4 = arith.muli %arg1, %mul3A_3 : i32
    %mul3A_5 = arith.constant 16 : i32
    %mul3A_6 = arith.muli %arg1, %mul3A_5 : i32
    "tpu.region"() ({
      %run_scoped3A_15 = tpu.sem_alloc : memref<!tpu.dma_semaphore, #tpu.memory_space<semaphore_mem>>
      %dma_start3A = arith.constant 0 : i32
      %dma_start3A_16 = tpu.memref_slice %arg8[%mul3A_6, %dma_start3A] : memref<256x128xf32, #tpu.memory_space<vmem_shared>> -> memref<16x128xf32, #tpu.memory_space<vmem_shared>>
      %dma_start3A_17 = arith.constant 0 : i32
      %dma_start3A_18 = tpu.memref_slice %arg4[%mul3A_4, %dma_start3A_17] : memref<256x128xf32, #tpu.memory_space<hbm>> -> memref<16x128xf32, #tpu.memory_space<hbm>>
      tpu.enqueue_dma source(%dma_start3A_18 : memref<16x128xf32, #tpu.memory_space<hbm>>) target(%dma_start3A_16 : memref<16x128xf32, #tpu.memory_space<vmem_shared>>) target_semaphore(%run_scoped3A_15 : memref<!tpu.dma_semaphore, #tpu.memory_space<semaphore_mem>>)
      %dma_wait3A = arith.constant 0 : i32
      %dma_wait3A_19 = tpu.memref_slice %arg8[%mul3A_6, %dma_wait3A] : memref<256x128xf32, #tpu.memory_space<vmem_shared>> -> memref<16x128xf32, #tpu.memory_space<vmem_shared>>
      %dma_wait3A_20 = arith.constant 0 : i32
      %dma_wait3A_21 = tpu.memref_slice %arg4[%mul3A_4, %dma_wait3A_20] : memref<256x128xf32, #tpu.memory_space<hbm>> -> memref<16x128xf32, #tpu.memory_space<hbm>>
      tpu.wait_dma2 semaphore(%run_scoped3A_15 : memref<!tpu.dma_semaphore, #tpu.memory_space<semaphore_mem>>) src(%dma_wait3A_21 : memref<16x128xf32, #tpu.memory_space<hbm>>) dst(%dma_wait3A_19 : memref<16x128xf32, #tpu.memory_space<vmem_shared>>)
      tpu.yield
    }) : () -> ()
    %barrier3A = arith.constant 0 : index
    tpu.barrier barrier_id(%barrier3A)
    %mul3A_7 = arith.constant 128 : i32
    %mul3A_8 = arith.muli %add3A, %mul3A_7 : i32
    "tpu.region"() ({
      %run_scoped3A_15 = tpu.sem_alloc : memref<!tpu.dma_semaphore, #tpu.memory_space<semaphore_mem>>
      %dma_start3A = arith.constant 0 : i32
      %dma_start3A_16 = tpu.memref_slice %arg2[%mul3A_8, %dma_start3A] : memref<4096x128xf32, #tpu.memory_space<hbm>> -> memref<128x128xf32, #tpu.memory_space<hbm>>
      %dma_start3A_17 = arith.constant 0 : i32
      %dma_start3A_18 = tpu.memref_slice %arg2[%mul3A_8, %dma_start3A_17] : memref<4096x128xf32, #tpu.memory_space<hbm>> -> memref<128x128xf32, #tpu.memory_space<hbm>>
      tpu.enqueue_dma source(%dma_start3A_18 : memref<128x128xf32, #tpu.memory_space<hbm>>) target(%arg7 : memref<128x128xf32, #tpu.memory_space<vmem>>) target_semaphore(%run_scoped3A_15 : memref<!tpu.dma_semaphore, #tpu.memory_space<semaphore_mem>>)
      %dma_wait3A = arith.constant 0 : i32
      %dma_wait3A_19 = tpu.memref_slice %arg2[%mul3A_8, %dma_wait3A] : memref<4096x128xf32, #tpu.memory_space<hbm>> -> memref<128x128xf32, #tpu.memory_space<hbm>>
      %dma_wait3A_20 = arith.constant 0 : i32
      %dma_wait3A_21 = tpu.memref_slice %arg2[%mul3A_8, %dma_wait3A_20] : memref<4096x128xf32, #tpu.memory_space<hbm>> -> memref<128x128xf32, #tpu.memory_space<hbm>>
      tpu.wait_dma2 semaphore(%run_scoped3A_15 : memref<!tpu.dma_semaphore, #tpu.memory_space<semaphore_mem>>) src(%dma_wait3A_21 : memref<128x128xf32, #tpu.memory_space<hbm>>) dst(%arg7 : memref<128x128xf32, #tpu.memory_space<vmem>>)
      tpu.yield
    }) : () -> ()
    %run_scoped3A = arith.constant 0 : i32
    "tpu.region"() ({
      %run_scoped3A_15 = tpu.sem_alloc : memref<!tpu.dma_semaphore, #tpu.memory_space<semaphore_mem>>
      %dma_start3A = arith.constant 0 : i32
      %dma_start3A_16 = arith.constant 0 : i32
      %dma_start3A_17 = tpu.memref_slice %arg7[%dma_start3A, %dma_start3A_16] : memref<128x128xf32, #tpu.memory_space<vmem>> -> memref<128x128xf32, #tpu.memory_space<vmem>>
      %dma_start3A_18 = arith.constant 0 : i32
      %dma_start3A_19 = tpu.memref_slice %arg6[%run_scoped3A, %dma_start3A_18] : memref<1x128xi32, #tpu.memory_space<vmem>> -> memref<1x128xi32, #tpu.memory_space<vmem>>
      %dma_start3A_20 = tpu.memref_squeeze %dma_start3A_19 : memref<1x128xi32, #tpu.memory_space<vmem>> -> memref<128xi32, #tpu.memory_space<vmem>>
      %dma_start3A_21 = arith.constant 0 : i32
      %dma_start3A_22 = arith.constant 0 : i32
      %dma_start3A_23 = tpu.memref_slice %arg8[%dma_start3A_21, %dma_start3A_22] : memref<256x128xf32, #tpu.memory_space<vmem_shared>> -> memref<256x128xf32, #tpu.memory_space<vmem_shared>>
      tpu.enqueue_indirect_dma source(%dma_start3A_17 : memref<128x128xf32, #tpu.memory_space<vmem>>) target(%dma_start3A_23 : memref<256x128xf32, #tpu.memory_space<vmem_shared>>) offsets(%dma_start3A_20 : memref<128xi32, #tpu.memory_space<vmem>>) semaphore(%run_scoped3A_15 : memref<!tpu.dma_semaphore, #tpu.memory_space<semaphore_mem>>) {add = true}
      %dma_wait3A = arith.constant 0 : i32
      %dma_wait3A_24 = arith.constant 0 : i32
      %dma_wait3A_25 = tpu.memref_slice %arg7[%dma_wait3A, %dma_wait3A_24] : memref<128x128xf32, #tpu.memory_space<vmem>> -> memref<128x128xf32, #tpu.memory_space<vmem>>
      %dma_wait3A_26 = arith.constant 0 : i32
      %dma_wait3A_27 = tpu.memref_slice %arg6[%run_scoped3A, %dma_wait3A_26] : memref<1x128xi32, #tpu.memory_space<vmem>> -> memref<1x128xi32, #tpu.memory_space<vmem>>
      %dma_wait3A_28 = tpu.memref_squeeze %dma_wait3A_27 : memref<1x128xi32, #tpu.memory_space<vmem>> -> memref<128xi32, #tpu.memory_space<vmem>>
      %dma_wait3A_29 = arith.constant 0 : i32
      %dma_wait3A_30 = arith.constant 0 : i32
      %dma_wait3A_31 = tpu.memref_slice %arg8[%dma_wait3A_29, %dma_wait3A_30] : memref<256x128xf32, #tpu.memory_space<vmem_shared>> -> memref<256x128xf32, #tpu.memory_space<vmem_shared>>
      tpu.wait_indirect_dma semaphore(%run_scoped3A_15 : memref<!tpu.dma_semaphore, #tpu.memory_space<semaphore_mem>>) src(%dma_wait3A_25 : memref<128x128xf32, #tpu.memory_space<vmem>>) dst(%dma_wait3A_31 : memref<256x128xf32, #tpu.memory_space<vmem_shared>>)
      tpu.yield
    }) : () -> ()
    %barrier3A_9 = arith.constant 0 : index
    tpu.barrier barrier_id(%barrier3A_9)
    %mul3A_10 = arith.constant 16 : i32
    %mul3A_11 = arith.muli %arg1, %mul3A_10 : i32
    %mul3A_12 = arith.constant 16 : i32
    %mul3A_13 = arith.muli %arg1, %mul3A_12 : i32
    "tpu.region"() ({
      %run_scoped3A_15 = tpu.sem_alloc : memref<!tpu.dma_semaphore, #tpu.memory_space<semaphore_mem>>
      %dma_start3A = arith.constant 0 : i32
      %dma_start3A_16 = tpu.memref_slice %arg5[%arg0, %mul3A_13, %dma_start3A] : memref<2x256x128xf32, #tpu.memory_space<hbm>> -> memref<1x16x128xf32, #tpu.memory_space<hbm>>
      %dma_start3A_17 = tpu.memref_squeeze %dma_start3A_16 : memref<1x16x128xf32, #tpu.memory_space<hbm>> -> memref<16x128xf32, #tpu.memory_space<hbm>>
      %dma_start3A_18 = arith.constant 0 : i32
      %dma_start3A_19 = tpu.memref_slice %arg8[%mul3A_11, %dma_start3A_18] : memref<256x128xf32, #tpu.memory_space<vmem_shared>> -> memref<16x128xf32, #tpu.memory_space<vmem_shared>>
      tpu.enqueue_dma source(%dma_start3A_19 : memref<16x128xf32, #tpu.memory_space<vmem_shared>>) target(%dma_start3A_17 : memref<16x128xf32, #tpu.memory_space<hbm>>) target_semaphore(%run_scoped3A_15 : memref<!tpu.dma_semaphore, #tpu.memory_space<semaphore_mem>>)
      %dma_wait3A = arith.constant 0 : i32
      %dma_wait3A_20 = tpu.memref_slice %arg5[%arg0, %mul3A_13, %dma_wait3A] : memref<2x256x128xf32, #tpu.memory_space<hbm>> -> memref<1x16x128xf32, #tpu.memory_space<hbm>>
      %dma_wait3A_21 = tpu.memref_squeeze %dma_wait3A_20 : memref<1x16x128xf32, #tpu.memory_space<hbm>> -> memref<16x128xf32, #tpu.memory_space<hbm>>
      %dma_wait3A_22 = arith.constant 0 : i32
      %dma_wait3A_23 = tpu.memref_slice %arg8[%mul3A_11, %dma_wait3A_22] : memref<256x128xf32, #tpu.memory_space<vmem_shared>> -> memref<16x128xf32, #tpu.memory_space<vmem_shared>>
      tpu.wait_dma2 semaphore(%run_scoped3A_15 : memref<!tpu.dma_semaphore, #tpu.memory_space<semaphore_mem>>) src(%dma_wait3A_23 : memref<16x128xf32, #tpu.memory_space<vmem_shared>>) dst(%dma_wait3A_21 : memref<16x128xf32, #tpu.memory_space<hbm>>)
      tpu.yield
    }) : () -> ()
    %barrier3A_14 = arith.constant 0 : index
    tpu.barrier barrier_id(%barrier3A_14)
    return
  }
}

#map = affine_map<(d0, d1) -> (0, 0)>
#map1 = affine_map<(d0, d1) -> (0, 0, 0)>
module attributes {stable_mosaic.version = 14 : i64} {
  func.func @k(%arg0: i32, %arg1: i32, %arg2: memref<4096x384xf32, #tpu.memory_space<hbm>>, %arg3: memref<32x128xi32, #tpu.memory_space<hbm>>, %arg4: memref<256x128xf32, #tpu.memory_space<hbm>>, %arg5: memref<2x256x384xf32, #tpu.memory_space<hbm>>, %arg6: memref<1x128xi32, #tpu.memory_space<vmem>>, %arg7: memref<128x128xf32, #tpu.memory_space<vmem>>, %arg8: memref<256x128xf32, #tpu.memory_space<vmem_shared>>, %arg9: memref<!tpu.dma_semaphore, #tpu.memory_space<semaphore_mem>>) attributes {dimension_semantics = [#tpu.dimension_semantics<core_parallel>, #tpu.dimension_semantics<subcore_parallel>], iteration_bounds = array<i64: 2, 16>, scalar_prefetch = 0 : i64, scratch_operands = 4 : i64, tpu.core_type = #tpu.core_type<sc_vector_subcore>, window_params = [{transform_indices = #map}, {transform_indices = #map}, {transform_indices = #map}, {transform_indices = #map1}]} {
    %mul3A = arith.constant 2 : i32
    %mul3A_0 = arith.muli %arg1, %mul3A : i32
    %add3A = arith.addi %mul3A_0, %arg0 : i32
    %mul3A_1 = arith.constant 1 : i32
    %mul3A_2 = arith.muli %add3A, %mul3A_1 : i32
    "tpu.region"() ({
      %run_scoped3A_43 = tpu.sem_alloc : memref<!tpu.dma_semaphore, #tpu.memory_space<semaphore_mem>>
      %dma_start3A = arith.constant 0 : i32
      %dma_start3A_44 = tpu.memref_slice %arg3[%mul3A_2, %dma_start3A] : memref<32x128xi32, #tpu.memory_space<hbm>> -> memref<1x128xi32, #tpu.memory_space<hbm>>
      %dma_start3A_45 = arith.constant 0 : i32
      %dma_start3A_46 = tpu.memref_slice %arg3[%mul3A_2, %dma_start3A_45] : memref<32x128xi32, #tpu.memory_space<hbm>> -> memref<1x128xi32, #tpu.memory_space<hbm>>
      tpu.enqueue_dma source(%dma_start3A_46 : memref<1x128xi32, #tpu.memory_space<hbm>>) target(%arg6 : memref<1x128xi32, #tpu.memory_space<vmem>>) target_semaphore(%run_scoped3A_43 : memref<!tpu.dma_semaphore, #tpu.memory_space<semaphore_mem>>)
      %dma_wait3A = arith.constant 0 : i32
      %dma_wait3A_47 = tpu.memref_slice %arg3[%mul3A_2, %dma_wait3A] : memref<32x128xi32, #tpu.memory_space<hbm>> -> memref<1x128xi32, #tpu.memory_space<hbm>>
      %dma_wait3A_48 = arith.constant 0 : i32
      %dma_wait3A_49 = tpu.memref_slice %arg3[%mul3A_2, %dma_wait3A_48] : memref<32x128xi32, #tpu.memory_space<hbm>> -> memref<1x128xi32, #tpu.memory_space<hbm>>
      tpu.wait_dma2 semaphore(%run_scoped3A_43 : memref<!tpu.dma_semaphore, #tpu.memory_space<semaphore_mem>>) src(%dma_wait3A_49 : memref<1x128xi32, #tpu.memory_space<hbm>>) dst(%arg6 : memref<1x128xi32, #tpu.memory_space<vmem>>)
      tpu.yield
    }) : () -> ()
    %mul3A_3 = arith.constant 16 : i32
    %mul3A_4 = arith.muli %arg1, %mul3A_3 : i32
    %mul3A_5 = arith.constant 16 : i32
    %mul3A_6 = arith.muli %arg1, %mul3A_5 : i32
    "tpu.region"() ({
      %run_scoped3A_43 = tpu.sem_alloc : memref<!tpu.dma_semaphore, #tpu.memory_space<semaphore_mem>>
      %dma_start3A = arith.constant 0 : i32
      %dma_start3A_44 = tpu.memref_slice %arg8[%mul3A_6, %dma_start3A] : memref<256x128xf32, #tpu.memory_space<vmem_shared>> -> memref<16x128xf32, #tpu.memory_space<vmem_shared>>
      %dma_start3A_45 = arith.constant 0 : i32
      %dma_start3A_46 = tpu.memref_slice %arg4[%mul3A_4, %dma_start3A_45] : memref<256x128xf32, #tpu.memory_space<hbm>> -> memref<16x128xf32, #tpu.memory_space<hbm>>
      tpu.enqueue_dma source(%dma_start3A_46 : memref<16x128xf32, #tpu.memory_space<hbm>>) target(%dma_start3A_44 : memref<16x128xf32, #tpu.memory_space<vmem_shared>>) target_semaphore(%run_scoped3A_43 : memref<!tpu.dma_semaphore, #tpu.memory_space<semaphore_mem>>)
      %dma_wait3A = arith.constant 0 : i32
      %dma_wait3A_47 = tpu.memref_slice %arg8[%mul3A_6, %dma_wait3A] : memref<256x128xf32, #tpu.memory_space<vmem_shared>> -> memref<16x128xf32, #tpu.memory_space<vmem_shared>>
      %dma_wait3A_48 = arith.constant 0 : i32
      %dma_wait3A_49 = tpu.memref_slice %arg4[%mul3A_4, %dma_wait3A_48] : memref<256x128xf32, #tpu.memory_space<hbm>> -> memref<16x128xf32, #tpu.memory_space<hbm>>
      tpu.wait_dma2 semaphore(%run_scoped3A_43 : memref<!tpu.dma_semaphore, #tpu.memory_space<semaphore_mem>>) src(%dma_wait3A_49 : memref<16x128xf32, #tpu.memory_space<hbm>>) dst(%dma_wait3A_47 : memref<16x128xf32, #tpu.memory_space<vmem_shared>>)
      tpu.yield
    }) : () -> ()
    %barrier3A = arith.constant 0 : index
    tpu.barrier barrier_id(%barrier3A)
    %mul3A_7 = arith.constant 128 : i32
    %mul3A_8 = arith.muli %add3A, %mul3A_7 : i32
    "tpu.region"() ({
      %run_scoped3A_43 = tpu.sem_alloc : memref<!tpu.dma_semaphore, #tpu.memory_space<semaphore_mem>>
      %dma_start3A = arith.constant 0 : i32
      %dma_start3A_44 = tpu.memref_slice %arg2[%mul3A_8, %dma_start3A] : memref<4096x384xf32, #tpu.memory_space<hbm>> -> memref<128x128xf32, #tpu.memory_space<hbm>>
      %dma_start3A_45 = arith.constant 0 : i32
      %dma_start3A_46 = tpu.memref_slice %arg2[%mul3A_8, %dma_start3A_45] : memref<4096x384xf32, #tpu.memory_space<hbm>> -> memref<128x128xf32, #tpu.memory_space<hbm>>
      tpu.enqueue_dma source(%dma_start3A_46 : memref<128x128xf32, #tpu.memory_space<hbm>>) target(%arg7 : memref<128x128xf32, #tpu.memory_space<vmem>>) target_semaphore(%run_scoped3A_43 : memref<!tpu.dma_semaphore, #tpu.memory_space<semaphore_mem>>)
      %dma_wait3A = arith.constant 0 : i32
      %dma_wait3A_47 = tpu.memref_slice %arg2[%mul3A_8, %dma_wait3A] : memref<4096x384xf32, #tpu.memory_space<hbm>> -> memref<128x128xf32, #tpu.memory_space<hbm>>
      %dma_wait3A_48 = arith.constant 0 : i32
      %dma_wait3A_49 = tpu.memref_slice %arg2[%mul3A_8, %dma_wait3A_48] : memref<4096x384xf32, #tpu.memory_space<hbm>> -> memref<128x128xf32, #tpu.memory_space<hbm>>
      tpu.wait_dma2 semaphore(%run_scoped3A_43 : memref<!tpu.dma_semaphore, #tpu.memory_space<semaphore_mem>>) src(%dma_wait3A_49 : memref<128x128xf32, #tpu.memory_space<hbm>>) dst(%arg7 : memref<128x128xf32, #tpu.memory_space<vmem>>)
      tpu.yield
    }) : () -> ()
    %run_scoped3A = arith.constant 0 : i32
    "tpu.region"() ({
      %run_scoped3A_43 = tpu.sem_alloc : memref<!tpu.dma_semaphore, #tpu.memory_space<semaphore_mem>>
      %dma_start3A = arith.constant 0 : i32
      %dma_start3A_44 = arith.constant 0 : i32
      %dma_start3A_45 = tpu.memref_slice %arg7[%dma_start3A, %dma_start3A_44] : memref<128x128xf32, #tpu.memory_space<vmem>> -> memref<128x128xf32, #tpu.memory_space<vmem>>
      %dma_start3A_46 = arith.constant 0 : i32
      %dma_start3A_47 = tpu.memref_slice %arg6[%run_scoped3A, %dma_start3A_46] : memref<1x128xi32, #tpu.memory_space<vmem>> -> memref<1x128xi32, #tpu.memory_space<vmem>>
      %dma_start3A_48 = tpu.memref_squeeze %dma_start3A_47 : memref<1x128xi32, #tpu.memory_space<vmem>> -> memref<128xi32, #tpu.memory_space<vmem>>
      %dma_start3A_49 = arith.constant 0 : i32
      %dma_start3A_50 = arith.constant 0 : i32
      %dma_start3A_51 = tpu.memref_slice %arg8[%dma_start3A_49, %dma_start3A_50] : memref<256x128xf32, #tpu.memory_space<vmem_shared>> -> memref<256x128xf32, #tpu.memory_space<vmem_shared>>
      tpu.enqueue_indirect_dma source(%dma_start3A_45 : memref<128x128xf32, #tpu.memory_space<vmem>>) target(%dma_start3A_51 : memref<256x128xf32, #tpu.memory_space<vmem_shared>>) offsets(%dma_start3A_48 : memref<128xi32, #tpu.memory_space<vmem>>) semaphore(%run_scoped3A_43 : memref<!tpu.dma_semaphore, #tpu.memory_space<semaphore_mem>>) {add = true}
      %dma_wait3A = arith.constant 0 : i32
      %dma_wait3A_52 = arith.constant 0 : i32
      %dma_wait3A_53 = tpu.memref_slice %arg7[%dma_wait3A, %dma_wait3A_52] : memref<128x128xf32, #tpu.memory_space<vmem>> -> memref<128x128xf32, #tpu.memory_space<vmem>>
      %dma_wait3A_54 = arith.constant 0 : i32
      %dma_wait3A_55 = tpu.memref_slice %arg6[%run_scoped3A, %dma_wait3A_54] : memref<1x128xi32, #tpu.memory_space<vmem>> -> memref<1x128xi32, #tpu.memory_space<vmem>>
      %dma_wait3A_56 = tpu.memref_squeeze %dma_wait3A_55 : memref<1x128xi32, #tpu.memory_space<vmem>> -> memref<128xi32, #tpu.memory_space<vmem>>
      %dma_wait3A_57 = arith.constant 0 : i32
      %dma_wait3A_58 = arith.constant 0 : i32
      %dma_wait3A_59 = tpu.memref_slice %arg8[%dma_wait3A_57, %dma_wait3A_58] : memref<256x128xf32, #tpu.memory_space<vmem_shared>> -> memref<256x128xf32, #tpu.memory_space<vmem_shared>>
      tpu.wait_indirect_dma semaphore(%run_scoped3A_43 : memref<!tpu.dma_semaphore, #tpu.memory_space<semaphore_mem>>) src(%dma_wait3A_53 : memref<128x128xf32, #tpu.memory_space<vmem>>) dst(%dma_wait3A_59 : memref<256x128xf32, #tpu.memory_space<vmem_shared>>)
      tpu.yield
    }) : () -> ()
    %barrier3A_9 = arith.constant 0 : index
    tpu.barrier barrier_id(%barrier3A_9)
    %mul3A_10 = arith.constant 16 : i32
    %mul3A_11 = arith.muli %arg1, %mul3A_10 : i32
    %mul3A_12 = arith.constant 16 : i32
    %mul3A_13 = arith.muli %arg1, %mul3A_12 : i32
    "tpu.region"() ({
      %run_scoped3A_43 = tpu.sem_alloc : memref<!tpu.dma_semaphore, #tpu.memory_space<semaphore_mem>>
      %dma_start3A = arith.constant 0 : i32
      %dma_start3A_44 = tpu.memref_slice %arg5[%arg0, %mul3A_13, %dma_start3A] : memref<2x256x384xf32, #tpu.memory_space<hbm>> -> memref<1x16x128xf32, #tpu.memory_space<hbm>>
      %dma_start3A_45 = tpu.memref_squeeze %dma_start3A_44 : memref<1x16x128xf32, #tpu.memory_space<hbm>> -> memref<16x128xf32, #tpu.memory_space<hbm>>
      %dma_start3A_46 = arith.constant 0 : i32
      %dma_start3A_47 = tpu.memref_slice %arg8[%mul3A_11, %dma_start3A_46] : memref<256x128xf32, #tpu.memory_space<vmem_shared>> -> memref<16x128xf32, #tpu.memory_space<vmem_shared>>
      tpu.enqueue_dma source(%dma_start3A_47 : memref<16x128xf32, #tpu.memory_space<vmem_shared>>) target(%dma_start3A_45 : memref<16x128xf32, #tpu.memory_space<hbm>>) target_semaphore(%run_scoped3A_43 : memref<!tpu.dma_semaphore, #tpu.memory_space<semaphore_mem>>)
      %dma_wait3A = arith.constant 0 : i32
      %dma_wait3A_48 = tpu.memref_slice %arg5[%arg0, %mul3A_13, %dma_wait3A] : memref<2x256x384xf32, #tpu.memory_space<hbm>> -> memref<1x16x128xf32, #tpu.memory_space<hbm>>
      %dma_wait3A_49 = tpu.memref_squeeze %dma_wait3A_48 : memref<1x16x128xf32, #tpu.memory_space<hbm>> -> memref<16x128xf32, #tpu.memory_space<hbm>>
      %dma_wait3A_50 = arith.constant 0 : i32
      %dma_wait3A_51 = tpu.memref_slice %arg8[%mul3A_11, %dma_wait3A_50] : memref<256x128xf32, #tpu.memory_space<vmem_shared>> -> memref<16x128xf32, #tpu.memory_space<vmem_shared>>
      tpu.wait_dma2 semaphore(%run_scoped3A_43 : memref<!tpu.dma_semaphore, #tpu.memory_space<semaphore_mem>>) src(%dma_wait3A_51 : memref<16x128xf32, #tpu.memory_space<vmem_shared>>) dst(%dma_wait3A_49 : memref<16x128xf32, #tpu.memory_space<hbm>>)
      tpu.yield
    }) : () -> ()
    %barrier3A_14 = arith.constant 0 : index
    tpu.barrier barrier_id(%barrier3A_14)
    %mul3A_15 = arith.constant 16 : i32
    %mul3A_16 = arith.muli %arg1, %mul3A_15 : i32
    %mul3A_17 = arith.constant 16 : i32
    %mul3A_18 = arith.muli %arg1, %mul3A_17 : i32
    "tpu.region"() ({
      %run_scoped3A_43 = tpu.sem_alloc : memref<!tpu.dma_semaphore, #tpu.memory_space<semaphore_mem>>
      %dma_start3A = arith.constant 0 : i32
      %dma_start3A_44 = tpu.memref_slice %arg8[%mul3A_18, %dma_start3A] : memref<256x128xf32, #tpu.memory_space<vmem_shared>> -> memref<16x128xf32, #tpu.memory_space<vmem_shared>>
      %dma_start3A_45 = arith.constant 0 : i32
      %dma_start3A_46 = tpu.memref_slice %arg4[%mul3A_16, %dma_start3A_45] : memref<256x128xf32, #tpu.memory_space<hbm>> -> memref<16x128xf32, #tpu.memory_space<hbm>>
      tpu.enqueue_dma source(%dma_start3A_46 : memref<16x128xf32, #tpu.memory_space<hbm>>) target(%dma_start3A_44 : memref<16x128xf32, #tpu.memory_space<vmem_shared>>) target_semaphore(%run_scoped3A_43 : memref<!tpu.dma_semaphore, #tpu.memory_space<semaphore_mem>>)
      %dma_wait3A = arith.constant 0 : i32
      %dma_wait3A_47 = tpu.memref_slice %arg8[%mul3A_18, %dma_wait3A] : memref<256x128xf32, #tpu.memory_space<vmem_shared>> -> memref<16x128xf32, #tpu.memory_space<vmem_shared>>
      %dma_wait3A_48 = arith.constant 0 : i32
      %dma_wait3A_49 = tpu.memref_slice %arg4[%mul3A_16, %dma_wait3A_48] : memref<256x128xf32, #tpu.memory_space<hbm>> -> memref<16x128xf32, #tpu.memory_space<hbm>>
      tpu.wait_dma2 semaphore(%run_scoped3A_43 : memref<!tpu.dma_semaphore, #tpu.memory_space<semaphore_mem>>) src(%dma_wait3A_49 : memref<16x128xf32, #tpu.memory_space<hbm>>) dst(%dma_wait3A_47 : memref<16x128xf32, #tpu.memory_space<vmem_shared>>)
      tpu.yield
    }) : () -> ()
    %barrier3A_19 = arith.constant 0 : index
    tpu.barrier barrier_id(%barrier3A_19)
    %mul3A_20 = arith.constant 128 : i32
    %mul3A_21 = arith.muli %add3A, %mul3A_20 : i32
    "tpu.region"() ({
      %run_scoped3A_43 = tpu.sem_alloc : memref<!tpu.dma_semaphore, #tpu.memory_space<semaphore_mem>>
      %dma_start3A = arith.constant 128 : i32
      %dma_start3A_44 = tpu.memref_slice %arg2[%mul3A_21, %dma_start3A] : memref<4096x384xf32, #tpu.memory_space<hbm>> -> memref<128x128xf32, #tpu.memory_space<hbm>>
      %dma_start3A_45 = arith.constant 128 : i32
      %dma_start3A_46 = tpu.memref_slice %arg2[%mul3A_21, %dma_start3A_45] : memref<4096x384xf32, #tpu.memory_space<hbm>> -> memref<128x128xf32, #tpu.memory_space<hbm>>
      tpu.enqueue_dma source(%dma_start3A_46 : memref<128x128xf32, #tpu.memory_space<hbm>>) target(%arg7 : memref<128x128xf32, #tpu.memory_space<vmem>>) target_semaphore(%run_scoped3A_43 : memref<!tpu.dma_semaphore, #tpu.memory_space<semaphore_mem>>)
      %dma_wait3A = arith.constant 128 : i32
      %dma_wait3A_47 = tpu.memref_slice %arg2[%mul3A_21, %dma_wait3A] : memref<4096x384xf32, #tpu.memory_space<hbm>> -> memref<128x128xf32, #tpu.memory_space<hbm>>
      %dma_wait3A_48 = arith.constant 128 : i32
      %dma_wait3A_49 = tpu.memref_slice %arg2[%mul3A_21, %dma_wait3A_48] : memref<4096x384xf32, #tpu.memory_space<hbm>> -> memref<128x128xf32, #tpu.memory_space<hbm>>
      tpu.wait_dma2 semaphore(%run_scoped3A_43 : memref<!tpu.dma_semaphore, #tpu.memory_space<semaphore_mem>>) src(%dma_wait3A_49 : memref<128x128xf32, #tpu.memory_space<hbm>>) dst(%arg7 : memref<128x128xf32, #tpu.memory_space<vmem>>)
      tpu.yield
    }) : () -> ()
    %run_scoped3A_22 = arith.constant 0 : i32
    "tpu.region"() ({
      %run_scoped3A_43 = tpu.sem_alloc : memref<!tpu.dma_semaphore, #tpu.memory_space<semaphore_mem>>
      %dma_start3A = arith.constant 0 : i32
      %dma_start3A_44 = arith.constant 0 : i32
      %dma_start3A_45 = tpu.memref_slice %arg7[%dma_start3A, %dma_start3A_44] : memref<128x128xf32, #tpu.memory_space<vmem>> -> memref<128x128xf32, #tpu.memory_space<vmem>>
      %dma_start3A_46 = arith.constant 0 : i32
      %dma_start3A_47 = tpu.memref_slice %arg6[%run_scoped3A_22, %dma_start3A_46] : memref<1x128xi32, #tpu.memory_space<vmem>> -> memref<1x128xi32, #tpu.memory_space<vmem>>
      %dma_start3A_48 = tpu.memref_squeeze %dma_start3A_47 : memref<1x128xi32, #tpu.memory_space<vmem>> -> memref<128xi32, #tpu.memory_space<vmem>>
      %dma_start3A_49 = arith.constant 0 : i32
      %dma_start3A_50 = arith.constant 0 : i32
      %dma_start3A_51 = tpu.memref_slice %arg8[%dma_start3A_49, %dma_start3A_50] : memref<256x128xf32, #tpu.memory_space<vmem_shared>> -> memref<256x128xf32, #tpu.memory_space<vmem_shared>>
      tpu.enqueue_indirect_dma source(%dma_start3A_45 : memref<128x128xf32, #tpu.memory_space<vmem>>) target(%dma_start3A_51 : memref<256x128xf32, #tpu.memory_space<vmem_shared>>) offsets(%dma_start3A_48 : memref<128xi32, #tpu.memory_space<vmem>>) semaphore(%run_scoped3A_43 : memref<!tpu.dma_semaphore, #tpu.memory_space<semaphore_mem>>) {add = true}
      %dma_wait3A = arith.constant 0 : i32
      %dma_wait3A_52 = arith.constant 0 : i32
      %dma_wait3A_53 = tpu.memref_slice %arg7[%dma_wait3A, %dma_wait3A_52] : memref<128x128xf32, #tpu.memory_space<vmem>> -> memref<128x128xf32, #tpu.memory_space<vmem>>
      %dma_wait3A_54 = arith.constant 0 : i32
      %dma_wait3A_55 = tpu.memref_slice %arg6[%run_scoped3A_22, %dma_wait3A_54] : memref<1x128xi32, #tpu.memory_space<vmem>> -> memref<1x128xi32, #tpu.memory_space<vmem>>
      %dma_wait3A_56 = tpu.memref_squeeze %dma_wait3A_55 : memref<1x128xi32, #tpu.memory_space<vmem>> -> memref<128xi32, #tpu.memory_space<vmem>>
      %dma_wait3A_57 = arith.constant 0 : i32
      %dma_wait3A_58 = arith.constant 0 : i32
      %dma_wait3A_59 = tpu.memref_slice %arg8[%dma_wait3A_57, %dma_wait3A_58] : memref<256x128xf32, #tpu.memory_space<vmem_shared>> -> memref<256x128xf32, #tpu.memory_space<vmem_shared>>
      tpu.wait_indirect_dma semaphore(%run_scoped3A_43 : memref<!tpu.dma_semaphore, #tpu.memory_space<semaphore_mem>>) src(%dma_wait3A_53 : memref<128x128xf32, #tpu.memory_space<vmem>>) dst(%dma_wait3A_59 : memref<256x128xf32, #tpu.memory_space<vmem_shared>>)
      tpu.yield
    }) : () -> ()
    %barrier3A_23 = arith.constant 0 : index
    tpu.barrier barrier_id(%barrier3A_23)
    %mul3A_24 = arith.constant 16 : i32
    %mul3A_25 = arith.muli %arg1, %mul3A_24 : i32
    %mul3A_26 = arith.constant 16 : i32
    %mul3A_27 = arith.muli %arg1, %mul3A_26 : i32
    "tpu.region"() ({
      %run_scoped3A_43 = tpu.sem_alloc : memref<!tpu.dma_semaphore, #tpu.memory_space<semaphore_mem>>
      %dma_start3A = arith.constant 128 : i32
      %dma_start3A_44 = tpu.memref_slice %arg5[%arg0, %mul3A_27, %dma_start3A] : memref<2x256x384xf32, #tpu.memory_space<hbm>> -> memref<1x16x128xf32, #tpu.memory_space<hbm>>
      %dma_start3A_45 = tpu.memref_squeeze %dma_start3A_44 : memref<1x16x128xf32, #tpu.memory_space<hbm>> -> memref<16x128xf32, #tpu.memory_space<hbm>>
      %dma_start3A_46 = arith.constant 0 : i32
      %dma_start3A_47 = tpu.memref_slice %arg8[%mul3A_25, %dma_start3A_46] : memref<256x128xf32, #tpu.memory_space<vmem_shared>> -> memref<16x128xf32, #tpu.memory_space<vmem_shared>>
      tpu.enqueue_dma source(%dma_start3A_47 : memref<16x128xf32, #tpu.memory_space<vmem_shared>>) target(%dma_start3A_45 : memref<16x128xf32, #tpu.memory_space<hbm>>) target_semaphore(%run_scoped3A_43 : memref<!tpu.dma_semaphore, #tpu.memory_space<semaphore_mem>>)
      %dma_wait3A = arith.constant 128 : i32
      %dma_wait3A_48 = tpu.memref_slice %arg5[%arg0, %mul3A_27, %dma_wait3A] : memref<2x256x384xf32, #tpu.memory_space<hbm>> -> memref<1x16x128xf32, #tpu.memory_space<hbm>>
      %dma_wait3A_49 = tpu.memref_squeeze %dma_wait3A_48 : memref<1x16x128xf32, #tpu.memory_space<hbm>> -> memref<16x128xf32, #tpu.memory_space<hbm>>
      %dma_wait3A_50 = arith.constant 0 : i32
      %dma_wait3A_51 = tpu.memref_slice %arg8[%mul3A_25, %dma_wait3A_50] : memref<256x128xf32, #tpu.memory_space<vmem_shared>> -> memref<16x128xf32, #tpu.memory_space<vmem_shared>>
      tpu.wait_dma2 semaphore(%run_scoped3A_43 : memref<!tpu.dma_semaphore, #tpu.memory_space<semaphore_mem>>) src(%dma_wait3A_51 : memref<16x128xf32, #tpu.memory_space<vmem_shared>>) dst(%dma_wait3A_49 : memref<16x128xf32, #tpu.memory_space<hbm>>)
      tpu.yield
    }) : () -> ()
    %barrier3A_28 = arith.constant 0 : index
    tpu.barrier barrier_id(%barrier3A_28)
    %mul3A_29 = arith.constant 16 : i32
    %mul3A_30 = arith.muli %arg1, %mul3A_29 : i32
    %mul3A_31 = arith.constant 16 : i32
    %mul3A_32 = arith.muli %arg1, %mul3A_31 : i32
    "tpu.region"() ({
      %run_scoped3A_43 = tpu.sem_alloc : memref<!tpu.dma_semaphore, #tpu.memory_space<semaphore_mem>>
      %dma_start3A = arith.constant 0 : i32
      %dma_start3A_44 = tpu.memref_slice %arg8[%mul3A_32, %dma_start3A] : memref<256x128xf32, #tpu.memory_space<vmem_shared>> -> memref<16x128xf32, #tpu.memory_space<vmem_shared>>
      %dma_start3A_45 = arith.constant 0 : i32
      %dma_start3A_46 = tpu.memref_slice %arg4[%mul3A_30, %dma_start3A_45] : memref<256x128xf32, #tpu.memory_space<hbm>> -> memref<16x128xf32, #tpu.memory_space<hbm>>
      tpu.enqueue_dma source(%dma_start3A_46 : memref<16x128xf32, #tpu.memory_space<hbm>>) target(%dma_start3A_44 : memref<16x128xf32, #tpu.memory_space<vmem_shared>>) target_semaphore(%run_scoped3A_43 : memref<!tpu.dma_semaphore, #tpu.memory_space<semaphore_mem>>)
      %dma_wait3A = arith.constant 0 : i32
      %dma_wait3A_47 = tpu.memref_slice %arg8[%mul3A_32, %dma_wait3A] : memref<256x128xf32, #tpu.memory_space<vmem_shared>> -> memref<16x128xf32, #tpu.memory_space<vmem_shared>>
      %dma_wait3A_48 = arith.constant 0 : i32
      %dma_wait3A_49 = tpu.memref_slice %arg4[%mul3A_30, %dma_wait3A_48] : memref<256x128xf32, #tpu.memory_space<hbm>> -> memref<16x128xf32, #tpu.memory_space<hbm>>
      tpu.wait_dma2 semaphore(%run_scoped3A_43 : memref<!tpu.dma_semaphore, #tpu.memory_space<semaphore_mem>>) src(%dma_wait3A_49 : memref<16x128xf32, #tpu.memory_space<hbm>>) dst(%dma_wait3A_47 : memref<16x128xf32, #tpu.memory_space<vmem_shared>>)
      tpu.yield
    }) : () -> ()
    %barrier3A_33 = arith.constant 0 : index
    tpu.barrier barrier_id(%barrier3A_33)
    %mul3A_34 = arith.constant 128 : i32
    %mul3A_35 = arith.muli %add3A, %mul3A_34 : i32
    "tpu.region"() ({
      %run_scoped3A_43 = tpu.sem_alloc : memref<!tpu.dma_semaphore, #tpu.memory_space<semaphore_mem>>
      %dma_start3A = arith.constant 256 : i32
      %dma_start3A_44 = tpu.memref_slice %arg2[%mul3A_35, %dma_start3A] : memref<4096x384xf32, #tpu.memory_space<hbm>> -> memref<128x128xf32, #tpu.memory_space<hbm>>
      %dma_start3A_45 = arith.constant 256 : i32
      %dma_start3A_46 = tpu.memref_slice %arg2[%mul3A_35, %dma_start3A_45] : memref<4096x384xf32, #tpu.memory_space<hbm>> -> memref<128x128xf32, #tpu.memory_space<hbm>>
      tpu.enqueue_dma source(%dma_start3A_46 : memref<128x128xf32, #tpu.memory_space<hbm>>) target(%arg7 : memref<128x128xf32, #tpu.memory_space<vmem>>) target_semaphore(%run_scoped3A_43 : memref<!tpu.dma_semaphore, #tpu.memory_space<semaphore_mem>>)
      %dma_wait3A = arith.constant 256 : i32
      %dma_wait3A_47 = tpu.memref_slice %arg2[%mul3A_35, %dma_wait3A] : memref<4096x384xf32, #tpu.memory_space<hbm>> -> memref<128x128xf32, #tpu.memory_space<hbm>>
      %dma_wait3A_48 = arith.constant 256 : i32
      %dma_wait3A_49 = tpu.memref_slice %arg2[%mul3A_35, %dma_wait3A_48] : memref<4096x384xf32, #tpu.memory_space<hbm>> -> memref<128x128xf32, #tpu.memory_space<hbm>>
      tpu.wait_dma2 semaphore(%run_scoped3A_43 : memref<!tpu.dma_semaphore, #tpu.memory_space<semaphore_mem>>) src(%dma_wait3A_49 : memref<128x128xf32, #tpu.memory_space<hbm>>) dst(%arg7 : memref<128x128xf32, #tpu.memory_space<vmem>>)
      tpu.yield
    }) : () -> ()
    %run_scoped3A_36 = arith.constant 0 : i32
    "tpu.region"() ({
      %run_scoped3A_43 = tpu.sem_alloc : memref<!tpu.dma_semaphore, #tpu.memory_space<semaphore_mem>>
      %dma_start3A = arith.constant 0 : i32
      %dma_start3A_44 = arith.constant 0 : i32
      %dma_start3A_45 = tpu.memref_slice %arg7[%dma_start3A, %dma_start3A_44] : memref<128x128xf32, #tpu.memory_space<vmem>> -> memref<128x128xf32, #tpu.memory_space<vmem>>
      %dma_start3A_46 = arith.constant 0 : i32
      %dma_start3A_47 = tpu.memref_slice %arg6[%run_scoped3A_36, %dma_start3A_46] : memref<1x128xi32, #tpu.memory_space<vmem>> -> memref<1x128xi32, #tpu.memory_space<vmem>>
      %dma_start3A_48 = tpu.memref_squeeze %dma_start3A_47 : memref<1x128xi32, #tpu.memory_space<vmem>> -> memref<128xi32, #tpu.memory_space<vmem>>
      %dma_start3A_49 = arith.constant 0 : i32
      %dma_start3A_50 = arith.constant 0 : i32
      %dma_start3A_51 = tpu.memref_slice %arg8[%dma_start3A_49, %dma_start3A_50] : memref<256x128xf32, #tpu.memory_space<vmem_shared>> -> memref<256x128xf32, #tpu.memory_space<vmem_shared>>
      tpu.enqueue_indirect_dma source(%dma_start3A_45 : memref<128x128xf32, #tpu.memory_space<vmem>>) target(%dma_start3A_51 : memref<256x128xf32, #tpu.memory_space<vmem_shared>>) offsets(%dma_start3A_48 : memref<128xi32, #tpu.memory_space<vmem>>) semaphore(%run_scoped3A_43 : memref<!tpu.dma_semaphore, #tpu.memory_space<semaphore_mem>>) {add = true}
      %dma_wait3A = arith.constant 0 : i32
      %dma_wait3A_52 = arith.constant 0 : i32
      %dma_wait3A_53 = tpu.memref_slice %arg7[%dma_wait3A, %dma_wait3A_52] : memref<128x128xf32, #tpu.memory_space<vmem>> -> memref<128x128xf32, #tpu.memory_space<vmem>>
      %dma_wait3A_54 = arith.constant 0 : i32
      %dma_wait3A_55 = tpu.memref_slice %arg6[%run_scoped3A_36, %dma_wait3A_54] : memref<1x128xi32, #tpu.memory_space<vmem>> -> memref<1x128xi32, #tpu.memory_space<vmem>>
      %dma_wait3A_56 = tpu.memref_squeeze %dma_wait3A_55 : memref<1x128xi32, #tpu.memory_space<vmem>> -> memref<128xi32, #tpu.memory_space<vmem>>
      %dma_wait3A_57 = arith.constant 0 : i32
      %dma_wait3A_58 = arith.constant 0 : i32
      %dma_wait3A_59 = tpu.memref_slice %arg8[%dma_wait3A_57, %dma_wait3A_58] : memref<256x128xf32, #tpu.memory_space<vmem_shared>> -> memref<256x128xf32, #tpu.memory_space<vmem_shared>>
      tpu.wait_indirect_dma semaphore(%run_scoped3A_43 : memref<!tpu.dma_semaphore, #tpu.memory_space<semaphore_mem>>) src(%dma_wait3A_53 : memref<128x128xf32, #tpu.memory_space<vmem>>) dst(%dma_wait3A_59 : memref<256x128xf32, #tpu.memory_space<vmem_shared>>)
      tpu.yield
    }) : () -> ()
    %barrier3A_37 = arith.constant 0 : index
    tpu.barrier barrier_id(%barrier3A_37)
    %mul3A_38 = arith.constant 16 : i32
    %mul3A_39 = arith.muli %arg1, %mul3A_38 : i32
    %mul3A_40 = arith.constant 16 : i32
    %mul3A_41 = arith.muli %arg1, %mul3A_40 : i32
    "tpu.region"() ({
      %run_scoped3A_43 = tpu.sem_alloc : memref<!tpu.dma_semaphore, #tpu.memory_space<semaphore_mem>>
      %dma_start3A = arith.constant 256 : i32
      %dma_start3A_44 = tpu.memref_slice %arg5[%arg0, %mul3A_41, %dma_start3A] : memref<2x256x384xf32, #tpu.memory_space<hbm>> -> memref<1x16x128xf32, #tpu.memory_space<hbm>>
      %dma_start3A_45 = tpu.memref_squeeze %dma_start3A_44 : memref<1x16x128xf32, #tpu.memory_space<hbm>> -> memref<16x128xf32, #tpu.memory_space<hbm>>
      %dma_start3A_46 = arith.constant 0 : i32
      %dma_start3A_47 = tpu.memref_slice %arg8[%mul3A_39, %dma_start3A_46] : memref<256x128xf32, #tpu.memory_space<vmem_shared>> -> memref<16x128xf32, #tpu.memory_space<vmem_shared>>
      tpu.enqueue_dma source(%dma_start3A_47 : memref<16x128xf32, #tpu.memory_space<vmem_shared>>) target(%dma_start3A_45 : memref<16x128xf32, #tpu.memory_space<hbm>>) target_semaphore(%run_scoped3A_43 : memref<!tpu.dma_semaphore, #tpu.memory_space<semaphore_mem>>)
      %dma_wait3A = arith.constant 256 : i32
      %dma_wait3A_48 = tpu.memref_slice %arg5[%arg0, %mul3A_41, %dma_wait3A] : memref<2x256x384xf32, #tpu.memory_space<hbm>> -> memref<1x16x128xf32, #tpu.memory_space<hbm>>
      %dma_wait3A_49 = tpu.memref_squeeze %dma_wait3A_48 : memref<1x16x128xf32, #tpu.memory_space<hbm>> -> memref<16x128xf32, #tpu.memory_space<hbm>>
      %dma_wait3A_50 = arith.constant 0 : i32
      %dma_wait3A_51 = tpu.memref_slice %arg8[%mul3A_39, %dma_wait3A_50] : memref<256x128xf32, #tpu.memory_space<vmem_shared>> -> memref<16x128xf32, #tpu.memory_space<vmem_shared>>
      tpu.wait_dma2 semaphore(%run_scoped3A_43 : memref<!tpu.dma_semaphore, #tpu.memory_space<semaphore_mem>>) src(%dma_wait3A_51 : memref<16x128xf32, #tpu.memory_space<vmem_shared>>) dst(%dma_wait3A_49 : memref<16x128xf32, #tpu.memory_space<hbm>>)
      tpu.yield
    }) : () -> ()
    %barrier3A_42 = arith.constant 0 : index
    tpu.barrier barrier_id(%barrier3A_42)
    return
  }
}

module attributes {stable_mosaic.version = 14 : i64} {
  func.func @body(%arg0: memref<8192x4xf32, #tpu.memory_space<vmem>>, %arg1: memref<4x128xf32, #tpu.memory_space<vmem>>, %arg2: memref<1x128xf32, #tpu.memory_space<vmem>>, %arg3: memref<4x256xf32, #tpu.memory_space<vmem>>, %arg4: memref<1x256xf32, #tpu.memory_space<vmem>>, %arg5: memref<4x256xf32, #tpu.memory_space<vmem>>, %arg6: memref<1x256xf32, #tpu.memory_space<vmem>>, %arg7: memref<8192x128xf32, #tpu.memory_space<vmem>>, %arg8: memref<8192x256xf32, #tpu.memory_space<vmem>>, %arg9: memref<8192x256xf32, #tpu.memory_space<vmem>>) attributes {dimension_semantics = [], scalar_prefetch = 0 : i64, scratch_operands = 0 : i64, tpu.core_type = #tpu.core_type<tc>} {
    %get3A = arith.constant 0 : index
    %get3A_0 = arith.constant 0 : index
    %get3A_1 = vector.load %arg0[%get3A, %get3A_0] : memref<8192x4xf32, #tpu.memory_space<vmem>>, vector<8192x4xf32>
    %get3A_2 = arith.constant 0 : index
    %get3A_3 = arith.constant 0 : index
    %get3A_4 = vector.load %arg1[%get3A_2, %get3A_3] : memref<4x128xf32, #tpu.memory_space<vmem>>, vector<4x128xf32>
    %dot_general3A = arith.constant dense<0.000000e+00> : vector<8192x128xf32>
    %dot_general3A_5 = tpu.matmul %get3A_1, %get3A_4, %dot_general3A {dimension_numbers = #tpu.dot_dimension_numbers<[1], [0], [0], [1], [0, 0, 1, 1], [], []>, transpose_lhs_hint = false} : vector<8192x4xf32>, vector<4x128xf32>, vector<8192x128xf32> -> vector<8192x128xf32>
    %get3A_6 = arith.constant 0 : index
    %get3A_7 = arith.constant 0 : index
    %get3A_8 = vector.load %arg2[%get3A_6, %get3A_7] : memref<1x128xf32, #tpu.memory_space<vmem>>, vector<1x128xf32>
    %add3A = vector.broadcast %get3A_8 : vector<1x128xf32> to vector<8192x128xf32>
    %add3A_9 = arith.addf %dot_general3A_5, %add3A : vector<8192x128xf32>
    %ge3A = arith.constant 0.000000e+00 : f32
    %ge3A_10 = vector.broadcast %ge3A : f32 to vector<8192x128xf32>
    %ge3A_11 = arith.cmpf oge, %add3A_9, %ge3A_10 : vector<8192x128xf32>
    %mul3A = arith.constant 0.00999999977 : f32
    %mul3A_12 = vector.broadcast %mul3A : f32 to vector<8192x128xf32>
    %mul3A_13 = arith.mulf %mul3A_12, %add3A_9 : vector<8192x128xf32>
    %select_n3A = arith.select %ge3A_11, %add3A_9, %mul3A_13 : vector<8192x128xi1>, vector<8192x128xf32>
    %swap3A = arith.constant 0 : index
    %swap3A_14 = arith.constant 0 : index
    %swap3A_15 = vector.load %arg7[%swap3A, %swap3A_14] : memref<8192x128xf32, #tpu.memory_space<vmem>>, vector<8192x128xf32>
    tpu.vector_store %arg7[%swap3A, %swap3A_14], %select_n3A {strides = array<i32>} : memref<8192x128xf32, #tpu.memory_space<vmem>>, vector<8192x128xf32>,
    %get3A_16 = arith.constant 0 : index
    %get3A_17 = arith.constant 0 : index
    %get3A_18 = vector.load %arg3[%get3A_16, %get3A_17] : memref<4x256xf32, #tpu.memory_space<vmem>>, vector<4x256xf32>
    %dot_general3A_19 = arith.constant dense<0.000000e+00> : vector<8192x256xf32>
    %dot_general3A_20 = tpu.matmul %get3A_1, %get3A_18, %dot_general3A_19 {dimension_numbers = #tpu.dot_dimension_numbers<[1], [0], [0], [1], [0, 0, 1, 1], [], []>, transpose_lhs_hint = false} : vector<8192x4xf32>, vector<4x256xf32>, vector<8192x256xf32> -> vector<8192x256xf32>
    %get3A_21 = arith.constant 0 : index
    %get3A_22 = arith.constant 0 : index
    %get3A_23 = vector.load %arg4[%get3A_21, %get3A_22] : memref<1x256xf32, #tpu.memory_space<vmem>>, vector<1x256xf32>
    %add3A_24 = vector.broadcast %get3A_23 : vector<1x256xf32> to vector<8192x256xf32>
    %add3A_25 = arith.addf %dot_general3A_20, %add3A_24 : vector<8192x256xf32>
    %ge3A_26 = arith.constant 0.000000e+00 : f32
    %ge3A_27 = vector.broadcast %ge3A_26 : f32 to vector<8192x256xf32>
    %ge3A_28 = arith.cmpf oge, %add3A_25, %ge3A_27 : vector<8192x256xf32>
    %mul3A_29 = arith.constant 0.00999999977 : f32
    %mul3A_30 = vector.broadcast %mul3A_29 : f32 to vector<8192x256xf32>
    %mul3A_31 = arith.mulf %mul3A_30, %add3A_25 : vector<8192x256xf32>
    %select_n3A_32 = arith.select %ge3A_28, %add3A_25, %mul3A_31 : vector<8192x256xi1>, vector<8192x256xf32>
    %swap3A_33 = arith.constant 0 : index
    %swap3A_34 = arith.constant 0 : index
    %swap3A_35 = vector.load %arg8[%swap3A_33, %swap3A_34] : memref<8192x256xf32, #tpu.memory_space<vmem>>, vector<8192x256xf32>
    tpu.vector_store %arg8[%swap3A_33, %swap3A_34], %select_n3A_32 {strides = array<i32>} : memref<8192x256xf32, #tpu.memory_space<vmem>>, vector<8192x256xf32>,
    %get3A_36 = arith.constant 0 : index
    %get3A_37 = arith.constant 0 : index
    %get3A_38 = vector.load %arg5[%get3A_36, %get3A_37] : memref<4x256xf32, #tpu.memory_space<vmem>>, vector<4x256xf32>
    %dot_general3A_39 = arith.constant dense<0.000000e+00> : vector<8192x256xf32>
    %dot_general3A_40 = tpu.matmul %get3A_1, %get3A_38, %dot_general3A_39 {dimension_numbers = #tpu.dot_dimension_numbers<[1], [0], [0], [1], [0, 0, 1, 1], [], []>, transpose_lhs_hint = false} : vector<8192x4xf32>, vector<4x256xf32>, vector<8192x256xf32> -> vector<8192x256xf32>
    %get3A_41 = arith.constant 0 : index
    %get3A_42 = arith.constant 0 : index
    %get3A_43 = vector.load %arg6[%get3A_41, %get3A_42] : memref<1x256xf32, #tpu.memory_space<vmem>>, vector<1x256xf32>
    %add3A_44 = vector.broadcast %get3A_43 : vector<1x256xf32> to vector<8192x256xf32>
    %add3A_45 = arith.addf %dot_general3A_40, %add3A_44 : vector<8192x256xf32>
    %ge3A_46 = arith.constant 0.000000e+00 : f32
    %ge3A_47 = vector.broadcast %ge3A_46 : f32 to vector<8192x256xf32>
    %ge3A_48 = arith.cmpf oge, %add3A_45, %ge3A_47 : vector<8192x256xf32>
    %mul3A_49 = arith.constant 0.00999999977 : f32
    %mul3A_50 = vector.broadcast %mul3A_49 : f32 to vector<8192x256xf32>
    %mul3A_51 = arith.mulf %mul3A_50, %add3A_45 : vector<8192x256xf32>
    %select_n3A_52 = arith.select %ge3A_48, %add3A_45, %mul3A_51 : vector<8192x256xi1>, vector<8192x256xf32>
    %swap3A_53 = arith.constant 0 : index
    %swap3A_54 = arith.constant 0 : index
    %swap3A_55 = vector.load %arg9[%swap3A_53, %swap3A_54] : memref<8192x256xf32, #tpu.memory_space<vmem>>, vector<8192x256xf32>
    tpu.vector_store %arg9[%swap3A_53, %swap3A_54], %select_n3A_52 {strides = array<i32>} : memref<8192x256xf32, #tpu.memory_space<vmem>>, vector<8192x256xf32>,
    return
  }
}

module attributes {stable_mosaic.version = 14 : i64} {
  func.func @body(%arg0: i32, %arg1: memref<512x128xf32, #tpu.memory_space<vmem>>, %arg2: memref<512x128xf32, #tpu.memory_space<vmem>>, %arg3: memref<128x1408xbf16, #tpu.memory_space<vmem>>, %arg4: memref<512x128xf32, #tpu.memory_space<vmem>>) attributes {dimension_semantics = [#tpu.dimension_semantics<arbitrary>], iteration_bounds = array<i64: 16>, scalar_prefetch = 0 : i64, scratch_operands = 0 : i64, tpu.core_type = #tpu.core_type<tc>, window_params = [{transform_indices = @transform_0, window_bounds = array<i64: 512, 128>}, {transform_indices = @transform_1, window_bounds = array<i64: 512, 128>}, {pipeline_mode = #tpu.pipeline_mode<synchronous>, transform_indices = @transform_2, window_bounds = array<i64: 128, 1408>}, {transform_indices = @transform_3, window_bounds = array<i64: 512, 128>}]} {
    %get3A = arith.constant 0 : index
    %get3A_0 = arith.constant 0 : index
    %get3A_1 = vector.load %arg1[%get3A, %get3A_0] : memref<512x128xf32, #tpu.memory_space<vmem>>, vector<512x128xf32>
    %convert_element_type3A = arith.truncf %get3A_1 : vector<512x128xf32> to vector<512x128xbf16>
    %get3A_2 = arith.constant 0 : index
    %get3A_3 = arith.constant 0 : index
    %get3A_4 = vector.load %arg3[%get3A_2, %get3A_3] : memref<128x1408xbf16, #tpu.memory_space<vmem>>, vector<128x1408xbf16>
    %dot_general3A = arith.constant dense<0.000000e+00> : vector<512x1408xf32>
    %dot_general3A_5 = tpu.matmul %convert_element_type3A, %get3A_4, %dot_general3A {dimension_numbers = #tpu.dot_dimension_numbers<[1], [0], [0], [1], [0, 0, 1, 1], [], []>, transpose_lhs_hint = false} : vector<512x128xbf16>, vector<128x1408xbf16>, vector<512x1408xf32> -> vector<512x1408xf32>
    %convert_element_type3A_6 = arith.truncf %dot_general3A_5 : vector<512x1408xf32> to vector<512x1408xbf16>
    %convert_element_type3A_7 = arith.extf %convert_element_type3A_6 : vector<512x1408xbf16> to vector<512x1408xf32>
    %get3A_8 = arith.constant 0 : index
    %get3A_9 = arith.constant 0 : index
    %get3A_10 = vector.load %arg2[%get3A_8, %get3A_9] : memref<512x128xf32, #tpu.memory_space<vmem>>, vector<512x128xf32>
    %convert_element_type3A_11 = arith.truncf %get3A_10 : vector<512x128xf32> to vector<512x128xbf16>
    %convert_element_type3A_12 = arith.extf %convert_element_type3A_11 : vector<512x128xbf16> to vector<512x128xf32>
    %slice3A = vector.extract_strided_slice %convert_element_type3A_12 {offsets = [0, 0], sizes = [512, 1], strides = [1, 1]} : vector<512x128xf32> to vector<512x1xf32>
    %slice3A_13 = vector.extract_strided_slice %convert_element_type3A_7 {offsets = [0, 0], sizes = [512, 128], strides = [1, 1]} : vector<512x1408xf32> to vector<512x128xf32>
    %mul3A = vector.broadcast %slice3A : vector<512x1xf32> to vector<512x128xf32>
    %mul3A_14 = arith.mulf %mul3A, %slice3A_13 : vector<512x128xf32>
    %slice3A_15 = vector.extract_strided_slice %convert_element_type3A_12 {offsets = [0, 1], sizes = [512, 1], strides = [1, 1]} : vector<512x128xf32> to vector<512x1xf32>
    %slice3A_16 = vector.extract_strided_slice %convert_element_type3A_7 {offsets = [0, 128], sizes = [512, 128], strides = [1, 1]} : vector<512x1408xf32> to vector<512x128xf32>
    %mul3A_17 = vector.broadcast %slice3A_15 : vector<512x1xf32> to vector<512x128xf32>
    %mul3A_18 = arith.mulf %mul3A_17, %slice3A_16 : vector<512x128xf32>
    %add3A = arith.addf %mul3A_14, %mul3A_18 : vector<512x128xf32>
    %slice3A_19 = vector.extract_strided_slice %convert_element_type3A_12 {offsets = [0, 2], sizes = [512, 1], strides = [1, 1]} : vector<512x128xf32> to vector<512x1xf32>
    %slice3A_20 = vector.extract_strided_slice %convert_element_type3A_7 {offsets = [0, 256], sizes = [512, 128], strides = [1, 1]} : vector<512x1408xf32> to vector<512x128xf32>
    %mul3A_21 = vector.broadcast %slice3A_19 : vector<512x1xf32> to vector<512x128xf32>
    %mul3A_22 = arith.mulf %mul3A_21, %slice3A_20 : vector<512x128xf32>
    %add3A_23 = arith.addf %add3A, %mul3A_22 : vector<512x128xf32>
    %slice3A_24 = vector.extract_strided_slice %convert_element_type3A_12 {offsets = [0, 3], sizes = [512, 1], strides = [1, 1]} : vector<512x128xf32> to vector<512x1xf32>
    %slice3A_25 = vector.extract_strided_slice %convert_element_type3A_7 {offsets = [0, 384], sizes = [512, 128], strides = [1, 1]} : vector<512x1408xf32> to vector<512x128xf32>
    %mul3A_26 = vector.broadcast %slice3A_24 : vector<512x1xf32> to vector<512x128xf32>
    %mul3A_27 = arith.mulf %mul3A_26, %slice3A_25 : vector<512x128xf32>
    %add3A_28 = arith.addf %add3A_23, %mul3A_27 : vector<512x128xf32>
    %slice3A_29 = vector.extract_strided_slice %convert_element_type3A_12 {offsets = [0, 4], sizes = [512, 1], strides = [1, 1]} : vector<512x128xf32> to vector<512x1xf32>
    %slice3A_30 = vector.extract_strided_slice %convert_element_type3A_7 {offsets = [0, 512], sizes = [512, 128], strides = [1, 1]} : vector<512x1408xf32> to vector<512x128xf32>
    %mul3A_31 = vector.broadcast %slice3A_29 : vector<512x1xf32> to vector<512x128xf32>
    %mul3A_32 = arith.mulf %mul3A_31, %slice3A_30 : vector<512x128xf32>
    %add3A_33 = arith.addf %add3A_28, %mul3A_32 : vector<512x128xf32>
    %slice3A_34 = vector.extract_strided_slice %convert_element_type3A_12 {offsets = [0, 5], sizes = [512, 1], strides = [1, 1]} : vector<512x128xf32> to vector<512x1xf32>
    %slice3A_35 = vector.extract_strided_slice %convert_element_type3A_7 {offsets = [0, 640], sizes = [512, 128], strides = [1, 1]} : vector<512x1408xf32> to vector<512x128xf32>
    %mul3A_36 = vector.broadcast %slice3A_34 : vector<512x1xf32> to vector<512x128xf32>
    %mul3A_37 = arith.mulf %mul3A_36, %slice3A_35 : vector<512x128xf32>
    %add3A_38 = arith.addf %add3A_33, %mul3A_37 : vector<512x128xf32>
    %slice3A_39 = vector.extract_strided_slice %convert_element_type3A_12 {offsets = [0, 6], sizes = [512, 1], strides = [1, 1]} : vector<512x128xf32> to vector<512x1xf32>
    %slice3A_40 = vector.extract_strided_slice %convert_element_type3A_7 {offsets = [0, 768], sizes = [512, 128], strides = [1, 1]} : vector<512x1408xf32> to vector<512x128xf32>
    %mul3A_41 = vector.broadcast %slice3A_39 : vector<512x1xf32> to vector<512x128xf32>
    %mul3A_42 = arith.mulf %mul3A_41, %slice3A_40 : vector<512x128xf32>
    %add3A_43 = arith.addf %add3A_38, %mul3A_42 : vector<512x128xf32>
    %slice3A_44 = vector.extract_strided_slice %convert_element_type3A_12 {offsets = [0, 7], sizes = [512, 1], strides = [1, 1]} : vector<512x128xf32> to vector<512x1xf32>
    %slice3A_45 = vector.extract_strided_slice %convert_element_type3A_7 {offsets = [0, 896], sizes = [512, 128], strides = [1, 1]} : vector<512x1408xf32> to vector<512x128xf32>
    %mul3A_46 = vector.broadcast %slice3A_44 : vector<512x1xf32> to vector<512x128xf32>
    %mul3A_47 = arith.mulf %mul3A_46, %slice3A_45 : vector<512x128xf32>
    %add3A_48 = arith.addf %add3A_43, %mul3A_47 : vector<512x128xf32>
    %slice3A_49 = vector.extract_strided_slice %convert_element_type3A_12 {offsets = [0, 8], sizes = [512, 1], strides = [1, 1]} : vector<512x128xf32> to vector<512x1xf32>
    %slice3A_50 = vector.extract_strided_slice %convert_element_type3A_7 {offsets = [0, 1024], sizes = [512, 128], strides = [1, 1]} : vector<512x1408xf32> to vector<512x128xf32>
    %mul3A_51 = vector.broadcast %slice3A_49 : vector<512x1xf32> to vector<512x128xf32>
    %mul3A_52 = arith.mulf %mul3A_51, %slice3A_50 : vector<512x128xf32>
    %add3A_53 = arith.addf %add3A_48, %mul3A_52 : vector<512x128xf32>
    %slice3A_54 = vector.extract_strided_slice %convert_element_type3A_12 {offsets = [0, 9], sizes = [512, 1], strides = [1, 1]} : vector<512x128xf32> to vector<512x1xf32>
    %slice3A_55 = vector.extract_strided_slice %convert_element_type3A_7 {offsets = [0, 1152], sizes = [512, 128], strides = [1, 1]} : vector<512x1408xf32> to vector<512x128xf32>
    %mul3A_56 = vector.broadcast %slice3A_54 : vector<512x1xf32> to vector<512x128xf32>
    %mul3A_57 = arith.mulf %mul3A_56, %slice3A_55 : vector<512x128xf32>
    %add3A_58 = arith.addf %add3A_53, %mul3A_57 : vector<512x128xf32>
    %slice3A_59 = vector.extract_strided_slice %convert_element_type3A_12 {offsets = [0, 10], sizes = [512, 1], strides = [1, 1]} : vector<512x128xf32> to vector<512x1xf32>
    %slice3A_60 = vector.extract_strided_slice %convert_element_type3A_7 {offsets = [0, 1280], sizes = [512, 128], strides = [1, 1]} : vector<512x1408xf32> to vector<512x128xf32>
    %mul3A_61 = vector.broadcast %slice3A_59 : vector<512x1xf32> to vector<512x128xf32>
    %mul3A_62 = arith.mulf %mul3A_61, %slice3A_60 : vector<512x128xf32>
    %add3A_63 = arith.addf %add3A_58, %mul3A_62 : vector<512x128xf32>
    %swap3A = arith.constant 0 : index
    %swap3A_64 = arith.constant 0 : index
    %swap3A_65 = vector.load %arg4[%swap3A, %swap3A_64] : memref<512x128xf32, #tpu.memory_space<vmem>>, vector<512x128xf32>
    tpu.vector_store %arg4[%swap3A, %swap3A_64], %add3A_63 {strides = array<i32>} : memref<512x128xf32, #tpu.memory_space<vmem>>, vector<512x128xf32>,
    return
  }
  func.func @transform_0(%arg0: i32) -> (i32, i32) {
    %c0_i32 = arith.constant 0 : i32
    %c0_i32_0 = arith.constant 0 : i32
    return %arg0, %c0_i32 : i32, i32
  }
  func.func @transform_1(%arg0: i32) -> (i32, i32) {
    %c0_i32 = arith.constant 0 : i32
    %c0_i32_0 = arith.constant 0 : i32
    return %arg0, %c0_i32 : i32, i32
  }
  func.func @transform_2(%arg0: i32) -> (i32, i32) {
    %c0_i32 = arith.constant 0 : i32
    %c0_i32_0 = arith.constant 0 : i32
    %c0_i32_1 = arith.constant 0 : i32
    return %c0_i32, %c0_i32_0 : i32, i32
  }
  func.func @transform_3(%arg0: i32) -> (i32, i32) {
    %c0_i32 = arith.constant 0 : i32
    %c0_i32_0 = arith.constant 0 : i32
    return %arg0, %c0_i32 : i32, i32
  }
}

module attributes {stable_mosaic.version = 14 : i64} {
  func.func @body(%arg0: memref<2x4096x128xf32, #tpu.memory_space<vmem>>, %arg1: memref<2x4096x128xf32, #tpu.memory_space<vmem>>, %arg2: memref<4096x128xf32, #tpu.memory_space<vmem>>, %arg3: memref<128x128xf32, #tpu.memory_space<vmem>>, %arg4: memref<1x128xf32, #tpu.memory_space<vmem>>, %arg5: memref<4096x128xf32, #tpu.memory_space<vmem>>) attributes {dimension_semantics = [], scalar_prefetch = 0 : i64, scratch_operands = 0 : i64, tpu.core_type = #tpu.core_type<tc>} {
    %get3A = arith.constant 0 : index
    %get3A_0 = arith.constant 0 : index
    %get3A_1 = arith.constant 0 : index
    %get3A_2 = vector.load %arg0[%get3A, %get3A_0, %get3A_1] : memref<2x4096x128xf32, #tpu.memory_space<vmem>>, vector<1x4096x128xf32>
    %get3A_3 = vector.shape_cast %get3A_2 : vector<1x4096x128xf32> to vector<4096x128xf32>
    %get3A_4 = arith.constant 1 : index
    %get3A_5 = arith.constant 0 : index
    %get3A_6 = arith.constant 0 : index
    %get3A_7 = vector.load %arg0[%get3A_4, %get3A_5, %get3A_6] : memref<2x4096x128xf32, #tpu.memory_space<vmem>>, vector<1x4096x128xf32>
    %get3A_8 = vector.shape_cast %get3A_7 : vector<1x4096x128xf32> to vector<4096x128xf32>
    %add3A = arith.addf %get3A_3, %get3A_8 : vector<4096x128xf32>
    %get3A_9 = arith.constant 0 : index
    %get3A_10 = arith.constant 0 : index
    %get3A_11 = arith.constant 0 : index
    %get3A_12 = vector.load %arg1[%get3A_9, %get3A_10, %get3A_11] : memref<2x4096x128xf32, #tpu.memory_space<vmem>>, vector<1x4096x128xf32>
    %get3A_13 = vector.shape_cast %get3A_12 : vector<1x4096x128xf32> to vector<4096x128xf32>
    %get3A_14 = arith.constant 1 : index
    %get3A_15 = arith.constant 0 : index
    %get3A_16 = arith.constant 0 : index
    %get3A_17 = vector.load %arg1[%get3A_14, %get3A_15, %get3A_16] : memref<2x4096x128xf32, #tpu.memory_space<vmem>>, vector<1x4096x128xf32>
    %get3A_18 = vector.shape_cast %get3A_17 : vector<1x4096x128xf32> to vector<4096x128xf32>
    %add3A_19 = arith.addf %get3A_13, %get3A_18 : vector<4096x128xf32>
    %reduce_max3A = arith.constant dense<0xFF800000> : vector<4096xf32>
    %reduce_max3A_20 = vector.multi_reduction <maximumf>, %add3A_19, %reduce_max3A [1] : vector<4096x128xf32> to vector<4096xf32>
    %broadcast_in_dim3A = vector.shape_cast %reduce_max3A_20 : vector<4096xf32> to vector<4096x1xf32>
    %max3A = arith.constant 1.000000e+00 : f32
    %max3A_21 = vector.broadcast %max3A : f32 to vector<4096x1xf32>
    %max3A_22 = arith.maximumf %broadcast_in_dim3A, %max3A_21 : vector<4096x1xf32>
    %div3A = arith.constant 1.000000e+00 : f32
    %div3A_23 = vector.broadcast %div3A : f32 to vector<4096x1xf32>
    %div3A_24 = arith.divf %div3A_23, %max3A_22 : vector<4096x1xf32>
    %mul3A = vector.broadcast %div3A_24 : vector<4096x1xf32> to vector<4096x128xf32>
    %mul3A_25 = arith.mulf %add3A, %mul3A : vector<4096x128xf32>
    %get3A_26 = arith.constant 0 : index
    %get3A_27 = arith.constant 0 : index
    %get3A_28 = vector.load %arg2[%get3A_26, %get3A_27] : memref<4096x128xf32, #tpu.memory_space<vmem>>, vector<4096x128xf32>
    %get3A_29 = arith.constant 0 : index
    %get3A_30 = arith.constant 0 : index
    %get3A_31 = vector.load %arg3[%get3A_29, %get3A_30] : memref<128x128xf32, #tpu.memory_space<vmem>>, vector<128x128xf32>
    %dot_general3A = arith.constant dense<0.000000e+00> : vector<4096x128xf32>
    %dot_general3A_32 = tpu.matmul %get3A_28, %get3A_31, %dot_general3A {dimension_numbers = #tpu.dot_dimension_numbers<[1], [0], [0], [1], [0, 0, 1, 1], [], []>, transpose_lhs_hint = false} : vector<4096x128xf32>, vector<128x128xf32>, vector<4096x128xf32> -> vector<4096x128xf32>
    %add3A_33 = arith.addf %mul3A_25, %dot_general3A_32 : vector<4096x128xf32>
    %get3A_34 = arith.constant 0 : index
    %get3A_35 = arith.constant 0 : index
    %get3A_36 = vector.load %arg4[%get3A_34, %get3A_35] : memref<1x128xf32, #tpu.memory_space<vmem>>, vector<1x128xf32>
    %add3A_37 = vector.broadcast %get3A_36 : vector<1x128xf32> to vector<4096x128xf32>
    %add3A_38 = arith.addf %add3A_33, %add3A_37 : vector<4096x128xf32>
    %ge3A = arith.constant 0.000000e+00 : f32
    %ge3A_39 = vector.broadcast %ge3A : f32 to vector<4096x128xf32>
    %ge3A_40 = arith.cmpf oge, %add3A_38, %ge3A_39 : vector<4096x128xf32>
    %mul3A_41 = arith.constant 0.00999999977 : f32
    %mul3A_42 = vector.broadcast %mul3A_41 : f32 to vector<4096x128xf32>
    %mul3A_43 = arith.mulf %mul3A_42, %add3A_38 : vector<4096x128xf32>
    %select_n3A = arith.select %ge3A_40, %add3A_38, %mul3A_43 : vector<4096x128xi1>, vector<4096x128xf32>
    %swap3A = arith.constant 0 : index
    %swap3A_44 = arith.constant 0 : index
    %swap3A_45 = vector.load %arg5[%swap3A, %swap3A_44] : memref<4096x128xf32, #tpu.memory_space<vmem>>, vector<4096x128xf32>
    tpu.vector_store %arg5[%swap3A, %swap3A_44], %select_n3A {strides = array<i32>} : memref<4096x128xf32, #tpu.memory_space<vmem>>, vector<4096x128xf32>,
    return
  }
}

module attributes {stable_mosaic.version = 14 : i64} {
  func.func @body(%arg0: i32, %arg1: memref<256x256xf32, #tpu.memory_space<vmem>>, %arg2: memref<256x256xf32, #tpu.memory_space<vmem>>, %arg3: memref<256x17792xbf16, #tpu.memory_space<vmem>>, %arg4: memref<256x128xf32, #tpu.memory_space<vmem>>) attributes {dimension_semantics = [#tpu.dimension_semantics<arbitrary>], iteration_bounds = array<i64: 32>, scalar_prefetch = 0 : i64, scratch_operands = 0 : i64, tpu.core_type = #tpu.core_type<tc>, window_params = [{transform_indices = @transform_0, window_bounds = array<i64: 256, 256>}, {transform_indices = @transform_1, window_bounds = array<i64: 256, 256>}, {pipeline_mode = #tpu.pipeline_mode<synchronous>, transform_indices = @transform_2, window_bounds = array<i64: 256, 17792>}, {transform_indices = @transform_3, window_bounds = array<i64: 256, 128>}]} {
    %get3A = arith.constant 0 : index
    %get3A_0 = arith.constant 0 : index
    %get3A_1 = vector.load %arg1[%get3A, %get3A_0] : memref<256x256xf32, #tpu.memory_space<vmem>>, vector<256x256xf32>
    %convert_element_type3A = arith.truncf %get3A_1 : vector<256x256xf32> to vector<256x256xbf16>
    %get3A_2 = arith.constant 0 : index
    %get3A_3 = arith.constant 0 : index
    %get3A_4 = vector.load %arg3[%get3A_2, %get3A_3] : memref<256x17792xbf16, #tpu.memory_space<vmem>>, vector<256x17792xbf16>
    %dot_general3A = arith.constant dense<0.000000e+00> : vector<256x17792xf32>
    %dot_general3A_5 = tpu.matmul %convert_element_type3A, %get3A_4, %dot_general3A {dimension_numbers = #tpu.dot_dimension_numbers<[1], [0], [0], [1], [0, 0, 1, 1], [], []>, transpose_lhs_hint = false} : vector<256x256xbf16>, vector<256x17792xbf16>, vector<256x17792xf32> -> vector<256x17792xf32>
    %convert_element_type3A_6 = arith.truncf %dot_general3A_5 : vector<256x17792xf32> to vector<256x17792xbf16>
    %convert_element_type3A_7 = arith.extf %convert_element_type3A_6 : vector<256x17792xbf16> to vector<256x17792xf32>
    %get3A_8 = arith.constant 0 : index
    %get3A_9 = arith.constant 0 : index
    %get3A_10 = vector.load %arg2[%get3A_8, %get3A_9] : memref<256x256xf32, #tpu.memory_space<vmem>>, vector<256x256xf32>
    %convert_element_type3A_11 = arith.truncf %get3A_10 : vector<256x256xf32> to vector<256x256xbf16>
    %convert_element_type3A_12 = arith.extf %convert_element_type3A_11 : vector<256x256xbf16> to vector<256x256xf32>
    %slice3A = vector.extract_strided_slice %convert_element_type3A_12 {offsets = [0, 0], sizes = [256, 1], strides = [1, 1]} : vector<256x256xf32> to vector<256x1xf32>
    %slice3A_13 = vector.extract_strided_slice %convert_element_type3A_7 {offsets = [0, 0], sizes = [256, 128], strides = [1, 1]} : vector<256x17792xf32> to vector<256x128xf32>
    %mul3A = vector.broadcast %slice3A : vector<256x1xf32> to vector<256x128xf32>
    %mul3A_14 = arith.mulf %mul3A, %slice3A_13 : vector<256x128xf32>
    %slice3A_15 = vector.extract_strided_slice %convert_element_type3A_12 {offsets = [0, 1], sizes = [256, 1], strides = [1, 1]} : vector<256x256xf32> to vector<256x1xf32>
    %slice3A_16 = vector.extract_strided_slice %convert_element_type3A_7 {offsets = [0, 128], sizes = [256, 128], strides = [1, 1]} : vector<256x17792xf32> to vector<256x128xf32>
    %mul3A_17 = vector.broadcast %slice3A_15 : vector<256x1xf32> to vector<256x128xf32>
    %mul3A_18 = arith.mulf %mul3A_17, %slice3A_16 : vector<256x128xf32>
    %add3A = arith.addf %mul3A_14, %mul3A_18 : vector<256x128xf32>
    %slice3A_19 = vector.extract_strided_slice %convert_element_type3A_12 {offsets = [0, 2], sizes = [256, 1], strides = [1, 1]} : vector<256x256xf32> to vector<256x1xf32>
    %slice3A_20 = vector.extract_strided_slice %convert_element_type3A_7 {offsets = [0, 256], sizes = [256, 128], strides = [1, 1]} : vector<256x17792xf32> to vector<256x128xf32>
    %mul3A_21 = vector.broadcast %slice3A_19 : vector<256x1xf32> to vector<256x128xf32>
    %mul3A_22 = arith.mulf %mul3A_21, %slice3A_20 : vector<256x128xf32>
    %add3A_23 = arith.addf %add3A, %mul3A_22 : vector<256x128xf32>
    %slice3A_24 = vector.extract_strided_slice %convert_element_type3A_12 {offsets = [0, 3], sizes = [256, 1], strides = [1, 1]} : vector<256x256xf32> to vector<256x1xf32>
    %slice3A_25 = vector.extract_strided_slice %convert_element_type3A_7 {offsets = [0, 384], sizes = [256, 128], strides = [1, 1]} : vector<256x17792xf32> to vector<256x128xf32>
    %mul3A_26 = vector.broadcast %slice3A_24 : vector<256x1xf32> to vector<256x128xf32>
    %mul3A_27 = arith.mulf %mul3A_26, %slice3A_25 : vector<256x128xf32>
    %add3A_28 = arith.addf %add3A_23, %mul3A_27 : vector<256x128xf32>
    %slice3A_29 = vector.extract_strided_slice %convert_element_type3A_12 {offsets = [0, 4], sizes = [256, 1], strides = [1, 1]} : vector<256x256xf32> to vector<256x1xf32>
    %slice3A_30 = vector.extract_strided_slice %convert_element_type3A_7 {offsets = [0, 512], sizes = [256, 128], strides = [1, 1]} : vector<256x17792xf32> to vector<256x128xf32>
    %mul3A_31 = vector.broadcast %slice3A_29 : vector<256x1xf32> to vector<256x128xf32>
    %mul3A_32 = arith.mulf %mul3A_31, %slice3A_30 : vector<256x128xf32>
    %add3A_33 = arith.addf %add3A_28, %mul3A_32 : vector<256x128xf32>
    %slice3A_34 = vector.extract_strided_slice %convert_element_type3A_12 {offsets = [0, 5], sizes = [256, 1], strides = [1, 1]} : vector<256x256xf32> to vector<256x1xf32>
    %slice3A_35 = vector.extract_strided_slice %convert_element_type3A_7 {offsets = [0, 640], sizes = [256, 128], strides = [1, 1]} : vector<256x17792xf32> to vector<256x128xf32>
    %mul3A_36 = vector.broadcast %slice3A_34 : vector<256x1xf32> to vector<256x128xf32>
    %mul3A_37 = arith.mulf %mul3A_36, %slice3A_35 : vector<256x128xf32>
    %add3A_38 = arith.addf %add3A_33, %mul3A_37 : vector<256x128xf32>
    %slice3A_39 = vector.extract_strided_slice %convert_element_type3A_12 {offsets = [0, 6], sizes = [256, 1], strides = [1, 1]} : vector<256x256xf32> to vector<256x1xf32>
    %slice3A_40 = vector.extract_strided_slice %convert_element_type3A_7 {offsets = [0, 768], sizes = [256, 128], strides = [1, 1]} : vector<256x17792xf32> to vector<256x128xf32>
    %mul3A_41 = vector.broadcast %slice3A_39 : vector<256x1xf32> to vector<256x128xf32>
    %mul3A_42 = arith.mulf %mul3A_41, %slice3A_40 : vector<256x128xf32>
    %add3A_43 = arith.addf %add3A_38, %mul3A_42 : vector<256x128xf32>
    %slice3A_44 = vector.extract_strided_slice %convert_element_type3A_12 {offsets = [0, 7], sizes = [256, 1], strides = [1, 1]} : vector<256x256xf32> to vector<256x1xf32>
    %slice3A_45 = vector.extract_strided_slice %convert_element_type3A_7 {offsets = [0, 896], sizes = [256, 128], strides = [1, 1]} : vector<256x17792xf32> to vector<256x128xf32>
    %mul3A_46 = vector.broadcast %slice3A_44 : vector<256x1xf32> to vector<256x128xf32>
    %mul3A_47 = arith.mulf %mul3A_46, %slice3A_45 : vector<256x128xf32>
    %add3A_48 = arith.addf %add3A_43, %mul3A_47 : vector<256x128xf32>
    %slice3A_49 = vector.extract_strided_slice %convert_element_type3A_12 {offsets = [0, 8], sizes = [256, 1], strides = [1, 1]} : vector<256x256xf32> to vector<256x1xf32>
    %slice3A_50 = vector.extract_strided_slice %convert_element_type3A_7 {offsets = [0, 1024], sizes = [256, 128], strides = [1, 1]} : vector<256x17792xf32> to vector<256x128xf32>
    %mul3A_51 = vector.broadcast %slice3A_49 : vector<256x1xf32> to vector<256x128xf32>
    %mul3A_52 = arith.mulf %mul3A_51, %slice3A_50 : vector<256x128xf32>
    %add3A_53 = arith.addf %add3A_48, %mul3A_52 : vector<256x128xf32>
    %slice3A_54 = vector.extract_strided_slice %convert_element_type3A_12 {offsets = [0, 9], sizes = [256, 1], strides = [1, 1]} : vector<256x256xf32> to vector<256x1xf32>
    %slice3A_55 = vector.extract_strided_slice %convert_element_type3A_7 {offsets = [0, 1152], sizes = [256, 128], strides = [1, 1]} : vector<256x17792xf32> to vector<256x128xf32>
    %mul3A_56 = vector.broadcast %slice3A_54 : vector<256x1xf32> to vector<256x128xf32>
    %mul3A_57 = arith.mulf %mul3A_56, %slice3A_55 : vector<256x128xf32>
    %add3A_58 = arith.addf %add3A_53, %mul3A_57 : vector<256x128xf32>
    %slice3A_59 = vector.extract_strided_slice %convert_element_type3A_12 {offsets = [0, 10], sizes = [256, 1], strides = [1, 1]} : vector<256x256xf32> to vector<256x1xf32>
    %slice3A_60 = vector.extract_strided_slice %convert_element_type3A_7 {offsets = [0, 1280], sizes = [256, 128], strides = [1, 1]} : vector<256x17792xf32> to vector<256x128xf32>
    %mul3A_61 = vector.broadcast %slice3A_59 : vector<256x1xf32> to vector<256x128xf32>
    %mul3A_62 = arith.mulf %mul3A_61, %slice3A_60 : vector<256x128xf32>
    %add3A_63 = arith.addf %add3A_58, %mul3A_62 : vector<256x128xf32>
    %slice3A_64 = vector.extract_strided_slice %convert_element_type3A_12 {offsets = [0, 11], sizes = [256, 1], strides = [1, 1]} : vector<256x256xf32> to vector<256x1xf32>
    %slice3A_65 = vector.extract_strided_slice %convert_element_type3A_7 {offsets = [0, 1408], sizes = [256, 128], strides = [1, 1]} : vector<256x17792xf32> to vector<256x128xf32>
    %mul3A_66 = vector.broadcast %slice3A_64 : vector<256x1xf32> to vector<256x128xf32>
    %mul3A_67 = arith.mulf %mul3A_66, %slice3A_65 : vector<256x128xf32>
    %add3A_68 = arith.addf %add3A_63, %mul3A_67 : vector<256x128xf32>
    %slice3A_69 = vector.extract_strided_slice %convert_element_type3A_12 {offsets = [0, 12], sizes = [256, 1], strides = [1, 1]} : vector<256x256xf32> to vector<256x1xf32>
    %slice3A_70 = vector.extract_strided_slice %convert_element_type3A_7 {offsets = [0, 1536], sizes = [256, 128], strides = [1, 1]} : vector<256x17792xf32> to vector<256x128xf32>
    %mul3A_71 = vector.broadcast %slice3A_69 : vector<256x1xf32> to vector<256x128xf32>
    %mul3A_72 = arith.mulf %mul3A_71, %slice3A_70 : vector<256x128xf32>
    %add3A_73 = arith.addf %add3A_68, %mul3A_72 : vector<256x128xf32>
    %slice3A_74 = vector.extract_strided_slice %convert_element_type3A_12 {offsets = [0, 13], sizes = [256, 1], strides = [1, 1]} : vector<256x256xf32> to vector<256x1xf32>
    %slice3A_75 = vector.extract_strided_slice %convert_element_type3A_7 {offsets = [0, 1664], sizes = [256, 128], strides = [1, 1]} : vector<256x17792xf32> to vector<256x128xf32>
    %mul3A_76 = vector.broadcast %slice3A_74 : vector<256x1xf32> to vector<256x128xf32>
    %mul3A_77 = arith.mulf %mul3A_76, %slice3A_75 : vector<256x128xf32>
    %add3A_78 = arith.addf %add3A_73, %mul3A_77 : vector<256x128xf32>
    %slice3A_79 = vector.extract_strided_slice %convert_element_type3A_12 {offsets = [0, 14], sizes = [256, 1], strides = [1, 1]} : vector<256x256xf32> to vector<256x1xf32>
    %slice3A_80 = vector.extract_strided_slice %convert_element_type3A_7 {offsets = [0, 1792], sizes = [256, 128], strides = [1, 1]} : vector<256x17792xf32> to vector<256x128xf32>
    %mul3A_81 = vector.broadcast %slice3A_79 : vector<256x1xf32> to vector<256x128xf32>
    %mul3A_82 = arith.mulf %mul3A_81, %slice3A_80 : vector<256x128xf32>
    %add3A_83 = arith.addf %add3A_78, %mul3A_82 : vector<256x128xf32>
    %slice3A_84 = vector.extract_strided_slice %convert_element_type3A_12 {offsets = [0, 15], sizes = [256, 1], strides = [1, 1]} : vector<256x256xf32> to vector<256x1xf32>
    %slice3A_85 = vector.extract_strided_slice %convert_element_type3A_7 {offsets = [0, 1920], sizes = [256, 128], strides = [1, 1]} : vector<256x17792xf32> to vector<256x128xf32>
    %mul3A_86 = vector.broadcast %slice3A_84 : vector<256x1xf32> to vector<256x128xf32>
    %mul3A_87 = arith.mulf %mul3A_86, %slice3A_85 : vector<256x128xf32>
    %add3A_88 = arith.addf %add3A_83, %mul3A_87 : vector<256x128xf32>
    %slice3A_89 = vector.extract_strided_slice %convert_element_type3A_12 {offsets = [0, 16], sizes = [256, 1], strides = [1, 1]} : vector<256x256xf32> to vector<256x1xf32>
    %slice3A_90 = vector.extract_strided_slice %convert_element_type3A_7 {offsets = [0, 2048], sizes = [256, 128], strides = [1, 1]} : vector<256x17792xf32> to vector<256x128xf32>
    %mul3A_91 = vector.broadcast %slice3A_89 : vector<256x1xf32> to vector<256x128xf32>
    %mul3A_92 = arith.mulf %mul3A_91, %slice3A_90 : vector<256x128xf32>
    %add3A_93 = arith.addf %add3A_88, %mul3A_92 : vector<256x128xf32>
    %slice3A_94 = vector.extract_strided_slice %convert_element_type3A_12 {offsets = [0, 17], sizes = [256, 1], strides = [1, 1]} : vector<256x256xf32> to vector<256x1xf32>
    %slice3A_95 = vector.extract_strided_slice %convert_element_type3A_7 {offsets = [0, 2176], sizes = [256, 128], strides = [1, 1]} : vector<256x17792xf32> to vector<256x128xf32>
    %mul3A_96 = vector.broadcast %slice3A_94 : vector<256x1xf32> to vector<256x128xf32>
    %mul3A_97 = arith.mulf %mul3A_96, %slice3A_95 : vector<256x128xf32>
    %add3A_98 = arith.addf %add3A_93, %mul3A_97 : vector<256x128xf32>
    %slice3A_99 = vector.extract_strided_slice %convert_element_type3A_12 {offsets = [0, 18], sizes = [256, 1], strides = [1, 1]} : vector<256x256xf32> to vector<256x1xf32>
    %slice3A_100 = vector.extract_strided_slice %convert_element_type3A_7 {offsets = [0, 2304], sizes = [256, 128], strides = [1, 1]} : vector<256x17792xf32> to vector<256x128xf32>
    %mul3A_101 = vector.broadcast %slice3A_99 : vector<256x1xf32> to vector<256x128xf32>
    %mul3A_102 = arith.mulf %mul3A_101, %slice3A_100 : vector<256x128xf32>
    %add3A_103 = arith.addf %add3A_98, %mul3A_102 : vector<256x128xf32>
    %slice3A_104 = vector.extract_strided_slice %convert_element_type3A_12 {offsets = [0, 19], sizes = [256, 1], strides = [1, 1]} : vector<256x256xf32> to vector<256x1xf32>
    %slice3A_105 = vector.extract_strided_slice %convert_element_type3A_7 {offsets = [0, 2432], sizes = [256, 128], strides = [1, 1]} : vector<256x17792xf32> to vector<256x128xf32>
    %mul3A_106 = vector.broadcast %slice3A_104 : vector<256x1xf32> to vector<256x128xf32>
    %mul3A_107 = arith.mulf %mul3A_106, %slice3A_105 : vector<256x128xf32>
    %add3A_108 = arith.addf %add3A_103, %mul3A_107 : vector<256x128xf32>
    %slice3A_109 = vector.extract_strided_slice %convert_element_type3A_12 {offsets = [0, 20], sizes = [256, 1], strides = [1, 1]} : vector<256x256xf32> to vector<256x1xf32>
    %slice3A_110 = vector.extract_strided_slice %convert_element_type3A_7 {offsets = [0, 2560], sizes = [256, 128], strides = [1, 1]} : vector<256x17792xf32> to vector<256x128xf32>
    %mul3A_111 = vector.broadcast %slice3A_109 : vector<256x1xf32> to vector<256x128xf32>
    %mul3A_112 = arith.mulf %mul3A_111, %slice3A_110 : vector<256x128xf32>
    %add3A_113 = arith.addf %add3A_108, %mul3A_112 : vector<256x128xf32>
    %slice3A_114 = vector.extract_strided_slice %convert_element_type3A_12 {offsets = [0, 21], sizes = [256, 1], strides = [1, 1]} : vector<256x256xf32> to vector<256x1xf32>
    %slice3A_115 = vector.extract_strided_slice %convert_element_type3A_7 {offsets = [0, 2688], sizes = [256, 128], strides = [1, 1]} : vector<256x17792xf32> to vector<256x128xf32>
    %mul3A_116 = vector.broadcast %slice3A_114 : vector<256x1xf32> to vector<256x128xf32>
    %mul3A_117 = arith.mulf %mul3A_116, %slice3A_115 : vector<256x128xf32>
    %add3A_118 = arith.addf %add3A_113, %mul3A_117 : vector<256x128xf32>
    %slice3A_119 = vector.extract_strided_slice %convert_element_type3A_12 {offsets = [0, 22], sizes = [256, 1], strides = [1, 1]} : vector<256x256xf32> to vector<256x1xf32>
    %slice3A_120 = vector.extract_strided_slice %convert_element_type3A_7 {offsets = [0, 2816], sizes = [256, 128], strides = [1, 1]} : vector<256x17792xf32> to vector<256x128xf32>
    %mul3A_121 = vector.broadcast %slice3A_119 : vector<256x1xf32> to vector<256x128xf32>
    %mul3A_122 = arith.mulf %mul3A_121, %slice3A_120 : vector<256x128xf32>
    %add3A_123 = arith.addf %add3A_118, %mul3A_122 : vector<256x128xf32>
    %slice3A_124 = vector.extract_strided_slice %convert_element_type3A_12 {offsets = [0, 23], sizes = [256, 1], strides = [1, 1]} : vector<256x256xf32> to vector<256x1xf32>
    %slice3A_125 = vector.extract_strided_slice %convert_element_type3A_7 {offsets = [0, 2944], sizes = [256, 128], strides = [1, 1]} : vector<256x17792xf32> to vector<256x128xf32>
    %mul3A_126 = vector.broadcast %slice3A_124 : vector<256x1xf32> to vector<256x128xf32>
    %mul3A_127 = arith.mulf %mul3A_126, %slice3A_125 : vector<256x128xf32>
    %add3A_128 = arith.addf %add3A_123, %mul3A_127 : vector<256x128xf32>
    %slice3A_129 = vector.extract_strided_slice %convert_element_type3A_12 {offsets = [0, 24], sizes = [256, 1], strides = [1, 1]} : vector<256x256xf32> to vector<256x1xf32>
    %slice3A_130 = vector.extract_strided_slice %convert_element_type3A_7 {offsets = [0, 3072], sizes = [256, 128], strides = [1, 1]} : vector<256x17792xf32> to vector<256x128xf32>
    %mul3A_131 = vector.broadcast %slice3A_129 : vector<256x1xf32> to vector<256x128xf32>
    %mul3A_132 = arith.mulf %mul3A_131, %slice3A_130 : vector<256x128xf32>
    %add3A_133 = arith.addf %add3A_128, %mul3A_132 : vector<256x128xf32>
    %slice3A_134 = vector.extract_strided_slice %convert_element_type3A_12 {offsets = [0, 25], sizes = [256, 1], strides = [1, 1]} : vector<256x256xf32> to vector<256x1xf32>
    %slice3A_135 = vector.extract_strided_slice %convert_element_type3A_7 {offsets = [0, 3200], sizes = [256, 128], strides = [1, 1]} : vector<256x17792xf32> to vector<256x128xf32>
    %mul3A_136 = vector.broadcast %slice3A_134 : vector<256x1xf32> to vector<256x128xf32>
    %mul3A_137 = arith.mulf %mul3A_136, %slice3A_135 : vector<256x128xf32>
    %add3A_138 = arith.addf %add3A_133, %mul3A_137 : vector<256x128xf32>
    %slice3A_139 = vector.extract_strided_slice %convert_element_type3A_12 {offsets = [0, 26], sizes = [256, 1], strides = [1, 1]} : vector<256x256xf32> to vector<256x1xf32>
    %slice3A_140 = vector.extract_strided_slice %convert_element_type3A_7 {offsets = [0, 3328], sizes = [256, 128], strides = [1, 1]} : vector<256x17792xf32> to vector<256x128xf32>
    %mul3A_141 = vector.broadcast %slice3A_139 : vector<256x1xf32> to vector<256x128xf32>
    %mul3A_142 = arith.mulf %mul3A_141, %slice3A_140 : vector<256x128xf32>
    %add3A_143 = arith.addf %add3A_138, %mul3A_142 : vector<256x128xf32>
    %slice3A_144 = vector.extract_strided_slice %convert_element_type3A_12 {offsets = [0, 27], sizes = [256, 1], strides = [1, 1]} : vector<256x256xf32> to vector<256x1xf32>
    %slice3A_145 = vector.extract_strided_slice %convert_element_type3A_7 {offsets = [0, 3456], sizes = [256, 128], strides = [1, 1]} : vector<256x17792xf32> to vector<256x128xf32>
    %mul3A_146 = vector.broadcast %slice3A_144 : vector<256x1xf32> to vector<256x128xf32>
    %mul3A_147 = arith.mulf %mul3A_146, %slice3A_145 : vector<256x128xf32>
    %add3A_148 = arith.addf %add3A_143, %mul3A_147 : vector<256x128xf32>
    %slice3A_149 = vector.extract_strided_slice %convert_element_type3A_12 {offsets = [0, 28], sizes = [256, 1], strides = [1, 1]} : vector<256x256xf32> to vector<256x1xf32>
    %slice3A_150 = vector.extract_strided_slice %convert_element_type3A_7 {offsets = [0, 3584], sizes = [256, 128], strides = [1, 1]} : vector<256x17792xf32> to vector<256x128xf32>
    %mul3A_151 = vector.broadcast %slice3A_149 : vector<256x1xf32> to vector<256x128xf32>
    %mul3A_152 = arith.mulf %mul3A_151, %slice3A_150 : vector<256x128xf32>
    %add3A_153 = arith.addf %add3A_148, %mul3A_152 : vector<256x128xf32>
    %slice3A_154 = vector.extract_strided_slice %convert_element_type3A_12 {offsets = [0, 29], sizes = [256, 1], strides = [1, 1]} : vector<256x256xf32> to vector<256x1xf32>
    %slice3A_155 = vector.extract_strided_slice %convert_element_type3A_7 {offsets = [0, 3712], sizes = [256, 128], strides = [1, 1]} : vector<256x17792xf32> to vector<256x128xf32>
    %mul3A_156 = vector.broadcast %slice3A_154 : vector<256x1xf32> to vector<256x128xf32>
    %mul3A_157 = arith.mulf %mul3A_156, %slice3A_155 : vector<256x128xf32>
    %add3A_158 = arith.addf %add3A_153, %mul3A_157 : vector<256x128xf32>
    %slice3A_159 = vector.extract_strided_slice %convert_element_type3A_12 {offsets = [0, 30], sizes = [256, 1], strides = [1, 1]} : vector<256x256xf32> to vector<256x1xf32>
    %slice3A_160 = vector.extract_strided_slice %convert_element_type3A_7 {offsets = [0, 3840], sizes = [256, 128], strides = [1, 1]} : vector<256x17792xf32> to vector<256x128xf32>
    %mul3A_161 = vector.broadcast %slice3A_159 : vector<256x1xf32> to vector<256x128xf32>
    %mul3A_162 = arith.mulf %mul3A_161, %slice3A_160 : vector<256x128xf32>
    %add3A_163 = arith.addf %add3A_158, %mul3A_162 : vector<256x128xf32>
    %slice3A_164 = vector.extract_strided_slice %convert_element_type3A_12 {offsets = [0, 31], sizes = [256, 1], strides = [1, 1]} : vector<256x256xf32> to vector<256x1xf32>
    %slice3A_165 = vector.extract_strided_slice %convert_element_type3A_7 {offsets = [0, 3968], sizes = [256, 128], strides = [1, 1]} : vector<256x17792xf32> to vector<256x128xf32>
    %mul3A_166 = vector.broadcast %slice3A_164 : vector<256x1xf32> to vector<256x128xf32>
    %mul3A_167 = arith.mulf %mul3A_166, %slice3A_165 : vector<256x128xf32>
    %add3A_168 = arith.addf %add3A_163, %mul3A_167 : vector<256x128xf32>
    %slice3A_169 = vector.extract_strided_slice %convert_element_type3A_12 {offsets = [0, 32], sizes = [256, 1], strides = [1, 1]} : vector<256x256xf32> to vector<256x1xf32>
    %slice3A_170 = vector.extract_strided_slice %convert_element_type3A_7 {offsets = [0, 4096], sizes = [256, 128], strides = [1, 1]} : vector<256x17792xf32> to vector<256x128xf32>
    %mul3A_171 = vector.broadcast %slice3A_169 : vector<256x1xf32> to vector<256x128xf32>
    %mul3A_172 = arith.mulf %mul3A_171, %slice3A_170 : vector<256x128xf32>
    %add3A_173 = arith.addf %add3A_168, %mul3A_172 : vector<256x128xf32>
    %slice3A_174 = vector.extract_strided_slice %convert_element_type3A_12 {offsets = [0, 33], sizes = [256, 1], strides = [1, 1]} : vector<256x256xf32> to vector<256x1xf32>
    %slice3A_175 = vector.extract_strided_slice %convert_element_type3A_7 {offsets = [0, 4224], sizes = [256, 128], strides = [1, 1]} : vector<256x17792xf32> to vector<256x128xf32>
    %mul3A_176 = vector.broadcast %slice3A_174 : vector<256x1xf32> to vector<256x128xf32>
    %mul3A_177 = arith.mulf %mul3A_176, %slice3A_175 : vector<256x128xf32>
    %add3A_178 = arith.addf %add3A_173, %mul3A_177 : vector<256x128xf32>
    %slice3A_179 = vector.extract_strided_slice %convert_element_type3A_12 {offsets = [0, 34], sizes = [256, 1], strides = [1, 1]} : vector<256x256xf32> to vector<256x1xf32>
    %slice3A_180 = vector.extract_strided_slice %convert_element_type3A_7 {offsets = [0, 4352], sizes = [256, 128], strides = [1, 1]} : vector<256x17792xf32> to vector<256x128xf32>
    %mul3A_181 = vector.broadcast %slice3A_179 : vector<256x1xf32> to vector<256x128xf32>
    %mul3A_182 = arith.mulf %mul3A_181, %slice3A_180 : vector<256x128xf32>
    %add3A_183 = arith.addf %add3A_178, %mul3A_182 : vector<256x128xf32>
    %slice3A_184 = vector.extract_strided_slice %convert_element_type3A_12 {offsets = [0, 35], sizes = [256, 1], strides = [1, 1]} : vector<256x256xf32> to vector<256x1xf32>
    %slice3A_185 = vector.extract_strided_slice %convert_element_type3A_7 {offsets = [0, 4480], sizes = [256, 128], strides = [1, 1]} : vector<256x17792xf32> to vector<256x128xf32>
    %mul3A_186 = vector.broadcast %slice3A_184 : vector<256x1xf32> to vector<256x128xf32>
    %mul3A_187 = arith.mulf %mul3A_186, %slice3A_185 : vector<256x128xf32>
    %add3A_188 = arith.addf %add3A_183, %mul3A_187 : vector<256x128xf32>
    %slice3A_189 = vector.extract_strided_slice %convert_element_type3A_12 {offsets = [0, 36], sizes = [256, 1], strides = [1, 1]} : vector<256x256xf32> to vector<256x1xf32>
    %slice3A_190 = vector.extract_strided_slice %convert_element_type3A_7 {offsets = [0, 4608], sizes = [256, 128], strides = [1, 1]} : vector<256x17792xf32> to vector<256x128xf32>
    %mul3A_191 = vector.broadcast %slice3A_189 : vector<256x1xf32> to vector<256x128xf32>
    %mul3A_192 = arith.mulf %mul3A_191, %slice3A_190 : vector<256x128xf32>
    %add3A_193 = arith.addf %add3A_188, %mul3A_192 : vector<256x128xf32>
    %slice3A_194 = vector.extract_strided_slice %convert_element_type3A_12 {offsets = [0, 37], sizes = [256, 1], strides = [1, 1]} : vector<256x256xf32> to vector<256x1xf32>
    %slice3A_195 = vector.extract_strided_slice %convert_element_type3A_7 {offsets = [0, 4736], sizes = [256, 128], strides = [1, 1]} : vector<256x17792xf32> to vector<256x128xf32>
    %mul3A_196 = vector.broadcast %slice3A_194 : vector<256x1xf32> to vector<256x128xf32>
    %mul3A_197 = arith.mulf %mul3A_196, %slice3A_195 : vector<256x128xf32>
    %add3A_198 = arith.addf %add3A_193, %mul3A_197 : vector<256x128xf32>
    %slice3A_199 = vector.extract_strided_slice %convert_element_type3A_12 {offsets = [0, 38], sizes = [256, 1], strides = [1, 1]} : vector<256x256xf32> to vector<256x1xf32>
    %slice3A_200 = vector.extract_strided_slice %convert_element_type3A_7 {offsets = [0, 4864], sizes = [256, 128], strides = [1, 1]} : vector<256x17792xf32> to vector<256x128xf32>
    %mul3A_201 = vector.broadcast %slice3A_199 : vector<256x1xf32> to vector<256x128xf32>
    %mul3A_202 = arith.mulf %mul3A_201, %slice3A_200 : vector<256x128xf32>
    %add3A_203 = arith.addf %add3A_198, %mul3A_202 : vector<256x128xf32>
    %slice3A_204 = vector.extract_strided_slice %convert_element_type3A_12 {offsets = [0, 39], sizes = [256, 1], strides = [1, 1]} : vector<256x256xf32> to vector<256x1xf32>
    %slice3A_205 = vector.extract_strided_slice %convert_element_type3A_7 {offsets = [0, 4992], sizes = [256, 128], strides = [1, 1]} : vector<256x17792xf32> to vector<256x128xf32>
    %mul3A_206 = vector.broadcast %slice3A_204 : vector<256x1xf32> to vector<256x128xf32>
    %mul3A_207 = arith.mulf %mul3A_206, %slice3A_205 : vector<256x128xf32>
    %add3A_208 = arith.addf %add3A_203, %mul3A_207 : vector<256x128xf32>
    %slice3A_209 = vector.extract_strided_slice %convert_element_type3A_12 {offsets = [0, 40], sizes = [256, 1], strides = [1, 1]} : vector<256x256xf32> to vector<256x1xf32>
    %slice3A_210 = vector.extract_strided_slice %convert_element_type3A_7 {offsets = [0, 5120], sizes = [256, 128], strides = [1, 1]} : vector<256x17792xf32> to vector<256x128xf32>
    %mul3A_211 = vector.broadcast %slice3A_209 : vector<256x1xf32> to vector<256x128xf32>
    %mul3A_212 = arith.mulf %mul3A_211, %slice3A_210 : vector<256x128xf32>
    %add3A_213 = arith.addf %add3A_208, %mul3A_212 : vector<256x128xf32>
    %slice3A_214 = vector.extract_strided_slice %convert_element_type3A_12 {offsets = [0, 41], sizes = [256, 1], strides = [1, 1]} : vector<256x256xf32> to vector<256x1xf32>
    %slice3A_215 = vector.extract_strided_slice %convert_element_type3A_7 {offsets = [0, 5248], sizes = [256, 128], strides = [1, 1]} : vector<256x17792xf32> to vector<256x128xf32>
    %mul3A_216 = vector.broadcast %slice3A_214 : vector<256x1xf32> to vector<256x128xf32>
    %mul3A_217 = arith.mulf %mul3A_216, %slice3A_215 : vector<256x128xf32>
    %add3A_218 = arith.addf %add3A_213, %mul3A_217 : vector<256x128xf32>
    %slice3A_219 = vector.extract_strided_slice %convert_element_type3A_12 {offsets = [0, 42], sizes = [256, 1], strides = [1, 1]} : vector<256x256xf32> to vector<256x1xf32>
    %slice3A_220 = vector.extract_strided_slice %convert_element_type3A_7 {offsets = [0, 5376], sizes = [256, 128], strides = [1, 1]} : vector<256x17792xf32> to vector<256x128xf32>
    %mul3A_221 = vector.broadcast %slice3A_219 : vector<256x1xf32> to vector<256x128xf32>
    %mul3A_222 = arith.mulf %mul3A_221, %slice3A_220 : vector<256x128xf32>
    %add3A_223 = arith.addf %add3A_218, %mul3A_222 : vector<256x128xf32>
    %slice3A_224 = vector.extract_strided_slice %convert_element_type3A_12 {offsets = [0, 43], sizes = [256, 1], strides = [1, 1]} : vector<256x256xf32> to vector<256x1xf32>
    %slice3A_225 = vector.extract_strided_slice %convert_element_type3A_7 {offsets = [0, 5504], sizes = [256, 128], strides = [1, 1]} : vector<256x17792xf32> to vector<256x128xf32>
    %mul3A_226 = vector.broadcast %slice3A_224 : vector<256x1xf32> to vector<256x128xf32>
    %mul3A_227 = arith.mulf %mul3A_226, %slice3A_225 : vector<256x128xf32>
    %add3A_228 = arith.addf %add3A_223, %mul3A_227 : vector<256x128xf32>
    %slice3A_229 = vector.extract_strided_slice %convert_element_type3A_12 {offsets = [0, 44], sizes = [256, 1], strides = [1, 1]} : vector<256x256xf32> to vector<256x1xf32>
    %slice3A_230 = vector.extract_strided_slice %convert_element_type3A_7 {offsets = [0, 5632], sizes = [256, 128], strides = [1, 1]} : vector<256x17792xf32> to vector<256x128xf32>
    %mul3A_231 = vector.broadcast %slice3A_229 : vector<256x1xf32> to vector<256x128xf32>
    %mul3A_232 = arith.mulf %mul3A_231, %slice3A_230 : vector<256x128xf32>
    %add3A_233 = arith.addf %add3A_228, %mul3A_232 : vector<256x128xf32>
    %slice3A_234 = vector.extract_strided_slice %convert_element_type3A_12 {offsets = [0, 45], sizes = [256, 1], strides = [1, 1]} : vector<256x256xf32> to vector<256x1xf32>
    %slice3A_235 = vector.extract_strided_slice %convert_element_type3A_7 {offsets = [0, 5760], sizes = [256, 128], strides = [1, 1]} : vector<256x17792xf32> to vector<256x128xf32>
    %mul3A_236 = vector.broadcast %slice3A_234 : vector<256x1xf32> to vector<256x128xf32>
    %mul3A_237 = arith.mulf %mul3A_236, %slice3A_235 : vector<256x128xf32>
    %add3A_238 = arith.addf %add3A_233, %mul3A_237 : vector<256x128xf32>
    %slice3A_239 = vector.extract_strided_slice %convert_element_type3A_12 {offsets = [0, 46], sizes = [256, 1], strides = [1, 1]} : vector<256x256xf32> to vector<256x1xf32>
    %slice3A_240 = vector.extract_strided_slice %convert_element_type3A_7 {offsets = [0, 5888], sizes = [256, 128], strides = [1, 1]} : vector<256x17792xf32> to vector<256x128xf32>
    %mul3A_241 = vector.broadcast %slice3A_239 : vector<256x1xf32> to vector<256x128xf32>
    %mul3A_242 = arith.mulf %mul3A_241, %slice3A_240 : vector<256x128xf32>
    %add3A_243 = arith.addf %add3A_238, %mul3A_242 : vector<256x128xf32>
    %slice3A_244 = vector.extract_strided_slice %convert_element_type3A_12 {offsets = [0, 47], sizes = [256, 1], strides = [1, 1]} : vector<256x256xf32> to vector<256x1xf32>
    %slice3A_245 = vector.extract_strided_slice %convert_element_type3A_7 {offsets = [0, 6016], sizes = [256, 128], strides = [1, 1]} : vector<256x17792xf32> to vector<256x128xf32>
    %mul3A_246 = vector.broadcast %slice3A_244 : vector<256x1xf32> to vector<256x128xf32>
    %mul3A_247 = arith.mulf %mul3A_246, %slice3A_245 : vector<256x128xf32>
    %add3A_248 = arith.addf %add3A_243, %mul3A_247 : vector<256x128xf32>
    %slice3A_249 = vector.extract_strided_slice %convert_element_type3A_12 {offsets = [0, 48], sizes = [256, 1], strides = [1, 1]} : vector<256x256xf32> to vector<256x1xf32>
    %slice3A_250 = vector.extract_strided_slice %convert_element_type3A_7 {offsets = [0, 6144], sizes = [256, 128], strides = [1, 1]} : vector<256x17792xf32> to vector<256x128xf32>
    %mul3A_251 = vector.broadcast %slice3A_249 : vector<256x1xf32> to vector<256x128xf32>
    %mul3A_252 = arith.mulf %mul3A_251, %slice3A_250 : vector<256x128xf32>
    %add3A_253 = arith.addf %add3A_248, %mul3A_252 : vector<256x128xf32>
    %slice3A_254 = vector.extract_strided_slice %convert_element_type3A_12 {offsets = [0, 49], sizes = [256, 1], strides = [1, 1]} : vector<256x256xf32> to vector<256x1xf32>
    %slice3A_255 = vector.extract_strided_slice %convert_element_type3A_7 {offsets = [0, 6272], sizes = [256, 128], strides = [1, 1]} : vector<256x17792xf32> to vector<256x128xf32>
    %mul3A_256 = vector.broadcast %slice3A_254 : vector<256x1xf32> to vector<256x128xf32>
    %mul3A_257 = arith.mulf %mul3A_256, %slice3A_255 : vector<256x128xf32>
    %add3A_258 = arith.addf %add3A_253, %mul3A_257 : vector<256x128xf32>
    %slice3A_259 = vector.extract_strided_slice %convert_element_type3A_12 {offsets = [0, 50], sizes = [256, 1], strides = [1, 1]} : vector<256x256xf32> to vector<256x1xf32>
    %slice3A_260 = vector.extract_strided_slice %convert_element_type3A_7 {offsets = [0, 6400], sizes = [256, 128], strides = [1, 1]} : vector<256x17792xf32> to vector<256x128xf32>
    %mul3A_261 = vector.broadcast %slice3A_259 : vector<256x1xf32> to vector<256x128xf32>
    %mul3A_262 = arith.mulf %mul3A_261, %slice3A_260 : vector<256x128xf32>
    %add3A_263 = arith.addf %add3A_258, %mul3A_262 : vector<256x128xf32>
    %slice3A_264 = vector.extract_strided_slice %convert_element_type3A_12 {offsets = [0, 51], sizes = [256, 1], strides = [1, 1]} : vector<256x256xf32> to vector<256x1xf32>
    %slice3A_265 = vector.extract_strided_slice %convert_element_type3A_7 {offsets = [0, 6528], sizes = [256, 128], strides = [1, 1]} : vector<256x17792xf32> to vector<256x128xf32>
    %mul3A_266 = vector.broadcast %slice3A_264 : vector<256x1xf32> to vector<256x128xf32>
    %mul3A_267 = arith.mulf %mul3A_266, %slice3A_265 : vector<256x128xf32>
    %add3A_268 = arith.addf %add3A_263, %mul3A_267 : vector<256x128xf32>
    %slice3A_269 = vector.extract_strided_slice %convert_element_type3A_12 {offsets = [0, 52], sizes = [256, 1], strides = [1, 1]} : vector<256x256xf32> to vector<256x1xf32>
    %slice3A_270 = vector.extract_strided_slice %convert_element_type3A_7 {offsets = [0, 6656], sizes = [256, 128], strides = [1, 1]} : vector<256x17792xf32> to vector<256x128xf32>
    %mul3A_271 = vector.broadcast %slice3A_269 : vector<256x1xf32> to vector<256x128xf32>
    %mul3A_272 = arith.mulf %mul3A_271, %slice3A_270 : vector<256x128xf32>
    %add3A_273 = arith.addf %add3A_268, %mul3A_272 : vector<256x128xf32>
    %slice3A_274 = vector.extract_strided_slice %convert_element_type3A_12 {offsets = [0, 53], sizes = [256, 1], strides = [1, 1]} : vector<256x256xf32> to vector<256x1xf32>
    %slice3A_275 = vector.extract_strided_slice %convert_element_type3A_7 {offsets = [0, 6784], sizes = [256, 128], strides = [1, 1]} : vector<256x17792xf32> to vector<256x128xf32>
    %mul3A_276 = vector.broadcast %slice3A_274 : vector<256x1xf32> to vector<256x128xf32>
    %mul3A_277 = arith.mulf %mul3A_276, %slice3A_275 : vector<256x128xf32>
    %add3A_278 = arith.addf %add3A_273, %mul3A_277 : vector<256x128xf32>
    %slice3A_279 = vector.extract_strided_slice %convert_element_type3A_12 {offsets = [0, 54], sizes = [256, 1], strides = [1, 1]} : vector<256x256xf32> to vector<256x1xf32>
    %slice3A_280 = vector.extract_strided_slice %convert_element_type3A_7 {offsets = [0, 6912], sizes = [256, 128], strides = [1, 1]} : vector<256x17792xf32> to vector<256x128xf32>
    %mul3A_281 = vector.broadcast %slice3A_279 : vector<256x1xf32> to vector<256x128xf32>
    %mul3A_282 = arith.mulf %mul3A_281, %slice3A_280 : vector<256x128xf32>
    %add3A_283 = arith.addf %add3A_278, %mul3A_282 : vector<256x128xf32>
    %slice3A_284 = vector.extract_strided_slice %convert_element_type3A_12 {offsets = [0, 55], sizes = [256, 1], strides = [1, 1]} : vector<256x256xf32> to vector<256x1xf32>
    %slice3A_285 = vector.extract_strided_slice %convert_element_type3A_7 {offsets = [0, 7040], sizes = [256, 128], strides = [1, 1]} : vector<256x17792xf32> to vector<256x128xf32>
    %mul3A_286 = vector.broadcast %slice3A_284 : vector<256x1xf32> to vector<256x128xf32>
    %mul3A_287 = arith.mulf %mul3A_286, %slice3A_285 : vector<256x128xf32>
    %add3A_288 = arith.addf %add3A_283, %mul3A_287 : vector<256x128xf32>
    %slice3A_289 = vector.extract_strided_slice %convert_element_type3A_12 {offsets = [0, 56], sizes = [256, 1], strides = [1, 1]} : vector<256x256xf32> to vector<256x1xf32>
    %slice3A_290 = vector.extract_strided_slice %convert_element_type3A_7 {offsets = [0, 7168], sizes = [256, 128], strides = [1, 1]} : vector<256x17792xf32> to vector<256x128xf32>
    %mul3A_291 = vector.broadcast %slice3A_289 : vector<256x1xf32> to vector<256x128xf32>
    %mul3A_292 = arith.mulf %mul3A_291, %slice3A_290 : vector<256x128xf32>
    %add3A_293 = arith.addf %add3A_288, %mul3A_292 : vector<256x128xf32>
    %slice3A_294 = vector.extract_strided_slice %convert_element_type3A_12 {offsets = [0, 57], sizes = [256, 1], strides = [1, 1]} : vector<256x256xf32> to vector<256x1xf32>
    %slice3A_295 = vector.extract_strided_slice %convert_element_type3A_7 {offsets = [0, 7296], sizes = [256, 128], strides = [1, 1]} : vector<256x17792xf32> to vector<256x128xf32>
    %mul3A_296 = vector.broadcast %slice3A_294 : vector<256x1xf32> to vector<256x128xf32>
    %mul3A_297 = arith.mulf %mul3A_296, %slice3A_295 : vector<256x128xf32>
    %add3A_298 = arith.addf %add3A_293, %mul3A_297 : vector<256x128xf32>
    %slice3A_299 = vector.extract_strided_slice %convert_element_type3A_12 {offsets = [0, 58], sizes = [256, 1], strides = [1, 1]} : vector<256x256xf32> to vector<256x1xf32>
    %slice3A_300 = vector.extract_strided_slice %convert_element_type3A_7 {offsets = [0, 7424], sizes = [256, 128], strides = [1, 1]} : vector<256x17792xf32> to vector<256x128xf32>
    %mul3A_301 = vector.broadcast %slice3A_299 : vector<256x1xf32> to vector<256x128xf32>
    %mul3A_302 = arith.mulf %mul3A_301, %slice3A_300 : vector<256x128xf32>
    %add3A_303 = arith.addf %add3A_298, %mul3A_302 : vector<256x128xf32>
    %slice3A_304 = vector.extract_strided_slice %convert_element_type3A_12 {offsets = [0, 59], sizes = [256, 1], strides = [1, 1]} : vector<256x256xf32> to vector<256x1xf32>
    %slice3A_305 = vector.extract_strided_slice %convert_element_type3A_7 {offsets = [0, 7552], sizes = [256, 128], strides = [1, 1]} : vector<256x17792xf32> to vector<256x128xf32>
    %mul3A_306 = vector.broadcast %slice3A_304 : vector<256x1xf32> to vector<256x128xf32>
    %mul3A_307 = arith.mulf %mul3A_306, %slice3A_305 : vector<256x128xf32>
    %add3A_308 = arith.addf %add3A_303, %mul3A_307 : vector<256x128xf32>
    %slice3A_309 = vector.extract_strided_slice %convert_element_type3A_12 {offsets = [0, 60], sizes = [256, 1], strides = [1, 1]} : vector<256x256xf32> to vector<256x1xf32>
    %slice3A_310 = vector.extract_strided_slice %convert_element_type3A_7 {offsets = [0, 7680], sizes = [256, 128], strides = [1, 1]} : vector<256x17792xf32> to vector<256x128xf32>
    %mul3A_311 = vector.broadcast %slice3A_309 : vector<256x1xf32> to vector<256x128xf32>
    %mul3A_312 = arith.mulf %mul3A_311, %slice3A_310 : vector<256x128xf32>
    %add3A_313 = arith.addf %add3A_308, %mul3A_312 : vector<256x128xf32>
    %slice3A_314 = vector.extract_strided_slice %convert_element_type3A_12 {offsets = [0, 61], sizes = [256, 1], strides = [1, 1]} : vector<256x256xf32> to vector<256x1xf32>
    %slice3A_315 = vector.extract_strided_slice %convert_element_type3A_7 {offsets = [0, 7808], sizes = [256, 128], strides = [1, 1]} : vector<256x17792xf32> to vector<256x128xf32>
    %mul3A_316 = vector.broadcast %slice3A_314 : vector<256x1xf32> to vector<256x128xf32>
    %mul3A_317 = arith.mulf %mul3A_316, %slice3A_315 : vector<256x128xf32>
    %add3A_318 = arith.addf %add3A_313, %mul3A_317 : vector<256x128xf32>
    %slice3A_319 = vector.extract_strided_slice %convert_element_type3A_12 {offsets = [0, 62], sizes = [256, 1], strides = [1, 1]} : vector<256x256xf32> to vector<256x1xf32>
    %slice3A_320 = vector.extract_strided_slice %convert_element_type3A_7 {offsets = [0, 7936], sizes = [256, 128], strides = [1, 1]} : vector<256x17792xf32> to vector<256x128xf32>
    %mul3A_321 = vector.broadcast %slice3A_319 : vector<256x1xf32> to vector<256x128xf32>
    %mul3A_322 = arith.mulf %mul3A_321, %slice3A_320 : vector<256x128xf32>
    %add3A_323 = arith.addf %add3A_318, %mul3A_322 : vector<256x128xf32>
    %slice3A_324 = vector.extract_strided_slice %convert_element_type3A_12 {offsets = [0, 63], sizes = [256, 1], strides = [1, 1]} : vector<256x256xf32> to vector<256x1xf32>
    %slice3A_325 = vector.extract_strided_slice %convert_element_type3A_7 {offsets = [0, 8064], sizes = [256, 128], strides = [1, 1]} : vector<256x17792xf32> to vector<256x128xf32>
    %mul3A_326 = vector.broadcast %slice3A_324 : vector<256x1xf32> to vector<256x128xf32>
    %mul3A_327 = arith.mulf %mul3A_326, %slice3A_325 : vector<256x128xf32>
    %add3A_328 = arith.addf %add3A_323, %mul3A_327 : vector<256x128xf32>
    %slice3A_329 = vector.extract_strided_slice %convert_element_type3A_12 {offsets = [0, 64], sizes = [256, 1], strides = [1, 1]} : vector<256x256xf32> to vector<256x1xf32>
    %slice3A_330 = vector.extract_strided_slice %convert_element_type3A_7 {offsets = [0, 8192], sizes = [256, 128], strides = [1, 1]} : vector<256x17792xf32> to vector<256x128xf32>
    %mul3A_331 = vector.broadcast %slice3A_329 : vector<256x1xf32> to vector<256x128xf32>
    %mul3A_332 = arith.mulf %mul3A_331, %slice3A_330 : vector<256x128xf32>
    %add3A_333 = arith.addf %add3A_328, %mul3A_332 : vector<256x128xf32>
    %slice3A_334 = vector.extract_strided_slice %convert_element_type3A_12 {offsets = [0, 65], sizes = [256, 1], strides = [1, 1]} : vector<256x256xf32> to vector<256x1xf32>
    %slice3A_335 = vector.extract_strided_slice %convert_element_type3A_7 {offsets = [0, 8320], sizes = [256, 128], strides = [1, 1]} : vector<256x17792xf32> to vector<256x128xf32>
    %mul3A_336 = vector.broadcast %slice3A_334 : vector<256x1xf32> to vector<256x128xf32>
    %mul3A_337 = arith.mulf %mul3A_336, %slice3A_335 : vector<256x128xf32>
    %add3A_338 = arith.addf %add3A_333, %mul3A_337 : vector<256x128xf32>
    %slice3A_339 = vector.extract_strided_slice %convert_element_type3A_12 {offsets = [0, 66], sizes = [256, 1], strides = [1, 1]} : vector<256x256xf32> to vector<256x1xf32>
    %slice3A_340 = vector.extract_strided_slice %convert_element_type3A_7 {offsets = [0, 8448], sizes = [256, 128], strides = [1, 1]} : vector<256x17792xf32> to vector<256x128xf32>
    %mul3A_341 = vector.broadcast %slice3A_339 : vector<256x1xf32> to vector<256x128xf32>
    %mul3A_342 = arith.mulf %mul3A_341, %slice3A_340 : vector<256x128xf32>
    %add3A_343 = arith.addf %add3A_338, %mul3A_342 : vector<256x128xf32>
    %slice3A_344 = vector.extract_strided_slice %convert_element_type3A_12 {offsets = [0, 67], sizes = [256, 1], strides = [1, 1]} : vector<256x256xf32> to vector<256x1xf32>
    %slice3A_345 = vector.extract_strided_slice %convert_element_type3A_7 {offsets = [0, 8576], sizes = [256, 128], strides = [1, 1]} : vector<256x17792xf32> to vector<256x128xf32>
    %mul3A_346 = vector.broadcast %slice3A_344 : vector<256x1xf32> to vector<256x128xf32>
    %mul3A_347 = arith.mulf %mul3A_346, %slice3A_345 : vector<256x128xf32>
    %add3A_348 = arith.addf %add3A_343, %mul3A_347 : vector<256x128xf32>
    %slice3A_349 = vector.extract_strided_slice %convert_element_type3A_12 {offsets = [0, 68], sizes = [256, 1], strides = [1, 1]} : vector<256x256xf32> to vector<256x1xf32>
    %slice3A_350 = vector.extract_strided_slice %convert_element_type3A_7 {offsets = [0, 8704], sizes = [256, 128], strides = [1, 1]} : vector<256x17792xf32> to vector<256x128xf32>
    %mul3A_351 = vector.broadcast %slice3A_349 : vector<256x1xf32> to vector<256x128xf32>
    %mul3A_352 = arith.mulf %mul3A_351, %slice3A_350 : vector<256x128xf32>
    %add3A_353 = arith.addf %add3A_348, %mul3A_352 : vector<256x128xf32>
    %slice3A_354 = vector.extract_strided_slice %convert_element_type3A_12 {offsets = [0, 69], sizes = [256, 1], strides = [1, 1]} : vector<256x256xf32> to vector<256x1xf32>
    %slice3A_355 = vector.extract_strided_slice %convert_element_type3A_7 {offsets = [0, 8832], sizes = [256, 128], strides = [1, 1]} : vector<256x17792xf32> to vector<256x128xf32>
    %mul3A_356 = vector.broadcast %slice3A_354 : vector<256x1xf32> to vector<256x128xf32>
    %mul3A_357 = arith.mulf %mul3A_356, %slice3A_355 : vector<256x128xf32>
    %add3A_358 = arith.addf %add3A_353, %mul3A_357 : vector<256x128xf32>
    %slice3A_359 = vector.extract_strided_slice %convert_element_type3A_12 {offsets = [0, 70], sizes = [256, 1], strides = [1, 1]} : vector<256x256xf32> to vector<256x1xf32>
    %slice3A_360 = vector.extract_strided_slice %convert_element_type3A_7 {offsets = [0, 8960], sizes = [256, 128], strides = [1, 1]} : vector<256x17792xf32> to vector<256x128xf32>
    %mul3A_361 = vector.broadcast %slice3A_359 : vector<256x1xf32> to vector<256x128xf32>
    %mul3A_362 = arith.mulf %mul3A_361, %slice3A_360 : vector<256x128xf32>
    %add3A_363 = arith.addf %add3A_358, %mul3A_362 : vector<256x128xf32>
    %slice3A_364 = vector.extract_strided_slice %convert_element_type3A_12 {offsets = [0, 71], sizes = [256, 1], strides = [1, 1]} : vector<256x256xf32> to vector<256x1xf32>
    %slice3A_365 = vector.extract_strided_slice %convert_element_type3A_7 {offsets = [0, 9088], sizes = [256, 128], strides = [1, 1]} : vector<256x17792xf32> to vector<256x128xf32>
    %mul3A_366 = vector.broadcast %slice3A_364 : vector<256x1xf32> to vector<256x128xf32>
    %mul3A_367 = arith.mulf %mul3A_366, %slice3A_365 : vector<256x128xf32>
    %add3A_368 = arith.addf %add3A_363, %mul3A_367 : vector<256x128xf32>
    %slice3A_369 = vector.extract_strided_slice %convert_element_type3A_12 {offsets = [0, 72], sizes = [256, 1], strides = [1, 1]} : vector<256x256xf32> to vector<256x1xf32>
    %slice3A_370 = vector.extract_strided_slice %convert_element_type3A_7 {offsets = [0, 9216], sizes = [256, 128], strides = [1, 1]} : vector<256x17792xf32> to vector<256x128xf32>
    %mul3A_371 = vector.broadcast %slice3A_369 : vector<256x1xf32> to vector<256x128xf32>
    %mul3A_372 = arith.mulf %mul3A_371, %slice3A_370 : vector<256x128xf32>
    %add3A_373 = arith.addf %add3A_368, %mul3A_372 : vector<256x128xf32>
    %slice3A_374 = vector.extract_strided_slice %convert_element_type3A_12 {offsets = [0, 73], sizes = [256, 1], strides = [1, 1]} : vector<256x256xf32> to vector<256x1xf32>
    %slice3A_375 = vector.extract_strided_slice %convert_element_type3A_7 {offsets = [0, 9344], sizes = [256, 128], strides = [1, 1]} : vector<256x17792xf32> to vector<256x128xf32>
    %mul3A_376 = vector.broadcast %slice3A_374 : vector<256x1xf32> to vector<256x128xf32>
    %mul3A_377 = arith.mulf %mul3A_376, %slice3A_375 : vector<256x128xf32>
    %add3A_378 = arith.addf %add3A_373, %mul3A_377 : vector<256x128xf32>
    %slice3A_379 = vector.extract_strided_slice %convert_element_type3A_12 {offsets = [0, 74], sizes = [256, 1], strides = [1, 1]} : vector<256x256xf32> to vector<256x1xf32>
    %slice3A_380 = vector.extract_strided_slice %convert_element_type3A_7 {offsets = [0, 9472], sizes = [256, 128], strides = [1, 1]} : vector<256x17792xf32> to vector<256x128xf32>
    %mul3A_381 = vector.broadcast %slice3A_379 : vector<256x1xf32> to vector<256x128xf32>
    %mul3A_382 = arith.mulf %mul3A_381, %slice3A_380 : vector<256x128xf32>
    %add3A_383 = arith.addf %add3A_378, %mul3A_382 : vector<256x128xf32>
    %slice3A_384 = vector.extract_strided_slice %convert_element_type3A_12 {offsets = [0, 75], sizes = [256, 1], strides = [1, 1]} : vector<256x256xf32> to vector<256x1xf32>
    %slice3A_385 = vector.extract_strided_slice %convert_element_type3A_7 {offsets = [0, 9600], sizes = [256, 128], strides = [1, 1]} : vector<256x17792xf32> to vector<256x128xf32>
    %mul3A_386 = vector.broadcast %slice3A_384 : vector<256x1xf32> to vector<256x128xf32>
    %mul3A_387 = arith.mulf %mul3A_386, %slice3A_385 : vector<256x128xf32>
    %add3A_388 = arith.addf %add3A_383, %mul3A_387 : vector<256x128xf32>
    %slice3A_389 = vector.extract_strided_slice %convert_element_type3A_12 {offsets = [0, 76], sizes = [256, 1], strides = [1, 1]} : vector<256x256xf32> to vector<256x1xf32>
    %slice3A_390 = vector.extract_strided_slice %convert_element_type3A_7 {offsets = [0, 9728], sizes = [256, 128], strides = [1, 1]} : vector<256x17792xf32> to vector<256x128xf32>
    %mul3A_391 = vector.broadcast %slice3A_389 : vector<256x1xf32> to vector<256x128xf32>
    %mul3A_392 = arith.mulf %mul3A_391, %slice3A_390 : vector<256x128xf32>
    %add3A_393 = arith.addf %add3A_388, %mul3A_392 : vector<256x128xf32>
    %slice3A_394 = vector.extract_strided_slice %convert_element_type3A_12 {offsets = [0, 77], sizes = [256, 1], strides = [1, 1]} : vector<256x256xf32> to vector<256x1xf32>
    %slice3A_395 = vector.extract_strided_slice %convert_element_type3A_7 {offsets = [0, 9856], sizes = [256, 128], strides = [1, 1]} : vector<256x17792xf32> to vector<256x128xf32>
    %mul3A_396 = vector.broadcast %slice3A_394 : vector<256x1xf32> to vector<256x128xf32>
    %mul3A_397 = arith.mulf %mul3A_396, %slice3A_395 : vector<256x128xf32>
    %add3A_398 = arith.addf %add3A_393, %mul3A_397 : vector<256x128xf32>
    %slice3A_399 = vector.extract_strided_slice %convert_element_type3A_12 {offsets = [0, 78], sizes = [256, 1], strides = [1, 1]} : vector<256x256xf32> to vector<256x1xf32>
    %slice3A_400 = vector.extract_strided_slice %convert_element_type3A_7 {offsets = [0, 9984], sizes = [256, 128], strides = [1, 1]} : vector<256x17792xf32> to vector<256x128xf32>
    %mul3A_401 = vector.broadcast %slice3A_399 : vector<256x1xf32> to vector<256x128xf32>
    %mul3A_402 = arith.mulf %mul3A_401, %slice3A_400 : vector<256x128xf32>
    %add3A_403 = arith.addf %add3A_398, %mul3A_402 : vector<256x128xf32>
    %slice3A_404 = vector.extract_strided_slice %convert_element_type3A_12 {offsets = [0, 79], sizes = [256, 1], strides = [1, 1]} : vector<256x256xf32> to vector<256x1xf32>
    %slice3A_405 = vector.extract_strided_slice %convert_element_type3A_7 {offsets = [0, 10112], sizes = [256, 128], strides = [1, 1]} : vector<256x17792xf32> to vector<256x128xf32>
    %mul3A_406 = vector.broadcast %slice3A_404 : vector<256x1xf32> to vector<256x128xf32>
    %mul3A_407 = arith.mulf %mul3A_406, %slice3A_405 : vector<256x128xf32>
    %add3A_408 = arith.addf %add3A_403, %mul3A_407 : vector<256x128xf32>
    %slice3A_409 = vector.extract_strided_slice %convert_element_type3A_12 {offsets = [0, 80], sizes = [256, 1], strides = [1, 1]} : vector<256x256xf32> to vector<256x1xf32>
    %slice3A_410 = vector.extract_strided_slice %convert_element_type3A_7 {offsets = [0, 10240], sizes = [256, 128], strides = [1, 1]} : vector<256x17792xf32> to vector<256x128xf32>
    %mul3A_411 = vector.broadcast %slice3A_409 : vector<256x1xf32> to vector<256x128xf32>
    %mul3A_412 = arith.mulf %mul3A_411, %slice3A_410 : vector<256x128xf32>
    %add3A_413 = arith.addf %add3A_408, %mul3A_412 : vector<256x128xf32>
    %slice3A_414 = vector.extract_strided_slice %convert_element_type3A_12 {offsets = [0, 81], sizes = [256, 1], strides = [1, 1]} : vector<256x256xf32> to vector<256x1xf32>
    %slice3A_415 = vector.extract_strided_slice %convert_element_type3A_7 {offsets = [0, 10368], sizes = [256, 128], strides = [1, 1]} : vector<256x17792xf32> to vector<256x128xf32>
    %mul3A_416 = vector.broadcast %slice3A_414 : vector<256x1xf32> to vector<256x128xf32>
    %mul3A_417 = arith.mulf %mul3A_416, %slice3A_415 : vector<256x128xf32>
    %add3A_418 = arith.addf %add3A_413, %mul3A_417 : vector<256x128xf32>
    %slice3A_419 = vector.extract_strided_slice %convert_element_type3A_12 {offsets = [0, 82], sizes = [256, 1], strides = [1, 1]} : vector<256x256xf32> to vector<256x1xf32>
    %slice3A_420 = vector.extract_strided_slice %convert_element_type3A_7 {offsets = [0, 10496], sizes = [256, 128], strides = [1, 1]} : vector<256x17792xf32> to vector<256x128xf32>
    %mul3A_421 = vector.broadcast %slice3A_419 : vector<256x1xf32> to vector<256x128xf32>
    %mul3A_422 = arith.mulf %mul3A_421, %slice3A_420 : vector<256x128xf32>
    %add3A_423 = arith.addf %add3A_418, %mul3A_422 : vector<256x128xf32>
    %slice3A_424 = vector.extract_strided_slice %convert_element_type3A_12 {offsets = [0, 83], sizes = [256, 1], strides = [1, 1]} : vector<256x256xf32> to vector<256x1xf32>
    %slice3A_425 = vector.extract_strided_slice %convert_element_type3A_7 {offsets = [0, 10624], sizes = [256, 128], strides = [1, 1]} : vector<256x17792xf32> to vector<256x128xf32>
    %mul3A_426 = vector.broadcast %slice3A_424 : vector<256x1xf32> to vector<256x128xf32>
    %mul3A_427 = arith.mulf %mul3A_426, %slice3A_425 : vector<256x128xf32>
    %add3A_428 = arith.addf %add3A_423, %mul3A_427 : vector<256x128xf32>
    %slice3A_429 = vector.extract_strided_slice %convert_element_type3A_12 {offsets = [0, 84], sizes = [256, 1], strides = [1, 1]} : vector<256x256xf32> to vector<256x1xf32>
    %slice3A_430 = vector.extract_strided_slice %convert_element_type3A_7 {offsets = [0, 10752], sizes = [256, 128], strides = [1, 1]} : vector<256x17792xf32> to vector<256x128xf32>
    %mul3A_431 = vector.broadcast %slice3A_429 : vector<256x1xf32> to vector<256x128xf32>
    %mul3A_432 = arith.mulf %mul3A_431, %slice3A_430 : vector<256x128xf32>
    %add3A_433 = arith.addf %add3A_428, %mul3A_432 : vector<256x128xf32>
    %slice3A_434 = vector.extract_strided_slice %convert_element_type3A_12 {offsets = [0, 85], sizes = [256, 1], strides = [1, 1]} : vector<256x256xf32> to vector<256x1xf32>
    %slice3A_435 = vector.extract_strided_slice %convert_element_type3A_7 {offsets = [0, 10880], sizes = [256, 128], strides = [1, 1]} : vector<256x17792xf32> to vector<256x128xf32>
    %mul3A_436 = vector.broadcast %slice3A_434 : vector<256x1xf32> to vector<256x128xf32>
    %mul3A_437 = arith.mulf %mul3A_436, %slice3A_435 : vector<256x128xf32>
    %add3A_438 = arith.addf %add3A_433, %mul3A_437 : vector<256x128xf32>
    %slice3A_439 = vector.extract_strided_slice %convert_element_type3A_12 {offsets = [0, 86], sizes = [256, 1], strides = [1, 1]} : vector<256x256xf32> to vector<256x1xf32>
    %slice3A_440 = vector.extract_strided_slice %convert_element_type3A_7 {offsets = [0, 11008], sizes = [256, 128], strides = [1, 1]} : vector<256x17792xf32> to vector<256x128xf32>
    %mul3A_441 = vector.broadcast %slice3A_439 : vector<256x1xf32> to vector<256x128xf32>
    %mul3A_442 = arith.mulf %mul3A_441, %slice3A_440 : vector<256x128xf32>
    %add3A_443 = arith.addf %add3A_438, %mul3A_442 : vector<256x128xf32>
    %slice3A_444 = vector.extract_strided_slice %convert_element_type3A_12 {offsets = [0, 87], sizes = [256, 1], strides = [1, 1]} : vector<256x256xf32> to vector<256x1xf32>
    %slice3A_445 = vector.extract_strided_slice %convert_element_type3A_7 {offsets = [0, 11136], sizes = [256, 128], strides = [1, 1]} : vector<256x17792xf32> to vector<256x128xf32>
    %mul3A_446 = vector.broadcast %slice3A_444 : vector<256x1xf32> to vector<256x128xf32>
    %mul3A_447 = arith.mulf %mul3A_446, %slice3A_445 : vector<256x128xf32>
    %add3A_448 = arith.addf %add3A_443, %mul3A_447 : vector<256x128xf32>
    %slice3A_449 = vector.extract_strided_slice %convert_element_type3A_12 {offsets = [0, 88], sizes = [256, 1], strides = [1, 1]} : vector<256x256xf32> to vector<256x1xf32>
    %slice3A_450 = vector.extract_strided_slice %convert_element_type3A_7 {offsets = [0, 11264], sizes = [256, 128], strides = [1, 1]} : vector<256x17792xf32> to vector<256x128xf32>
    %mul3A_451 = vector.broadcast %slice3A_449 : vector<256x1xf32> to vector<256x128xf32>
    %mul3A_452 = arith.mulf %mul3A_451, %slice3A_450 : vector<256x128xf32>
    %add3A_453 = arith.addf %add3A_448, %mul3A_452 : vector<256x128xf32>
    %slice3A_454 = vector.extract_strided_slice %convert_element_type3A_12 {offsets = [0, 89], sizes = [256, 1], strides = [1, 1]} : vector<256x256xf32> to vector<256x1xf32>
    %slice3A_455 = vector.extract_strided_slice %convert_element_type3A_7 {offsets = [0, 11392], sizes = [256, 128], strides = [1, 1]} : vector<256x17792xf32> to vector<256x128xf32>
    %mul3A_456 = vector.broadcast %slice3A_454 : vector<256x1xf32> to vector<256x128xf32>
    %mul3A_457 = arith.mulf %mul3A_456, %slice3A_455 : vector<256x128xf32>
    %add3A_458 = arith.addf %add3A_453, %mul3A_457 : vector<256x128xf32>
    %slice3A_459 = vector.extract_strided_slice %convert_element_type3A_12 {offsets = [0, 90], sizes = [256, 1], strides = [1, 1]} : vector<256x256xf32> to vector<256x1xf32>
    %slice3A_460 = vector.extract_strided_slice %convert_element_type3A_7 {offsets = [0, 11520], sizes = [256, 128], strides = [1, 1]} : vector<256x17792xf32> to vector<256x128xf32>
    %mul3A_461 = vector.broadcast %slice3A_459 : vector<256x1xf32> to vector<256x128xf32>
    %mul3A_462 = arith.mulf %mul3A_461, %slice3A_460 : vector<256x128xf32>
    %add3A_463 = arith.addf %add3A_458, %mul3A_462 : vector<256x128xf32>
    %slice3A_464 = vector.extract_strided_slice %convert_element_type3A_12 {offsets = [0, 91], sizes = [256, 1], strides = [1, 1]} : vector<256x256xf32> to vector<256x1xf32>
    %slice3A_465 = vector.extract_strided_slice %convert_element_type3A_7 {offsets = [0, 11648], sizes = [256, 128], strides = [1, 1]} : vector<256x17792xf32> to vector<256x128xf32>
    %mul3A_466 = vector.broadcast %slice3A_464 : vector<256x1xf32> to vector<256x128xf32>
    %mul3A_467 = arith.mulf %mul3A_466, %slice3A_465 : vector<256x128xf32>
    %add3A_468 = arith.addf %add3A_463, %mul3A_467 : vector<256x128xf32>
    %slice3A_469 = vector.extract_strided_slice %convert_element_type3A_12 {offsets = [0, 92], sizes = [256, 1], strides = [1, 1]} : vector<256x256xf32> to vector<256x1xf32>
    %slice3A_470 = vector.extract_strided_slice %convert_element_type3A_7 {offsets = [0, 11776], sizes = [256, 128], strides = [1, 1]} : vector<256x17792xf32> to vector<256x128xf32>
    %mul3A_471 = vector.broadcast %slice3A_469 : vector<256x1xf32> to vector<256x128xf32>
    %mul3A_472 = arith.mulf %mul3A_471, %slice3A_470 : vector<256x128xf32>
    %add3A_473 = arith.addf %add3A_468, %mul3A_472 : vector<256x128xf32>
    %slice3A_474 = vector.extract_strided_slice %convert_element_type3A_12 {offsets = [0, 93], sizes = [256, 1], strides = [1, 1]} : vector<256x256xf32> to vector<256x1xf32>
    %slice3A_475 = vector.extract_strided_slice %convert_element_type3A_7 {offsets = [0, 11904], sizes = [256, 128], strides = [1, 1]} : vector<256x17792xf32> to vector<256x128xf32>
    %mul3A_476 = vector.broadcast %slice3A_474 : vector<256x1xf32> to vector<256x128xf32>
    %mul3A_477 = arith.mulf %mul3A_476, %slice3A_475 : vector<256x128xf32>
    %add3A_478 = arith.addf %add3A_473, %mul3A_477 : vector<256x128xf32>
    %slice3A_479 = vector.extract_strided_slice %convert_element_type3A_12 {offsets = [0, 94], sizes = [256, 1], strides = [1, 1]} : vector<256x256xf32> to vector<256x1xf32>
    %slice3A_480 = vector.extract_strided_slice %convert_element_type3A_7 {offsets = [0, 12032], sizes = [256, 128], strides = [1, 1]} : vector<256x17792xf32> to vector<256x128xf32>
    %mul3A_481 = vector.broadcast %slice3A_479 : vector<256x1xf32> to vector<256x128xf32>
    %mul3A_482 = arith.mulf %mul3A_481, %slice3A_480 : vector<256x128xf32>
    %add3A_483 = arith.addf %add3A_478, %mul3A_482 : vector<256x128xf32>
    %slice3A_484 = vector.extract_strided_slice %convert_element_type3A_12 {offsets = [0, 95], sizes = [256, 1], strides = [1, 1]} : vector<256x256xf32> to vector<256x1xf32>
    %slice3A_485 = vector.extract_strided_slice %convert_element_type3A_7 {offsets = [0, 12160], sizes = [256, 128], strides = [1, 1]} : vector<256x17792xf32> to vector<256x128xf32>
    %mul3A_486 = vector.broadcast %slice3A_484 : vector<256x1xf32> to vector<256x128xf32>
    %mul3A_487 = arith.mulf %mul3A_486, %slice3A_485 : vector<256x128xf32>
    %add3A_488 = arith.addf %add3A_483, %mul3A_487 : vector<256x128xf32>
    %slice3A_489 = vector.extract_strided_slice %convert_element_type3A_12 {offsets = [0, 96], sizes = [256, 1], strides = [1, 1]} : vector<256x256xf32> to vector<256x1xf32>
    %slice3A_490 = vector.extract_strided_slice %convert_element_type3A_7 {offsets = [0, 12288], sizes = [256, 128], strides = [1, 1]} : vector<256x17792xf32> to vector<256x128xf32>
    %mul3A_491 = vector.broadcast %slice3A_489 : vector<256x1xf32> to vector<256x128xf32>
    %mul3A_492 = arith.mulf %mul3A_491, %slice3A_490 : vector<256x128xf32>
    %add3A_493 = arith.addf %add3A_488, %mul3A_492 : vector<256x128xf32>
    %slice3A_494 = vector.extract_strided_slice %convert_element_type3A_12 {offsets = [0, 97], sizes = [256, 1], strides = [1, 1]} : vector<256x256xf32> to vector<256x1xf32>
    %slice3A_495 = vector.extract_strided_slice %convert_element_type3A_7 {offsets = [0, 12416], sizes = [256, 128], strides = [1, 1]} : vector<256x17792xf32> to vector<256x128xf32>
    %mul3A_496 = vector.broadcast %slice3A_494 : vector<256x1xf32> to vector<256x128xf32>
    %mul3A_497 = arith.mulf %mul3A_496, %slice3A_495 : vector<256x128xf32>
    %add3A_498 = arith.addf %add3A_493, %mul3A_497 : vector<256x128xf32>
    %slice3A_499 = vector.extract_strided_slice %convert_element_type3A_12 {offsets = [0, 98], sizes = [256, 1], strides = [1, 1]} : vector<256x256xf32> to vector<256x1xf32>
    %slice3A_500 = vector.extract_strided_slice %convert_element_type3A_7 {offsets = [0, 12544], sizes = [256, 128], strides = [1, 1]} : vector<256x17792xf32> to vector<256x128xf32>
    %mul3A_501 = vector.broadcast %slice3A_499 : vector<256x1xf32> to vector<256x128xf32>
    %mul3A_502 = arith.mulf %mul3A_501, %slice3A_500 : vector<256x128xf32>
    %add3A_503 = arith.addf %add3A_498, %mul3A_502 : vector<256x128xf32>
    %slice3A_504 = vector.extract_strided_slice %convert_element_type3A_12 {offsets = [0, 99], sizes = [256, 1], strides = [1, 1]} : vector<256x256xf32> to vector<256x1xf32>
    %slice3A_505 = vector.extract_strided_slice %convert_element_type3A_7 {offsets = [0, 12672], sizes = [256, 128], strides = [1, 1]} : vector<256x17792xf32> to vector<256x128xf32>
    %mul3A_506 = vector.broadcast %slice3A_504 : vector<256x1xf32> to vector<256x128xf32>
    %mul3A_507 = arith.mulf %mul3A_506, %slice3A_505 : vector<256x128xf32>
    %add3A_508 = arith.addf %add3A_503, %mul3A_507 : vector<256x128xf32>
    %slice3A_509 = vector.extract_strided_slice %convert_element_type3A_12 {offsets = [0, 100], sizes = [256, 1], strides = [1, 1]} : vector<256x256xf32> to vector<256x1xf32>
    %slice3A_510 = vector.extract_strided_slice %convert_element_type3A_7 {offsets = [0, 12800], sizes = [256, 128], strides = [1, 1]} : vector<256x17792xf32> to vector<256x128xf32>
    %mul3A_511 = vector.broadcast %slice3A_509 : vector<256x1xf32> to vector<256x128xf32>
    %mul3A_512 = arith.mulf %mul3A_511, %slice3A_510 : vector<256x128xf32>
    %add3A_513 = arith.addf %add3A_508, %mul3A_512 : vector<256x128xf32>
    %slice3A_514 = vector.extract_strided_slice %convert_element_type3A_12 {offsets = [0, 101], sizes = [256, 1], strides = [1, 1]} : vector<256x256xf32> to vector<256x1xf32>
    %slice3A_515 = vector.extract_strided_slice %convert_element_type3A_7 {offsets = [0, 12928], sizes = [256, 128], strides = [1, 1]} : vector<256x17792xf32> to vector<256x128xf32>
    %mul3A_516 = vector.broadcast %slice3A_514 : vector<256x1xf32> to vector<256x128xf32>
    %mul3A_517 = arith.mulf %mul3A_516, %slice3A_515 : vector<256x128xf32>
    %add3A_518 = arith.addf %add3A_513, %mul3A_517 : vector<256x128xf32>
    %slice3A_519 = vector.extract_strided_slice %convert_element_type3A_12 {offsets = [0, 102], sizes = [256, 1], strides = [1, 1]} : vector<256x256xf32> to vector<256x1xf32>
    %slice3A_520 = vector.extract_strided_slice %convert_element_type3A_7 {offsets = [0, 13056], sizes = [256, 128], strides = [1, 1]} : vector<256x17792xf32> to vector<256x128xf32>
    %mul3A_521 = vector.broadcast %slice3A_519 : vector<256x1xf32> to vector<256x128xf32>
    %mul3A_522 = arith.mulf %mul3A_521, %slice3A_520 : vector<256x128xf32>
    %add3A_523 = arith.addf %add3A_518, %mul3A_522 : vector<256x128xf32>
    %slice3A_524 = vector.extract_strided_slice %convert_element_type3A_12 {offsets = [0, 103], sizes = [256, 1], strides = [1, 1]} : vector<256x256xf32> to vector<256x1xf32>
    %slice3A_525 = vector.extract_strided_slice %convert_element_type3A_7 {offsets = [0, 13184], sizes = [256, 128], strides = [1, 1]} : vector<256x17792xf32> to vector<256x128xf32>
    %mul3A_526 = vector.broadcast %slice3A_524 : vector<256x1xf32> to vector<256x128xf32>
    %mul3A_527 = arith.mulf %mul3A_526, %slice3A_525 : vector<256x128xf32>
    %add3A_528 = arith.addf %add3A_523, %mul3A_527 : vector<256x128xf32>
    %slice3A_529 = vector.extract_strided_slice %convert_element_type3A_12 {offsets = [0, 104], sizes = [256, 1], strides = [1, 1]} : vector<256x256xf32> to vector<256x1xf32>
    %slice3A_530 = vector.extract_strided_slice %convert_element_type3A_7 {offsets = [0, 13312], sizes = [256, 128], strides = [1, 1]} : vector<256x17792xf32> to vector<256x128xf32>
    %mul3A_531 = vector.broadcast %slice3A_529 : vector<256x1xf32> to vector<256x128xf32>
    %mul3A_532 = arith.mulf %mul3A_531, %slice3A_530 : vector<256x128xf32>
    %add3A_533 = arith.addf %add3A_528, %mul3A_532 : vector<256x128xf32>
    %slice3A_534 = vector.extract_strided_slice %convert_element_type3A_12 {offsets = [0, 105], sizes = [256, 1], strides = [1, 1]} : vector<256x256xf32> to vector<256x1xf32>
    %slice3A_535 = vector.extract_strided_slice %convert_element_type3A_7 {offsets = [0, 13440], sizes = [256, 128], strides = [1, 1]} : vector<256x17792xf32> to vector<256x128xf32>
    %mul3A_536 = vector.broadcast %slice3A_534 : vector<256x1xf32> to vector<256x128xf32>
    %mul3A_537 = arith.mulf %mul3A_536, %slice3A_535 : vector<256x128xf32>
    %add3A_538 = arith.addf %add3A_533, %mul3A_537 : vector<256x128xf32>
    %slice3A_539 = vector.extract_strided_slice %convert_element_type3A_12 {offsets = [0, 106], sizes = [256, 1], strides = [1, 1]} : vector<256x256xf32> to vector<256x1xf32>
    %slice3A_540 = vector.extract_strided_slice %convert_element_type3A_7 {offsets = [0, 13568], sizes = [256, 128], strides = [1, 1]} : vector<256x17792xf32> to vector<256x128xf32>
    %mul3A_541 = vector.broadcast %slice3A_539 : vector<256x1xf32> to vector<256x128xf32>
    %mul3A_542 = arith.mulf %mul3A_541, %slice3A_540 : vector<256x128xf32>
    %add3A_543 = arith.addf %add3A_538, %mul3A_542 : vector<256x128xf32>
    %slice3A_544 = vector.extract_strided_slice %convert_element_type3A_12 {offsets = [0, 107], sizes = [256, 1], strides = [1, 1]} : vector<256x256xf32> to vector<256x1xf32>
    %slice3A_545 = vector.extract_strided_slice %convert_element_type3A_7 {offsets = [0, 13696], sizes = [256, 128], strides = [1, 1]} : vector<256x17792xf32> to vector<256x128xf32>
    %mul3A_546 = vector.broadcast %slice3A_544 : vector<256x1xf32> to vector<256x128xf32>
    %mul3A_547 = arith.mulf %mul3A_546, %slice3A_545 : vector<256x128xf32>
    %add3A_548 = arith.addf %add3A_543, %mul3A_547 : vector<256x128xf32>
    %slice3A_549 = vector.extract_strided_slice %convert_element_type3A_12 {offsets = [0, 108], sizes = [256, 1], strides = [1, 1]} : vector<256x256xf32> to vector<256x1xf32>
    %slice3A_550 = vector.extract_strided_slice %convert_element_type3A_7 {offsets = [0, 13824], sizes = [256, 128], strides = [1, 1]} : vector<256x17792xf32> to vector<256x128xf32>
    %mul3A_551 = vector.broadcast %slice3A_549 : vector<256x1xf32> to vector<256x128xf32>
    %mul3A_552 = arith.mulf %mul3A_551, %slice3A_550 : vector<256x128xf32>
    %add3A_553 = arith.addf %add3A_548, %mul3A_552 : vector<256x128xf32>
    %slice3A_554 = vector.extract_strided_slice %convert_element_type3A_12 {offsets = [0, 109], sizes = [256, 1], strides = [1, 1]} : vector<256x256xf32> to vector<256x1xf32>
    %slice3A_555 = vector.extract_strided_slice %convert_element_type3A_7 {offsets = [0, 13952], sizes = [256, 128], strides = [1, 1]} : vector<256x17792xf32> to vector<256x128xf32>
    %mul3A_556 = vector.broadcast %slice3A_554 : vector<256x1xf32> to vector<256x128xf32>
    %mul3A_557 = arith.mulf %mul3A_556, %slice3A_555 : vector<256x128xf32>
    %add3A_558 = arith.addf %add3A_553, %mul3A_557 : vector<256x128xf32>
    %slice3A_559 = vector.extract_strided_slice %convert_element_type3A_12 {offsets = [0, 110], sizes = [256, 1], strides = [1, 1]} : vector<256x256xf32> to vector<256x1xf32>
    %slice3A_560 = vector.extract_strided_slice %convert_element_type3A_7 {offsets = [0, 14080], sizes = [256, 128], strides = [1, 1]} : vector<256x17792xf32> to vector<256x128xf32>
    %mul3A_561 = vector.broadcast %slice3A_559 : vector<256x1xf32> to vector<256x128xf32>
    %mul3A_562 = arith.mulf %mul3A_561, %slice3A_560 : vector<256x128xf32>
    %add3A_563 = arith.addf %add3A_558, %mul3A_562 : vector<256x128xf32>
    %slice3A_564 = vector.extract_strided_slice %convert_element_type3A_12 {offsets = [0, 111], sizes = [256, 1], strides = [1, 1]} : vector<256x256xf32> to vector<256x1xf32>
    %slice3A_565 = vector.extract_strided_slice %convert_element_type3A_7 {offsets = [0, 14208], sizes = [256, 128], strides = [1, 1]} : vector<256x17792xf32> to vector<256x128xf32>
    %mul3A_566 = vector.broadcast %slice3A_564 : vector<256x1xf32> to vector<256x128xf32>
    %mul3A_567 = arith.mulf %mul3A_566, %slice3A_565 : vector<256x128xf32>
    %add3A_568 = arith.addf %add3A_563, %mul3A_567 : vector<256x128xf32>
    %slice3A_569 = vector.extract_strided_slice %convert_element_type3A_12 {offsets = [0, 112], sizes = [256, 1], strides = [1, 1]} : vector<256x256xf32> to vector<256x1xf32>
    %slice3A_570 = vector.extract_strided_slice %convert_element_type3A_7 {offsets = [0, 14336], sizes = [256, 128], strides = [1, 1]} : vector<256x17792xf32> to vector<256x128xf32>
    %mul3A_571 = vector.broadcast %slice3A_569 : vector<256x1xf32> to vector<256x128xf32>
    %mul3A_572 = arith.mulf %mul3A_571, %slice3A_570 : vector<256x128xf32>
    %add3A_573 = arith.addf %add3A_568, %mul3A_572 : vector<256x128xf32>
    %slice3A_574 = vector.extract_strided_slice %convert_element_type3A_12 {offsets = [0, 113], sizes = [256, 1], strides = [1, 1]} : vector<256x256xf32> to vector<256x1xf32>
    %slice3A_575 = vector.extract_strided_slice %convert_element_type3A_7 {offsets = [0, 14464], sizes = [256, 128], strides = [1, 1]} : vector<256x17792xf32> to vector<256x128xf32>
    %mul3A_576 = vector.broadcast %slice3A_574 : vector<256x1xf32> to vector<256x128xf32>
    %mul3A_577 = arith.mulf %mul3A_576, %slice3A_575 : vector<256x128xf32>
    %add3A_578 = arith.addf %add3A_573, %mul3A_577 : vector<256x128xf32>
    %slice3A_579 = vector.extract_strided_slice %convert_element_type3A_12 {offsets = [0, 114], sizes = [256, 1], strides = [1, 1]} : vector<256x256xf32> to vector<256x1xf32>
    %slice3A_580 = vector.extract_strided_slice %convert_element_type3A_7 {offsets = [0, 14592], sizes = [256, 128], strides = [1, 1]} : vector<256x17792xf32> to vector<256x128xf32>
    %mul3A_581 = vector.broadcast %slice3A_579 : vector<256x1xf32> to vector<256x128xf32>
    %mul3A_582 = arith.mulf %mul3A_581, %slice3A_580 : vector<256x128xf32>
    %add3A_583 = arith.addf %add3A_578, %mul3A_582 : vector<256x128xf32>
    %slice3A_584 = vector.extract_strided_slice %convert_element_type3A_12 {offsets = [0, 115], sizes = [256, 1], strides = [1, 1]} : vector<256x256xf32> to vector<256x1xf32>
    %slice3A_585 = vector.extract_strided_slice %convert_element_type3A_7 {offsets = [0, 14720], sizes = [256, 128], strides = [1, 1]} : vector<256x17792xf32> to vector<256x128xf32>
    %mul3A_586 = vector.broadcast %slice3A_584 : vector<256x1xf32> to vector<256x128xf32>
    %mul3A_587 = arith.mulf %mul3A_586, %slice3A_585 : vector<256x128xf32>
    %add3A_588 = arith.addf %add3A_583, %mul3A_587 : vector<256x128xf32>
    %slice3A_589 = vector.extract_strided_slice %convert_element_type3A_12 {offsets = [0, 116], sizes = [256, 1], strides = [1, 1]} : vector<256x256xf32> to vector<256x1xf32>
    %slice3A_590 = vector.extract_strided_slice %convert_element_type3A_7 {offsets = [0, 14848], sizes = [256, 128], strides = [1, 1]} : vector<256x17792xf32> to vector<256x128xf32>
    %mul3A_591 = vector.broadcast %slice3A_589 : vector<256x1xf32> to vector<256x128xf32>
    %mul3A_592 = arith.mulf %mul3A_591, %slice3A_590 : vector<256x128xf32>
    %add3A_593 = arith.addf %add3A_588, %mul3A_592 : vector<256x128xf32>
    %slice3A_594 = vector.extract_strided_slice %convert_element_type3A_12 {offsets = [0, 117], sizes = [256, 1], strides = [1, 1]} : vector<256x256xf32> to vector<256x1xf32>
    %slice3A_595 = vector.extract_strided_slice %convert_element_type3A_7 {offsets = [0, 14976], sizes = [256, 128], strides = [1, 1]} : vector<256x17792xf32> to vector<256x128xf32>
    %mul3A_596 = vector.broadcast %slice3A_594 : vector<256x1xf32> to vector<256x128xf32>
    %mul3A_597 = arith.mulf %mul3A_596, %slice3A_595 : vector<256x128xf32>
    %add3A_598 = arith.addf %add3A_593, %mul3A_597 : vector<256x128xf32>
    %slice3A_599 = vector.extract_strided_slice %convert_element_type3A_12 {offsets = [0, 118], sizes = [256, 1], strides = [1, 1]} : vector<256x256xf32> to vector<256x1xf32>
    %slice3A_600 = vector.extract_strided_slice %convert_element_type3A_7 {offsets = [0, 15104], sizes = [256, 128], strides = [1, 1]} : vector<256x17792xf32> to vector<256x128xf32>
    %mul3A_601 = vector.broadcast %slice3A_599 : vector<256x1xf32> to vector<256x128xf32>
    %mul3A_602 = arith.mulf %mul3A_601, %slice3A_600 : vector<256x128xf32>
    %add3A_603 = arith.addf %add3A_598, %mul3A_602 : vector<256x128xf32>
    %slice3A_604 = vector.extract_strided_slice %convert_element_type3A_12 {offsets = [0, 119], sizes = [256, 1], strides = [1, 1]} : vector<256x256xf32> to vector<256x1xf32>
    %slice3A_605 = vector.extract_strided_slice %convert_element_type3A_7 {offsets = [0, 15232], sizes = [256, 128], strides = [1, 1]} : vector<256x17792xf32> to vector<256x128xf32>
    %mul3A_606 = vector.broadcast %slice3A_604 : vector<256x1xf32> to vector<256x128xf32>
    %mul3A_607 = arith.mulf %mul3A_606, %slice3A_605 : vector<256x128xf32>
    %add3A_608 = arith.addf %add3A_603, %mul3A_607 : vector<256x128xf32>
    %slice3A_609 = vector.extract_strided_slice %convert_element_type3A_12 {offsets = [0, 120], sizes = [256, 1], strides = [1, 1]} : vector<256x256xf32> to vector<256x1xf32>
    %slice3A_610 = vector.extract_strided_slice %convert_element_type3A_7 {offsets = [0, 15360], sizes = [256, 128], strides = [1, 1]} : vector<256x17792xf32> to vector<256x128xf32>
    %mul3A_611 = vector.broadcast %slice3A_609 : vector<256x1xf32> to vector<256x128xf32>
    %mul3A_612 = arith.mulf %mul3A_611, %slice3A_610 : vector<256x128xf32>
    %add3A_613 = arith.addf %add3A_608, %mul3A_612 : vector<256x128xf32>
    %slice3A_614 = vector.extract_strided_slice %convert_element_type3A_12 {offsets = [0, 121], sizes = [256, 1], strides = [1, 1]} : vector<256x256xf32> to vector<256x1xf32>
    %slice3A_615 = vector.extract_strided_slice %convert_element_type3A_7 {offsets = [0, 15488], sizes = [256, 128], strides = [1, 1]} : vector<256x17792xf32> to vector<256x128xf32>
    %mul3A_616 = vector.broadcast %slice3A_614 : vector<256x1xf32> to vector<256x128xf32>
    %mul3A_617 = arith.mulf %mul3A_616, %slice3A_615 : vector<256x128xf32>
    %add3A_618 = arith.addf %add3A_613, %mul3A_617 : vector<256x128xf32>
    %slice3A_619 = vector.extract_strided_slice %convert_element_type3A_12 {offsets = [0, 122], sizes = [256, 1], strides = [1, 1]} : vector<256x256xf32> to vector<256x1xf32>
    %slice3A_620 = vector.extract_strided_slice %convert_element_type3A_7 {offsets = [0, 15616], sizes = [256, 128], strides = [1, 1]} : vector<256x17792xf32> to vector<256x128xf32>
    %mul3A_621 = vector.broadcast %slice3A_619 : vector<256x1xf32> to vector<256x128xf32>
    %mul3A_622 = arith.mulf %mul3A_621, %slice3A_620 : vector<256x128xf32>
    %add3A_623 = arith.addf %add3A_618, %mul3A_622 : vector<256x128xf32>
    %slice3A_624 = vector.extract_strided_slice %convert_element_type3A_12 {offsets = [0, 123], sizes = [256, 1], strides = [1, 1]} : vector<256x256xf32> to vector<256x1xf32>
    %slice3A_625 = vector.extract_strided_slice %convert_element_type3A_7 {offsets = [0, 15744], sizes = [256, 128], strides = [1, 1]} : vector<256x17792xf32> to vector<256x128xf32>
    %mul3A_626 = vector.broadcast %slice3A_624 : vector<256x1xf32> to vector<256x128xf32>
    %mul3A_627 = arith.mulf %mul3A_626, %slice3A_625 : vector<256x128xf32>
    %add3A_628 = arith.addf %add3A_623, %mul3A_627 : vector<256x128xf32>
    %slice3A_629 = vector.extract_strided_slice %convert_element_type3A_12 {offsets = [0, 124], sizes = [256, 1], strides = [1, 1]} : vector<256x256xf32> to vector<256x1xf32>
    %slice3A_630 = vector.extract_strided_slice %convert_element_type3A_7 {offsets = [0, 15872], sizes = [256, 128], strides = [1, 1]} : vector<256x17792xf32> to vector<256x128xf32>
    %mul3A_631 = vector.broadcast %slice3A_629 : vector<256x1xf32> to vector<256x128xf32>
    %mul3A_632 = arith.mulf %mul3A_631, %slice3A_630 : vector<256x128xf32>
    %add3A_633 = arith.addf %add3A_628, %mul3A_632 : vector<256x128xf32>
    %slice3A_634 = vector.extract_strided_slice %convert_element_type3A_12 {offsets = [0, 125], sizes = [256, 1], strides = [1, 1]} : vector<256x256xf32> to vector<256x1xf32>
    %slice3A_635 = vector.extract_strided_slice %convert_element_type3A_7 {offsets = [0, 16000], sizes = [256, 128], strides = [1, 1]} : vector<256x17792xf32> to vector<256x128xf32>
    %mul3A_636 = vector.broadcast %slice3A_634 : vector<256x1xf32> to vector<256x128xf32>
    %mul3A_637 = arith.mulf %mul3A_636, %slice3A_635 : vector<256x128xf32>
    %add3A_638 = arith.addf %add3A_633, %mul3A_637 : vector<256x128xf32>
    %slice3A_639 = vector.extract_strided_slice %convert_element_type3A_12 {offsets = [0, 126], sizes = [256, 1], strides = [1, 1]} : vector<256x256xf32> to vector<256x1xf32>
    %slice3A_640 = vector.extract_strided_slice %convert_element_type3A_7 {offsets = [0, 16128], sizes = [256, 128], strides = [1, 1]} : vector<256x17792xf32> to vector<256x128xf32>
    %mul3A_641 = vector.broadcast %slice3A_639 : vector<256x1xf32> to vector<256x128xf32>
    %mul3A_642 = arith.mulf %mul3A_641, %slice3A_640 : vector<256x128xf32>
    %add3A_643 = arith.addf %add3A_638, %mul3A_642 : vector<256x128xf32>
    %slice3A_644 = vector.extract_strided_slice %convert_element_type3A_12 {offsets = [0, 127], sizes = [256, 1], strides = [1, 1]} : vector<256x256xf32> to vector<256x1xf32>
    %slice3A_645 = vector.extract_strided_slice %convert_element_type3A_7 {offsets = [0, 16256], sizes = [256, 128], strides = [1, 1]} : vector<256x17792xf32> to vector<256x128xf32>
    %mul3A_646 = vector.broadcast %slice3A_644 : vector<256x1xf32> to vector<256x128xf32>
    %mul3A_647 = arith.mulf %mul3A_646, %slice3A_645 : vector<256x128xf32>
    %add3A_648 = arith.addf %add3A_643, %mul3A_647 : vector<256x128xf32>
    %slice3A_649 = vector.extract_strided_slice %convert_element_type3A_12 {offsets = [0, 128], sizes = [256, 1], strides = [1, 1]} : vector<256x256xf32> to vector<256x1xf32>
    %slice3A_650 = vector.extract_strided_slice %convert_element_type3A_7 {offsets = [0, 16384], sizes = [256, 128], strides = [1, 1]} : vector<256x17792xf32> to vector<256x128xf32>
    %mul3A_651 = vector.broadcast %slice3A_649 : vector<256x1xf32> to vector<256x128xf32>
    %mul3A_652 = arith.mulf %mul3A_651, %slice3A_650 : vector<256x128xf32>
    %add3A_653 = arith.addf %add3A_648, %mul3A_652 : vector<256x128xf32>
    %slice3A_654 = vector.extract_strided_slice %convert_element_type3A_12 {offsets = [0, 129], sizes = [256, 1], strides = [1, 1]} : vector<256x256xf32> to vector<256x1xf32>
    %slice3A_655 = vector.extract_strided_slice %convert_element_type3A_7 {offsets = [0, 16512], sizes = [256, 128], strides = [1, 1]} : vector<256x17792xf32> to vector<256x128xf32>
    %mul3A_656 = vector.broadcast %slice3A_654 : vector<256x1xf32> to vector<256x128xf32>
    %mul3A_657 = arith.mulf %mul3A_656, %slice3A_655 : vector<256x128xf32>
    %add3A_658 = arith.addf %add3A_653, %mul3A_657 : vector<256x128xf32>
    %slice3A_659 = vector.extract_strided_slice %convert_element_type3A_12 {offsets = [0, 130], sizes = [256, 1], strides = [1, 1]} : vector<256x256xf32> to vector<256x1xf32>
    %slice3A_660 = vector.extract_strided_slice %convert_element_type3A_7 {offsets = [0, 16640], sizes = [256, 128], strides = [1, 1]} : vector<256x17792xf32> to vector<256x128xf32>
    %mul3A_661 = vector.broadcast %slice3A_659 : vector<256x1xf32> to vector<256x128xf32>
    %mul3A_662 = arith.mulf %mul3A_661, %slice3A_660 : vector<256x128xf32>
    %add3A_663 = arith.addf %add3A_658, %mul3A_662 : vector<256x128xf32>
    %slice3A_664 = vector.extract_strided_slice %convert_element_type3A_12 {offsets = [0, 131], sizes = [256, 1], strides = [1, 1]} : vector<256x256xf32> to vector<256x1xf32>
    %slice3A_665 = vector.extract_strided_slice %convert_element_type3A_7 {offsets = [0, 16768], sizes = [256, 128], strides = [1, 1]} : vector<256x17792xf32> to vector<256x128xf32>
    %mul3A_666 = vector.broadcast %slice3A_664 : vector<256x1xf32> to vector<256x128xf32>
    %mul3A_667 = arith.mulf %mul3A_666, %slice3A_665 : vector<256x128xf32>
    %add3A_668 = arith.addf %add3A_663, %mul3A_667 : vector<256x128xf32>
    %slice3A_669 = vector.extract_strided_slice %convert_element_type3A_12 {offsets = [0, 132], sizes = [256, 1], strides = [1, 1]} : vector<256x256xf32> to vector<256x1xf32>
    %slice3A_670 = vector.extract_strided_slice %convert_element_type3A_7 {offsets = [0, 16896], sizes = [256, 128], strides = [1, 1]} : vector<256x17792xf32> to vector<256x128xf32>
    %mul3A_671 = vector.broadcast %slice3A_669 : vector<256x1xf32> to vector<256x128xf32>
    %mul3A_672 = arith.mulf %mul3A_671, %slice3A_670 : vector<256x128xf32>
    %add3A_673 = arith.addf %add3A_668, %mul3A_672 : vector<256x128xf32>
    %slice3A_674 = vector.extract_strided_slice %convert_element_type3A_12 {offsets = [0, 133], sizes = [256, 1], strides = [1, 1]} : vector<256x256xf32> to vector<256x1xf32>
    %slice3A_675 = vector.extract_strided_slice %convert_element_type3A_7 {offsets = [0, 17024], sizes = [256, 128], strides = [1, 1]} : vector<256x17792xf32> to vector<256x128xf32>
    %mul3A_676 = vector.broadcast %slice3A_674 : vector<256x1xf32> to vector<256x128xf32>
    %mul3A_677 = arith.mulf %mul3A_676, %slice3A_675 : vector<256x128xf32>
    %add3A_678 = arith.addf %add3A_673, %mul3A_677 : vector<256x128xf32>
    %slice3A_679 = vector.extract_strided_slice %convert_element_type3A_12 {offsets = [0, 134], sizes = [256, 1], strides = [1, 1]} : vector<256x256xf32> to vector<256x1xf32>
    %slice3A_680 = vector.extract_strided_slice %convert_element_type3A_7 {offsets = [0, 17152], sizes = [256, 128], strides = [1, 1]} : vector<256x17792xf32> to vector<256x128xf32>
    %mul3A_681 = vector.broadcast %slice3A_679 : vector<256x1xf32> to vector<256x128xf32>
    %mul3A_682 = arith.mulf %mul3A_681, %slice3A_680 : vector<256x128xf32>
    %add3A_683 = arith.addf %add3A_678, %mul3A_682 : vector<256x128xf32>
    %slice3A_684 = vector.extract_strided_slice %convert_element_type3A_12 {offsets = [0, 135], sizes = [256, 1], strides = [1, 1]} : vector<256x256xf32> to vector<256x1xf32>
    %slice3A_685 = vector.extract_strided_slice %convert_element_type3A_7 {offsets = [0, 17280], sizes = [256, 128], strides = [1, 1]} : vector<256x17792xf32> to vector<256x128xf32>
    %mul3A_686 = vector.broadcast %slice3A_684 : vector<256x1xf32> to vector<256x128xf32>
    %mul3A_687 = arith.mulf %mul3A_686, %slice3A_685 : vector<256x128xf32>
    %add3A_688 = arith.addf %add3A_683, %mul3A_687 : vector<256x128xf32>
    %slice3A_689 = vector.extract_strided_slice %convert_element_type3A_12 {offsets = [0, 136], sizes = [256, 1], strides = [1, 1]} : vector<256x256xf32> to vector<256x1xf32>
    %slice3A_690 = vector.extract_strided_slice %convert_element_type3A_7 {offsets = [0, 17408], sizes = [256, 128], strides = [1, 1]} : vector<256x17792xf32> to vector<256x128xf32>
    %mul3A_691 = vector.broadcast %slice3A_689 : vector<256x1xf32> to vector<256x128xf32>
    %mul3A_692 = arith.mulf %mul3A_691, %slice3A_690 : vector<256x128xf32>
    %add3A_693 = arith.addf %add3A_688, %mul3A_692 : vector<256x128xf32>
    %slice3A_694 = vector.extract_strided_slice %convert_element_type3A_12 {offsets = [0, 137], sizes = [256, 1], strides = [1, 1]} : vector<256x256xf32> to vector<256x1xf32>
    %slice3A_695 = vector.extract_strided_slice %convert_element_type3A_7 {offsets = [0, 17536], sizes = [256, 128], strides = [1, 1]} : vector<256x17792xf32> to vector<256x128xf32>
    %mul3A_696 = vector.broadcast %slice3A_694 : vector<256x1xf32> to vector<256x128xf32>
    %mul3A_697 = arith.mulf %mul3A_696, %slice3A_695 : vector<256x128xf32>
    %add3A_698 = arith.addf %add3A_693, %mul3A_697 : vector<256x128xf32>
    %slice3A_699 = vector.extract_strided_slice %convert_element_type3A_12 {offsets = [0, 138], sizes = [256, 1], strides = [1, 1]} : vector<256x256xf32> to vector<256x1xf32>
    %slice3A_700 = vector.extract_strided_slice %convert_element_type3A_7 {offsets = [0, 17664], sizes = [256, 128], strides = [1, 1]} : vector<256x17792xf32> to vector<256x128xf32>
    %mul3A_701 = vector.broadcast %slice3A_699 : vector<256x1xf32> to vector<256x128xf32>
    %mul3A_702 = arith.mulf %mul3A_701, %slice3A_700 : vector<256x128xf32>
    %add3A_703 = arith.addf %add3A_698, %mul3A_702 : vector<256x128xf32>
    %swap3A = arith.constant 0 : index
    %swap3A_704 = arith.constant 0 : index
    %swap3A_705 = vector.load %arg4[%swap3A, %swap3A_704] : memref<256x128xf32, #tpu.memory_space<vmem>>, vector<256x128xf32>
    tpu.vector_store %arg4[%swap3A, %swap3A_704], %add3A_703 {strides = array<i32>} : memref<256x128xf32, #tpu.memory_space<vmem>>, vector<256x128xf32>,
    return
  }
  func.func @transform_0(%arg0: i32) -> (i32, i32) {
    %c0_i32 = arith.constant 0 : i32
    %c0_i32_0 = arith.constant 0 : i32
    return %arg0, %c0_i32 : i32, i32
  }
  func.func @transform_1(%arg0: i32) -> (i32, i32) {
    %c0_i32 = arith.constant 0 : i32
    %c0_i32_0 = arith.constant 0 : i32
    return %arg0, %c0_i32 : i32, i32
  }
  func.func @transform_2(%arg0: i32) -> (i32, i32) {
    %c0_i32 = arith.constant 0 : i32
    %c0_i32_0 = arith.constant 0 : i32
    %c0_i32_1 = arith.constant 0 : i32
    return %c0_i32, %c0_i32_0 : i32, i32
  }
  func.func @transform_3(%arg0: i32) -> (i32, i32) {
    %c0_i32 = arith.constant 0 : i32
    %c0_i32_0 = arith.constant 0 : i32
    return %arg0, %c0_i32 : i32, i32
  }
}

module attributes {stable_mosaic.version = 14 : i64} {
  func.func @body(%arg0: memref<2x4096x128xf32, #tpu.memory_space<vmem>>, %arg1: memref<2x4096x128xf32, #tpu.memory_space<vmem>>, %arg2: memref<4096x256xf32, #tpu.memory_space<vmem>>, %arg3: memref<256x128xf32, #tpu.memory_space<vmem>>, %arg4: memref<1x128xf32, #tpu.memory_space<vmem>>, %arg5: memref<4096x128xf32, #tpu.memory_space<vmem>>) attributes {dimension_semantics = [], scalar_prefetch = 0 : i64, scratch_operands = 0 : i64, tpu.core_type = #tpu.core_type<tc>} {
    %get3A = arith.constant 0 : index
    %get3A_0 = arith.constant 0 : index
    %get3A_1 = arith.constant 0 : index
    %get3A_2 = vector.load %arg0[%get3A, %get3A_0, %get3A_1] : memref<2x4096x128xf32, #tpu.memory_space<vmem>>, vector<1x4096x128xf32>
    %get3A_3 = vector.shape_cast %get3A_2 : vector<1x4096x128xf32> to vector<4096x128xf32>
    %get3A_4 = arith.constant 1 : index
    %get3A_5 = arith.constant 0 : index
    %get3A_6 = arith.constant 0 : index
    %get3A_7 = vector.load %arg0[%get3A_4, %get3A_5, %get3A_6] : memref<2x4096x128xf32, #tpu.memory_space<vmem>>, vector<1x4096x128xf32>
    %get3A_8 = vector.shape_cast %get3A_7 : vector<1x4096x128xf32> to vector<4096x128xf32>
    %add3A = arith.addf %get3A_3, %get3A_8 : vector<4096x128xf32>
    %get3A_9 = arith.constant 0 : index
    %get3A_10 = arith.constant 0 : index
    %get3A_11 = arith.constant 0 : index
    %get3A_12 = vector.load %arg1[%get3A_9, %get3A_10, %get3A_11] : memref<2x4096x128xf32, #tpu.memory_space<vmem>>, vector<1x4096x128xf32>
    %get3A_13 = vector.shape_cast %get3A_12 : vector<1x4096x128xf32> to vector<4096x128xf32>
    %get3A_14 = arith.constant 1 : index
    %get3A_15 = arith.constant 0 : index
    %get3A_16 = arith.constant 0 : index
    %get3A_17 = vector.load %arg1[%get3A_14, %get3A_15, %get3A_16] : memref<2x4096x128xf32, #tpu.memory_space<vmem>>, vector<1x4096x128xf32>
    %get3A_18 = vector.shape_cast %get3A_17 : vector<1x4096x128xf32> to vector<4096x128xf32>
    %add3A_19 = arith.addf %get3A_13, %get3A_18 : vector<4096x128xf32>
    %reduce_max3A = arith.constant dense<0xFF800000> : vector<4096xf32>
    %reduce_max3A_20 = vector.multi_reduction <maximumf>, %add3A_19, %reduce_max3A [1] : vector<4096x128xf32> to vector<4096xf32>
    %broadcast_in_dim3A = vector.shape_cast %reduce_max3A_20 : vector<4096xf32> to vector<4096x1xf32>
    %max3A = arith.constant 1.000000e+00 : f32
    %max3A_21 = vector.broadcast %max3A : f32 to vector<4096x1xf32>
    %max3A_22 = arith.maximumf %broadcast_in_dim3A, %max3A_21 : vector<4096x1xf32>
    %div3A = arith.constant 1.000000e+00 : f32
    %div3A_23 = vector.broadcast %div3A : f32 to vector<4096x1xf32>
    %div3A_24 = arith.divf %div3A_23, %max3A_22 : vector<4096x1xf32>
    %mul3A = vector.broadcast %div3A_24 : vector<4096x1xf32> to vector<4096x128xf32>
    %mul3A_25 = arith.mulf %add3A, %mul3A : vector<4096x128xf32>
    %get3A_26 = arith.constant 0 : index
    %get3A_27 = arith.constant 0 : index
    %get3A_28 = vector.load %arg2[%get3A_26, %get3A_27] : memref<4096x256xf32, #tpu.memory_space<vmem>>, vector<4096x256xf32>
    %get3A_29 = arith.constant 0 : index
    %get3A_30 = arith.constant 0 : index
    %get3A_31 = vector.load %arg3[%get3A_29, %get3A_30] : memref<256x128xf32, #tpu.memory_space<vmem>>, vector<256x128xf32>
    %dot_general3A = arith.constant dense<0.000000e+00> : vector<4096x128xf32>
    %dot_general3A_32 = tpu.matmul %get3A_28, %get3A_31, %dot_general3A {dimension_numbers = #tpu.dot_dimension_numbers<[1], [0], [0], [1], [0, 0, 1, 1], [], []>, transpose_lhs_hint = false} : vector<4096x256xf32>, vector<256x128xf32>, vector<4096x128xf32> -> vector<4096x128xf32>
    %add3A_33 = arith.addf %mul3A_25, %dot_general3A_32 : vector<4096x128xf32>
    %get3A_34 = arith.constant 0 : index
    %get3A_35 = arith.constant 0 : index
    %get3A_36 = vector.load %arg4[%get3A_34, %get3A_35] : memref<1x128xf32, #tpu.memory_space<vmem>>, vector<1x128xf32>
    %add3A_37 = vector.broadcast %get3A_36 : vector<1x128xf32> to vector<4096x128xf32>
    %add3A_38 = arith.addf %add3A_33, %add3A_37 : vector<4096x128xf32>
    %ge3A = arith.constant 0.000000e+00 : f32
    %ge3A_39 = vector.broadcast %ge3A : f32 to vector<4096x128xf32>
    %ge3A_40 = arith.cmpf oge, %add3A_38, %ge3A_39 : vector<4096x128xf32>
    %mul3A_41 = arith.constant 0.00999999977 : f32
    %mul3A_42 = vector.broadcast %mul3A_41 : f32 to vector<4096x128xf32>
    %mul3A_43 = arith.mulf %mul3A_42, %add3A_38 : vector<4096x128xf32>
    %select_n3A = arith.select %ge3A_40, %add3A_38, %mul3A_43 : vector<4096x128xi1>, vector<4096x128xf32>
    %swap3A = arith.constant 0 : index
    %swap3A_44 = arith.constant 0 : index
    %swap3A_45 = vector.load %arg5[%swap3A, %swap3A_44] : memref<4096x128xf32, #tpu.memory_space<vmem>>, vector<4096x128xf32>
    tpu.vector_store %arg5[%swap3A, %swap3A_44], %select_n3A {strides = array<i32>} : memref<4096x128xf32, #tpu.memory_space<vmem>>, vector<4096x128xf32>,
    return
  }
}

module attributes {stable_mosaic.version = 14 : i64} {
  func.func @body(%arg0: i32, %arg1: memref<128x256xf32, #tpu.memory_space<vmem>>, %arg2: memref<128x256xf32, #tpu.memory_space<vmem>>, %arg3: memref<256x35584xbf16, #tpu.memory_space<vmem>>, %arg4: memref<128x256xf32, #tpu.memory_space<vmem>>) attributes {dimension_semantics = [#tpu.dimension_semantics<arbitrary>], iteration_bounds = array<i64: 64>, scalar_prefetch = 0 : i64, scratch_operands = 0 : i64, tpu.core_type = #tpu.core_type<tc>, window_params = [{transform_indices = @transform_0, window_bounds = array<i64: 128, 256>}, {transform_indices = @transform_1, window_bounds = array<i64: 128, 256>}, {pipeline_mode = #tpu.pipeline_mode<synchronous>, transform_indices = @transform_2, window_bounds = array<i64: 256, 35584>}, {transform_indices = @transform_3, window_bounds = array<i64: 128, 256>}]} {
    %get3A = arith.constant 0 : index
    %get3A_0 = arith.constant 0 : index
    %get3A_1 = vector.load %arg1[%get3A, %get3A_0] : memref<128x256xf32, #tpu.memory_space<vmem>>, vector<128x256xf32>
    %convert_element_type3A = arith.truncf %get3A_1 : vector<128x256xf32> to vector<128x256xbf16>
    %get3A_2 = arith.constant 0 : index
    %get3A_3 = arith.constant 0 : index
    %get3A_4 = vector.load %arg3[%get3A_2, %get3A_3] : memref<256x35584xbf16, #tpu.memory_space<vmem>>, vector<256x35584xbf16>
    %dot_general3A = arith.constant dense<0.000000e+00> : vector<128x35584xf32>
    %dot_general3A_5 = tpu.matmul %convert_element_type3A, %get3A_4, %dot_general3A {dimension_numbers = #tpu.dot_dimension_numbers<[1], [0], [0], [1], [0, 0, 1, 1], [], []>, transpose_lhs_hint = false} : vector<128x256xbf16>, vector<256x35584xbf16>, vector<128x35584xf32> -> vector<128x35584xf32>
    %convert_element_type3A_6 = arith.truncf %dot_general3A_5 : vector<128x35584xf32> to vector<128x35584xbf16>
    %convert_element_type3A_7 = arith.extf %convert_element_type3A_6 : vector<128x35584xbf16> to vector<128x35584xf32>
    %get3A_8 = arith.constant 0 : index
    %get3A_9 = arith.constant 0 : index
    %get3A_10 = vector.load %arg2[%get3A_8, %get3A_9] : memref<128x256xf32, #tpu.memory_space<vmem>>, vector<128x256xf32>
    %convert_element_type3A_11 = arith.truncf %get3A_10 : vector<128x256xf32> to vector<128x256xbf16>
    %convert_element_type3A_12 = arith.extf %convert_element_type3A_11 : vector<128x256xbf16> to vector<128x256xf32>
    %slice3A = vector.extract_strided_slice %convert_element_type3A_12 {offsets = [0, 0], sizes = [128, 1], strides = [1, 1]} : vector<128x256xf32> to vector<128x1xf32>
    %slice3A_13 = vector.extract_strided_slice %convert_element_type3A_7 {offsets = [0, 0], sizes = [128, 256], strides = [1, 1]} : vector<128x35584xf32> to vector<128x256xf32>
    %mul3A = vector.broadcast %slice3A : vector<128x1xf32> to vector<128x256xf32>
    %mul3A_14 = arith.mulf %mul3A, %slice3A_13 : vector<128x256xf32>
    %slice3A_15 = vector.extract_strided_slice %convert_element_type3A_12 {offsets = [0, 1], sizes = [128, 1], strides = [1, 1]} : vector<128x256xf32> to vector<128x1xf32>
    %slice3A_16 = vector.extract_strided_slice %convert_element_type3A_7 {offsets = [0, 256], sizes = [128, 256], strides = [1, 1]} : vector<128x35584xf32> to vector<128x256xf32>
    %mul3A_17 = vector.broadcast %slice3A_15 : vector<128x1xf32> to vector<128x256xf32>
    %mul3A_18 = arith.mulf %mul3A_17, %slice3A_16 : vector<128x256xf32>
    %add3A = arith.addf %mul3A_14, %mul3A_18 : vector<128x256xf32>
    %slice3A_19 = vector.extract_strided_slice %convert_element_type3A_12 {offsets = [0, 2], sizes = [128, 1], strides = [1, 1]} : vector<128x256xf32> to vector<128x1xf32>
    %slice3A_20 = vector.extract_strided_slice %convert_element_type3A_7 {offsets = [0, 512], sizes = [128, 256], strides = [1, 1]} : vector<128x35584xf32> to vector<128x256xf32>
    %mul3A_21 = vector.broadcast %slice3A_19 : vector<128x1xf32> to vector<128x256xf32>
    %mul3A_22 = arith.mulf %mul3A_21, %slice3A_20 : vector<128x256xf32>
    %add3A_23 = arith.addf %add3A, %mul3A_22 : vector<128x256xf32>
    %slice3A_24 = vector.extract_strided_slice %convert_element_type3A_12 {offsets = [0, 3], sizes = [128, 1], strides = [1, 1]} : vector<128x256xf32> to vector<128x1xf32>
    %slice3A_25 = vector.extract_strided_slice %convert_element_type3A_7 {offsets = [0, 768], sizes = [128, 256], strides = [1, 1]} : vector<128x35584xf32> to vector<128x256xf32>
    %mul3A_26 = vector.broadcast %slice3A_24 : vector<128x1xf32> to vector<128x256xf32>
    %mul3A_27 = arith.mulf %mul3A_26, %slice3A_25 : vector<128x256xf32>
    %add3A_28 = arith.addf %add3A_23, %mul3A_27 : vector<128x256xf32>
    %slice3A_29 = vector.extract_strided_slice %convert_element_type3A_12 {offsets = [0, 4], sizes = [128, 1], strides = [1, 1]} : vector<128x256xf32> to vector<128x1xf32>
    %slice3A_30 = vector.extract_strided_slice %convert_element_type3A_7 {offsets = [0, 1024], sizes = [128, 256], strides = [1, 1]} : vector<128x35584xf32> to vector<128x256xf32>
    %mul3A_31 = vector.broadcast %slice3A_29 : vector<128x1xf32> to vector<128x256xf32>
    %mul3A_32 = arith.mulf %mul3A_31, %slice3A_30 : vector<128x256xf32>
    %add3A_33 = arith.addf %add3A_28, %mul3A_32 : vector<128x256xf32>
    %slice3A_34 = vector.extract_strided_slice %convert_element_type3A_12 {offsets = [0, 5], sizes = [128, 1], strides = [1, 1]} : vector<128x256xf32> to vector<128x1xf32>
    %slice3A_35 = vector.extract_strided_slice %convert_element_type3A_7 {offsets = [0, 1280], sizes = [128, 256], strides = [1, 1]} : vector<128x35584xf32> to vector<128x256xf32>
    %mul3A_36 = vector.broadcast %slice3A_34 : vector<128x1xf32> to vector<128x256xf32>
    %mul3A_37 = arith.mulf %mul3A_36, %slice3A_35 : vector<128x256xf32>
    %add3A_38 = arith.addf %add3A_33, %mul3A_37 : vector<128x256xf32>
    %slice3A_39 = vector.extract_strided_slice %convert_element_type3A_12 {offsets = [0, 6], sizes = [128, 1], strides = [1, 1]} : vector<128x256xf32> to vector<128x1xf32>
    %slice3A_40 = vector.extract_strided_slice %convert_element_type3A_7 {offsets = [0, 1536], sizes = [128, 256], strides = [1, 1]} : vector<128x35584xf32> to vector<128x256xf32>
    %mul3A_41 = vector.broadcast %slice3A_39 : vector<128x1xf32> to vector<128x256xf32>
    %mul3A_42 = arith.mulf %mul3A_41, %slice3A_40 : vector<128x256xf32>
    %add3A_43 = arith.addf %add3A_38, %mul3A_42 : vector<128x256xf32>
    %slice3A_44 = vector.extract_strided_slice %convert_element_type3A_12 {offsets = [0, 7], sizes = [128, 1], strides = [1, 1]} : vector<128x256xf32> to vector<128x1xf32>
    %slice3A_45 = vector.extract_strided_slice %convert_element_type3A_7 {offsets = [0, 1792], sizes = [128, 256], strides = [1, 1]} : vector<128x35584xf32> to vector<128x256xf32>
    %mul3A_46 = vector.broadcast %slice3A_44 : vector<128x1xf32> to vector<128x256xf32>
    %mul3A_47 = arith.mulf %mul3A_46, %slice3A_45 : vector<128x256xf32>
    %add3A_48 = arith.addf %add3A_43, %mul3A_47 : vector<128x256xf32>
    %slice3A_49 = vector.extract_strided_slice %convert_element_type3A_12 {offsets = [0, 8], sizes = [128, 1], strides = [1, 1]} : vector<128x256xf32> to vector<128x1xf32>
    %slice3A_50 = vector.extract_strided_slice %convert_element_type3A_7 {offsets = [0, 2048], sizes = [128, 256], strides = [1, 1]} : vector<128x35584xf32> to vector<128x256xf32>
    %mul3A_51 = vector.broadcast %slice3A_49 : vector<128x1xf32> to vector<128x256xf32>
    %mul3A_52 = arith.mulf %mul3A_51, %slice3A_50 : vector<128x256xf32>
    %add3A_53 = arith.addf %add3A_48, %mul3A_52 : vector<128x256xf32>
    %slice3A_54 = vector.extract_strided_slice %convert_element_type3A_12 {offsets = [0, 9], sizes = [128, 1], strides = [1, 1]} : vector<128x256xf32> to vector<128x1xf32>
    %slice3A_55 = vector.extract_strided_slice %convert_element_type3A_7 {offsets = [0, 2304], sizes = [128, 256], strides = [1, 1]} : vector<128x35584xf32> to vector<128x256xf32>
    %mul3A_56 = vector.broadcast %slice3A_54 : vector<128x1xf32> to vector<128x256xf32>
    %mul3A_57 = arith.mulf %mul3A_56, %slice3A_55 : vector<128x256xf32>
    %add3A_58 = arith.addf %add3A_53, %mul3A_57 : vector<128x256xf32>
    %slice3A_59 = vector.extract_strided_slice %convert_element_type3A_12 {offsets = [0, 10], sizes = [128, 1], strides = [1, 1]} : vector<128x256xf32> to vector<128x1xf32>
    %slice3A_60 = vector.extract_strided_slice %convert_element_type3A_7 {offsets = [0, 2560], sizes = [128, 256], strides = [1, 1]} : vector<128x35584xf32> to vector<128x256xf32>
    %mul3A_61 = vector.broadcast %slice3A_59 : vector<128x1xf32> to vector<128x256xf32>
    %mul3A_62 = arith.mulf %mul3A_61, %slice3A_60 : vector<128x256xf32>
    %add3A_63 = arith.addf %add3A_58, %mul3A_62 : vector<128x256xf32>
    %slice3A_64 = vector.extract_strided_slice %convert_element_type3A_12 {offsets = [0, 11], sizes = [128, 1], strides = [1, 1]} : vector<128x256xf32> to vector<128x1xf32>
    %slice3A_65 = vector.extract_strided_slice %convert_element_type3A_7 {offsets = [0, 2816], sizes = [128, 256], strides = [1, 1]} : vector<128x35584xf32> to vector<128x256xf32>
    %mul3A_66 = vector.broadcast %slice3A_64 : vector<128x1xf32> to vector<128x256xf32>
    %mul3A_67 = arith.mulf %mul3A_66, %slice3A_65 : vector<128x256xf32>
    %add3A_68 = arith.addf %add3A_63, %mul3A_67 : vector<128x256xf32>
    %slice3A_69 = vector.extract_strided_slice %convert_element_type3A_12 {offsets = [0, 12], sizes = [128, 1], strides = [1, 1]} : vector<128x256xf32> to vector<128x1xf32>
    %slice3A_70 = vector.extract_strided_slice %convert_element_type3A_7 {offsets = [0, 3072], sizes = [128, 256], strides = [1, 1]} : vector<128x35584xf32> to vector<128x256xf32>
    %mul3A_71 = vector.broadcast %slice3A_69 : vector<128x1xf32> to vector<128x256xf32>
    %mul3A_72 = arith.mulf %mul3A_71, %slice3A_70 : vector<128x256xf32>
    %add3A_73 = arith.addf %add3A_68, %mul3A_72 : vector<128x256xf32>
    %slice3A_74 = vector.extract_strided_slice %convert_element_type3A_12 {offsets = [0, 13], sizes = [128, 1], strides = [1, 1]} : vector<128x256xf32> to vector<128x1xf32>
    %slice3A_75 = vector.extract_strided_slice %convert_element_type3A_7 {offsets = [0, 3328], sizes = [128, 256], strides = [1, 1]} : vector<128x35584xf32> to vector<128x256xf32>
    %mul3A_76 = vector.broadcast %slice3A_74 : vector<128x1xf32> to vector<128x256xf32>
    %mul3A_77 = arith.mulf %mul3A_76, %slice3A_75 : vector<128x256xf32>
    %add3A_78 = arith.addf %add3A_73, %mul3A_77 : vector<128x256xf32>
    %slice3A_79 = vector.extract_strided_slice %convert_element_type3A_12 {offsets = [0, 14], sizes = [128, 1], strides = [1, 1]} : vector<128x256xf32> to vector<128x1xf32>
    %slice3A_80 = vector.extract_strided_slice %convert_element_type3A_7 {offsets = [0, 3584], sizes = [128, 256], strides = [1, 1]} : vector<128x35584xf32> to vector<128x256xf32>
    %mul3A_81 = vector.broadcast %slice3A_79 : vector<128x1xf32> to vector<128x256xf32>
    %mul3A_82 = arith.mulf %mul3A_81, %slice3A_80 : vector<128x256xf32>
    %add3A_83 = arith.addf %add3A_78, %mul3A_82 : vector<128x256xf32>
    %slice3A_84 = vector.extract_strided_slice %convert_element_type3A_12 {offsets = [0, 15], sizes = [128, 1], strides = [1, 1]} : vector<128x256xf32> to vector<128x1xf32>
    %slice3A_85 = vector.extract_strided_slice %convert_element_type3A_7 {offsets = [0, 3840], sizes = [128, 256], strides = [1, 1]} : vector<128x35584xf32> to vector<128x256xf32>
    %mul3A_86 = vector.broadcast %slice3A_84 : vector<128x1xf32> to vector<128x256xf32>
    %mul3A_87 = arith.mulf %mul3A_86, %slice3A_85 : vector<128x256xf32>
    %add3A_88 = arith.addf %add3A_83, %mul3A_87 : vector<128x256xf32>
    %slice3A_89 = vector.extract_strided_slice %convert_element_type3A_12 {offsets = [0, 16], sizes = [128, 1], strides = [1, 1]} : vector<128x256xf32> to vector<128x1xf32>
    %slice3A_90 = vector.extract_strided_slice %convert_element_type3A_7 {offsets = [0, 4096], sizes = [128, 256], strides = [1, 1]} : vector<128x35584xf32> to vector<128x256xf32>
    %mul3A_91 = vector.broadcast %slice3A_89 : vector<128x1xf32> to vector<128x256xf32>
    %mul3A_92 = arith.mulf %mul3A_91, %slice3A_90 : vector<128x256xf32>
    %add3A_93 = arith.addf %add3A_88, %mul3A_92 : vector<128x256xf32>
    %slice3A_94 = vector.extract_strided_slice %convert_element_type3A_12 {offsets = [0, 17], sizes = [128, 1], strides = [1, 1]} : vector<128x256xf32> to vector<128x1xf32>
    %slice3A_95 = vector.extract_strided_slice %convert_element_type3A_7 {offsets = [0, 4352], sizes = [128, 256], strides = [1, 1]} : vector<128x35584xf32> to vector<128x256xf32>
    %mul3A_96 = vector.broadcast %slice3A_94 : vector<128x1xf32> to vector<128x256xf32>
    %mul3A_97 = arith.mulf %mul3A_96, %slice3A_95 : vector<128x256xf32>
    %add3A_98 = arith.addf %add3A_93, %mul3A_97 : vector<128x256xf32>
    %slice3A_99 = vector.extract_strided_slice %convert_element_type3A_12 {offsets = [0, 18], sizes = [128, 1], strides = [1, 1]} : vector<128x256xf32> to vector<128x1xf32>
    %slice3A_100 = vector.extract_strided_slice %convert_element_type3A_7 {offsets = [0, 4608], sizes = [128, 256], strides = [1, 1]} : vector<128x35584xf32> to vector<128x256xf32>
    %mul3A_101 = vector.broadcast %slice3A_99 : vector<128x1xf32> to vector<128x256xf32>
    %mul3A_102 = arith.mulf %mul3A_101, %slice3A_100 : vector<128x256xf32>
    %add3A_103 = arith.addf %add3A_98, %mul3A_102 : vector<128x256xf32>
    %slice3A_104 = vector.extract_strided_slice %convert_element_type3A_12 {offsets = [0, 19], sizes = [128, 1], strides = [1, 1]} : vector<128x256xf32> to vector<128x1xf32>
    %slice3A_105 = vector.extract_strided_slice %convert_element_type3A_7 {offsets = [0, 4864], sizes = [128, 256], strides = [1, 1]} : vector<128x35584xf32> to vector<128x256xf32>
    %mul3A_106 = vector.broadcast %slice3A_104 : vector<128x1xf32> to vector<128x256xf32>
    %mul3A_107 = arith.mulf %mul3A_106, %slice3A_105 : vector<128x256xf32>
    %add3A_108 = arith.addf %add3A_103, %mul3A_107 : vector<128x256xf32>
    %slice3A_109 = vector.extract_strided_slice %convert_element_type3A_12 {offsets = [0, 20], sizes = [128, 1], strides = [1, 1]} : vector<128x256xf32> to vector<128x1xf32>
    %slice3A_110 = vector.extract_strided_slice %convert_element_type3A_7 {offsets = [0, 5120], sizes = [128, 256], strides = [1, 1]} : vector<128x35584xf32> to vector<128x256xf32>
    %mul3A_111 = vector.broadcast %slice3A_109 : vector<128x1xf32> to vector<128x256xf32>
    %mul3A_112 = arith.mulf %mul3A_111, %slice3A_110 : vector<128x256xf32>
    %add3A_113 = arith.addf %add3A_108, %mul3A_112 : vector<128x256xf32>
    %slice3A_114 = vector.extract_strided_slice %convert_element_type3A_12 {offsets = [0, 21], sizes = [128, 1], strides = [1, 1]} : vector<128x256xf32> to vector<128x1xf32>
    %slice3A_115 = vector.extract_strided_slice %convert_element_type3A_7 {offsets = [0, 5376], sizes = [128, 256], strides = [1, 1]} : vector<128x35584xf32> to vector<128x256xf32>
    %mul3A_116 = vector.broadcast %slice3A_114 : vector<128x1xf32> to vector<128x256xf32>
    %mul3A_117 = arith.mulf %mul3A_116, %slice3A_115 : vector<128x256xf32>
    %add3A_118 = arith.addf %add3A_113, %mul3A_117 : vector<128x256xf32>
    %slice3A_119 = vector.extract_strided_slice %convert_element_type3A_12 {offsets = [0, 22], sizes = [128, 1], strides = [1, 1]} : vector<128x256xf32> to vector<128x1xf32>
    %slice3A_120 = vector.extract_strided_slice %convert_element_type3A_7 {offsets = [0, 5632], sizes = [128, 256], strides = [1, 1]} : vector<128x35584xf32> to vector<128x256xf32>
    %mul3A_121 = vector.broadcast %slice3A_119 : vector<128x1xf32> to vector<128x256xf32>
    %mul3A_122 = arith.mulf %mul3A_121, %slice3A_120 : vector<128x256xf32>
    %add3A_123 = arith.addf %add3A_118, %mul3A_122 : vector<128x256xf32>
    %slice3A_124 = vector.extract_strided_slice %convert_element_type3A_12 {offsets = [0, 23], sizes = [128, 1], strides = [1, 1]} : vector<128x256xf32> to vector<128x1xf32>
    %slice3A_125 = vector.extract_strided_slice %convert_element_type3A_7 {offsets = [0, 5888], sizes = [128, 256], strides = [1, 1]} : vector<128x35584xf32> to vector<128x256xf32>
    %mul3A_126 = vector.broadcast %slice3A_124 : vector<128x1xf32> to vector<128x256xf32>
    %mul3A_127 = arith.mulf %mul3A_126, %slice3A_125 : vector<128x256xf32>
    %add3A_128 = arith.addf %add3A_123, %mul3A_127 : vector<128x256xf32>
    %slice3A_129 = vector.extract_strided_slice %convert_element_type3A_12 {offsets = [0, 24], sizes = [128, 1], strides = [1, 1]} : vector<128x256xf32> to vector<128x1xf32>
    %slice3A_130 = vector.extract_strided_slice %convert_element_type3A_7 {offsets = [0, 6144], sizes = [128, 256], strides = [1, 1]} : vector<128x35584xf32> to vector<128x256xf32>
    %mul3A_131 = vector.broadcast %slice3A_129 : vector<128x1xf32> to vector<128x256xf32>
    %mul3A_132 = arith.mulf %mul3A_131, %slice3A_130 : vector<128x256xf32>
    %add3A_133 = arith.addf %add3A_128, %mul3A_132 : vector<128x256xf32>
    %slice3A_134 = vector.extract_strided_slice %convert_element_type3A_12 {offsets = [0, 25], sizes = [128, 1], strides = [1, 1]} : vector<128x256xf32> to vector<128x1xf32>
    %slice3A_135 = vector.extract_strided_slice %convert_element_type3A_7 {offsets = [0, 6400], sizes = [128, 256], strides = [1, 1]} : vector<128x35584xf32> to vector<128x256xf32>
    %mul3A_136 = vector.broadcast %slice3A_134 : vector<128x1xf32> to vector<128x256xf32>
    %mul3A_137 = arith.mulf %mul3A_136, %slice3A_135 : vector<128x256xf32>
    %add3A_138 = arith.addf %add3A_133, %mul3A_137 : vector<128x256xf32>
    %slice3A_139 = vector.extract_strided_slice %convert_element_type3A_12 {offsets = [0, 26], sizes = [128, 1], strides = [1, 1]} : vector<128x256xf32> to vector<128x1xf32>
    %slice3A_140 = vector.extract_strided_slice %convert_element_type3A_7 {offsets = [0, 6656], sizes = [128, 256], strides = [1, 1]} : vector<128x35584xf32> to vector<128x256xf32>
    %mul3A_141 = vector.broadcast %slice3A_139 : vector<128x1xf32> to vector<128x256xf32>
    %mul3A_142 = arith.mulf %mul3A_141, %slice3A_140 : vector<128x256xf32>
    %add3A_143 = arith.addf %add3A_138, %mul3A_142 : vector<128x256xf32>
    %slice3A_144 = vector.extract_strided_slice %convert_element_type3A_12 {offsets = [0, 27], sizes = [128, 1], strides = [1, 1]} : vector<128x256xf32> to vector<128x1xf32>
    %slice3A_145 = vector.extract_strided_slice %convert_element_type3A_7 {offsets = [0, 6912], sizes = [128, 256], strides = [1, 1]} : vector<128x35584xf32> to vector<128x256xf32>
    %mul3A_146 = vector.broadcast %slice3A_144 : vector<128x1xf32> to vector<128x256xf32>
    %mul3A_147 = arith.mulf %mul3A_146, %slice3A_145 : vector<128x256xf32>
    %add3A_148 = arith.addf %add3A_143, %mul3A_147 : vector<128x256xf32>
    %slice3A_149 = vector.extract_strided_slice %convert_element_type3A_12 {offsets = [0, 28], sizes = [128, 1], strides = [1, 1]} : vector<128x256xf32> to vector<128x1xf32>
    %slice3A_150 = vector.extract_strided_slice %convert_element_type3A_7 {offsets = [0, 7168], sizes = [128, 256], strides = [1, 1]} : vector<128x35584xf32> to vector<128x256xf32>
    %mul3A_151 = vector.broadcast %slice3A_149 : vector<128x1xf32> to vector<128x256xf32>
    %mul3A_152 = arith.mulf %mul3A_151, %slice3A_150 : vector<128x256xf32>
    %add3A_153 = arith.addf %add3A_148, %mul3A_152 : vector<128x256xf32>
    %slice3A_154 = vector.extract_strided_slice %convert_element_type3A_12 {offsets = [0, 29], sizes = [128, 1], strides = [1, 1]} : vector<128x256xf32> to vector<128x1xf32>
    %slice3A_155 = vector.extract_strided_slice %convert_element_type3A_7 {offsets = [0, 7424], sizes = [128, 256], strides = [1, 1]} : vector<128x35584xf32> to vector<128x256xf32>
    %mul3A_156 = vector.broadcast %slice3A_154 : vector<128x1xf32> to vector<128x256xf32>
    %mul3A_157 = arith.mulf %mul3A_156, %slice3A_155 : vector<128x256xf32>
    %add3A_158 = arith.addf %add3A_153, %mul3A_157 : vector<128x256xf32>
    %slice3A_159 = vector.extract_strided_slice %convert_element_type3A_12 {offsets = [0, 30], sizes = [128, 1], strides = [1, 1]} : vector<128x256xf32> to vector<128x1xf32>
    %slice3A_160 = vector.extract_strided_slice %convert_element_type3A_7 {offsets = [0, 7680], sizes = [128, 256], strides = [1, 1]} : vector<128x35584xf32> to vector<128x256xf32>
    %mul3A_161 = vector.broadcast %slice3A_159 : vector<128x1xf32> to vector<128x256xf32>
    %mul3A_162 = arith.mulf %mul3A_161, %slice3A_160 : vector<128x256xf32>
    %add3A_163 = arith.addf %add3A_158, %mul3A_162 : vector<128x256xf32>
    %slice3A_164 = vector.extract_strided_slice %convert_element_type3A_12 {offsets = [0, 31], sizes = [128, 1], strides = [1, 1]} : vector<128x256xf32> to vector<128x1xf32>
    %slice3A_165 = vector.extract_strided_slice %convert_element_type3A_7 {offsets = [0, 7936], sizes = [128, 256], strides = [1, 1]} : vector<128x35584xf32> to vector<128x256xf32>
    %mul3A_166 = vector.broadcast %slice3A_164 : vector<128x1xf32> to vector<128x256xf32>
    %mul3A_167 = arith.mulf %mul3A_166, %slice3A_165 : vector<128x256xf32>
    %add3A_168 = arith.addf %add3A_163, %mul3A_167 : vector<128x256xf32>
    %slice3A_169 = vector.extract_strided_slice %convert_element_type3A_12 {offsets = [0, 32], sizes = [128, 1], strides = [1, 1]} : vector<128x256xf32> to vector<128x1xf32>
    %slice3A_170 = vector.extract_strided_slice %convert_element_type3A_7 {offsets = [0, 8192], sizes = [128, 256], strides = [1, 1]} : vector<128x35584xf32> to vector<128x256xf32>
    %mul3A_171 = vector.broadcast %slice3A_169 : vector<128x1xf32> to vector<128x256xf32>
    %mul3A_172 = arith.mulf %mul3A_171, %slice3A_170 : vector<128x256xf32>
    %add3A_173 = arith.addf %add3A_168, %mul3A_172 : vector<128x256xf32>
    %slice3A_174 = vector.extract_strided_slice %convert_element_type3A_12 {offsets = [0, 33], sizes = [128, 1], strides = [1, 1]} : vector<128x256xf32> to vector<128x1xf32>
    %slice3A_175 = vector.extract_strided_slice %convert_element_type3A_7 {offsets = [0, 8448], sizes = [128, 256], strides = [1, 1]} : vector<128x35584xf32> to vector<128x256xf32>
    %mul3A_176 = vector.broadcast %slice3A_174 : vector<128x1xf32> to vector<128x256xf32>
    %mul3A_177 = arith.mulf %mul3A_176, %slice3A_175 : vector<128x256xf32>
    %add3A_178 = arith.addf %add3A_173, %mul3A_177 : vector<128x256xf32>
    %slice3A_179 = vector.extract_strided_slice %convert_element_type3A_12 {offsets = [0, 34], sizes = [128, 1], strides = [1, 1]} : vector<128x256xf32> to vector<128x1xf32>
    %slice3A_180 = vector.extract_strided_slice %convert_element_type3A_7 {offsets = [0, 8704], sizes = [128, 256], strides = [1, 1]} : vector<128x35584xf32> to vector<128x256xf32>
    %mul3A_181 = vector.broadcast %slice3A_179 : vector<128x1xf32> to vector<128x256xf32>
    %mul3A_182 = arith.mulf %mul3A_181, %slice3A_180 : vector<128x256xf32>
    %add3A_183 = arith.addf %add3A_178, %mul3A_182 : vector<128x256xf32>
    %slice3A_184 = vector.extract_strided_slice %convert_element_type3A_12 {offsets = [0, 35], sizes = [128, 1], strides = [1, 1]} : vector<128x256xf32> to vector<128x1xf32>
    %slice3A_185 = vector.extract_strided_slice %convert_element_type3A_7 {offsets = [0, 8960], sizes = [128, 256], strides = [1, 1]} : vector<128x35584xf32> to vector<128x256xf32>
    %mul3A_186 = vector.broadcast %slice3A_184 : vector<128x1xf32> to vector<128x256xf32>
    %mul3A_187 = arith.mulf %mul3A_186, %slice3A_185 : vector<128x256xf32>
    %add3A_188 = arith.addf %add3A_183, %mul3A_187 : vector<128x256xf32>
    %slice3A_189 = vector.extract_strided_slice %convert_element_type3A_12 {offsets = [0, 36], sizes = [128, 1], strides = [1, 1]} : vector<128x256xf32> to vector<128x1xf32>
    %slice3A_190 = vector.extract_strided_slice %convert_element_type3A_7 {offsets = [0, 9216], sizes = [128, 256], strides = [1, 1]} : vector<128x35584xf32> to vector<128x256xf32>
    %mul3A_191 = vector.broadcast %slice3A_189 : vector<128x1xf32> to vector<128x256xf32>
    %mul3A_192 = arith.mulf %mul3A_191, %slice3A_190 : vector<128x256xf32>
    %add3A_193 = arith.addf %add3A_188, %mul3A_192 : vector<128x256xf32>
    %slice3A_194 = vector.extract_strided_slice %convert_element_type3A_12 {offsets = [0, 37], sizes = [128, 1], strides = [1, 1]} : vector<128x256xf32> to vector<128x1xf32>
    %slice3A_195 = vector.extract_strided_slice %convert_element_type3A_7 {offsets = [0, 9472], sizes = [128, 256], strides = [1, 1]} : vector<128x35584xf32> to vector<128x256xf32>
    %mul3A_196 = vector.broadcast %slice3A_194 : vector<128x1xf32> to vector<128x256xf32>
    %mul3A_197 = arith.mulf %mul3A_196, %slice3A_195 : vector<128x256xf32>
    %add3A_198 = arith.addf %add3A_193, %mul3A_197 : vector<128x256xf32>
    %slice3A_199 = vector.extract_strided_slice %convert_element_type3A_12 {offsets = [0, 38], sizes = [128, 1], strides = [1, 1]} : vector<128x256xf32> to vector<128x1xf32>
    %slice3A_200 = vector.extract_strided_slice %convert_element_type3A_7 {offsets = [0, 9728], sizes = [128, 256], strides = [1, 1]} : vector<128x35584xf32> to vector<128x256xf32>
    %mul3A_201 = vector.broadcast %slice3A_199 : vector<128x1xf32> to vector<128x256xf32>
    %mul3A_202 = arith.mulf %mul3A_201, %slice3A_200 : vector<128x256xf32>
    %add3A_203 = arith.addf %add3A_198, %mul3A_202 : vector<128x256xf32>
    %slice3A_204 = vector.extract_strided_slice %convert_element_type3A_12 {offsets = [0, 39], sizes = [128, 1], strides = [1, 1]} : vector<128x256xf32> to vector<128x1xf32>
    %slice3A_205 = vector.extract_strided_slice %convert_element_type3A_7 {offsets = [0, 9984], sizes = [128, 256], strides = [1, 1]} : vector<128x35584xf32> to vector<128x256xf32>
    %mul3A_206 = vector.broadcast %slice3A_204 : vector<128x1xf32> to vector<128x256xf32>
    %mul3A_207 = arith.mulf %mul3A_206, %slice3A_205 : vector<128x256xf32>
    %add3A_208 = arith.addf %add3A_203, %mul3A_207 : vector<128x256xf32>
    %slice3A_209 = vector.extract_strided_slice %convert_element_type3A_12 {offsets = [0, 40], sizes = [128, 1], strides = [1, 1]} : vector<128x256xf32> to vector<128x1xf32>
    %slice3A_210 = vector.extract_strided_slice %convert_element_type3A_7 {offsets = [0, 10240], sizes = [128, 256], strides = [1, 1]} : vector<128x35584xf32> to vector<128x256xf32>
    %mul3A_211 = vector.broadcast %slice3A_209 : vector<128x1xf32> to vector<128x256xf32>
    %mul3A_212 = arith.mulf %mul3A_211, %slice3A_210 : vector<128x256xf32>
    %add3A_213 = arith.addf %add3A_208, %mul3A_212 : vector<128x256xf32>
    %slice3A_214 = vector.extract_strided_slice %convert_element_type3A_12 {offsets = [0, 41], sizes = [128, 1], strides = [1, 1]} : vector<128x256xf32> to vector<128x1xf32>
    %slice3A_215 = vector.extract_strided_slice %convert_element_type3A_7 {offsets = [0, 10496], sizes = [128, 256], strides = [1, 1]} : vector<128x35584xf32> to vector<128x256xf32>
    %mul3A_216 = vector.broadcast %slice3A_214 : vector<128x1xf32> to vector<128x256xf32>
    %mul3A_217 = arith.mulf %mul3A_216, %slice3A_215 : vector<128x256xf32>
    %add3A_218 = arith.addf %add3A_213, %mul3A_217 : vector<128x256xf32>
    %slice3A_219 = vector.extract_strided_slice %convert_element_type3A_12 {offsets = [0, 42], sizes = [128, 1], strides = [1, 1]} : vector<128x256xf32> to vector<128x1xf32>
    %slice3A_220 = vector.extract_strided_slice %convert_element_type3A_7 {offsets = [0, 10752], sizes = [128, 256], strides = [1, 1]} : vector<128x35584xf32> to vector<128x256xf32>
    %mul3A_221 = vector.broadcast %slice3A_219 : vector<128x1xf32> to vector<128x256xf32>
    %mul3A_222 = arith.mulf %mul3A_221, %slice3A_220 : vector<128x256xf32>
    %add3A_223 = arith.addf %add3A_218, %mul3A_222 : vector<128x256xf32>
    %slice3A_224 = vector.extract_strided_slice %convert_element_type3A_12 {offsets = [0, 43], sizes = [128, 1], strides = [1, 1]} : vector<128x256xf32> to vector<128x1xf32>
    %slice3A_225 = vector.extract_strided_slice %convert_element_type3A_7 {offsets = [0, 11008], sizes = [128, 256], strides = [1, 1]} : vector<128x35584xf32> to vector<128x256xf32>
    %mul3A_226 = vector.broadcast %slice3A_224 : vector<128x1xf32> to vector<128x256xf32>
    %mul3A_227 = arith.mulf %mul3A_226, %slice3A_225 : vector<128x256xf32>
    %add3A_228 = arith.addf %add3A_223, %mul3A_227 : vector<128x256xf32>
    %slice3A_229 = vector.extract_strided_slice %convert_element_type3A_12 {offsets = [0, 44], sizes = [128, 1], strides = [1, 1]} : vector<128x256xf32> to vector<128x1xf32>
    %slice3A_230 = vector.extract_strided_slice %convert_element_type3A_7 {offsets = [0, 11264], sizes = [128, 256], strides = [1, 1]} : vector<128x35584xf32> to vector<128x256xf32>
    %mul3A_231 = vector.broadcast %slice3A_229 : vector<128x1xf32> to vector<128x256xf32>
    %mul3A_232 = arith.mulf %mul3A_231, %slice3A_230 : vector<128x256xf32>
    %add3A_233 = arith.addf %add3A_228, %mul3A_232 : vector<128x256xf32>
    %slice3A_234 = vector.extract_strided_slice %convert_element_type3A_12 {offsets = [0, 45], sizes = [128, 1], strides = [1, 1]} : vector<128x256xf32> to vector<128x1xf32>
    %slice3A_235 = vector.extract_strided_slice %convert_element_type3A_7 {offsets = [0, 11520], sizes = [128, 256], strides = [1, 1]} : vector<128x35584xf32> to vector<128x256xf32>
    %mul3A_236 = vector.broadcast %slice3A_234 : vector<128x1xf32> to vector<128x256xf32>
    %mul3A_237 = arith.mulf %mul3A_236, %slice3A_235 : vector<128x256xf32>
    %add3A_238 = arith.addf %add3A_233, %mul3A_237 : vector<128x256xf32>
    %slice3A_239 = vector.extract_strided_slice %convert_element_type3A_12 {offsets = [0, 46], sizes = [128, 1], strides = [1, 1]} : vector<128x256xf32> to vector<128x1xf32>
    %slice3A_240 = vector.extract_strided_slice %convert_element_type3A_7 {offsets = [0, 11776], sizes = [128, 256], strides = [1, 1]} : vector<128x35584xf32> to vector<128x256xf32>
    %mul3A_241 = vector.broadcast %slice3A_239 : vector<128x1xf32> to vector<128x256xf32>
    %mul3A_242 = arith.mulf %mul3A_241, %slice3A_240 : vector<128x256xf32>
    %add3A_243 = arith.addf %add3A_238, %mul3A_242 : vector<128x256xf32>
    %slice3A_244 = vector.extract_strided_slice %convert_element_type3A_12 {offsets = [0, 47], sizes = [128, 1], strides = [1, 1]} : vector<128x256xf32> to vector<128x1xf32>
    %slice3A_245 = vector.extract_strided_slice %convert_element_type3A_7 {offsets = [0, 12032], sizes = [128, 256], strides = [1, 1]} : vector<128x35584xf32> to vector<128x256xf32>
    %mul3A_246 = vector.broadcast %slice3A_244 : vector<128x1xf32> to vector<128x256xf32>
    %mul3A_247 = arith.mulf %mul3A_246, %slice3A_245 : vector<128x256xf32>
    %add3A_248 = arith.addf %add3A_243, %mul3A_247 : vector<128x256xf32>
    %slice3A_249 = vector.extract_strided_slice %convert_element_type3A_12 {offsets = [0, 48], sizes = [128, 1], strides = [1, 1]} : vector<128x256xf32> to vector<128x1xf32>
    %slice3A_250 = vector.extract_strided_slice %convert_element_type3A_7 {offsets = [0, 12288], sizes = [128, 256], strides = [1, 1]} : vector<128x35584xf32> to vector<128x256xf32>
    %mul3A_251 = vector.broadcast %slice3A_249 : vector<128x1xf32> to vector<128x256xf32>
    %mul3A_252 = arith.mulf %mul3A_251, %slice3A_250 : vector<128x256xf32>
    %add3A_253 = arith.addf %add3A_248, %mul3A_252 : vector<128x256xf32>
    %slice3A_254 = vector.extract_strided_slice %convert_element_type3A_12 {offsets = [0, 49], sizes = [128, 1], strides = [1, 1]} : vector<128x256xf32> to vector<128x1xf32>
    %slice3A_255 = vector.extract_strided_slice %convert_element_type3A_7 {offsets = [0, 12544], sizes = [128, 256], strides = [1, 1]} : vector<128x35584xf32> to vector<128x256xf32>
    %mul3A_256 = vector.broadcast %slice3A_254 : vector<128x1xf32> to vector<128x256xf32>
    %mul3A_257 = arith.mulf %mul3A_256, %slice3A_255 : vector<128x256xf32>
    %add3A_258 = arith.addf %add3A_253, %mul3A_257 : vector<128x256xf32>
    %slice3A_259 = vector.extract_strided_slice %convert_element_type3A_12 {offsets = [0, 50], sizes = [128, 1], strides = [1, 1]} : vector<128x256xf32> to vector<128x1xf32>
    %slice3A_260 = vector.extract_strided_slice %convert_element_type3A_7 {offsets = [0, 12800], sizes = [128, 256], strides = [1, 1]} : vector<128x35584xf32> to vector<128x256xf32>
    %mul3A_261 = vector.broadcast %slice3A_259 : vector<128x1xf32> to vector<128x256xf32>
    %mul3A_262 = arith.mulf %mul3A_261, %slice3A_260 : vector<128x256xf32>
    %add3A_263 = arith.addf %add3A_258, %mul3A_262 : vector<128x256xf32>
    %slice3A_264 = vector.extract_strided_slice %convert_element_type3A_12 {offsets = [0, 51], sizes = [128, 1], strides = [1, 1]} : vector<128x256xf32> to vector<128x1xf32>
    %slice3A_265 = vector.extract_strided_slice %convert_element_type3A_7 {offsets = [0, 13056], sizes = [128, 256], strides = [1, 1]} : vector<128x35584xf32> to vector<128x256xf32>
    %mul3A_266 = vector.broadcast %slice3A_264 : vector<128x1xf32> to vector<128x256xf32>
    %mul3A_267 = arith.mulf %mul3A_266, %slice3A_265 : vector<128x256xf32>
    %add3A_268 = arith.addf %add3A_263, %mul3A_267 : vector<128x256xf32>
    %slice3A_269 = vector.extract_strided_slice %convert_element_type3A_12 {offsets = [0, 52], sizes = [128, 1], strides = [1, 1]} : vector<128x256xf32> to vector<128x1xf32>
    %slice3A_270 = vector.extract_strided_slice %convert_element_type3A_7 {offsets = [0, 13312], sizes = [128, 256], strides = [1, 1]} : vector<128x35584xf32> to vector<128x256xf32>
    %mul3A_271 = vector.broadcast %slice3A_269 : vector<128x1xf32> to vector<128x256xf32>
    %mul3A_272 = arith.mulf %mul3A_271, %slice3A_270 : vector<128x256xf32>
    %add3A_273 = arith.addf %add3A_268, %mul3A_272 : vector<128x256xf32>
    %slice3A_274 = vector.extract_strided_slice %convert_element_type3A_12 {offsets = [0, 53], sizes = [128, 1], strides = [1, 1]} : vector<128x256xf32> to vector<128x1xf32>
    %slice3A_275 = vector.extract_strided_slice %convert_element_type3A_7 {offsets = [0, 13568], sizes = [128, 256], strides = [1, 1]} : vector<128x35584xf32> to vector<128x256xf32>
    %mul3A_276 = vector.broadcast %slice3A_274 : vector<128x1xf32> to vector<128x256xf32>
    %mul3A_277 = arith.mulf %mul3A_276, %slice3A_275 : vector<128x256xf32>
    %add3A_278 = arith.addf %add3A_273, %mul3A_277 : vector<128x256xf32>
    %slice3A_279 = vector.extract_strided_slice %convert_element_type3A_12 {offsets = [0, 54], sizes = [128, 1], strides = [1, 1]} : vector<128x256xf32> to vector<128x1xf32>
    %slice3A_280 = vector.extract_strided_slice %convert_element_type3A_7 {offsets = [0, 13824], sizes = [128, 256], strides = [1, 1]} : vector<128x35584xf32> to vector<128x256xf32>
    %mul3A_281 = vector.broadcast %slice3A_279 : vector<128x1xf32> to vector<128x256xf32>
    %mul3A_282 = arith.mulf %mul3A_281, %slice3A_280 : vector<128x256xf32>
    %add3A_283 = arith.addf %add3A_278, %mul3A_282 : vector<128x256xf32>
    %slice3A_284 = vector.extract_strided_slice %convert_element_type3A_12 {offsets = [0, 55], sizes = [128, 1], strides = [1, 1]} : vector<128x256xf32> to vector<128x1xf32>
    %slice3A_285 = vector.extract_strided_slice %convert_element_type3A_7 {offsets = [0, 14080], sizes = [128, 256], strides = [1, 1]} : vector<128x35584xf32> to vector<128x256xf32>
    %mul3A_286 = vector.broadcast %slice3A_284 : vector<128x1xf32> to vector<128x256xf32>
    %mul3A_287 = arith.mulf %mul3A_286, %slice3A_285 : vector<128x256xf32>
    %add3A_288 = arith.addf %add3A_283, %mul3A_287 : vector<128x256xf32>
    %slice3A_289 = vector.extract_strided_slice %convert_element_type3A_12 {offsets = [0, 56], sizes = [128, 1], strides = [1, 1]} : vector<128x256xf32> to vector<128x1xf32>
    %slice3A_290 = vector.extract_strided_slice %convert_element_type3A_7 {offsets = [0, 14336], sizes = [128, 256], strides = [1, 1]} : vector<128x35584xf32> to vector<128x256xf32>
    %mul3A_291 = vector.broadcast %slice3A_289 : vector<128x1xf32> to vector<128x256xf32>
    %mul3A_292 = arith.mulf %mul3A_291, %slice3A_290 : vector<128x256xf32>
    %add3A_293 = arith.addf %add3A_288, %mul3A_292 : vector<128x256xf32>
    %slice3A_294 = vector.extract_strided_slice %convert_element_type3A_12 {offsets = [0, 57], sizes = [128, 1], strides = [1, 1]} : vector<128x256xf32> to vector<128x1xf32>
    %slice3A_295 = vector.extract_strided_slice %convert_element_type3A_7 {offsets = [0, 14592], sizes = [128, 256], strides = [1, 1]} : vector<128x35584xf32> to vector<128x256xf32>
    %mul3A_296 = vector.broadcast %slice3A_294 : vector<128x1xf32> to vector<128x256xf32>
    %mul3A_297 = arith.mulf %mul3A_296, %slice3A_295 : vector<128x256xf32>
    %add3A_298 = arith.addf %add3A_293, %mul3A_297 : vector<128x256xf32>
    %slice3A_299 = vector.extract_strided_slice %convert_element_type3A_12 {offsets = [0, 58], sizes = [128, 1], strides = [1, 1]} : vector<128x256xf32> to vector<128x1xf32>
    %slice3A_300 = vector.extract_strided_slice %convert_element_type3A_7 {offsets = [0, 14848], sizes = [128, 256], strides = [1, 1]} : vector<128x35584xf32> to vector<128x256xf32>
    %mul3A_301 = vector.broadcast %slice3A_299 : vector<128x1xf32> to vector<128x256xf32>
    %mul3A_302 = arith.mulf %mul3A_301, %slice3A_300 : vector<128x256xf32>
    %add3A_303 = arith.addf %add3A_298, %mul3A_302 : vector<128x256xf32>
    %slice3A_304 = vector.extract_strided_slice %convert_element_type3A_12 {offsets = [0, 59], sizes = [128, 1], strides = [1, 1]} : vector<128x256xf32> to vector<128x1xf32>
    %slice3A_305 = vector.extract_strided_slice %convert_element_type3A_7 {offsets = [0, 15104], sizes = [128, 256], strides = [1, 1]} : vector<128x35584xf32> to vector<128x256xf32>
    %mul3A_306 = vector.broadcast %slice3A_304 : vector<128x1xf32> to vector<128x256xf32>
    %mul3A_307 = arith.mulf %mul3A_306, %slice3A_305 : vector<128x256xf32>
    %add3A_308 = arith.addf %add3A_303, %mul3A_307 : vector<128x256xf32>
    %slice3A_309 = vector.extract_strided_slice %convert_element_type3A_12 {offsets = [0, 60], sizes = [128, 1], strides = [1, 1]} : vector<128x256xf32> to vector<128x1xf32>
    %slice3A_310 = vector.extract_strided_slice %convert_element_type3A_7 {offsets = [0, 15360], sizes = [128, 256], strides = [1, 1]} : vector<128x35584xf32> to vector<128x256xf32>
    %mul3A_311 = vector.broadcast %slice3A_309 : vector<128x1xf32> to vector<128x256xf32>
    %mul3A_312 = arith.mulf %mul3A_311, %slice3A_310 : vector<128x256xf32>
    %add3A_313 = arith.addf %add3A_308, %mul3A_312 : vector<128x256xf32>
    %slice3A_314 = vector.extract_strided_slice %convert_element_type3A_12 {offsets = [0, 61], sizes = [128, 1], strides = [1, 1]} : vector<128x256xf32> to vector<128x1xf32>
    %slice3A_315 = vector.extract_strided_slice %convert_element_type3A_7 {offsets = [0, 15616], sizes = [128, 256], strides = [1, 1]} : vector<128x35584xf32> to vector<128x256xf32>
    %mul3A_316 = vector.broadcast %slice3A_314 : vector<128x1xf32> to vector<128x256xf32>
    %mul3A_317 = arith.mulf %mul3A_316, %slice3A_315 : vector<128x256xf32>
    %add3A_318 = arith.addf %add3A_313, %mul3A_317 : vector<128x256xf32>
    %slice3A_319 = vector.extract_strided_slice %convert_element_type3A_12 {offsets = [0, 62], sizes = [128, 1], strides = [1, 1]} : vector<128x256xf32> to vector<128x1xf32>
    %slice3A_320 = vector.extract_strided_slice %convert_element_type3A_7 {offsets = [0, 15872], sizes = [128, 256], strides = [1, 1]} : vector<128x35584xf32> to vector<128x256xf32>
    %mul3A_321 = vector.broadcast %slice3A_319 : vector<128x1xf32> to vector<128x256xf32>
    %mul3A_322 = arith.mulf %mul3A_321, %slice3A_320 : vector<128x256xf32>
    %add3A_323 = arith.addf %add3A_318, %mul3A_322 : vector<128x256xf32>
    %slice3A_324 = vector.extract_strided_slice %convert_element_type3A_12 {offsets = [0, 63], sizes = [128, 1], strides = [1, 1]} : vector<128x256xf32> to vector<128x1xf32>
    %slice3A_325 = vector.extract_strided_slice %convert_element_type3A_7 {offsets = [0, 16128], sizes = [128, 256], strides = [1, 1]} : vector<128x35584xf32> to vector<128x256xf32>
    %mul3A_326 = vector.broadcast %slice3A_324 : vector<128x1xf32> to vector<128x256xf32>
    %mul3A_327 = arith.mulf %mul3A_326, %slice3A_325 : vector<128x256xf32>
    %add3A_328 = arith.addf %add3A_323, %mul3A_327 : vector<128x256xf32>
    %slice3A_329 = vector.extract_strided_slice %convert_element_type3A_12 {offsets = [0, 64], sizes = [128, 1], strides = [1, 1]} : vector<128x256xf32> to vector<128x1xf32>
    %slice3A_330 = vector.extract_strided_slice %convert_element_type3A_7 {offsets = [0, 16384], sizes = [128, 256], strides = [1, 1]} : vector<128x35584xf32> to vector<128x256xf32>
    %mul3A_331 = vector.broadcast %slice3A_329 : vector<128x1xf32> to vector<128x256xf32>
    %mul3A_332 = arith.mulf %mul3A_331, %slice3A_330 : vector<128x256xf32>
    %add3A_333 = arith.addf %add3A_328, %mul3A_332 : vector<128x256xf32>
    %slice3A_334 = vector.extract_strided_slice %convert_element_type3A_12 {offsets = [0, 65], sizes = [128, 1], strides = [1, 1]} : vector<128x256xf32> to vector<128x1xf32>
    %slice3A_335 = vector.extract_strided_slice %convert_element_type3A_7 {offsets = [0, 16640], sizes = [128, 256], strides = [1, 1]} : vector<128x35584xf32> to vector<128x256xf32>
    %mul3A_336 = vector.broadcast %slice3A_334 : vector<128x1xf32> to vector<128x256xf32>
    %mul3A_337 = arith.mulf %mul3A_336, %slice3A_335 : vector<128x256xf32>
    %add3A_338 = arith.addf %add3A_333, %mul3A_337 : vector<128x256xf32>
    %slice3A_339 = vector.extract_strided_slice %convert_element_type3A_12 {offsets = [0, 66], sizes = [128, 1], strides = [1, 1]} : vector<128x256xf32> to vector<128x1xf32>
    %slice3A_340 = vector.extract_strided_slice %convert_element_type3A_7 {offsets = [0, 16896], sizes = [128, 256], strides = [1, 1]} : vector<128x35584xf32> to vector<128x256xf32>
    %mul3A_341 = vector.broadcast %slice3A_339 : vector<128x1xf32> to vector<128x256xf32>
    %mul3A_342 = arith.mulf %mul3A_341, %slice3A_340 : vector<128x256xf32>
    %add3A_343 = arith.addf %add3A_338, %mul3A_342 : vector<128x256xf32>
    %slice3A_344 = vector.extract_strided_slice %convert_element_type3A_12 {offsets = [0, 67], sizes = [128, 1], strides = [1, 1]} : vector<128x256xf32> to vector<128x1xf32>
    %slice3A_345 = vector.extract_strided_slice %convert_element_type3A_7 {offsets = [0, 17152], sizes = [128, 256], strides = [1, 1]} : vector<128x35584xf32> to vector<128x256xf32>
    %mul3A_346 = vector.broadcast %slice3A_344 : vector<128x1xf32> to vector<128x256xf32>
    %mul3A_347 = arith.mulf %mul3A_346, %slice3A_345 : vector<128x256xf32>
    %add3A_348 = arith.addf %add3A_343, %mul3A_347 : vector<128x256xf32>
    %slice3A_349 = vector.extract_strided_slice %convert_element_type3A_12 {offsets = [0, 68], sizes = [128, 1], strides = [1, 1]} : vector<128x256xf32> to vector<128x1xf32>
    %slice3A_350 = vector.extract_strided_slice %convert_element_type3A_7 {offsets = [0, 17408], sizes = [128, 256], strides = [1, 1]} : vector<128x35584xf32> to vector<128x256xf32>
    %mul3A_351 = vector.broadcast %slice3A_349 : vector<128x1xf32> to vector<128x256xf32>
    %mul3A_352 = arith.mulf %mul3A_351, %slice3A_350 : vector<128x256xf32>
    %add3A_353 = arith.addf %add3A_348, %mul3A_352 : vector<128x256xf32>
    %slice3A_354 = vector.extract_strided_slice %convert_element_type3A_12 {offsets = [0, 69], sizes = [128, 1], strides = [1, 1]} : vector<128x256xf32> to vector<128x1xf32>
    %slice3A_355 = vector.extract_strided_slice %convert_element_type3A_7 {offsets = [0, 17664], sizes = [128, 256], strides = [1, 1]} : vector<128x35584xf32> to vector<128x256xf32>
    %mul3A_356 = vector.broadcast %slice3A_354 : vector<128x1xf32> to vector<128x256xf32>
    %mul3A_357 = arith.mulf %mul3A_356, %slice3A_355 : vector<128x256xf32>
    %add3A_358 = arith.addf %add3A_353, %mul3A_357 : vector<128x256xf32>
    %slice3A_359 = vector.extract_strided_slice %convert_element_type3A_12 {offsets = [0, 70], sizes = [128, 1], strides = [1, 1]} : vector<128x256xf32> to vector<128x1xf32>
    %slice3A_360 = vector.extract_strided_slice %convert_element_type3A_7 {offsets = [0, 17920], sizes = [128, 256], strides = [1, 1]} : vector<128x35584xf32> to vector<128x256xf32>
    %mul3A_361 = vector.broadcast %slice3A_359 : vector<128x1xf32> to vector<128x256xf32>
    %mul3A_362 = arith.mulf %mul3A_361, %slice3A_360 : vector<128x256xf32>
    %add3A_363 = arith.addf %add3A_358, %mul3A_362 : vector<128x256xf32>
    %slice3A_364 = vector.extract_strided_slice %convert_element_type3A_12 {offsets = [0, 71], sizes = [128, 1], strides = [1, 1]} : vector<128x256xf32> to vector<128x1xf32>
    %slice3A_365 = vector.extract_strided_slice %convert_element_type3A_7 {offsets = [0, 18176], sizes = [128, 256], strides = [1, 1]} : vector<128x35584xf32> to vector<128x256xf32>
    %mul3A_366 = vector.broadcast %slice3A_364 : vector<128x1xf32> to vector<128x256xf32>
    %mul3A_367 = arith.mulf %mul3A_366, %slice3A_365 : vector<128x256xf32>
    %add3A_368 = arith.addf %add3A_363, %mul3A_367 : vector<128x256xf32>
    %slice3A_369 = vector.extract_strided_slice %convert_element_type3A_12 {offsets = [0, 72], sizes = [128, 1], strides = [1, 1]} : vector<128x256xf32> to vector<128x1xf32>
    %slice3A_370 = vector.extract_strided_slice %convert_element_type3A_7 {offsets = [0, 18432], sizes = [128, 256], strides = [1, 1]} : vector<128x35584xf32> to vector<128x256xf32>
    %mul3A_371 = vector.broadcast %slice3A_369 : vector<128x1xf32> to vector<128x256xf32>
    %mul3A_372 = arith.mulf %mul3A_371, %slice3A_370 : vector<128x256xf32>
    %add3A_373 = arith.addf %add3A_368, %mul3A_372 : vector<128x256xf32>
    %slice3A_374 = vector.extract_strided_slice %convert_element_type3A_12 {offsets = [0, 73], sizes = [128, 1], strides = [1, 1]} : vector<128x256xf32> to vector<128x1xf32>
    %slice3A_375 = vector.extract_strided_slice %convert_element_type3A_7 {offsets = [0, 18688], sizes = [128, 256], strides = [1, 1]} : vector<128x35584xf32> to vector<128x256xf32>
    %mul3A_376 = vector.broadcast %slice3A_374 : vector<128x1xf32> to vector<128x256xf32>
    %mul3A_377 = arith.mulf %mul3A_376, %slice3A_375 : vector<128x256xf32>
    %add3A_378 = arith.addf %add3A_373, %mul3A_377 : vector<128x256xf32>
    %slice3A_379 = vector.extract_strided_slice %convert_element_type3A_12 {offsets = [0, 74], sizes = [128, 1], strides = [1, 1]} : vector<128x256xf32> to vector<128x1xf32>
    %slice3A_380 = vector.extract_strided_slice %convert_element_type3A_7 {offsets = [0, 18944], sizes = [128, 256], strides = [1, 1]} : vector<128x35584xf32> to vector<128x256xf32>
    %mul3A_381 = vector.broadcast %slice3A_379 : vector<128x1xf32> to vector<128x256xf32>
    %mul3A_382 = arith.mulf %mul3A_381, %slice3A_380 : vector<128x256xf32>
    %add3A_383 = arith.addf %add3A_378, %mul3A_382 : vector<128x256xf32>
    %slice3A_384 = vector.extract_strided_slice %convert_element_type3A_12 {offsets = [0, 75], sizes = [128, 1], strides = [1, 1]} : vector<128x256xf32> to vector<128x1xf32>
    %slice3A_385 = vector.extract_strided_slice %convert_element_type3A_7 {offsets = [0, 19200], sizes = [128, 256], strides = [1, 1]} : vector<128x35584xf32> to vector<128x256xf32>
    %mul3A_386 = vector.broadcast %slice3A_384 : vector<128x1xf32> to vector<128x256xf32>
    %mul3A_387 = arith.mulf %mul3A_386, %slice3A_385 : vector<128x256xf32>
    %add3A_388 = arith.addf %add3A_383, %mul3A_387 : vector<128x256xf32>
    %slice3A_389 = vector.extract_strided_slice %convert_element_type3A_12 {offsets = [0, 76], sizes = [128, 1], strides = [1, 1]} : vector<128x256xf32> to vector<128x1xf32>
    %slice3A_390 = vector.extract_strided_slice %convert_element_type3A_7 {offsets = [0, 19456], sizes = [128, 256], strides = [1, 1]} : vector<128x35584xf32> to vector<128x256xf32>
    %mul3A_391 = vector.broadcast %slice3A_389 : vector<128x1xf32> to vector<128x256xf32>
    %mul3A_392 = arith.mulf %mul3A_391, %slice3A_390 : vector<128x256xf32>
    %add3A_393 = arith.addf %add3A_388, %mul3A_392 : vector<128x256xf32>
    %slice3A_394 = vector.extract_strided_slice %convert_element_type3A_12 {offsets = [0, 77], sizes = [128, 1], strides = [1, 1]} : vector<128x256xf32> to vector<128x1xf32>
    %slice3A_395 = vector.extract_strided_slice %convert_element_type3A_7 {offsets = [0, 19712], sizes = [128, 256], strides = [1, 1]} : vector<128x35584xf32> to vector<128x256xf32>
    %mul3A_396 = vector.broadcast %slice3A_394 : vector<128x1xf32> to vector<128x256xf32>
    %mul3A_397 = arith.mulf %mul3A_396, %slice3A_395 : vector<128x256xf32>
    %add3A_398 = arith.addf %add3A_393, %mul3A_397 : vector<128x256xf32>
    %slice3A_399 = vector.extract_strided_slice %convert_element_type3A_12 {offsets = [0, 78], sizes = [128, 1], strides = [1, 1]} : vector<128x256xf32> to vector<128x1xf32>
    %slice3A_400 = vector.extract_strided_slice %convert_element_type3A_7 {offsets = [0, 19968], sizes = [128, 256], strides = [1, 1]} : vector<128x35584xf32> to vector<128x256xf32>
    %mul3A_401 = vector.broadcast %slice3A_399 : vector<128x1xf32> to vector<128x256xf32>
    %mul3A_402 = arith.mulf %mul3A_401, %slice3A_400 : vector<128x256xf32>
    %add3A_403 = arith.addf %add3A_398, %mul3A_402 : vector<128x256xf32>
    %slice3A_404 = vector.extract_strided_slice %convert_element_type3A_12 {offsets = [0, 79], sizes = [128, 1], strides = [1, 1]} : vector<128x256xf32> to vector<128x1xf32>
    %slice3A_405 = vector.extract_strided_slice %convert_element_type3A_7 {offsets = [0, 20224], sizes = [128, 256], strides = [1, 1]} : vector<128x35584xf32> to vector<128x256xf32>
    %mul3A_406 = vector.broadcast %slice3A_404 : vector<128x1xf32> to vector<128x256xf32>
    %mul3A_407 = arith.mulf %mul3A_406, %slice3A_405 : vector<128x256xf32>
    %add3A_408 = arith.addf %add3A_403, %mul3A_407 : vector<128x256xf32>
    %slice3A_409 = vector.extract_strided_slice %convert_element_type3A_12 {offsets = [0, 80], sizes = [128, 1], strides = [1, 1]} : vector<128x256xf32> to vector<128x1xf32>
    %slice3A_410 = vector.extract_strided_slice %convert_element_type3A_7 {offsets = [0, 20480], sizes = [128, 256], strides = [1, 1]} : vector<128x35584xf32> to vector<128x256xf32>
    %mul3A_411 = vector.broadcast %slice3A_409 : vector<128x1xf32> to vector<128x256xf32>
    %mul3A_412 = arith.mulf %mul3A_411, %slice3A_410 : vector<128x256xf32>
    %add3A_413 = arith.addf %add3A_408, %mul3A_412 : vector<128x256xf32>
    %slice3A_414 = vector.extract_strided_slice %convert_element_type3A_12 {offsets = [0, 81], sizes = [128, 1], strides = [1, 1]} : vector<128x256xf32> to vector<128x1xf32>
    %slice3A_415 = vector.extract_strided_slice %convert_element_type3A_7 {offsets = [0, 20736], sizes = [128, 256], strides = [1, 1]} : vector<128x35584xf32> to vector<128x256xf32>
    %mul3A_416 = vector.broadcast %slice3A_414 : vector<128x1xf32> to vector<128x256xf32>
    %mul3A_417 = arith.mulf %mul3A_416, %slice3A_415 : vector<128x256xf32>
    %add3A_418 = arith.addf %add3A_413, %mul3A_417 : vector<128x256xf32>
    %slice3A_419 = vector.extract_strided_slice %convert_element_type3A_12 {offsets = [0, 82], sizes = [128, 1], strides = [1, 1]} : vector<128x256xf32> to vector<128x1xf32>
    %slice3A_420 = vector.extract_strided_slice %convert_element_type3A_7 {offsets = [0, 20992], sizes = [128, 256], strides = [1, 1]} : vector<128x35584xf32> to vector<128x256xf32>
    %mul3A_421 = vector.broadcast %slice3A_419 : vector<128x1xf32> to vector<128x256xf32>
    %mul3A_422 = arith.mulf %mul3A_421, %slice3A_420 : vector<128x256xf32>
    %add3A_423 = arith.addf %add3A_418, %mul3A_422 : vector<128x256xf32>
    %slice3A_424 = vector.extract_strided_slice %convert_element_type3A_12 {offsets = [0, 83], sizes = [128, 1], strides = [1, 1]} : vector<128x256xf32> to vector<128x1xf32>
    %slice3A_425 = vector.extract_strided_slice %convert_element_type3A_7 {offsets = [0, 21248], sizes = [128, 256], strides = [1, 1]} : vector<128x35584xf32> to vector<128x256xf32>
    %mul3A_426 = vector.broadcast %slice3A_424 : vector<128x1xf32> to vector<128x256xf32>
    %mul3A_427 = arith.mulf %mul3A_426, %slice3A_425 : vector<128x256xf32>
    %add3A_428 = arith.addf %add3A_423, %mul3A_427 : vector<128x256xf32>
    %slice3A_429 = vector.extract_strided_slice %convert_element_type3A_12 {offsets = [0, 84], sizes = [128, 1], strides = [1, 1]} : vector<128x256xf32> to vector<128x1xf32>
    %slice3A_430 = vector.extract_strided_slice %convert_element_type3A_7 {offsets = [0, 21504], sizes = [128, 256], strides = [1, 1]} : vector<128x35584xf32> to vector<128x256xf32>
    %mul3A_431 = vector.broadcast %slice3A_429 : vector<128x1xf32> to vector<128x256xf32>
    %mul3A_432 = arith.mulf %mul3A_431, %slice3A_430 : vector<128x256xf32>
    %add3A_433 = arith.addf %add3A_428, %mul3A_432 : vector<128x256xf32>
    %slice3A_434 = vector.extract_strided_slice %convert_element_type3A_12 {offsets = [0, 85], sizes = [128, 1], strides = [1, 1]} : vector<128x256xf32> to vector<128x1xf32>
    %slice3A_435 = vector.extract_strided_slice %convert_element_type3A_7 {offsets = [0, 21760], sizes = [128, 256], strides = [1, 1]} : vector<128x35584xf32> to vector<128x256xf32>
    %mul3A_436 = vector.broadcast %slice3A_434 : vector<128x1xf32> to vector<128x256xf32>
    %mul3A_437 = arith.mulf %mul3A_436, %slice3A_435 : vector<128x256xf32>
    %add3A_438 = arith.addf %add3A_433, %mul3A_437 : vector<128x256xf32>
    %slice3A_439 = vector.extract_strided_slice %convert_element_type3A_12 {offsets = [0, 86], sizes = [128, 1], strides = [1, 1]} : vector<128x256xf32> to vector<128x1xf32>
    %slice3A_440 = vector.extract_strided_slice %convert_element_type3A_7 {offsets = [0, 22016], sizes = [128, 256], strides = [1, 1]} : vector<128x35584xf32> to vector<128x256xf32>
    %mul3A_441 = vector.broadcast %slice3A_439 : vector<128x1xf32> to vector<128x256xf32>
    %mul3A_442 = arith.mulf %mul3A_441, %slice3A_440 : vector<128x256xf32>
    %add3A_443 = arith.addf %add3A_438, %mul3A_442 : vector<128x256xf32>
    %slice3A_444 = vector.extract_strided_slice %convert_element_type3A_12 {offsets = [0, 87], sizes = [128, 1], strides = [1, 1]} : vector<128x256xf32> to vector<128x1xf32>
    %slice3A_445 = vector.extract_strided_slice %convert_element_type3A_7 {offsets = [0, 22272], sizes = [128, 256], strides = [1, 1]} : vector<128x35584xf32> to vector<128x256xf32>
    %mul3A_446 = vector.broadcast %slice3A_444 : vector<128x1xf32> to vector<128x256xf32>
    %mul3A_447 = arith.mulf %mul3A_446, %slice3A_445 : vector<128x256xf32>
    %add3A_448 = arith.addf %add3A_443, %mul3A_447 : vector<128x256xf32>
    %slice3A_449 = vector.extract_strided_slice %convert_element_type3A_12 {offsets = [0, 88], sizes = [128, 1], strides = [1, 1]} : vector<128x256xf32> to vector<128x1xf32>
    %slice3A_450 = vector.extract_strided_slice %convert_element_type3A_7 {offsets = [0, 22528], sizes = [128, 256], strides = [1, 1]} : vector<128x35584xf32> to vector<128x256xf32>
    %mul3A_451 = vector.broadcast %slice3A_449 : vector<128x1xf32> to vector<128x256xf32>
    %mul3A_452 = arith.mulf %mul3A_451, %slice3A_450 : vector<128x256xf32>
    %add3A_453 = arith.addf %add3A_448, %mul3A_452 : vector<128x256xf32>
    %slice3A_454 = vector.extract_strided_slice %convert_element_type3A_12 {offsets = [0, 89], sizes = [128, 1], strides = [1, 1]} : vector<128x256xf32> to vector<128x1xf32>
    %slice3A_455 = vector.extract_strided_slice %convert_element_type3A_7 {offsets = [0, 22784], sizes = [128, 256], strides = [1, 1]} : vector<128x35584xf32> to vector<128x256xf32>
    %mul3A_456 = vector.broadcast %slice3A_454 : vector<128x1xf32> to vector<128x256xf32>
    %mul3A_457 = arith.mulf %mul3A_456, %slice3A_455 : vector<128x256xf32>
    %add3A_458 = arith.addf %add3A_453, %mul3A_457 : vector<128x256xf32>
    %slice3A_459 = vector.extract_strided_slice %convert_element_type3A_12 {offsets = [0, 90], sizes = [128, 1], strides = [1, 1]} : vector<128x256xf32> to vector<128x1xf32>
    %slice3A_460 = vector.extract_strided_slice %convert_element_type3A_7 {offsets = [0, 23040], sizes = [128, 256], strides = [1, 1]} : vector<128x35584xf32> to vector<128x256xf32>
    %mul3A_461 = vector.broadcast %slice3A_459 : vector<128x1xf32> to vector<128x256xf32>
    %mul3A_462 = arith.mulf %mul3A_461, %slice3A_460 : vector<128x256xf32>
    %add3A_463 = arith.addf %add3A_458, %mul3A_462 : vector<128x256xf32>
    %slice3A_464 = vector.extract_strided_slice %convert_element_type3A_12 {offsets = [0, 91], sizes = [128, 1], strides = [1, 1]} : vector<128x256xf32> to vector<128x1xf32>
    %slice3A_465 = vector.extract_strided_slice %convert_element_type3A_7 {offsets = [0, 23296], sizes = [128, 256], strides = [1, 1]} : vector<128x35584xf32> to vector<128x256xf32>
    %mul3A_466 = vector.broadcast %slice3A_464 : vector<128x1xf32> to vector<128x256xf32>
    %mul3A_467 = arith.mulf %mul3A_466, %slice3A_465 : vector<128x256xf32>
    %add3A_468 = arith.addf %add3A_463, %mul3A_467 : vector<128x256xf32>
    %slice3A_469 = vector.extract_strided_slice %convert_element_type3A_12 {offsets = [0, 92], sizes = [128, 1], strides = [1, 1]} : vector<128x256xf32> to vector<128x1xf32>
    %slice3A_470 = vector.extract_strided_slice %convert_element_type3A_7 {offsets = [0, 23552], sizes = [128, 256], strides = [1, 1]} : vector<128x35584xf32> to vector<128x256xf32>
    %mul3A_471 = vector.broadcast %slice3A_469 : vector<128x1xf32> to vector<128x256xf32>
    %mul3A_472 = arith.mulf %mul3A_471, %slice3A_470 : vector<128x256xf32>
    %add3A_473 = arith.addf %add3A_468, %mul3A_472 : vector<128x256xf32>
    %slice3A_474 = vector.extract_strided_slice %convert_element_type3A_12 {offsets = [0, 93], sizes = [128, 1], strides = [1, 1]} : vector<128x256xf32> to vector<128x1xf32>
    %slice3A_475 = vector.extract_strided_slice %convert_element_type3A_7 {offsets = [0, 23808], sizes = [128, 256], strides = [1, 1]} : vector<128x35584xf32> to vector<128x256xf32>
    %mul3A_476 = vector.broadcast %slice3A_474 : vector<128x1xf32> to vector<128x256xf32>
    %mul3A_477 = arith.mulf %mul3A_476, %slice3A_475 : vector<128x256xf32>
    %add3A_478 = arith.addf %add3A_473, %mul3A_477 : vector<128x256xf32>
    %slice3A_479 = vector.extract_strided_slice %convert_element_type3A_12 {offsets = [0, 94], sizes = [128, 1], strides = [1, 1]} : vector<128x256xf32> to vector<128x1xf32>
    %slice3A_480 = vector.extract_strided_slice %convert_element_type3A_7 {offsets = [0, 24064], sizes = [128, 256], strides = [1, 1]} : vector<128x35584xf32> to vector<128x256xf32>
    %mul3A_481 = vector.broadcast %slice3A_479 : vector<128x1xf32> to vector<128x256xf32>
    %mul3A_482 = arith.mulf %mul3A_481, %slice3A_480 : vector<128x256xf32>
    %add3A_483 = arith.addf %add3A_478, %mul3A_482 : vector<128x256xf32>
    %slice3A_484 = vector.extract_strided_slice %convert_element_type3A_12 {offsets = [0, 95], sizes = [128, 1], strides = [1, 1]} : vector<128x256xf32> to vector<128x1xf32>
    %slice3A_485 = vector.extract_strided_slice %convert_element_type3A_7 {offsets = [0, 24320], sizes = [128, 256], strides = [1, 1]} : vector<128x35584xf32> to vector<128x256xf32>
    %mul3A_486 = vector.broadcast %slice3A_484 : vector<128x1xf32> to vector<128x256xf32>
    %mul3A_487 = arith.mulf %mul3A_486, %slice3A_485 : vector<128x256xf32>
    %add3A_488 = arith.addf %add3A_483, %mul3A_487 : vector<128x256xf32>
    %slice3A_489 = vector.extract_strided_slice %convert_element_type3A_12 {offsets = [0, 96], sizes = [128, 1], strides = [1, 1]} : vector<128x256xf32> to vector<128x1xf32>
    %slice3A_490 = vector.extract_strided_slice %convert_element_type3A_7 {offsets = [0, 24576], sizes = [128, 256], strides = [1, 1]} : vector<128x35584xf32> to vector<128x256xf32>
    %mul3A_491 = vector.broadcast %slice3A_489 : vector<128x1xf32> to vector<128x256xf32>
    %mul3A_492 = arith.mulf %mul3A_491, %slice3A_490 : vector<128x256xf32>
    %add3A_493 = arith.addf %add3A_488, %mul3A_492 : vector<128x256xf32>
    %slice3A_494 = vector.extract_strided_slice %convert_element_type3A_12 {offsets = [0, 97], sizes = [128, 1], strides = [1, 1]} : vector<128x256xf32> to vector<128x1xf32>
    %slice3A_495 = vector.extract_strided_slice %convert_element_type3A_7 {offsets = [0, 24832], sizes = [128, 256], strides = [1, 1]} : vector<128x35584xf32> to vector<128x256xf32>
    %mul3A_496 = vector.broadcast %slice3A_494 : vector<128x1xf32> to vector<128x256xf32>
    %mul3A_497 = arith.mulf %mul3A_496, %slice3A_495 : vector<128x256xf32>
    %add3A_498 = arith.addf %add3A_493, %mul3A_497 : vector<128x256xf32>
    %slice3A_499 = vector.extract_strided_slice %convert_element_type3A_12 {offsets = [0, 98], sizes = [128, 1], strides = [1, 1]} : vector<128x256xf32> to vector<128x1xf32>
    %slice3A_500 = vector.extract_strided_slice %convert_element_type3A_7 {offsets = [0, 25088], sizes = [128, 256], strides = [1, 1]} : vector<128x35584xf32> to vector<128x256xf32>
    %mul3A_501 = vector.broadcast %slice3A_499 : vector<128x1xf32> to vector<128x256xf32>
    %mul3A_502 = arith.mulf %mul3A_501, %slice3A_500 : vector<128x256xf32>
    %add3A_503 = arith.addf %add3A_498, %mul3A_502 : vector<128x256xf32>
    %slice3A_504 = vector.extract_strided_slice %convert_element_type3A_12 {offsets = [0, 99], sizes = [128, 1], strides = [1, 1]} : vector<128x256xf32> to vector<128x1xf32>
    %slice3A_505 = vector.extract_strided_slice %convert_element_type3A_7 {offsets = [0, 25344], sizes = [128, 256], strides = [1, 1]} : vector<128x35584xf32> to vector<128x256xf32>
    %mul3A_506 = vector.broadcast %slice3A_504 : vector<128x1xf32> to vector<128x256xf32>
    %mul3A_507 = arith.mulf %mul3A_506, %slice3A_505 : vector<128x256xf32>
    %add3A_508 = arith.addf %add3A_503, %mul3A_507 : vector<128x256xf32>
    %slice3A_509 = vector.extract_strided_slice %convert_element_type3A_12 {offsets = [0, 100], sizes = [128, 1], strides = [1, 1]} : vector<128x256xf32> to vector<128x1xf32>
    %slice3A_510 = vector.extract_strided_slice %convert_element_type3A_7 {offsets = [0, 25600], sizes = [128, 256], strides = [1, 1]} : vector<128x35584xf32> to vector<128x256xf32>
    %mul3A_511 = vector.broadcast %slice3A_509 : vector<128x1xf32> to vector<128x256xf32>
    %mul3A_512 = arith.mulf %mul3A_511, %slice3A_510 : vector<128x256xf32>
    %add3A_513 = arith.addf %add3A_508, %mul3A_512 : vector<128x256xf32>
    %slice3A_514 = vector.extract_strided_slice %convert_element_type3A_12 {offsets = [0, 101], sizes = [128, 1], strides = [1, 1]} : vector<128x256xf32> to vector<128x1xf32>
    %slice3A_515 = vector.extract_strided_slice %convert_element_type3A_7 {offsets = [0, 25856], sizes = [128, 256], strides = [1, 1]} : vector<128x35584xf32> to vector<128x256xf32>
    %mul3A_516 = vector.broadcast %slice3A_514 : vector<128x1xf32> to vector<128x256xf32>
    %mul3A_517 = arith.mulf %mul3A_516, %slice3A_515 : vector<128x256xf32>
    %add3A_518 = arith.addf %add3A_513, %mul3A_517 : vector<128x256xf32>
    %slice3A_519 = vector.extract_strided_slice %convert_element_type3A_12 {offsets = [0, 102], sizes = [128, 1], strides = [1, 1]} : vector<128x256xf32> to vector<128x1xf32>
    %slice3A_520 = vector.extract_strided_slice %convert_element_type3A_7 {offsets = [0, 26112], sizes = [128, 256], strides = [1, 1]} : vector<128x35584xf32> to vector<128x256xf32>
    %mul3A_521 = vector.broadcast %slice3A_519 : vector<128x1xf32> to vector<128x256xf32>
    %mul3A_522 = arith.mulf %mul3A_521, %slice3A_520 : vector<128x256xf32>
    %add3A_523 = arith.addf %add3A_518, %mul3A_522 : vector<128x256xf32>
    %slice3A_524 = vector.extract_strided_slice %convert_element_type3A_12 {offsets = [0, 103], sizes = [128, 1], strides = [1, 1]} : vector<128x256xf32> to vector<128x1xf32>
    %slice3A_525 = vector.extract_strided_slice %convert_element_type3A_7 {offsets = [0, 26368], sizes = [128, 256], strides = [1, 1]} : vector<128x35584xf32> to vector<128x256xf32>
    %mul3A_526 = vector.broadcast %slice3A_524 : vector<128x1xf32> to vector<128x256xf32>
    %mul3A_527 = arith.mulf %mul3A_526, %slice3A_525 : vector<128x256xf32>
    %add3A_528 = arith.addf %add3A_523, %mul3A_527 : vector<128x256xf32>
    %slice3A_529 = vector.extract_strided_slice %convert_element_type3A_12 {offsets = [0, 104], sizes = [128, 1], strides = [1, 1]} : vector<128x256xf32> to vector<128x1xf32>
    %slice3A_530 = vector.extract_strided_slice %convert_element_type3A_7 {offsets = [0, 26624], sizes = [128, 256], strides = [1, 1]} : vector<128x35584xf32> to vector<128x256xf32>
    %mul3A_531 = vector.broadcast %slice3A_529 : vector<128x1xf32> to vector<128x256xf32>
    %mul3A_532 = arith.mulf %mul3A_531, %slice3A_530 : vector<128x256xf32>
    %add3A_533 = arith.addf %add3A_528, %mul3A_532 : vector<128x256xf32>
    %slice3A_534 = vector.extract_strided_slice %convert_element_type3A_12 {offsets = [0, 105], sizes = [128, 1], strides = [1, 1]} : vector<128x256xf32> to vector<128x1xf32>
    %slice3A_535 = vector.extract_strided_slice %convert_element_type3A_7 {offsets = [0, 26880], sizes = [128, 256], strides = [1, 1]} : vector<128x35584xf32> to vector<128x256xf32>
    %mul3A_536 = vector.broadcast %slice3A_534 : vector<128x1xf32> to vector<128x256xf32>
    %mul3A_537 = arith.mulf %mul3A_536, %slice3A_535 : vector<128x256xf32>
    %add3A_538 = arith.addf %add3A_533, %mul3A_537 : vector<128x256xf32>
    %slice3A_539 = vector.extract_strided_slice %convert_element_type3A_12 {offsets = [0, 106], sizes = [128, 1], strides = [1, 1]} : vector<128x256xf32> to vector<128x1xf32>
    %slice3A_540 = vector.extract_strided_slice %convert_element_type3A_7 {offsets = [0, 27136], sizes = [128, 256], strides = [1, 1]} : vector<128x35584xf32> to vector<128x256xf32>
    %mul3A_541 = vector.broadcast %slice3A_539 : vector<128x1xf32> to vector<128x256xf32>
    %mul3A_542 = arith.mulf %mul3A_541, %slice3A_540 : vector<128x256xf32>
    %add3A_543 = arith.addf %add3A_538, %mul3A_542 : vector<128x256xf32>
    %slice3A_544 = vector.extract_strided_slice %convert_element_type3A_12 {offsets = [0, 107], sizes = [128, 1], strides = [1, 1]} : vector<128x256xf32> to vector<128x1xf32>
    %slice3A_545 = vector.extract_strided_slice %convert_element_type3A_7 {offsets = [0, 27392], sizes = [128, 256], strides = [1, 1]} : vector<128x35584xf32> to vector<128x256xf32>
    %mul3A_546 = vector.broadcast %slice3A_544 : vector<128x1xf32> to vector<128x256xf32>
    %mul3A_547 = arith.mulf %mul3A_546, %slice3A_545 : vector<128x256xf32>
    %add3A_548 = arith.addf %add3A_543, %mul3A_547 : vector<128x256xf32>
    %slice3A_549 = vector.extract_strided_slice %convert_element_type3A_12 {offsets = [0, 108], sizes = [128, 1], strides = [1, 1]} : vector<128x256xf32> to vector<128x1xf32>
    %slice3A_550 = vector.extract_strided_slice %convert_element_type3A_7 {offsets = [0, 27648], sizes = [128, 256], strides = [1, 1]} : vector<128x35584xf32> to vector<128x256xf32>
    %mul3A_551 = vector.broadcast %slice3A_549 : vector<128x1xf32> to vector<128x256xf32>
    %mul3A_552 = arith.mulf %mul3A_551, %slice3A_550 : vector<128x256xf32>
    %add3A_553 = arith.addf %add3A_548, %mul3A_552 : vector<128x256xf32>
    %slice3A_554 = vector.extract_strided_slice %convert_element_type3A_12 {offsets = [0, 109], sizes = [128, 1], strides = [1, 1]} : vector<128x256xf32> to vector<128x1xf32>
    %slice3A_555 = vector.extract_strided_slice %convert_element_type3A_7 {offsets = [0, 27904], sizes = [128, 256], strides = [1, 1]} : vector<128x35584xf32> to vector<128x256xf32>
    %mul3A_556 = vector.broadcast %slice3A_554 : vector<128x1xf32> to vector<128x256xf32>
    %mul3A_557 = arith.mulf %mul3A_556, %slice3A_555 : vector<128x256xf32>
    %add3A_558 = arith.addf %add3A_553, %mul3A_557 : vector<128x256xf32>
    %slice3A_559 = vector.extract_strided_slice %convert_element_type3A_12 {offsets = [0, 110], sizes = [128, 1], strides = [1, 1]} : vector<128x256xf32> to vector<128x1xf32>
    %slice3A_560 = vector.extract_strided_slice %convert_element_type3A_7 {offsets = [0, 28160], sizes = [128, 256], strides = [1, 1]} : vector<128x35584xf32> to vector<128x256xf32>
    %mul3A_561 = vector.broadcast %slice3A_559 : vector<128x1xf32> to vector<128x256xf32>
    %mul3A_562 = arith.mulf %mul3A_561, %slice3A_560 : vector<128x256xf32>
    %add3A_563 = arith.addf %add3A_558, %mul3A_562 : vector<128x256xf32>
    %slice3A_564 = vector.extract_strided_slice %convert_element_type3A_12 {offsets = [0, 111], sizes = [128, 1], strides = [1, 1]} : vector<128x256xf32> to vector<128x1xf32>
    %slice3A_565 = vector.extract_strided_slice %convert_element_type3A_7 {offsets = [0, 28416], sizes = [128, 256], strides = [1, 1]} : vector<128x35584xf32> to vector<128x256xf32>
    %mul3A_566 = vector.broadcast %slice3A_564 : vector<128x1xf32> to vector<128x256xf32>
    %mul3A_567 = arith.mulf %mul3A_566, %slice3A_565 : vector<128x256xf32>
    %add3A_568 = arith.addf %add3A_563, %mul3A_567 : vector<128x256xf32>
    %slice3A_569 = vector.extract_strided_slice %convert_element_type3A_12 {offsets = [0, 112], sizes = [128, 1], strides = [1, 1]} : vector<128x256xf32> to vector<128x1xf32>
    %slice3A_570 = vector.extract_strided_slice %convert_element_type3A_7 {offsets = [0, 28672], sizes = [128, 256], strides = [1, 1]} : vector<128x35584xf32> to vector<128x256xf32>
    %mul3A_571 = vector.broadcast %slice3A_569 : vector<128x1xf32> to vector<128x256xf32>
    %mul3A_572 = arith.mulf %mul3A_571, %slice3A_570 : vector<128x256xf32>
    %add3A_573 = arith.addf %add3A_568, %mul3A_572 : vector<128x256xf32>
    %slice3A_574 = vector.extract_strided_slice %convert_element_type3A_12 {offsets = [0, 113], sizes = [128, 1], strides = [1, 1]} : vector<128x256xf32> to vector<128x1xf32>
    %slice3A_575 = vector.extract_strided_slice %convert_element_type3A_7 {offsets = [0, 28928], sizes = [128, 256], strides = [1, 1]} : vector<128x35584xf32> to vector<128x256xf32>
    %mul3A_576 = vector.broadcast %slice3A_574 : vector<128x1xf32> to vector<128x256xf32>
    %mul3A_577 = arith.mulf %mul3A_576, %slice3A_575 : vector<128x256xf32>
    %add3A_578 = arith.addf %add3A_573, %mul3A_577 : vector<128x256xf32>
    %slice3A_579 = vector.extract_strided_slice %convert_element_type3A_12 {offsets = [0, 114], sizes = [128, 1], strides = [1, 1]} : vector<128x256xf32> to vector<128x1xf32>
    %slice3A_580 = vector.extract_strided_slice %convert_element_type3A_7 {offsets = [0, 29184], sizes = [128, 256], strides = [1, 1]} : vector<128x35584xf32> to vector<128x256xf32>
    %mul3A_581 = vector.broadcast %slice3A_579 : vector<128x1xf32> to vector<128x256xf32>
    %mul3A_582 = arith.mulf %mul3A_581, %slice3A_580 : vector<128x256xf32>
    %add3A_583 = arith.addf %add3A_578, %mul3A_582 : vector<128x256xf32>
    %slice3A_584 = vector.extract_strided_slice %convert_element_type3A_12 {offsets = [0, 115], sizes = [128, 1], strides = [1, 1]} : vector<128x256xf32> to vector<128x1xf32>
    %slice3A_585 = vector.extract_strided_slice %convert_element_type3A_7 {offsets = [0, 29440], sizes = [128, 256], strides = [1, 1]} : vector<128x35584xf32> to vector<128x256xf32>
    %mul3A_586 = vector.broadcast %slice3A_584 : vector<128x1xf32> to vector<128x256xf32>
    %mul3A_587 = arith.mulf %mul3A_586, %slice3A_585 : vector<128x256xf32>
    %add3A_588 = arith.addf %add3A_583, %mul3A_587 : vector<128x256xf32>
    %slice3A_589 = vector.extract_strided_slice %convert_element_type3A_12 {offsets = [0, 116], sizes = [128, 1], strides = [1, 1]} : vector<128x256xf32> to vector<128x1xf32>
    %slice3A_590 = vector.extract_strided_slice %convert_element_type3A_7 {offsets = [0, 29696], sizes = [128, 256], strides = [1, 1]} : vector<128x35584xf32> to vector<128x256xf32>
    %mul3A_591 = vector.broadcast %slice3A_589 : vector<128x1xf32> to vector<128x256xf32>
    %mul3A_592 = arith.mulf %mul3A_591, %slice3A_590 : vector<128x256xf32>
    %add3A_593 = arith.addf %add3A_588, %mul3A_592 : vector<128x256xf32>
    %slice3A_594 = vector.extract_strided_slice %convert_element_type3A_12 {offsets = [0, 117], sizes = [128, 1], strides = [1, 1]} : vector<128x256xf32> to vector<128x1xf32>
    %slice3A_595 = vector.extract_strided_slice %convert_element_type3A_7 {offsets = [0, 29952], sizes = [128, 256], strides = [1, 1]} : vector<128x35584xf32> to vector<128x256xf32>
    %mul3A_596 = vector.broadcast %slice3A_594 : vector<128x1xf32> to vector<128x256xf32>
    %mul3A_597 = arith.mulf %mul3A_596, %slice3A_595 : vector<128x256xf32>
    %add3A_598 = arith.addf %add3A_593, %mul3A_597 : vector<128x256xf32>
    %slice3A_599 = vector.extract_strided_slice %convert_element_type3A_12 {offsets = [0, 118], sizes = [128, 1], strides = [1, 1]} : vector<128x256xf32> to vector<128x1xf32>
    %slice3A_600 = vector.extract_strided_slice %convert_element_type3A_7 {offsets = [0, 30208], sizes = [128, 256], strides = [1, 1]} : vector<128x35584xf32> to vector<128x256xf32>
    %mul3A_601 = vector.broadcast %slice3A_599 : vector<128x1xf32> to vector<128x256xf32>
    %mul3A_602 = arith.mulf %mul3A_601, %slice3A_600 : vector<128x256xf32>
    %add3A_603 = arith.addf %add3A_598, %mul3A_602 : vector<128x256xf32>
    %slice3A_604 = vector.extract_strided_slice %convert_element_type3A_12 {offsets = [0, 119], sizes = [128, 1], strides = [1, 1]} : vector<128x256xf32> to vector<128x1xf32>
    %slice3A_605 = vector.extract_strided_slice %convert_element_type3A_7 {offsets = [0, 30464], sizes = [128, 256], strides = [1, 1]} : vector<128x35584xf32> to vector<128x256xf32>
    %mul3A_606 = vector.broadcast %slice3A_604 : vector<128x1xf32> to vector<128x256xf32>
    %mul3A_607 = arith.mulf %mul3A_606, %slice3A_605 : vector<128x256xf32>
    %add3A_608 = arith.addf %add3A_603, %mul3A_607 : vector<128x256xf32>
    %slice3A_609 = vector.extract_strided_slice %convert_element_type3A_12 {offsets = [0, 120], sizes = [128, 1], strides = [1, 1]} : vector<128x256xf32> to vector<128x1xf32>
    %slice3A_610 = vector.extract_strided_slice %convert_element_type3A_7 {offsets = [0, 30720], sizes = [128, 256], strides = [1, 1]} : vector<128x35584xf32> to vector<128x256xf32>
    %mul3A_611 = vector.broadcast %slice3A_609 : vector<128x1xf32> to vector<128x256xf32>
    %mul3A_612 = arith.mulf %mul3A_611, %slice3A_610 : vector<128x256xf32>
    %add3A_613 = arith.addf %add3A_608, %mul3A_612 : vector<128x256xf32>
    %slice3A_614 = vector.extract_strided_slice %convert_element_type3A_12 {offsets = [0, 121], sizes = [128, 1], strides = [1, 1]} : vector<128x256xf32> to vector<128x1xf32>
    %slice3A_615 = vector.extract_strided_slice %convert_element_type3A_7 {offsets = [0, 30976], sizes = [128, 256], strides = [1, 1]} : vector<128x35584xf32> to vector<128x256xf32>
    %mul3A_616 = vector.broadcast %slice3A_614 : vector<128x1xf32> to vector<128x256xf32>
    %mul3A_617 = arith.mulf %mul3A_616, %slice3A_615 : vector<128x256xf32>
    %add3A_618 = arith.addf %add3A_613, %mul3A_617 : vector<128x256xf32>
    %slice3A_619 = vector.extract_strided_slice %convert_element_type3A_12 {offsets = [0, 122], sizes = [128, 1], strides = [1, 1]} : vector<128x256xf32> to vector<128x1xf32>
    %slice3A_620 = vector.extract_strided_slice %convert_element_type3A_7 {offsets = [0, 31232], sizes = [128, 256], strides = [1, 1]} : vector<128x35584xf32> to vector<128x256xf32>
    %mul3A_621 = vector.broadcast %slice3A_619 : vector<128x1xf32> to vector<128x256xf32>
    %mul3A_622 = arith.mulf %mul3A_621, %slice3A_620 : vector<128x256xf32>
    %add3A_623 = arith.addf %add3A_618, %mul3A_622 : vector<128x256xf32>
    %slice3A_624 = vector.extract_strided_slice %convert_element_type3A_12 {offsets = [0, 123], sizes = [128, 1], strides = [1, 1]} : vector<128x256xf32> to vector<128x1xf32>
    %slice3A_625 = vector.extract_strided_slice %convert_element_type3A_7 {offsets = [0, 31488], sizes = [128, 256], strides = [1, 1]} : vector<128x35584xf32> to vector<128x256xf32>
    %mul3A_626 = vector.broadcast %slice3A_624 : vector<128x1xf32> to vector<128x256xf32>
    %mul3A_627 = arith.mulf %mul3A_626, %slice3A_625 : vector<128x256xf32>
    %add3A_628 = arith.addf %add3A_623, %mul3A_627 : vector<128x256xf32>
    %slice3A_629 = vector.extract_strided_slice %convert_element_type3A_12 {offsets = [0, 124], sizes = [128, 1], strides = [1, 1]} : vector<128x256xf32> to vector<128x1xf32>
    %slice3A_630 = vector.extract_strided_slice %convert_element_type3A_7 {offsets = [0, 31744], sizes = [128, 256], strides = [1, 1]} : vector<128x35584xf32> to vector<128x256xf32>
    %mul3A_631 = vector.broadcast %slice3A_629 : vector<128x1xf32> to vector<128x256xf32>
    %mul3A_632 = arith.mulf %mul3A_631, %slice3A_630 : vector<128x256xf32>
    %add3A_633 = arith.addf %add3A_628, %mul3A_632 : vector<128x256xf32>
    %slice3A_634 = vector.extract_strided_slice %convert_element_type3A_12 {offsets = [0, 125], sizes = [128, 1], strides = [1, 1]} : vector<128x256xf32> to vector<128x1xf32>
    %slice3A_635 = vector.extract_strided_slice %convert_element_type3A_7 {offsets = [0, 32000], sizes = [128, 256], strides = [1, 1]} : vector<128x35584xf32> to vector<128x256xf32>
    %mul3A_636 = vector.broadcast %slice3A_634 : vector<128x1xf32> to vector<128x256xf32>
    %mul3A_637 = arith.mulf %mul3A_636, %slice3A_635 : vector<128x256xf32>
    %add3A_638 = arith.addf %add3A_633, %mul3A_637 : vector<128x256xf32>
    %slice3A_639 = vector.extract_strided_slice %convert_element_type3A_12 {offsets = [0, 126], sizes = [128, 1], strides = [1, 1]} : vector<128x256xf32> to vector<128x1xf32>
    %slice3A_640 = vector.extract_strided_slice %convert_element_type3A_7 {offsets = [0, 32256], sizes = [128, 256], strides = [1, 1]} : vector<128x35584xf32> to vector<128x256xf32>
    %mul3A_641 = vector.broadcast %slice3A_639 : vector<128x1xf32> to vector<128x256xf32>
    %mul3A_642 = arith.mulf %mul3A_641, %slice3A_640 : vector<128x256xf32>
    %add3A_643 = arith.addf %add3A_638, %mul3A_642 : vector<128x256xf32>
    %slice3A_644 = vector.extract_strided_slice %convert_element_type3A_12 {offsets = [0, 127], sizes = [128, 1], strides = [1, 1]} : vector<128x256xf32> to vector<128x1xf32>
    %slice3A_645 = vector.extract_strided_slice %convert_element_type3A_7 {offsets = [0, 32512], sizes = [128, 256], strides = [1, 1]} : vector<128x35584xf32> to vector<128x256xf32>
    %mul3A_646 = vector.broadcast %slice3A_644 : vector<128x1xf32> to vector<128x256xf32>
    %mul3A_647 = arith.mulf %mul3A_646, %slice3A_645 : vector<128x256xf32>
    %add3A_648 = arith.addf %add3A_643, %mul3A_647 : vector<128x256xf32>
    %slice3A_649 = vector.extract_strided_slice %convert_element_type3A_12 {offsets = [0, 128], sizes = [128, 1], strides = [1, 1]} : vector<128x256xf32> to vector<128x1xf32>
    %slice3A_650 = vector.extract_strided_slice %convert_element_type3A_7 {offsets = [0, 32768], sizes = [128, 256], strides = [1, 1]} : vector<128x35584xf32> to vector<128x256xf32>
    %mul3A_651 = vector.broadcast %slice3A_649 : vector<128x1xf32> to vector<128x256xf32>
    %mul3A_652 = arith.mulf %mul3A_651, %slice3A_650 : vector<128x256xf32>
    %add3A_653 = arith.addf %add3A_648, %mul3A_652 : vector<128x256xf32>
    %slice3A_654 = vector.extract_strided_slice %convert_element_type3A_12 {offsets = [0, 129], sizes = [128, 1], strides = [1, 1]} : vector<128x256xf32> to vector<128x1xf32>
    %slice3A_655 = vector.extract_strided_slice %convert_element_type3A_7 {offsets = [0, 33024], sizes = [128, 256], strides = [1, 1]} : vector<128x35584xf32> to vector<128x256xf32>
    %mul3A_656 = vector.broadcast %slice3A_654 : vector<128x1xf32> to vector<128x256xf32>
    %mul3A_657 = arith.mulf %mul3A_656, %slice3A_655 : vector<128x256xf32>
    %add3A_658 = arith.addf %add3A_653, %mul3A_657 : vector<128x256xf32>
    %slice3A_659 = vector.extract_strided_slice %convert_element_type3A_12 {offsets = [0, 130], sizes = [128, 1], strides = [1, 1]} : vector<128x256xf32> to vector<128x1xf32>
    %slice3A_660 = vector.extract_strided_slice %convert_element_type3A_7 {offsets = [0, 33280], sizes = [128, 256], strides = [1, 1]} : vector<128x35584xf32> to vector<128x256xf32>
    %mul3A_661 = vector.broadcast %slice3A_659 : vector<128x1xf32> to vector<128x256xf32>
    %mul3A_662 = arith.mulf %mul3A_661, %slice3A_660 : vector<128x256xf32>
    %add3A_663 = arith.addf %add3A_658, %mul3A_662 : vector<128x256xf32>
    %slice3A_664 = vector.extract_strided_slice %convert_element_type3A_12 {offsets = [0, 131], sizes = [128, 1], strides = [1, 1]} : vector<128x256xf32> to vector<128x1xf32>
    %slice3A_665 = vector.extract_strided_slice %convert_element_type3A_7 {offsets = [0, 33536], sizes = [128, 256], strides = [1, 1]} : vector<128x35584xf32> to vector<128x256xf32>
    %mul3A_666 = vector.broadcast %slice3A_664 : vector<128x1xf32> to vector<128x256xf32>
    %mul3A_667 = arith.mulf %mul3A_666, %slice3A_665 : vector<128x256xf32>
    %add3A_668 = arith.addf %add3A_663, %mul3A_667 : vector<128x256xf32>
    %slice3A_669 = vector.extract_strided_slice %convert_element_type3A_12 {offsets = [0, 132], sizes = [128, 1], strides = [1, 1]} : vector<128x256xf32> to vector<128x1xf32>
    %slice3A_670 = vector.extract_strided_slice %convert_element_type3A_7 {offsets = [0, 33792], sizes = [128, 256], strides = [1, 1]} : vector<128x35584xf32> to vector<128x256xf32>
    %mul3A_671 = vector.broadcast %slice3A_669 : vector<128x1xf32> to vector<128x256xf32>
    %mul3A_672 = arith.mulf %mul3A_671, %slice3A_670 : vector<128x256xf32>
    %add3A_673 = arith.addf %add3A_668, %mul3A_672 : vector<128x256xf32>
    %slice3A_674 = vector.extract_strided_slice %convert_element_type3A_12 {offsets = [0, 133], sizes = [128, 1], strides = [1, 1]} : vector<128x256xf32> to vector<128x1xf32>
    %slice3A_675 = vector.extract_strided_slice %convert_element_type3A_7 {offsets = [0, 34048], sizes = [128, 256], strides = [1, 1]} : vector<128x35584xf32> to vector<128x256xf32>
    %mul3A_676 = vector.broadcast %slice3A_674 : vector<128x1xf32> to vector<128x256xf32>
    %mul3A_677 = arith.mulf %mul3A_676, %slice3A_675 : vector<128x256xf32>
    %add3A_678 = arith.addf %add3A_673, %mul3A_677 : vector<128x256xf32>
    %slice3A_679 = vector.extract_strided_slice %convert_element_type3A_12 {offsets = [0, 134], sizes = [128, 1], strides = [1, 1]} : vector<128x256xf32> to vector<128x1xf32>
    %slice3A_680 = vector.extract_strided_slice %convert_element_type3A_7 {offsets = [0, 34304], sizes = [128, 256], strides = [1, 1]} : vector<128x35584xf32> to vector<128x256xf32>
    %mul3A_681 = vector.broadcast %slice3A_679 : vector<128x1xf32> to vector<128x256xf32>
    %mul3A_682 = arith.mulf %mul3A_681, %slice3A_680 : vector<128x256xf32>
    %add3A_683 = arith.addf %add3A_678, %mul3A_682 : vector<128x256xf32>
    %slice3A_684 = vector.extract_strided_slice %convert_element_type3A_12 {offsets = [0, 135], sizes = [128, 1], strides = [1, 1]} : vector<128x256xf32> to vector<128x1xf32>
    %slice3A_685 = vector.extract_strided_slice %convert_element_type3A_7 {offsets = [0, 34560], sizes = [128, 256], strides = [1, 1]} : vector<128x35584xf32> to vector<128x256xf32>
    %mul3A_686 = vector.broadcast %slice3A_684 : vector<128x1xf32> to vector<128x256xf32>
    %mul3A_687 = arith.mulf %mul3A_686, %slice3A_685 : vector<128x256xf32>
    %add3A_688 = arith.addf %add3A_683, %mul3A_687 : vector<128x256xf32>
    %slice3A_689 = vector.extract_strided_slice %convert_element_type3A_12 {offsets = [0, 136], sizes = [128, 1], strides = [1, 1]} : vector<128x256xf32> to vector<128x1xf32>
    %slice3A_690 = vector.extract_strided_slice %convert_element_type3A_7 {offsets = [0, 34816], sizes = [128, 256], strides = [1, 1]} : vector<128x35584xf32> to vector<128x256xf32>
    %mul3A_691 = vector.broadcast %slice3A_689 : vector<128x1xf32> to vector<128x256xf32>
    %mul3A_692 = arith.mulf %mul3A_691, %slice3A_690 : vector<128x256xf32>
    %add3A_693 = arith.addf %add3A_688, %mul3A_692 : vector<128x256xf32>
    %slice3A_694 = vector.extract_strided_slice %convert_element_type3A_12 {offsets = [0, 137], sizes = [128, 1], strides = [1, 1]} : vector<128x256xf32> to vector<128x1xf32>
    %slice3A_695 = vector.extract_strided_slice %convert_element_type3A_7 {offsets = [0, 35072], sizes = [128, 256], strides = [1, 1]} : vector<128x35584xf32> to vector<128x256xf32>
    %mul3A_696 = vector.broadcast %slice3A_694 : vector<128x1xf32> to vector<128x256xf32>
    %mul3A_697 = arith.mulf %mul3A_696, %slice3A_695 : vector<128x256xf32>
    %add3A_698 = arith.addf %add3A_693, %mul3A_697 : vector<128x256xf32>
    %slice3A_699 = vector.extract_strided_slice %convert_element_type3A_12 {offsets = [0, 138], sizes = [128, 1], strides = [1, 1]} : vector<128x256xf32> to vector<128x1xf32>
    %slice3A_700 = vector.extract_strided_slice %convert_element_type3A_7 {offsets = [0, 35328], sizes = [128, 256], strides = [1, 1]} : vector<128x35584xf32> to vector<128x256xf32>
    %mul3A_701 = vector.broadcast %slice3A_699 : vector<128x1xf32> to vector<128x256xf32>
    %mul3A_702 = arith.mulf %mul3A_701, %slice3A_700 : vector<128x256xf32>
    %add3A_703 = arith.addf %add3A_698, %mul3A_702 : vector<128x256xf32>
    %swap3A = arith.constant 0 : index
    %swap3A_704 = arith.constant 0 : index
    %swap3A_705 = vector.load %arg4[%swap3A, %swap3A_704] : memref<128x256xf32, #tpu.memory_space<vmem>>, vector<128x256xf32>
    tpu.vector_store %arg4[%swap3A, %swap3A_704], %add3A_703 {strides = array<i32>} : memref<128x256xf32, #tpu.memory_space<vmem>>, vector<128x256xf32>,
    return
  }
  func.func @transform_0(%arg0: i32) -> (i32, i32) {
    %c0_i32 = arith.constant 0 : i32
    %c0_i32_0 = arith.constant 0 : i32
    return %arg0, %c0_i32 : i32, i32
  }
  func.func @transform_1(%arg0: i32) -> (i32, i32) {
    %c0_i32 = arith.constant 0 : i32
    %c0_i32_0 = arith.constant 0 : i32
    return %arg0, %c0_i32 : i32, i32
  }
  func.func @transform_2(%arg0: i32) -> (i32, i32) {
    %c0_i32 = arith.constant 0 : i32
    %c0_i32_0 = arith.constant 0 : i32
    %c0_i32_1 = arith.constant 0 : i32
    return %c0_i32, %c0_i32_0 : i32, i32
  }
  func.func @transform_3(%arg0: i32) -> (i32, i32) {
    %c0_i32 = arith.constant 0 : i32
    %c0_i32_0 = arith.constant 0 : i32
    return %arg0, %c0_i32 : i32, i32
  }
}

module attributes {stable_mosaic.version = 14 : i64} {
  func.func @body(%arg0: memref<2x4096x256xf32, #tpu.memory_space<vmem>>, %arg1: memref<2x4096x128xf32, #tpu.memory_space<vmem>>, %arg2: memref<4096x256xf32, #tpu.memory_space<vmem>>, %arg3: memref<256x256xf32, #tpu.memory_space<vmem>>, %arg4: memref<1x256xf32, #tpu.memory_space<vmem>>, %arg5: memref<4096x256xf32, #tpu.memory_space<vmem>>) attributes {dimension_semantics = [], scalar_prefetch = 0 : i64, scratch_operands = 0 : i64, tpu.core_type = #tpu.core_type<tc>} {
    %get3A = arith.constant 0 : index
    %get3A_0 = arith.constant 0 : index
    %get3A_1 = arith.constant 0 : index
    %get3A_2 = vector.load %arg0[%get3A, %get3A_0, %get3A_1] : memref<2x4096x256xf32, #tpu.memory_space<vmem>>, vector<1x4096x256xf32>
    %get3A_3 = vector.shape_cast %get3A_2 : vector<1x4096x256xf32> to vector<4096x256xf32>
    %get3A_4 = arith.constant 1 : index
    %get3A_5 = arith.constant 0 : index
    %get3A_6 = arith.constant 0 : index
    %get3A_7 = vector.load %arg0[%get3A_4, %get3A_5, %get3A_6] : memref<2x4096x256xf32, #tpu.memory_space<vmem>>, vector<1x4096x256xf32>
    %get3A_8 = vector.shape_cast %get3A_7 : vector<1x4096x256xf32> to vector<4096x256xf32>
    %add3A = arith.addf %get3A_3, %get3A_8 : vector<4096x256xf32>
    %get3A_9 = arith.constant 0 : index
    %get3A_10 = arith.constant 0 : index
    %get3A_11 = arith.constant 0 : index
    %get3A_12 = vector.load %arg1[%get3A_9, %get3A_10, %get3A_11] : memref<2x4096x128xf32, #tpu.memory_space<vmem>>, vector<1x4096x128xf32>
    %get3A_13 = vector.shape_cast %get3A_12 : vector<1x4096x128xf32> to vector<4096x128xf32>
    %get3A_14 = arith.constant 1 : index
    %get3A_15 = arith.constant 0 : index
    %get3A_16 = arith.constant 0 : index
    %get3A_17 = vector.load %arg1[%get3A_14, %get3A_15, %get3A_16] : memref<2x4096x128xf32, #tpu.memory_space<vmem>>, vector<1x4096x128xf32>
    %get3A_18 = vector.shape_cast %get3A_17 : vector<1x4096x128xf32> to vector<4096x128xf32>
    %add3A_19 = arith.addf %get3A_13, %get3A_18 : vector<4096x128xf32>
    %reduce_max3A = arith.constant dense<0xFF800000> : vector<4096xf32>
    %reduce_max3A_20 = vector.multi_reduction <maximumf>, %add3A_19, %reduce_max3A [1] : vector<4096x128xf32> to vector<4096xf32>
    %broadcast_in_dim3A = vector.shape_cast %reduce_max3A_20 : vector<4096xf32> to vector<4096x1xf32>
    %max3A = arith.constant 1.000000e+00 : f32
    %max3A_21 = vector.broadcast %max3A : f32 to vector<4096x1xf32>
    %max3A_22 = arith.maximumf %broadcast_in_dim3A, %max3A_21 : vector<4096x1xf32>
    %div3A = arith.constant 1.000000e+00 : f32
    %div3A_23 = vector.broadcast %div3A : f32 to vector<4096x1xf32>
    %div3A_24 = arith.divf %div3A_23, %max3A_22 : vector<4096x1xf32>
    %mul3A = vector.broadcast %div3A_24 : vector<4096x1xf32> to vector<4096x256xf32>
    %mul3A_25 = arith.mulf %add3A, %mul3A : vector<4096x256xf32>
    %get3A_26 = arith.constant 0 : index
    %get3A_27 = arith.constant 0 : index
    %get3A_28 = vector.load %arg2[%get3A_26, %get3A_27] : memref<4096x256xf32, #tpu.memory_space<vmem>>, vector<4096x256xf32>
    %get3A_29 = arith.constant 0 : index
    %get3A_30 = arith.constant 0 : index
    %get3A_31 = vector.load %arg3[%get3A_29, %get3A_30] : memref<256x256xf32, #tpu.memory_space<vmem>>, vector<256x256xf32>
    %dot_general3A = arith.constant dense<0.000000e+00> : vector<4096x256xf32>
    %dot_general3A_32 = tpu.matmul %get3A_28, %get3A_31, %dot_general3A {dimension_numbers = #tpu.dot_dimension_numbers<[1], [0], [0], [1], [0, 0, 1, 1], [], []>, transpose_lhs_hint = false} : vector<4096x256xf32>, vector<256x256xf32>, vector<4096x256xf32> -> vector<4096x256xf32>
    %add3A_33 = arith.addf %mul3A_25, %dot_general3A_32 : vector<4096x256xf32>
    %get3A_34 = arith.constant 0 : index
    %get3A_35 = arith.constant 0 : index
    %get3A_36 = vector.load %arg4[%get3A_34, %get3A_35] : memref<1x256xf32, #tpu.memory_space<vmem>>, vector<1x256xf32>
    %add3A_37 = vector.broadcast %get3A_36 : vector<1x256xf32> to vector<4096x256xf32>
    %add3A_38 = arith.addf %add3A_33, %add3A_37 : vector<4096x256xf32>
    %ge3A = arith.constant 0.000000e+00 : f32
    %ge3A_39 = vector.broadcast %ge3A : f32 to vector<4096x256xf32>
    %ge3A_40 = arith.cmpf oge, %add3A_38, %ge3A_39 : vector<4096x256xf32>
    %mul3A_41 = arith.constant 0.00999999977 : f32
    %mul3A_42 = vector.broadcast %mul3A_41 : f32 to vector<4096x256xf32>
    %mul3A_43 = arith.mulf %mul3A_42, %add3A_38 : vector<4096x256xf32>
    %select_n3A = arith.select %ge3A_40, %add3A_38, %mul3A_43 : vector<4096x256xi1>, vector<4096x256xf32>
    %swap3A = arith.constant 0 : index
    %swap3A_44 = arith.constant 0 : index
    %swap3A_45 = vector.load %arg5[%swap3A, %swap3A_44] : memref<4096x256xf32, #tpu.memory_space<vmem>>, vector<4096x256xf32>
    tpu.vector_store %arg5[%swap3A, %swap3A_44], %select_n3A {strides = array<i32>} : memref<4096x256xf32, #tpu.memory_space<vmem>>, vector<4096x256xf32>,
    return
  }
}

module attributes {stable_mosaic.version = 14 : i64} {
  func.func @body(%arg0: memref<2x256x384xf32, #tpu.memory_space<vmem>>, %arg1: memref<2x256x128xf32, #tpu.memory_space<vmem>>, %arg2: memref<384x256xf32, #tpu.memory_space<vmem>>, %arg3: memref<1x256xf32, #tpu.memory_space<vmem>>, %arg4: memref<256x512xf32, #tpu.memory_space<vmem>>, %arg5: memref<1x512xf32, #tpu.memory_space<vmem>>, %arg6: memref<1x512xf32, #tpu.memory_space<vmem>>, %arg7: memref<1x1xf32, #tpu.memory_space<vmem>>, %arg8: memref<256x1xf32, #tpu.memory_space<vmem>>) attributes {dimension_semantics = [], scalar_prefetch = 0 : i64, scratch_operands = 0 : i64, tpu.core_type = #tpu.core_type<tc>} {
    %get3A = arith.constant 0 : index
    %get3A_0 = arith.constant 0 : index
    %get3A_1 = arith.constant 0 : index
    %get3A_2 = vector.load %arg0[%get3A, %get3A_0, %get3A_1] : memref<2x256x384xf32, #tpu.memory_space<vmem>>, vector<1x256x384xf32>
    %get3A_3 = vector.shape_cast %get3A_2 : vector<1x256x384xf32> to vector<256x384xf32>
    %get3A_4 = arith.constant 1 : index
    %get3A_5 = arith.constant 0 : index
    %get3A_6 = arith.constant 0 : index
    %get3A_7 = vector.load %arg0[%get3A_4, %get3A_5, %get3A_6] : memref<2x256x384xf32, #tpu.memory_space<vmem>>, vector<1x256x384xf32>
    %get3A_8 = vector.shape_cast %get3A_7 : vector<1x256x384xf32> to vector<256x384xf32>
    %add3A = arith.addf %get3A_3, %get3A_8 : vector<256x384xf32>
    %get3A_9 = arith.constant 0 : index
    %get3A_10 = arith.constant 0 : index
    %get3A_11 = arith.constant 0 : index
    %get3A_12 = vector.load %arg1[%get3A_9, %get3A_10, %get3A_11] : memref<2x256x128xf32, #tpu.memory_space<vmem>>, vector<1x256x128xf32>
    %get3A_13 = vector.shape_cast %get3A_12 : vector<1x256x128xf32> to vector<256x128xf32>
    %get3A_14 = arith.constant 1 : index
    %get3A_15 = arith.constant 0 : index
    %get3A_16 = arith.constant 0 : index
    %get3A_17 = vector.load %arg1[%get3A_14, %get3A_15, %get3A_16] : memref<2x256x128xf32, #tpu.memory_space<vmem>>, vector<1x256x128xf32>
    %get3A_18 = vector.shape_cast %get3A_17 : vector<1x256x128xf32> to vector<256x128xf32>
    %add3A_19 = arith.addf %get3A_13, %get3A_18 : vector<256x128xf32>
    %reduce_max3A = arith.constant dense<0xFF800000> : vector<256xf32>
    %reduce_max3A_20 = vector.multi_reduction <maximumf>, %add3A_19, %reduce_max3A [1] : vector<256x128xf32> to vector<256xf32>
    %broadcast_in_dim3A = vector.shape_cast %reduce_max3A_20 : vector<256xf32> to vector<256x1xf32>
    %max3A = arith.constant 1.000000e+00 : f32
    %max3A_21 = vector.broadcast %max3A : f32 to vector<256x1xf32>
    %max3A_22 = arith.maximumf %broadcast_in_dim3A, %max3A_21 : vector<256x1xf32>
    %div3A = arith.constant 1.000000e+00 : f32
    %div3A_23 = vector.broadcast %div3A : f32 to vector<256x1xf32>
    %div3A_24 = arith.divf %div3A_23, %max3A_22 : vector<256x1xf32>
    %mul3A = vector.broadcast %div3A_24 : vector<256x1xf32> to vector<256x384xf32>
    %mul3A_25 = arith.mulf %add3A, %mul3A : vector<256x384xf32>
    %get3A_26 = arith.constant 0 : index
    %get3A_27 = arith.constant 0 : index
    %get3A_28 = vector.load %arg2[%get3A_26, %get3A_27] : memref<384x256xf32, #tpu.memory_space<vmem>>, vector<384x256xf32>
    %dot_general3A = arith.constant dense<0.000000e+00> : vector<256x256xf32>
    %dot_general3A_29 = tpu.matmul %mul3A_25, %get3A_28, %dot_general3A {dimension_numbers = #tpu.dot_dimension_numbers<[1], [0], [0], [1], [0, 0, 1, 1], [], []>, transpose_lhs_hint = false} : vector<256x384xf32>, vector<384x256xf32>, vector<256x256xf32> -> vector<256x256xf32>
    %get3A_30 = arith.constant 0 : index
    %get3A_31 = arith.constant 0 : index
    %get3A_32 = vector.load %arg3[%get3A_30, %get3A_31] : memref<1x256xf32, #tpu.memory_space<vmem>>, vector<1x256xf32>
    %add3A_33 = vector.broadcast %get3A_32 : vector<1x256xf32> to vector<256x256xf32>
    %add3A_34 = arith.addf %dot_general3A_29, %add3A_33 : vector<256x256xf32>
    %ge3A = arith.constant 0.000000e+00 : f32
    %ge3A_35 = vector.broadcast %ge3A : f32 to vector<256x256xf32>
    %ge3A_36 = arith.cmpf oge, %add3A_34, %ge3A_35 : vector<256x256xf32>
    %mul3A_37 = arith.constant 0.00999999977 : f32
    %mul3A_38 = vector.broadcast %mul3A_37 : f32 to vector<256x256xf32>
    %mul3A_39 = arith.mulf %mul3A_38, %add3A_34 : vector<256x256xf32>
    %select_n3A = arith.select %ge3A_36, %add3A_34, %mul3A_39 : vector<256x256xi1>, vector<256x256xf32>
    %get3A_40 = arith.constant 0 : index
    %get3A_41 = arith.constant 0 : index
    %get3A_42 = vector.load %arg4[%get3A_40, %get3A_41] : memref<256x512xf32, #tpu.memory_space<vmem>>, vector<256x512xf32>
    %dot_general3A_43 = arith.constant dense<0.000000e+00> : vector<256x512xf32>
    %dot_general3A_44 = tpu.matmul %select_n3A, %get3A_42, %dot_general3A_43 {dimension_numbers = #tpu.dot_dimension_numbers<[1], [0], [0], [1], [0, 0, 1, 1], [], []>, transpose_lhs_hint = false} : vector<256x256xf32>, vector<256x512xf32>, vector<256x512xf32> -> vector<256x512xf32>
    %get3A_45 = arith.constant 0 : index
    %get3A_46 = arith.constant 0 : index
    %get3A_47 = vector.load %arg5[%get3A_45, %get3A_46] : memref<1x512xf32, #tpu.memory_space<vmem>>, vector<1x512xf32>
    %add3A_48 = vector.broadcast %get3A_47 : vector<1x512xf32> to vector<256x512xf32>
    %add3A_49 = arith.addf %dot_general3A_44, %add3A_48 : vector<256x512xf32>
    %ge3A_50 = arith.constant 0.000000e+00 : f32
    %ge3A_51 = vector.broadcast %ge3A_50 : f32 to vector<256x512xf32>
    %ge3A_52 = arith.cmpf oge, %add3A_49, %ge3A_51 : vector<256x512xf32>
    %mul3A_53 = arith.constant 0.00999999977 : f32
    %mul3A_54 = vector.broadcast %mul3A_53 : f32 to vector<256x512xf32>
    %mul3A_55 = arith.mulf %mul3A_54, %add3A_49 : vector<256x512xf32>
    %select_n3A_56 = arith.select %ge3A_52, %add3A_49, %mul3A_55 : vector<256x512xi1>, vector<256x512xf32>
    %convert_element_type3A = arith.truncf %select_n3A_56 : vector<256x512xf32> to vector<256x512xbf16>
    %convert_element_type3A_57 = arith.extf %convert_element_type3A : vector<256x512xbf16> to vector<256x512xf32>
    %get3A_58 = arith.constant 0 : index
    %get3A_59 = arith.constant 0 : index
    %get3A_60 = vector.load %arg6[%get3A_58, %get3A_59] : memref<1x512xf32, #tpu.memory_space<vmem>>, vector<1x512xf32>
    %convert_element_type3A_61 = arith.truncf %get3A_60 : vector<1x512xf32> to vector<1x512xbf16>
    %convert_element_type3A_62 = arith.extf %convert_element_type3A_61 : vector<1x512xbf16> to vector<1x512xf32>
    %mul3A_63 = vector.broadcast %convert_element_type3A_62 : vector<1x512xf32> to vector<256x512xf32>
    %mul3A_64 = arith.mulf %convert_element_type3A_57, %mul3A_63 : vector<256x512xf32>
    %reduce_sum3A = arith.constant dense<0.000000e+00> : vector<256xf32>
    %reduce_sum3A_65 = vector.multi_reduction <add>, %mul3A_64, %reduce_sum3A [1] : vector<256x512xf32> to vector<256xf32>
    %broadcast_in_dim3A_66 = vector.shape_cast %reduce_sum3A_65 : vector<256xf32> to vector<256x1xf32>
    %get3A_67 = arith.constant 0 : index
    %get3A_68 = arith.constant 0 : index
    %get3A_69 = vector.load %arg7[%get3A_67, %get3A_68] : memref<1x1xf32, #tpu.memory_space<vmem>>, vector<1x1xf32>
    %add3A_70 = vector.broadcast %get3A_69 : vector<1x1xf32> to vector<256x1xf32>
    %add3A_71 = arith.addf %broadcast_in_dim3A_66, %add3A_70 : vector<256x1xf32>
    %swap3A = arith.constant 0 : index
    %swap3A_72 = arith.constant 0 : index
    %swap3A_73 = vector.load %arg8[%swap3A, %swap3A_72] : memref<256x1xf32, #tpu.memory_space<vmem>>, vector<256x1xf32>
    tpu.vector_store %arg8[%swap3A, %swap3A_72], %add3A_71 {strides = array<i32>} : memref<256x1xf32, #tpu.memory_space<vmem>>, vector<256x1xf32>,
    return
  }
}

</mosaic_0001>

<sc_bundles>
// kernel: kernel.19.cloned.1.call-start
scs
__scs_entry_jumppad:
0x0: {  	(pc) =	sbr.rel $0x88, $3  }
0x1: {  	(tag) =	ssettag $0x0;
	lr =	simm.s32 $0x1  }
0x2: {  	[smem:$0x3F88] =	sst lr;
	_ =	strace $0xD0000000  }
0x3: {  	_ = 	snop  }
0x4: {  	_ = 	snop  }
0x5: {  	_ = 	snop  }
0x6: {  	_ = 	snop  }
0x7: {  	_ = 	snop  }
__scs_overlays_trampoline_lowered:
0x8: {  	[smem:$0x3F97] =	sst s0  }
0x9: {  	[smem:$0x3F98] =	sst s1  }
0xa: {  	[smem:$0x3F99] =	sst s2  }
0xb: {  	[smem:$0x3F9A] =	sst s3  }
0xc: {  	[smem:$0x3F9B] =	sst s4  }
0xd: {  	[smem:$0x3F9C] =	sst s5  }
0xe: {  	[smem:$0x3F9D] =	sst s6  }
0xf: {  	[smem:$0x3F9E] =	sst s7  }
0x10: {  	[smem:$0x3F9F] =	sst s8  }
0x11: {  	[smem:$0x3FA0] =	sst s9;
	s0 =	simm.s32 @!p0 $0x0  }
0x12: {  	s1 =	sld [smem:$0x3F86];
	s0 =	simm.s32 @p0 $0x1  }
0x13: {  	[smem:$0x3FA1] =	sst s0;
	s0 =	simm.s32 @!p1 $0x0  }
0x14: {  	s2 =	sld [smem:$0x3F85];
	s0 =	simm.s32 @p1 $0x1  }
0x15: {  	[smem:$0x3FA2] =	sst s0;
	s0 =	simm.s32 @!p2 $0x0  }
0x16: {  	s3 =	sld [smem:$0x3FDB];
	s0 =	simm.s32 @p2 $0x1  }
0x17: {  	s4 =	simm.s32 $0x1BF5;
	[smem:$0x3FA4] =	sst s0  }
0x18: {  	s0 =	sld [smem:$0x3F87];
	_ =	swait.ge [sflag:s4], $0x0  }
0x19: {  	s7 =	sld [smem:$0x3F88]  }
0x1a: {  	s8 =	sadd.s32 $0xFFFFE003, lr  }
0x1b: {  	s9 =	sadd.s32 $0xFFFFFEF7, lr;
	s5 =	simm.s32 $0xFFFFFFFF;
	p2 =	slt.u32 s8, $0xFFFFF086  }
0x1c: {  	p1 =	slt.u32 s9, $0xF7A;
	s5 =	simm.s32 @!p2 $0x0  }
0x1d: {  	s5 =	simm.s32 @p1 $0x1;
	p0 =	seq.s32 s7, s2  }
0x1e: {  	s7 =	smul.u32 @!p0 $0xF7A, s2;
	p2 =	seq.s32 @!p0 s5, $0x0  }
0x1f: {  	s9 =	smul.u32 $0xF7A, s1;
	s8 =	simm.s32 @!p0 $0x1BF5;
	p2 =	por !p2, p0  }
0x20: {  	[sflag:s8] =	ssyncset.s32 @!p0 $0xFFFFF086;
	s6 =	sadd.s32 @!p0 s3, s7;
	s7 =	simm.s32 @!p0 $0x108  }
0x21: {  	s3 =	sadd.s32 s3, s9;
	s6 =	sadd.s32 @!p0 $0x88, s6;
	s7 =	simm.s32 @p2 $0x1082  }
0x22: {  	[simem:s7], [sflag:s8] =	dma.local @!p0 [hbm:s6], $0xF7A  }
0x23: {  	s9 =	sor.u32 $0xD0000000, s2;
	s6 =	simm.s32 $0x108;
	_ =	swait.ge @!p0 [sflag:s8], $0x0  }
0x24: {  	s3 =	sadd.s32 $0x88, s3;
	s6 =	simm.s32 @!p1 $0x1082;
	[sflag:s4] =	ssyncset.s32 $0xFFFFF086  }
0x25: {  	[simem:s6], [sflag:s4] =	dma.local [hbm:s3], $0xF7A  }
0x26: {  	[smem:$0x3F88] =	sst s1;
	(tag) =	ssettag s2;
	_ =	strace s9  }
0x27: {  	s1 =	sld [smem:$0x3F98]  }
0x28: {  	s2 =	sld [smem:$0x3F99]  }
0x29: {  	s4 =	sld [smem:$0x3F9B]  }
0x2a: {  	p0 =	seq.s32 s5, $0x0;
	s5 =	sld [smem:$0x3F9C]  }
0x2b: {  	s6 =	sld [smem:$0x3F9D]  }
0x2c: {  	s7 =	sld [smem:$0x3F9E]  }
0x2d: {  	s3 =	simm.s32 $0x108;
	s8 =	sld [smem:$0x3F9F]  }
0x2e: {  	s3 =	simm.s32 @!p0 $0x1082;
	s9 =	sld [smem:$0x3FA0]  }
0x2f: {  	lr =	sadd.s32 s0, s3;
	s0 =	sld [smem:$0x3F97]  }
0x30: {  	s3 =	sld [smem:$0x3F9A]  }
0x31: {  	[smem:$0x3FA3] =	sst s10  }
0x32: {  	s10 =	sld [smem:$0x3FA1];
	_ =	sdelay $0x3  }
0x33: {  	p0 =	seq.s32 s10, $0x1;
	s10 =	sld [smem:$0x3FA3];
	_ =	sdelay $0x3  }
0x34: {  	[smem:$0x3FA3] =	sst s10  }
0x35: {  	s10 =	sld [smem:$0x3FA2];
	_ =	sdelay $0x3  }
0x36: {  	p1 =	seq.s32 s10, $0x1;
	s10 =	sld [smem:$0x3FA3];
	_ =	sdelay $0x3  }
0x37: {  	[smem:$0x3FA3] =	sst s10  }
0x38: {  	s10 =	sld [smem:$0x3FA4]  }
0x39: {  	_ = 	snop;
	(pc) =	sbr.ind lr, $3  }
0x3a: {  	_ = 	snop  }
0x3b: {  	_ = 	snop  }
0x3c: {  	p2 =	seq.s32 s10, $0x1;
	s10 =	sld [smem:$0x3FA3]  }
0x3d: {  	_ =	shalt  }
0x3e: {  	_ =	shalt  }
0x3f: {  	_ =	shalt  }
0x40: {  	_ =	shalt  }
0x41: {  	_ =	shalt  }
0x42: {  	_ =	shalt  }
0x43: {  	_ =	shalt  }
0x44: {  	_ =	shalt  }
0x45: {  	_ =	shalt  }
0x46: {  	_ =	shalt  }
0x47: {  	_ =	shalt  }
0x48: {  	_ =	shalt  }
0x49: {  	_ =	shalt  }
0x4a: {  	_ =	shalt  }
0x4b: {  	_ =	shalt  }
0x4c: {  	_ =	shalt  }
0x4d: {  	_ =	shalt  }
0x4e: {  	_ =	shalt  }
0x4f: {  	_ =	shalt  }
0x50: {  	_ =	shalt  }
0x51: {  	_ =	shalt  }
0x52: {  	_ =	shalt  }
0x53: {  	_ =	shalt  }
0x54: {  	_ =	shalt  }
0x55: {  	_ =	shalt  }
0x56: {  	_ =	shalt  }
0x57: {  	_ =	shalt  }
0x58: {  	_ =	shalt  }
0x59: {  	_ =	shalt  }
0x5a: {  	_ =	shalt  }
0x5b: {  	_ =	shalt  }
0x5c: {  	_ =	shalt  }
0x5d: {  	_ =	shalt  }
0x5e: {  	_ =	shalt  }
0x5f: {  	_ =	shalt  }
0x60: {  	_ =	shalt  }
0x61: {  	_ =	shalt  }
0x62: {  	_ =	shalt  }
0x63: {  	_ =	shalt  }
0x64: {  	_ =	shalt  }
0x65: {  	_ =	shalt  }
0x66: {  	_ =	shalt  }
0x67: {  	_ =	shalt  }
0x68: {  	_ =	shalt  }
0x69: {  	_ =	shalt  }
0x6a: {  	_ =	shalt  }
0x6b: {  	_ =	shalt  }
0x6c: {  	_ =	shalt  }
0x6d: {  	_ =	shalt  }
0x6e: {  	_ =	shalt  }
0x6f: {  	_ =	shalt  }
0x70: {  	_ =	shalt  }
0x71: {  	_ =	shalt  }
0x72: {  	_ =	shalt  }
0x73: {  	_ =	shalt  }
0x74: {  	_ =	shalt  }
0x75: {  	_ =	shalt  }
0x76: {  	_ =	shalt  }
0x77: {  	_ =	shalt  }
0x78: {  	_ =	shalt  }
0x79: {  	_ =	shalt  }
0x7a: {  	_ =	shalt  }
0x7b: {  	_ =	shalt  }
0x7c: {  	_ =	shalt  }
0x7d: {  	_ =	shalt  }
0x7e: {  	_ =	shalt  }
0x7f: {  	_ =	shalt  }
0x80: {  	_ =	shalt  }
0x81: {  	_ =	shalt  }
0x82: {  	_ =	shalt  }
0x83: {  	_ =	shalt  }
0x84: {  	_ =	shalt  }
0x85: {  	_ =	shalt  }
0x86: {  	_ =	shalt  }
0x87: {  	_ =	shalt  }
.Lfunc_end0:
.L_simem_size_0:
called_computation_lowered:
.L_overlay_start_0:
0x88: {  	s2 =	sld [smem:$0x3FD9]  }
0x89: {  	s3 =	sld [smem:$0x3FFE];
	_ =	sdelay $0x1  }
0x8a: {  	s1 =	srdreg.scid  }
0x8b: {  	s0 =	sand.u32 $0x1, s1  }
0x8c: {  	s17 =	sshll.u32 s0, $0xA;
	s2 =	sadd.s32 s3, s2  }
0x8d: {  	s2 =	sadd.s32 s2, s17  }
0x8e: {  	[smem:$0x3FAF] =	sst s2  }
0x8f: {  	_ = 	snop  }
0x90: {  	(tm) =	ssettm $0x1  }
0x91: {  	s18 =	sld [smem:$0x3FFB];
	_ =	sdelay $0x3  }
0x92: {  	_ =	strace s18  }
0x93: {  	s2 =	sld [smem:$0x3FFC];
	_ =	sdelay $0x3  }
0x94: {  	_ =	strace s2  }
0x95: {  	s2 =	sld [smem:$0x3FFD];
	_ =	sdelay $0x3  }
0x96: {  	_ =	strace s2  }
0x97: {  	_ =	strace $0x8FFFFFFF  }
0x98: {  	s19 =	sld [smem:$0x3FDB];
	_ =	sdelay $0x1  }
0x99: {  	s20 =	simm.s32 $_scs_section_size  }
0x9a: {  	s4 =	simm.s32 $_size__tile_overlayer_lowered;
	s5 =	simm.s32 $_tile_overlayer_lowered  }
0x9b: {  	s6 =	simm.s32 $0x1BFF;
	s21 =	sshll.u32 s5, $0x1;
	s3 =	sadd.s32 s20, s19  }
0x9c: {  	s22 =	simm.s32 $0x0;
	s4 =	sshll.u32 s4, $0x1;
	s5 =	sadd.s32 s21, s3  }
0x9d: {  	[timem:s22], [sflag:s6] =	dma.local [hbm:s5], s4  }
0x9e: {  	_ =	swait.ge [sflag:s6], s4  }
0x9f: {  	s4 =	ssub.s32 $0x0, s4;
	[sflag:s6] =	ssyncset.done $0x0  }
0xa0: {  	[sflag:s6] =	ssyncadd.s32 s4;
	_ =	sdelay $0x1  }
0xa1: {  	s23 =	simm.s32 $0x1B8B  }
0xa2: {  	_ =	swait.ge [sflag:s23], $0x1  }
0xa3: {  	[sflag:s23] =	ssyncset.done $0x0  }
0xa4: {  	[sflag:s23] =	ssyncadd.s32 $0xFFFFFFFF  }
0xa5: {  	s4 =	sld [smem:$0x0]  }
0xa6: {  	s5 =	sand.u32 $0xFFFFFFFE, s1  }
0xa7: {  	p0 =	sne.s32 s1, s5  }
0xa8: {  	s5 =	sshll.u32 @p0 s5, $0xE  }
0xa9: {  	s5 =	sadd.s32 @p0 $0x11B8D, s5;
	s6 =	sshll.u32 @p0 s4, $0x11  }
0xaa: {  	s5 =	sor.u32 @p0 s6, s5  }
0xab: {  	[sflag:s5] =	ssyncadd.remote.s32 @p0 $0x1;
	_ =	sdelay $0x1  }
0xac: {  	s5 =	simm.s32 @p0 $0x1B8D  }
0xad: {  	_ =	swait.eq @p0 [sflag:s5], $0x1  }
0xae: {  	[sflag:s5] =	ssyncadd.s32 @p0 $0xFFFFFFFF  }
0xaf: {  	s6 =	sshll.u32 @!p0 s1, $0xE  }
0xb0: {  	s6 =	sor.u32 @!p0 $0x4000, s6;
	s5 =	simm.s32 @!p0 $0x1B8D  }
0xb1: {  	s4 =	sshll.u32 @!p0 s4, $0x11;
	s6 =	sadd.s32 @!p0 $0x11B8D, s6;
	_ =	swait.eq @!p0 [sflag:s5], $0x1  }
0xb2: {  	s4 =	sor.u32 @!p0 s4, s6;
	[sflag:s5] =	ssyncadd.s32 @!p0 $0xFFFFFFFF  }
0xb3: {  	s25 =	simm.s32 $0x1B8E;
	s24 =	sld [smem:$0x3FFE];
	[sflag:s4] =	ssyncadd.remote.s32 @!p0 $0x1  }
0xb4: {  	s26 =	simm.s32 $execute0_lowered;
	[smem:$0x3FD2] =	sst s25  }
0xb5: {  	s5 =	sshll.u32 s26, $0x1;
	_ =	strace $0x80000049;
	[dreg:$0x1] =	wrdreg $0xFFFFFFFF  }
0xb6: {  	s28 =	simm.s32 $_size_execute0_lowered;
	s3 =	sadd.s32 s3, s5;
	[dreg:$0x0] =	wrdreg $0x0  }
0xb7: {  	s5 =	sshll.u32 s28, $0x1;
	[dreg:$0x2] =	wrdreg s3  }
0xb8: {  	[dreg:$0x3] =	wrdreg s5  }
0xb9: {  	[dreg:$0x4] =	wrdreg $0xC0  }
0xba: {  	_ =	task [dreg:s22], $0x5FFFF  }
0xbb: {  	[dreg:$0x1] =	wrdreg $0xFFFFFFFF  }
0xbc: {  	[dreg:$0x0] =	wrdreg $0x60  }
0xbd: {  	[dreg:$0x2] =	wrdreg s24  }
0xbe: {  	[dreg:$0x3] =	wrdreg $0x81000  }
0xbf: {  	[dreg:$0x4] =	wrdreg $0x9  }
0xc0: {  	_ =	task.clear_ibuf [dreg:s22], $0x5FFFF;
	_ =	strace $0x90000049  }
0xc1: {  	s29 =	simm.s32 $0x9;
	_ =	strace $0x8000004B  }
0xc2: {  	_ =	swait.ge [sflag:s29], $0x1  }
0xc3: {  	[sflag:s29] =	ssyncadd.s32 $0xFFFFFFFF  }
0xc4: {  	_ =	strace $0x9000004B  }
0xc5: {  	_ =	sfence  }
0xc6: {  	s30 =	sld [smem:$0x0];
	_ =	sdelay $0x2  }
0xc7: {  	s31 =	sshll.u32 s1, $0xD;
	s1 =	sshrl.u32 s1, $0x2  }
0xc8: {  	s4 =	sand.u32 $0x4000, s31;
	s1 =	sadd.s32 s1, s30  }
0xc9: {  	s0 =	sor.u32 s4, s0;
	s1 =	sshll.u32 s1, $0x11  }
0xca: {  	s0 =	sor.u32 s1, s0  }
0xcb: {  	s0 =	sadd.s32 $0x8F2B, s0  }
0xcc: {  	[sflag:s0] =	ssyncadd.remote.s32 $0x1  }
0xcd: {  	_ =	sfence.sel $0xFFFF  }
0xce: {  	[dreg:$0x0] =	wrdreg $0xFFFFFFFF;
	(pc) =	sbr.abs _section_cstart, $3  }
0xcf: {  	[dreg:$0x1] =	wrdreg $0xFFFFFFFF  }
0xd0: {  	_ =	task.clear_ibuf [dreg:s22], $0x2FFFF;
	_ =	strace $0x9FFFFFFF  }
0xd1: {  	(tm) =	ssettm $0x7FFFFFFF  }
tec
execute0_lowered:
.L_overlay_start_1:
0x0: {  	(tag) =	ssettag $0x1  }
0x1: {  	s1 =	srdreg.scid;
	s0 =	stileid.u32  }
0x2: {  	s9 =	rddreg [dreg:$0x0];
	s13 =	sand.u32 $0x1, s1;
	s4 =	sshll.u32 s0, $0x1  }
0x3: {  	s2 =	rddreg [dreg:$0x1];
	s3 =	simm.s32 $0x0;
	s10 =	sor.u32 s13, s4  }
0x4: {  	s5 =	simm.s32 $0x1;
	s1 =	rddreg [dreg:$0x2];
	s4 =	sshll.u32 s10, $0x5  }
0x5: {  	[smem:$0x7FF] =	sst s3;
	s6 =	sshll.u32 s0, $0xC;
	s4 =	sadd.s32 s4, s9  }
0x6: {  	s7 =	sshll.u32 s0, $0xF;
	_ =	strace $0x8000004A;
	s4 =	sadd.s32 $0x8C00, s4  }
0x7: {  	[tilespmem:s3], [sflag:$0x1] =	stream.linear.gather [hbm4b:s4+s3], $0x100, $0x38;
	[tilespmem:$0x10100] =	vst v63  }
0x8: {  	s30 =	sshll.u32 s0, $0x6;
	s14 =	sadd.s32 s6, s9;
	_ =	swait.ge [sflag:s5], $0x100  }
0x9: {  	s8 =	sadd.s32 s7, s2;
	s7 =	sor.u32 $0x1C01, s30;
	[sflag:s5] =	ssyncset.done $0x0  }
0xa: {  	s6 =	sadd.s32 $0x39000, s14;
	s8 =	sshrl.u32 s8, $0x3;
	[sflag:s5] =	ssyncadd.s32 $0xFFFFFF00  }
0xb: {  	[spmem:s8], [sflag:s7] =	dma.local [hbm:s6], $0x1000  }
0xc: {  	_ =	swait.ge [sflag:s5], $0x1000  }
0xd: {  	s10 =	sshll.u32 s10, $0xC;
	[sflag:s5] =	ssyncset.done $0x0  }
0xe: {  	s9 =	sadd.s32 s10, s9;
	[sflag:s5] =	ssyncadd.s32 $0xFFFFF000  }
0xf: {  	s10 =	simm.s32 $0x100;
	s9 =	sadd.s32 $0x49000, s9;
	[bflag:$0x0] =	sbarrier.arrive $0xFFFF  }
0x10: {  	[tilespmem:s10], [sflag:$0x1] =	stream.linear.gather [hbm4b:s9+s3], $0x8000, $0x38;
	[tilespmem:$0x10100] =	vst v63  }
0x11: {  	_ =	swait.ge [sflag:s5], $0x8000  }
0x12: {  	[sflag:s5] =	ssyncset.done $0x0  }
0x13: {  	s11 =	simm.s32 $0x80;
	[sflag:s5] =	ssyncadd.s32 $0xFFFF8000  }
0x14: {  	[spmem:s2] =	stream.indirect.scatter.add.f32 [tilespmem:s10], [sflag:$0x1], $0x80, s3, s11, $0xb8;
	[tilespmem:$0x10100] =	vst v63  }
0x15: {  	_ =	swait.ge [sflag:s5], $0x4000  }
0x16: {  	s12 =	simm.s32 $0x4100;
	s15 =	ssub.s32 $0x2, s13;
	[sflag:s5] =	ssyncset.done $0x0  }
0x17: {  	s13 =	sshll.u32 s13, $0x10;
	s31 =	sshrl.u32 s15, $0x1;
	[sflag:s5] =	ssyncadd.s32 $0xFFFFC000  }
0x18: {  	[spmem:s2] =	stream.indirect.scatter.add.f32 [tilespmem:s12], [sflag:$0x1], $0x80, s11, s11, $0xb8;
	[tilespmem:$0x10100] =	vst v63  }
0x19: {  	s13 =	sadd.s32 s13, s14;
	s14 =	ssub.s32 s15, s31;
	_ =	swait.ge [sflag:s5], $0x4000  }
0x1a: {  	s14 =	smax.u32 s14, $0x1;
	[sflag:s5] =	ssyncset.done $0x0  }
0x1b: {  	p0 =	sne.s32 s14, $0x1;
	[sflag:s5] =	ssyncadd.s32 $0xFFFFC000  }
.Ltmp0:
0x1c: {  	s13 =	sadd.s32 $0x69000, s13;
	[bflag:$0x0] =	sbarrier.arrive $0xFFFF;
	(pc) =	sbr.rel @!p0 .LBB2_2-.Ltmp0, $4  }
0x1d: {  	[hbm:s13], [sflag:s7] =	dma.local [spmem:s8], $0x1000  }
0x1e: {  	_ =	swait.ge [sflag:s5], $0x1000  }
0x1f: {  	[sflag:s5] =	ssyncset.done $0x0  }
0x20: {  	s14 =	sadd.s32 $0xFFFFFFFF, s14;
	[sflag:s5] =	ssyncadd.s32 $0xFFFFF000  }
.LBB2_1:
0x21: {  	p0 =	sne.s32 s14, $0x1;
	s14 =	sadd.s32 $0xFFFFFFFF, s14;
	[bflag:$0x0] =	sbarrier.arrive $0xFFFF  }
0x22: {  	[tilespmem:s3], [sflag:$0x1] =	stream.linear.gather [hbm4b:s4+s3], $0x100, $0x38;
	[tilespmem:$0x10100] =	vst v63  }
0x23: {  	_ =	swait.ge [sflag:s5], $0x100  }
0x24: {  	[sflag:s5] =	ssyncset.done $0x0  }
0x25: {  	[sflag:s5] =	ssyncadd.s32 $0xFFFFFF00  }
0x26: {  	[spmem:s8], [sflag:s7] =	dma.local [hbm:s6], $0x1000  }
0x27: {  	_ =	swait.ge [sflag:s5], $0x1000  }
0x28: {  	[sflag:s5] =	ssyncset.done $0x0  }
0x29: {  	[sflag:s5] =	ssyncadd.s32 $0xFFFFF000  }
0x2a: {  	[bflag:$0x0] =	sbarrier.arrive $0xFFFF  }
0x2b: {  	[tilespmem:s10], [sflag:$0x1] =	stream.linear.gather [hbm4b:s9+s3], $0x8000, $0x38;
	[tilespmem:$0x10100] =	vst v63  }
0x2c: {  	_ =	swait.ge [sflag:s5], $0x8000  }
0x2d: {  	[sflag:s5] =	ssyncset.done $0x0  }
0x2e: {  	[sflag:s5] =	ssyncadd.s32 $0xFFFF8000  }
0x2f: {  	[spmem:s2] =	stream.indirect.scatter.add.f32 [tilespmem:s10], [sflag:$0x1], $0x80, s3, s11, $0xb8;
	[tilespmem:$0x10100] =	vst v63  }
0x30: {  	_ =	swait.ge [sflag:s5], $0x4000  }
0x31: {  	[sflag:s5] =	ssyncset.done $0x0  }
0x32: {  	[sflag:s5] =	ssyncadd.s32 $0xFFFFC000  }
0x33: {  	[spmem:s2] =	stream.indirect.scatter.add.f32 [tilespmem:s12], [sflag:$0x1], $0x80, s11, s11, $0xb8;
	[tilespmem:$0x10100] =	vst v63  }
0x34: {  	_ =	swait.ge [sflag:s5], $0x4000  }
0x35: {  	[sflag:s5] =	ssyncset.done $0x0  }
0x36: {  	[sflag:s5] =	ssyncadd.s32 $0xFFFFC000  }
.Ltmp1:
0x37: {  	[bflag:$0x0] =	sbarrier.arrive $0xFFFF;
	(pc) =	sbr.rel @p0 .LBB2_1-.Ltmp1, $4  }
0x38: {  	[hbm:s13], [sflag:s7] =	dma.local [spmem:s8], $0x1000  }
0x39: {  	_ =	swait.ge [sflag:s5], $0x1000  }
0x3a: {  	[sflag:s5] =	ssyncset.done $0x0  }
0x3b: {  	[sflag:s5] =	ssyncadd.s32 $0xFFFFF000  }
.LBB2_2:
0x3c: {  	[bflag:$0x0] =	sbarrier.arrive $0xFFFF  }
0x3d: {  	_ =	sfence.sel $0x180000  }
0x3e: {  	[bflag:$0x0] =	sbarrier.arrive $0xFFFF  }
0x3f: {  	p0 =	sne.s32 s0, $0x0;
	_ =	strace $0x9000004A  }
0x40: {  	s0 =	sadd.s32 @!p0 $0x100000, s1;
	[bflag:$0x2] =	sbarrier.arrive $0xFFFF  }
0x41: {  	[sflag:s0] =	ssyncadd.tile.s32 @!p0 $0x1;
	_ =	shalt  }
.Lfunc_end2:
_tile_overlayer_lowered:
.L_overlay_start_2:
0x42: {  	(tag) =	ssettag $0x2  }
0x43: {  	s0 =	rddreg [dreg:$0x0];
	s2 =	stileid.u32  }
0x44: {  	s1 =	rddreg [dreg:$0x1];
	p0 =	sne.s32 s2, $0x0  }
0x45: {  	s3 =	rddreg [dreg:$0x2];
	[bflag:$0x3] =	sbarrier.arrive $0xFFFF;
	s2 =	simm.s32 @!p0 $0x1C01  }
0x46: {  	[timem:s3], [sflag:s2] =	dma.local @!p0 [hbm:s0], s1  }
0x47: {  	s0 =	simm.s32 @!p0 $0x1  }
0x48: {  	_ =	swait.ge @!p0 [sflag:s0], s1  }
0x49: {  	s1 =	ssub.s32 @!p0 $0x0, s1;
	[sflag:s0] =	ssyncset.done @!p0 $0x0  }
0x4a: {  	[sflag:s0] =	ssyncadd.s32 @!p0 s1  }
0x4b: {  	[bflag:$0x3] =	sbarrier.arrive $0xFFFF  }
0x4c: {  	_ =	shalt  }

// kernel: kernel.22.cloned.1.call-start
scs
__scs_entry_jumppad:
0x0: {  	(pc) =	sbr.rel $0x88, $3  }
0x1: {  	(tag) =	ssettag $0x0;
	lr =	simm.s32 $0x1  }
0x2: {  	[smem:$0x3F88] =	sst lr;
	_ =	strace $0xD0000000  }
0x3: {  	_ = 	snop  }
0x4: {  	_ = 	snop  }
0x5: {  	_ = 	snop  }
0x6: {  	_ = 	snop  }
0x7: {  	_ = 	snop  }
__scs_overlays_trampoline_lowered:
0x8: {  	[smem:$0x3F97] =	sst s0  }
0x9: {  	[smem:$0x3F98] =	sst s1  }
0xa: {  	[smem:$0x3F99] =	sst s2  }
0xb: {  	[smem:$0x3F9A] =	sst s3  }
0xc: {  	[smem:$0x3F9B] =	sst s4  }
0xd: {  	[smem:$0x3F9C] =	sst s5  }
0xe: {  	[smem:$0x3F9D] =	sst s6  }
0xf: {  	[smem:$0x3F9E] =	sst s7  }
0x10: {  	[smem:$0x3F9F] =	sst s8  }
0x11: {  	[smem:$0x3FA0] =	sst s9;
	s0 =	simm.s32 @!p0 $0x0  }
0x12: {  	s1 =	sld [smem:$0x3F86];
	s0 =	simm.s32 @p0 $0x1  }
0x13: {  	[smem:$0x3FA1] =	sst s0;
	s0 =	simm.s32 @!p1 $0x0  }
0x14: {  	s2 =	sld [smem:$0x3F85];
	s0 =	simm.s32 @p1 $0x1  }
0x15: {  	[smem:$0x3FA2] =	sst s0;
	s0 =	simm.s32 @!p2 $0x0  }
0x16: {  	s3 =	sld [smem:$0x3FDB];
	s0 =	simm.s32 @p2 $0x1  }
0x17: {  	s4 =	simm.s32 $0x1BF5;
	[smem:$0x3FA4] =	sst s0  }
0x18: {  	s0 =	sld [smem:$0x3F87];
	_ =	swait.ge [sflag:s4], $0x0  }
0x19: {  	s7 =	sld [smem:$0x3F88]  }
0x1a: {  	s8 =	sadd.s32 $0xFFFFE003, lr  }
0x1b: {  	s9 =	sadd.s32 $0xFFFFFEF7, lr;
	s5 =	simm.s32 $0xFFFFFFFF;
	p2 =	slt.u32 s8, $0xFFFFF086  }
0x1c: {  	p1 =	slt.u32 s9, $0xF7A;
	s5 =	simm.s32 @!p2 $0x0  }
0x1d: {  	s5 =	simm.s32 @p1 $0x1;
	p0 =	seq.s32 s7, s2  }
0x1e: {  	s7 =	smul.u32 @!p0 $0xF7A, s2;
	p2 =	seq.s32 @!p0 s5, $0x0  }
0x1f: {  	s9 =	smul.u32 $0xF7A, s1;
	s8 =	simm.s32 @!p0 $0x1BF5;
	p2 =	por !p2, p0  }
0x20: {  	[sflag:s8] =	ssyncset.s32 @!p0 $0xFFFFF086;
	s6 =	sadd.s32 @!p0 s3, s7;
	s7 =	simm.s32 @!p0 $0x108  }
0x21: {  	s3 =	sadd.s32 s3, s9;
	s6 =	sadd.s32 @!p0 $0x88, s6;
	s7 =	simm.s32 @p2 $0x1082  }
0x22: {  	[simem:s7], [sflag:s8] =	dma.local @!p0 [hbm:s6], $0xF7A  }
0x23: {  	s9 =	sor.u32 $0xD0000000, s2;
	s6 =	simm.s32 $0x108;
	_ =	swait.ge @!p0 [sflag:s8], $0x0  }
0x24: {  	s3 =	sadd.s32 $0x88, s3;
	s6 =	simm.s32 @!p1 $0x1082;
	[sflag:s4] =	ssyncset.s32 $0xFFFFF086  }
0x25: {  	[simem:s6], [sflag:s4] =	dma.local [hbm:s3], $0xF7A  }
0x26: {  	[smem:$0x3F88] =	sst s1;
	(tag) =	ssettag s2;
	_ =	strace s9  }
0x27: {  	s1 =	sld [smem:$0x3F98]  }
0x28: {  	s2 =	sld [smem:$0x3F99]  }
0x29: {  	s4 =	sld [smem:$0x3F9B]  }
0x2a: {  	p0 =	seq.s32 s5, $0x0;
	s5 =	sld [smem:$0x3F9C]  }
0x2b: {  	s6 =	sld [smem:$0x3F9D]  }
0x2c: {  	s7 =	sld [smem:$0x3F9E]  }
0x2d: {  	s3 =	simm.s32 $0x108;
	s8 =	sld [smem:$0x3F9F]  }
0x2e: {  	s3 =	simm.s32 @!p0 $0x1082;
	s9 =	sld [smem:$0x3FA0]  }
0x2f: {  	lr =	sadd.s32 s0, s3;
	s0 =	sld [smem:$0x3F97]  }
0x30: {  	s3 =	sld [smem:$0x3F9A]  }
0x31: {  	[smem:$0x3FA3] =	sst s10  }
0x32: {  	s10 =	sld [smem:$0x3FA1];
	_ =	sdelay $0x3  }
0x33: {  	p0 =	seq.s32 s10, $0x1;
	s10 =	sld [smem:$0x3FA3];
	_ =	sdelay $0x3  }
0x34: {  	[smem:$0x3FA3] =	sst s10  }
0x35: {  	s10 =	sld [smem:$0x3FA2];
	_ =	sdelay $0x3  }
0x36: {  	p1 =	seq.s32 s10, $0x1;
	s10 =	sld [smem:$0x3FA3];
	_ =	sdelay $0x3  }
0x37: {  	[smem:$0x3FA3] =	sst s10  }
0x38: {  	s10 =	sld [smem:$0x3FA4]  }
0x39: {  	_ = 	snop;
	(pc) =	sbr.ind lr, $3  }
0x3a: {  	_ = 	snop  }
0x3b: {  	_ = 	snop  }
0x3c: {  	p2 =	seq.s32 s10, $0x1;
	s10 =	sld [smem:$0x3FA3]  }
0x3d: {  	_ =	shalt  }
0x3e: {  	_ =	shalt  }
0x3f: {  	_ =	shalt  }
0x40: {  	_ =	shalt  }
0x41: {  	_ =	shalt  }
0x42: {  	_ =	shalt  }
0x43: {  	_ =	shalt  }
0x44: {  	_ =	shalt  }
0x45: {  	_ =	shalt  }
0x46: {  	_ =	shalt  }
0x47: {  	_ =	shalt  }
0x48: {  	_ =	shalt  }
0x49: {  	_ =	shalt  }
0x4a: {  	_ =	shalt  }
0x4b: {  	_ =	shalt  }
0x4c: {  	_ =	shalt  }
0x4d: {  	_ =	shalt  }
0x4e: {  	_ =	shalt  }
0x4f: {  	_ =	shalt  }
0x50: {  	_ =	shalt  }
0x51: {  	_ =	shalt  }
0x52: {  	_ =	shalt  }
0x53: {  	_ =	shalt  }
0x54: {  	_ =	shalt  }
0x55: {  	_ =	shalt  }
0x56: {  	_ =	shalt  }
0x57: {  	_ =	shalt  }
0x58: {  	_ =	shalt  }
0x59: {  	_ =	shalt  }
0x5a: {  	_ =	shalt  }
0x5b: {  	_ =	shalt  }
0x5c: {  	_ =	shalt  }
0x5d: {  	_ =	shalt  }
0x5e: {  	_ =	shalt  }
0x5f: {  	_ =	shalt  }
0x60: {  	_ =	shalt  }
0x61: {  	_ =	shalt  }
0x62: {  	_ =	shalt  }
0x63: {  	_ =	shalt  }
0x64: {  	_ =	shalt  }
0x65: {  	_ =	shalt  }
0x66: {  	_ =	shalt  }
0x67: {  	_ =	shalt  }
0x68: {  	_ =	shalt  }
0x69: {  	_ =	shalt  }
0x6a: {  	_ =	shalt  }
0x6b: {  	_ =	shalt  }
0x6c: {  	_ =	shalt  }
0x6d: {  	_ =	shalt  }
0x6e: {  	_ =	shalt  }
0x6f: {  	_ =	shalt  }
0x70: {  	_ =	shalt  }
0x71: {  	_ =	shalt  }
0x72: {  	_ =	shalt  }
0x73: {  	_ =	shalt  }
0x74: {  	_ =	shalt  }
0x75: {  	_ =	shalt  }
0x76: {  	_ =	shalt  }
0x77: {  	_ =	shalt  }
0x78: {  	_ =	shalt  }
0x79: {  	_ =	shalt  }
0x7a: {  	_ =	shalt  }
0x7b: {  	_ =	shalt  }
0x7c: {  	_ =	shalt  }
0x7d: {  	_ =	shalt  }
0x7e: {  	_ =	shalt  }
0x7f: {  	_ =	shalt  }
0x80: {  	_ =	shalt  }
0x81: {  	_ =	shalt  }
0x82: {  	_ =	shalt  }
0x83: {  	_ =	shalt  }
0x84: {  	_ =	shalt  }
0x85: {  	_ =	shalt  }
0x86: {  	_ =	shalt  }
0x87: {  	_ =	shalt  }
.Lfunc_end0:
.L_simem_size_0:
called_computation.1_lowered:
.L_overlay_start_0:
0x88: {  	s2 =	sld [smem:$0x3FD9]  }
0x89: {  	s3 =	sld [smem:$0x3FFE];
	_ =	sdelay $0x1  }
0x8a: {  	s1 =	srdreg.scid  }
0x8b: {  	s0 =	sand.u32 $0x1, s1  }
0x8c: {  	s17 =	sshll.u32 s0, $0xA;
	s2 =	sadd.s32 s3, s2  }
0x8d: {  	s2 =	sadd.s32 s2, s17  }
0x8e: {  	[smem:$0x3FAF] =	sst s2  }
0x8f: {  	_ = 	snop  }
0x90: {  	s18 =	sld [smem:$0x3FC6];
	(tm) =	ssettm $0x1  }
0x91: {  	s19 =	sld [smem:$0x3FFB];
	_ =	sdelay $0x3  }
0x92: {  	_ =	strace s19  }
0x93: {  	s2 =	sld [smem:$0x3FFC];
	_ =	sdelay $0x3  }
0x94: {  	_ =	strace s2  }
0x95: {  	s2 =	sld [smem:$0x3FFD];
	_ =	sdelay $0x3  }
0x96: {  	_ =	strace s2  }
0x97: {  	_ =	strace $0x8FFFFFFF  }
0x98: {  	s20 =	sld [smem:$0x3FDB];
	_ =	sdelay $0x1  }
0x99: {  	s4 =	simm.s32 $_scs_section_size  }
0x9a: {  	s5 =	simm.s32 $_size__tile_overlayer_lowered;
	s6 =	simm.s32 $_tile_overlayer_lowered  }
0x9b: {  	s7 =	simm.s32 $0x1BFF;
	s21 =	sshll.u32 s6, $0x1;
	s4 =	sadd.s32 s4, s20  }
0x9c: {  	s22 =	simm.s32 $0x0;
	s5 =	sshll.u32 s5, $0x1;
	s6 =	sadd.s32 s21, s4  }
0x9d: {  	[timem:s22], [sflag:s7] =	dma.local [hbm:s6], s5  }
0x9e: {  	_ =	swait.ge [sflag:s7], s5  }
0x9f: {  	s5 =	ssub.s32 $0x0, s5;
	[sflag:s7] =	ssyncset.done $0x0  }
0xa0: {  	[sflag:s7] =	ssyncadd.s32 s5;
	_ =	sdelay $0x1  }
0xa1: {  	s23 =	simm.s32 $0x1B8B  }
0xa2: {  	_ =	swait.ge [sflag:s23], $0x1  }
0xa3: {  	[sflag:s23] =	ssyncset.done $0x0  }
0xa4: {  	[sflag:s23] =	ssyncadd.s32 $0xFFFFFFFF  }
0xa5: {  	s5 =	sld [smem:$0x0]  }
0xa6: {  	s6 =	sand.u32 $0xFFFFFFFE, s1  }
0xa7: {  	p0 =	sne.s32 s1, s6  }
0xa8: {  	s6 =	sshll.u32 @p0 s6, $0xE  }
0xa9: {  	s6 =	sadd.s32 @p0 $0x11B8D, s6;
	s7 =	sshll.u32 @p0 s5, $0x11  }
0xaa: {  	s6 =	sor.u32 @p0 s7, s6  }
0xab: {  	[sflag:s6] =	ssyncadd.remote.s32 @p0 $0x1;
	_ =	sdelay $0x1  }
0xac: {  	s6 =	simm.s32 @p0 $0x1B8D  }
0xad: {  	_ =	swait.eq @p0 [sflag:s6], $0x1  }
0xae: {  	[sflag:s6] =	ssyncadd.s32 @p0 $0xFFFFFFFF  }
0xaf: {  	s7 =	sshll.u32 @!p0 s1, $0xE  }
0xb0: {  	s7 =	sor.u32 @!p0 $0x4000, s7;
	s6 =	simm.s32 @!p0 $0x1B8D  }
0xb1: {  	s5 =	sshll.u32 @!p0 s5, $0x11;
	s7 =	sadd.s32 @!p0 $0x11B8D, s7;
	_ =	swait.eq @!p0 [sflag:s6], $0x1  }
0xb2: {  	s5 =	sor.u32 @!p0 s5, s7;
	[sflag:s6] =	ssyncadd.s32 @!p0 $0xFFFFFFFF  }
0xb3: {  	s25 =	simm.s32 $0x1B8E;
	s24 =	sld [smem:$0x3FFE];
	[sflag:s5] =	ssyncadd.remote.s32 @!p0 $0x1  }
0xb4: {  	s26 =	simm.s32 $execute0_lowered;
	[smem:$0x3FD2] =	sst s25  }
0xb5: {  	s6 =	sshll.u32 s26, $0x1;
	_ =	strace $0x8000005B;
	[dreg:$0x1] =	wrdreg $0xFFFFFFFF  }
0xb6: {  	s28 =	simm.s32 $_size_execute0_lowered;
	s4 =	sadd.s32 s4, s6;
	[dreg:$0x0] =	wrdreg $0x0  }
0xb7: {  	s6 =	sshll.u32 s28, $0x1;
	[dreg:$0x2] =	wrdreg s4  }
0xb8: {  	[dreg:$0x3] =	wrdreg s6  }
0xb9: {  	[dreg:$0x4] =	wrdreg $0xC0  }
0xba: {  	_ =	task [dreg:s22], $0x5FFFF  }
0xbb: {  	[dreg:$0x1] =	wrdreg $0xFFFFFFFF  }
0xbc: {  	[dreg:$0x0] =	wrdreg $0x60  }
0xbd: {  	[dreg:$0x2] =	wrdreg s24  }
0xbe: {  	[dreg:$0x3] =	wrdreg s18  }
0xbf: {  	[dreg:$0x4] =	wrdreg $0x40800  }
0xc0: {  	[dreg:$0x5] =	wrdreg $0x9  }
0xc1: {  	_ =	task.clear_ibuf [dreg:s22], $0x6FFFF;
	_ =	strace $0x9000005B  }
0xc2: {  	s29 =	simm.s32 $0x9;
	_ =	strace $0x8000005D  }
0xc3: {  	_ =	swait.ge [sflag:s29], $0x1  }
0xc4: {  	[sflag:s29] =	ssyncadd.s32 $0xFFFFFFFF  }
0xc5: {  	_ =	strace $0x9000005D  }
0xc6: {  	_ =	sfence  }
0xc7: {  	s30 =	sld [smem:$0x0];
	_ =	sdelay $0x2  }
0xc8: {  	s31 =	sshll.u32 s1, $0xD;
	s1 =	sshrl.u32 s1, $0x2  }
0xc9: {  	s4 =	sand.u32 $0x4000, s31;
	s1 =	sadd.s32 s1, s30  }
0xca: {  	s0 =	sor.u32 s4, s0;
	s1 =	sshll.u32 s1, $0x11  }
0xcb: {  	s0 =	sor.u32 s1, s0  }
0xcc: {  	s0 =	sadd.s32 $0x8F2B, s0  }
0xcd: {  	[sflag:s0] =	ssyncadd.remote.s32 $0x1  }
0xce: {  	_ =	sfence.sel $0xFFFF  }
0xcf: {  	[dreg:$0x0] =	wrdreg $0xFFFFFFFF;
	(pc) =	sbr.abs _section_cstart, $3  }
0xd0: {  	[dreg:$0x1] =	wrdreg $0xFFFFFFFF  }
0xd1: {  	_ =	task.clear_ibuf [dreg:s22], $0x2FFFF;
	_ =	strace $0x9FFFFFFF  }
0xd2: {  	(tm) =	ssettm $0x7FFFFFFF  }
0xd3: {  	_ =	shalt  }
tec
execute0_lowered:
.L_overlay_start_1:
0x0: {  	(tag) =	ssettag $0x1  }
0x1: {  	s9 =	rddreg [dreg:$0x0]  }
0x2: {  	s4 =	rddreg [dreg:$0x1]  }
0x3: {  	s2 =	rddreg [dreg:$0x2]  }
0x4: {  	s0 =	rddreg [dreg:$0x3]  }
0x5: {  	s5 =	srdreg.scid;
	s1 =	stileid.u32  }
0x6: {  	s3 =	simm.s32 $0x0;
	s11 =	sand.u32 $0x1, s5;
	s29 =	sshll.u32 s1, $0x1  }
0x7: {  	[smem:$0x7FF] =	sst s3;
	s10 =	sor.u32 s11, s29  }
0x8: {  	s6 =	sshll.u32 s1, $0x8;
	s7 =	sshll.u32 s1, $0xB;
	s5 =	sshll.u32 s10, $0x4  }
0x9: {  	_ =	strace $0x8000005C;
	s4 =	sadd.s32 s4, s5;
	s5 =	simm.s32 $0x1  }
0xa: {  	[tilespmem:s3], [sflag:$0x1] =	stream.linear.gather [hbm4b:s4+s3], $0x80, $0x38;
	[tilespmem:$0x4880] =	vst v63  }
0xb: {  	s30 =	sshll.u32 s1, $0x6;
	s12 =	sadd.s32 s6, s9;
	_ =	swait.ge [sflag:s5], $0x80  }
0xc: {  	s8 =	sadd.s32 s7, s2;
	s7 =	sor.u32 $0x1C01, s30;
	[sflag:s5] =	ssyncset.done $0x0  }
0xd: {  	s6 =	sadd.s32 $0x29000, s12;
	s8 =	sshrl.u32 s8, $0x3;
	[sflag:s5] =	ssyncadd.s32 $0xFFFFFF80  }
0xe: {  	[spmem:s8], [sflag:s7] =	dma.local [hbm:s6], $0x100  }
0xf: {  	_ =	swait.ge [sflag:s5], $0x100  }
0x10: {  	s10 =	sshll.u32 s10, $0xB;
	[sflag:s5] =	ssyncset.done $0x0  }
0x11: {  	s9 =	sadd.s32 s10, s9;
	[sflag:s5] =	ssyncadd.s32 $0xFFFFFF00  }
0x12: {  	s10 =	simm.s32 $0x80;
	s9 =	sadd.s32 $0xC9000, s9;
	[bflag:$0x0] =	sbarrier.arrive $0xFFFF  }
0x13: {  	[tilespmem:s10], [sflag:$0x1] =	stream.linear.gather [hbm4b:s9+s3], $0x4000, $0x38;
	[tilespmem:$0x4880] =	vst v63  }
0x14: {  	_ =	swait.ge [sflag:s5], $0x4000  }
0x15: {  	s13 =	ssub.s32 $0x2, s11;
	[sflag:s5] =	ssyncset.done $0x0  }
0x16: {  	s11 =	sshll.u32 s11, $0xC;
	s31 =	sshrl.u32 s13, $0x1;
	[sflag:s5] =	ssyncadd.s32 $0xFFFFC000  }
0x17: {  	[spmem:s2] =	stream.indirect.scatter.add.f32 [tilespmem:s10], [sflag:$0x1], $0x80, s3, s10, $0xb8;
	[tilespmem:$0x4880] =	vst v63  }
0x18: {  	s11 =	sadd.s32 s11, s12;
	s12 =	ssub.s32 s13, s31;
	_ =	swait.ge [sflag:s5], $0x4000  }
0x19: {  	s12 =	smax.u32 s12, $0x1;
	[sflag:s5] =	ssyncset.done $0x0  }
0x1a: {  	p0 =	sne.s32 s12, $0x1;
	[sflag:s5] =	ssyncadd.s32 $0xFFFFC000  }
.Ltmp0:
0x1b: {  	s11 =	sadd.s32 $0x2A000, s11;
	[bflag:$0x0] =	sbarrier.arrive $0xFFFF;
	(pc) =	sbr.rel @!p0 .LBB2_2-.Ltmp0, $4  }
0x1c: {  	[hbm:s11], [sflag:s7] =	dma.local [spmem:s8], $0x100  }
0x1d: {  	_ =	swait.ge [sflag:s5], $0x100  }
0x1e: {  	[sflag:s5] =	ssyncset.done $0x0  }
0x1f: {  	s12 =	sadd.s32 $0xFFFFFFFF, s12;
	[sflag:s5] =	ssyncadd.s32 $0xFFFFFF00  }
.LBB2_1:
0x20: {  	p0 =	sne.s32 s12, $0x1;
	s12 =	sadd.s32 $0xFFFFFFFF, s12;
	[bflag:$0x0] =	sbarrier.arrive $0xFFFF  }
0x21: {  	[tilespmem:s3], [sflag:$0x1] =	stream.linear.gather [hbm4b:s4+s3], $0x80, $0x38;
	[tilespmem:$0x4880] =	vst v63  }
0x22: {  	_ =	swait.ge [sflag:s5], $0x80  }
0x23: {  	[sflag:s5] =	ssyncset.done $0x0  }
0x24: {  	[sflag:s5] =	ssyncadd.s32 $0xFFFFFF80  }
0x25: {  	[spmem:s8], [sflag:s7] =	dma.local [hbm:s6], $0x100  }
0x26: {  	_ =	swait.ge [sflag:s5], $0x100  }
0x27: {  	[sflag:s5] =	ssyncset.done $0x0  }
0x28: {  	[sflag:s5] =	ssyncadd.s32 $0xFFFFFF00  }
0x29: {  	[bflag:$0x0] =	sbarrier.arrive $0xFFFF  }
0x2a: {  	[tilespmem:s10], [sflag:$0x1] =	stream.linear.gather [hbm4b:s9+s3], $0x4000, $0x38;
	[tilespmem:$0x4880] =	vst v63  }
0x2b: {  	_ =	swait.ge [sflag:s5], $0x4000  }
0x2c: {  	[sflag:s5] =	ssyncset.done $0x0  }
0x2d: {  	[sflag:s5] =	ssyncadd.s32 $0xFFFFC000  }
0x2e: {  	[spmem:s2] =	stream.indirect.scatter.add.f32 [tilespmem:s10], [sflag:$0x1], $0x80, s3, s10, $0xb8;
	[tilespmem:$0x4880] =	vst v63  }
0x2f: {  	_ =	swait.ge [sflag:s5], $0x4000  }
0x30: {  	[sflag:s5] =	ssyncset.done $0x0  }
0x31: {  	[sflag:s5] =	ssyncadd.s32 $0xFFFFC000  }
.Ltmp1:
0x32: {  	[bflag:$0x0] =	sbarrier.arrive $0xFFFF;
	(pc) =	sbr.rel @p0 .LBB2_1-.Ltmp1, $4  }
0x33: {  	[hbm:s11], [sflag:s7] =	dma.local [spmem:s8], $0x100  }
0x34: {  	_ =	swait.ge [sflag:s5], $0x100  }
0x35: {  	[sflag:s5] =	ssyncset.done $0x0  }
0x36: {  	[sflag:s5] =	ssyncadd.s32 $0xFFFFFF00  }
.LBB2_2:
0x37: {  	[bflag:$0x0] =	sbarrier.arrive $0xFFFF  }
0x38: {  	_ =	sfence.sel $0x180000  }
0x39: {  	[bflag:$0x0] =	sbarrier.arrive $0xFFFF  }
0x3a: {  	p0 =	sne.s32 s1, $0x0;
	_ =	strace $0x9000005C  }
0x3b: {  	s0 =	sadd.s32 @!p0 $0x100000, s0;
	[bflag:$0x2] =	sbarrier.arrive $0xFFFF  }
0x3c: {  	[sflag:s0] =	ssyncadd.tile.s32 @!p0 $0x1;
	_ =	shalt  }
.Lfunc_end2:
_tile_overlayer_lowered:
.L_overlay_start_2:
0x3d: {  	(tag) =	ssettag $0x2  }
0x3e: {  	s0 =	rddreg [dreg:$0x0];
	s2 =	stileid.u32  }
0x3f: {  	s1 =	rddreg [dreg:$0x1];
	p0 =	sne.s32 s2, $0x0  }
0x40: {  	s3 =	rddreg [dreg:$0x2];
	[bflag:$0x3] =	sbarrier.arrive $0xFFFF;
	s2 =	simm.s32 @!p0 $0x1C01  }
0x41: {  	[timem:s3], [sflag:s2] =	dma.local @!p0 [hbm:s0], s1  }
0x42: {  	s0 =	simm.s32 @!p0 $0x1  }
0x43: {  	_ =	swait.ge @!p0 [sflag:s0], s1  }
0x44: {  	s1 =	ssub.s32 @!p0 $0x0, s1;
	[sflag:s0] =	ssyncset.done @!p0 $0x0  }
0x45: {  	[sflag:s0] =	ssyncadd.s32 @!p0 s1  }
0x46: {  	[bflag:$0x3] =	sbarrier.arrive $0xFFFF  }
0x47: {  	_ =	shalt  }

// kernel: kernel.25.cloned.1.call-start
scs
__scs_entry_jumppad:
0x0: {  	(pc) =	sbr.rel $0x88, $3  }
0x1: {  	(tag) =	ssettag $0x0;
	lr =	simm.s32 $0x1  }
0x2: {  	[smem:$0x3F88] =	sst lr;
	_ =	strace $0xD0000000  }
0x3: {  	_ = 	snop  }
0x4: {  	_ = 	snop  }
0x5: {  	_ = 	snop  }
0x6: {  	_ = 	snop  }
0x7: {  	_ = 	snop  }
__scs_overlays_trampoline_lowered:
0x8: {  	[smem:$0x3F97] =	sst s0  }
0x9: {  	[smem:$0x3F98] =	sst s1  }
0xa: {  	[smem:$0x3F99] =	sst s2  }
0xb: {  	[smem:$0x3F9A] =	sst s3  }
0xc: {  	[smem:$0x3F9B] =	sst s4  }
0xd: {  	[smem:$0x3F9C] =	sst s5  }
0xe: {  	[smem:$0x3F9D] =	sst s6  }
0xf: {  	[smem:$0x3F9E] =	sst s7  }
0x10: {  	[smem:$0x3F9F] =	sst s8  }
0x11: {  	[smem:$0x3FA0] =	sst s9;
	s0 =	simm.s32 @!p0 $0x0  }
0x12: {  	s1 =	sld [smem:$0x3F86];
	s0 =	simm.s32 @p0 $0x1  }
0x13: {  	[smem:$0x3FA1] =	sst s0;
	s0 =	simm.s32 @!p1 $0x0  }
0x14: {  	s2 =	sld [smem:$0x3F85];
	s0 =	simm.s32 @p1 $0x1  }
0x15: {  	[smem:$0x3FA2] =	sst s0;
	s0 =	simm.s32 @!p2 $0x0  }
0x16: {  	s3 =	sld [smem:$0x3FDB];
	s0 =	simm.s32 @p2 $0x1  }
0x17: {  	s4 =	simm.s32 $0x1BF5;
	[smem:$0x3FA4] =	sst s0  }
0x18: {  	s0 =	sld [smem:$0x3F87];
	_ =	swait.ge [sflag:s4], $0x0  }
0x19: {  	s7 =	sld [smem:$0x3F88]  }
0x1a: {  	s8 =	sadd.s32 $0xFFFFE003, lr  }
0x1b: {  	s9 =	sadd.s32 $0xFFFFFEF7, lr;
	s5 =	simm.s32 $0xFFFFFFFF;
	p2 =	slt.u32 s8, $0xFFFFF086  }
0x1c: {  	p1 =	slt.u32 s9, $0xF7A;
	s5 =	simm.s32 @!p2 $0x0  }
0x1d: {  	s5 =	simm.s32 @p1 $0x1;
	p0 =	seq.s32 s7, s2  }
0x1e: {  	s7 =	smul.u32 @!p0 $0xF7A, s2;
	p2 =	seq.s32 @!p0 s5, $0x0  }
0x1f: {  	s9 =	smul.u32 $0xF7A, s1;
	s8 =	simm.s32 @!p0 $0x1BF5;
	p2 =	por !p2, p0  }
0x20: {  	[sflag:s8] =	ssyncset.s32 @!p0 $0xFFFFF086;
	s6 =	sadd.s32 @!p0 s3, s7;
	s7 =	simm.s32 @!p0 $0x108  }
0x21: {  	s3 =	sadd.s32 s3, s9;
	s6 =	sadd.s32 @!p0 $0x88, s6;
	s7 =	simm.s32 @p2 $0x1082  }
0x22: {  	[simem:s7], [sflag:s8] =	dma.local @!p0 [hbm:s6], $0xF7A  }
0x23: {  	s9 =	sor.u32 $0xD0000000, s2;
	s6 =	simm.s32 $0x108;
	_ =	swait.ge @!p0 [sflag:s8], $0x0  }
0x24: {  	s3 =	sadd.s32 $0x88, s3;
	s6 =	simm.s32 @!p1 $0x1082;
	[sflag:s4] =	ssyncset.s32 $0xFFFFF086  }
0x25: {  	[simem:s6], [sflag:s4] =	dma.local [hbm:s3], $0xF7A  }
0x26: {  	[smem:$0x3F88] =	sst s1;
	(tag) =	ssettag s2;
	_ =	strace s9  }
0x27: {  	s1 =	sld [smem:$0x3F98]  }
0x28: {  	s2 =	sld [smem:$0x3F99]  }
0x29: {  	s4 =	sld [smem:$0x3F9B]  }
0x2a: {  	p0 =	seq.s32 s5, $0x0;
	s5 =	sld [smem:$0x3F9C]  }
0x2b: {  	s6 =	sld [smem:$0x3F9D]  }
0x2c: {  	s7 =	sld [smem:$0x3F9E]  }
0x2d: {  	s3 =	simm.s32 $0x108;
	s8 =	sld [smem:$0x3F9F]  }
0x2e: {  	s3 =	simm.s32 @!p0 $0x1082;
	s9 =	sld [smem:$0x3FA0]  }
0x2f: {  	lr =	sadd.s32 s0, s3;
	s0 =	sld [smem:$0x3F97]  }
0x30: {  	s3 =	sld [smem:$0x3F9A]  }
0x31: {  	[smem:$0x3FA3] =	sst s10  }
0x32: {  	s10 =	sld [smem:$0x3FA1];
	_ =	sdelay $0x3  }
0x33: {  	p0 =	seq.s32 s10, $0x1;
	s10 =	sld [smem:$0x3FA3];
	_ =	sdelay $0x3  }
0x34: {  	[smem:$0x3FA3] =	sst s10  }
0x35: {  	s10 =	sld [smem:$0x3FA2];
	_ =	sdelay $0x3  }
0x36: {  	p1 =	seq.s32 s10, $0x1;
	s10 =	sld [smem:$0x3FA3];
	_ =	sdelay $0x3  }
0x37: {  	[smem:$0x3FA3] =	sst s10  }
0x38: {  	s10 =	sld [smem:$0x3FA4]  }
0x39: {  	_ = 	snop;
	(pc) =	sbr.ind lr, $3  }
0x3a: {  	_ = 	snop  }
0x3b: {  	_ = 	snop  }
0x3c: {  	p2 =	seq.s32 s10, $0x1;
	s10 =	sld [smem:$0x3FA3]  }
0x3d: {  	_ =	shalt  }
0x3e: {  	_ =	shalt  }
0x3f: {  	_ =	shalt  }
0x40: {  	_ =	shalt  }
0x41: {  	_ =	shalt  }
0x42: {  	_ =	shalt  }
0x43: {  	_ =	shalt  }
0x44: {  	_ =	shalt  }
0x45: {  	_ =	shalt  }
0x46: {  	_ =	shalt  }
0x47: {  	_ =	shalt  }
0x48: {  	_ =	shalt  }
0x49: {  	_ =	shalt  }
0x4a: {  	_ =	shalt  }
0x4b: {  	_ =	shalt  }
0x4c: {  	_ =	shalt  }
0x4d: {  	_ =	shalt  }
0x4e: {  	_ =	shalt  }
0x4f: {  	_ =	shalt  }
0x50: {  	_ =	shalt  }
0x51: {  	_ =	shalt  }
0x52: {  	_ =	shalt  }
0x53: {  	_ =	shalt  }
0x54: {  	_ =	shalt  }
0x55: {  	_ =	shalt  }
0x56: {  	_ =	shalt  }
0x57: {  	_ =	shalt  }
0x58: {  	_ =	shalt  }
0x59: {  	_ =	shalt  }
0x5a: {  	_ =	shalt  }
0x5b: {  	_ =	shalt  }
0x5c: {  	_ =	shalt  }
0x5d: {  	_ =	shalt  }
0x5e: {  	_ =	shalt  }
0x5f: {  	_ =	shalt  }
0x60: {  	_ =	shalt  }
0x61: {  	_ =	shalt  }
0x62: {  	_ =	shalt  }
0x63: {  	_ =	shalt  }
0x64: {  	_ =	shalt  }
0x65: {  	_ =	shalt  }
0x66: {  	_ =	shalt  }
0x67: {  	_ =	shalt  }
0x68: {  	_ =	shalt  }
0x69: {  	_ =	shalt  }
0x6a: {  	_ =	shalt  }
0x6b: {  	_ =	shalt  }
0x6c: {  	_ =	shalt  }
0x6d: {  	_ =	shalt  }
0x6e: {  	_ =	shalt  }
0x6f: {  	_ =	shalt  }
0x70: {  	_ =	shalt  }
0x71: {  	_ =	shalt  }
0x72: {  	_ =	shalt  }
0x73: {  	_ =	shalt  }
0x74: {  	_ =	shalt  }
0x75: {  	_ =	shalt  }
0x76: {  	_ =	shalt  }
0x77: {  	_ =	shalt  }
0x78: {  	_ =	shalt  }
0x79: {  	_ =	shalt  }
0x7a: {  	_ =	shalt  }
0x7b: {  	_ =	shalt  }
0x7c: {  	_ =	shalt  }
0x7d: {  	_ =	shalt  }
0x7e: {  	_ =	shalt  }
0x7f: {  	_ =	shalt  }
0x80: {  	_ =	shalt  }
0x81: {  	_ =	shalt  }
0x82: {  	_ =	shalt  }
0x83: {  	_ =	shalt  }
0x84: {  	_ =	shalt  }
0x85: {  	_ =	shalt  }
0x86: {  	_ =	shalt  }
0x87: {  	_ =	shalt  }
.Lfunc_end0:
.L_simem_size_0:
called_computation.2_lowered:
.L_overlay_start_0:
0x88: {  	s2 =	sld [smem:$0x3FD9]  }
0x89: {  	s3 =	sld [smem:$0x3FFE];
	_ =	sdelay $0x1  }
0x8a: {  	s1 =	srdreg.scid  }
0x8b: {  	s0 =	sand.u32 $0x1, s1  }
0x8c: {  	s16 =	sshll.u32 s0, $0xA;
	s2 =	sadd.s32 s3, s2  }
0x8d: {  	s2 =	sadd.s32 s2, s16  }
0x8e: {  	[smem:$0x3FAF] =	sst s2  }
0x8f: {  	_ = 	snop  }
0x90: {  	(tm) =	ssettm $0x1  }
0x91: {  	s17 =	sld [smem:$0x3FFB];
	_ =	sdelay $0x3  }
0x92: {  	_ =	strace s17  }
0x93: {  	s2 =	sld [smem:$0x3FFC];
	_ =	sdelay $0x3  }
0x94: {  	_ =	strace s2  }
0x95: {  	s2 =	sld [smem:$0x3FFD];
	_ =	sdelay $0x3  }
0x96: {  	_ =	strace s2  }
0x97: {  	_ =	strace $0x8FFFFFFF  }
0x98: {  	s18 =	sld [smem:$0x3FDB];
	_ =	sdelay $0x1  }
0x99: {  	s19 =	simm.s32 $_scs_section_size  }
0x9a: {  	s4 =	simm.s32 $_size__tile_overlayer_lowered;
	s5 =	simm.s32 $_tile_overlayer_lowered  }
0x9b: {  	s22 =	simm.s32 $0x1BFF;
	s21 =	sshll.u32 s5, $0x1;
	s2 =	sadd.s32 s19, s18  }
0x9c: {  	s6 =	simm.s32 $0x0;
	s20 =	sshll.u32 s4, $0x1;
	s4 =	sadd.s32 s21, s2  }
0x9d: {  	[timem:s6], [sflag:s22] =	dma.local [hbm:s4], s20  }
0x9e: {  	_ =	swait.ge [sflag:s22], s20  }
0x9f: {  	s3 =	ssub.s32 $0x0, s20;
	[sflag:s22] =	ssyncset.done $0x0  }
0xa0: {  	[sflag:s22] =	ssyncadd.s32 s3;
	_ =	sdelay $0x1  }
0xa1: {  	s23 =	simm.s32 $0x1B8B  }
0xa2: {  	_ =	swait.ge [sflag:s23], $0x1  }
0xa3: {  	[sflag:s23] =	ssyncset.done $0x0  }
0xa4: {  	s25 =	simm.s32 $0x1B8E;
	s24 =	sld [smem:$0x3FFE];
	[sflag:s23] =	ssyncadd.s32 $0xFFFFFFFF  }
0xa5: {  	s26 =	simm.s32 $execute0_lowered;
	[smem:$0x3FD2] =	sst s25  }
0xa6: {  	s4 =	sshll.u32 s26, $0x1;
	_ =	strace $0x80000046;
	[dreg:$0x1] =	wrdreg $0xFFFFFFFF  }
0xa7: {  	s28 =	simm.s32 $_size_execute0_lowered;
	s2 =	sadd.s32 s2, s4;
	[dreg:$0x0] =	wrdreg $0x0  }
0xa8: {  	s4 =	sshll.u32 s28, $0x1;
	[dreg:$0x2] =	wrdreg s2  }
0xa9: {  	[dreg:$0x3] =	wrdreg s4  }
0xaa: {  	[dreg:$0x4] =	wrdreg $0xC0  }
0xab: {  	_ =	task [dreg:s6], $0x5FFFF  }
0xac: {  	[dreg:$0x1] =	wrdreg $0xFFFFFFFF  }
0xad: {  	[dreg:$0x0] =	wrdreg $0x60  }
0xae: {  	[dreg:$0x2] =	wrdreg s24  }
0xaf: {  	[dreg:$0x3] =	wrdreg $0xA  }
0xb0: {  	_ =	task.clear_ibuf [dreg:s6], $0x4FFFF;
	_ =	strace $0x90000046  }
0xb1: {  	s29 =	simm.s32 $0xA;
	_ =	strace $0x80000048  }
0xb2: {  	_ =	swait.ge [sflag:s29], $0x1  }
0xb3: {  	[sflag:s29] =	ssyncadd.s32 $0xFFFFFFFF  }
0xb4: {  	_ =	strace $0x90000048  }
0xb5: {  	_ =	sfence  }
0xb6: {  	s30 =	sld [smem:$0x0];
	_ =	sdelay $0x2  }
0xb7: {  	s31 =	sshll.u32 s1, $0xD;
	s1 =	sshrl.u32 s1, $0x2  }
0xb8: {  	s3 =	sand.u32 $0x4000, s31;
	s1 =	sadd.s32 s1, s30  }
0xb9: {  	s0 =	sor.u32 s3, s0;
	s1 =	sshll.u32 s1, $0x11  }
0xba: {  	s0 =	sor.u32 s1, s0  }
0xbb: {  	s0 =	sadd.s32 $0x8F2B, s0  }
0xbc: {  	[sflag:s0] =	ssyncadd.remote.s32 $0x1  }
0xbd: {  	_ =	sfence.sel $0xFFFF  }
0xbe: {  	[dreg:$0x0] =	wrdreg $0xFFFFFFFF;
	(pc) =	sbr.abs _section_cstart, $3  }
0xbf: {  	[dreg:$0x1] =	wrdreg $0xFFFFFFFF  }
0xc0: {  	_ =	task.clear_ibuf [dreg:s6], $0x2FFFF;
	_ =	strace $0x9FFFFFFF  }
0xc1: {  	(tm) =	ssettm $0x7FFFFFFF  }
tec
execute0_lowered:
.L_overlay_start_1:
0x0: {  	(tag) =	ssettag $0x1  }
0x1: {  	s1 =	srdreg.scid;
	s0 =	stileid.u32  }
0x2: {  	s9 =	sand.u32 $0x1, s1;
	s30 =	sshll.u32 s0, $0x1  }
0x3: {  	s10 =	rddreg [dreg:$0x0];
	s11 =	sor.u32 s9, s30  }
0x4: {  	s2 =	simm.s32 $0x0;
	s1 =	rddreg [dreg:$0x1];
	s3 =	sshll.u32 s11, $0x5  }
0x5: {  	[smem:$0x7FF] =	sst s2;
	s3 =	sadd.s32 s3, s10  }
0x6: {  	_ =	strace $0x80000047;
	s4 =	sadd.s32 $0x8800, s3;
	s3 =	simm.s32 $0x2  }
0x7: {  	[tilespmem:s2], [sflag:$0x2] =	stream.linear.gather [hbm4b:s4+s2], $0x100, $0x38;
	[tilespmem:$0x8100] =	vst v63  }
0x8: {  	s6 =	simm.s32 $0x80;
	_ =	swait.ge [sflag:s3], $0x100  }
0x9: {  	s7 =	simm.s32 $0x100;
	s8 =	simm.s32 $0x1;
	[sflag:s3] =	ssyncset.done $0x0  }
0xa: {  	s5 =	sadd.s32 $0x9000, s10;
	s12 =	ssub.s32 $0x2, s9;
	[sflag:s3] =	ssyncadd.s32 $0xFFFFFF00  }
0xb: {  	[tilespmem:s7], [sflag:$0x1] =	stream.indirect.gather [hbm4b:s5+s6], $0x80, s2, s6, $0xb8;
	[tilespmem:$0x8100] =	vst v63  }
0xc: {  	s9 =	simm.s32 $0x4100;
	s13 =	sshrl.u32 s12, $0x1;
	_ =	swait.ge [sflag:s8], $0x4000  }
0xd: {  	s11 =	sshll.u32 s11, $0xC;
	s31 =	ssub.s32 s12, s13;
	[sflag:s8] =	ssyncset.done $0x0  }
0xe: {  	s10 =	sadd.s32 s11, s10;
	s11 =	smax.u32 s31, $0x1;
	[sflag:s8] =	ssyncadd.s32 $0xFFFFC000  }
0xf: {  	[tilespmem:s9], [sflag:$0x1] =	stream.indirect.gather [hbm4b:s5+s6], $0x80, s6, s6, $0xb8;
	[tilespmem:$0x8100] =	vst v63  }
0x10: {  	p0 =	sne.s32 s11, $0x1;
	_ =	swait.ge [sflag:s8], $0x4000  }
.Ltmp0:
0x11: {  	[sflag:s8] =	ssyncset.done $0x0;
	(pc) =	sbr.rel @!p0 .LBB2_2-.Ltmp0, $4  }
0x12: {  	s10 =	sadd.s32 $0x19000, s10;
	[sflag:s8] =	ssyncadd.s32 $0xFFFFC000  }
0x13: {  	[hbm4b:s10+s2] =	stream.linear.scatter [tilespmem:s7], [sflag:$0x2], $0x8000, $0x38;
	[tilespmem:$0x8100] =	vst v63  }
0x14: {  	_ =	swait.ge [sflag:s3], $0x8000  }
0x15: {  	s11 =	sadd.s32 $0xFFFFFFFF, s11;
	[sflag:s3] =	ssyncset.done $0x0  }
.LBB2_1:
0x16: {  	p0 =	sne.s32 s11, $0x1;
	s11 =	sadd.s32 $0xFFFFFFFF, s11;
	[sflag:s3] =	ssyncadd.s32 $0xFFFF8000  }
0x17: {  	[tilespmem:s2], [sflag:$0x2] =	stream.linear.gather [hbm4b:s4+s2], $0x100, $0x38;
	[tilespmem:$0x8100] =	vst v63  }
0x18: {  	_ =	swait.ge [sflag:s3], $0x100  }
0x19: {  	[sflag:s3] =	ssyncset.done $0x0  }
0x1a: {  	[sflag:s3] =	ssyncadd.s32 $0xFFFFFF00  }
0x1b: {  	[tilespmem:s7], [sflag:$0x1] =	stream.indirect.gather [hbm4b:s5+s6], $0x80, s2, s6, $0xb8;
	[tilespmem:$0x8100] =	vst v63  }
0x1c: {  	_ =	swait.ge [sflag:s8], $0x4000  }
0x1d: {  	[sflag:s8] =	ssyncset.done $0x0  }
0x1e: {  	[sflag:s8] =	ssyncadd.s32 $0xFFFFC000  }
0x1f: {  	[tilespmem:s9], [sflag:$0x1] =	stream.indirect.gather [hbm4b:s5+s6], $0x80, s6, s6, $0xb8;
	[tilespmem:$0x8100] =	vst v63  }
0x20: {  	_ =	swait.ge [sflag:s8], $0x4000  }
.Ltmp1:
0x21: {  	[sflag:s8] =	ssyncset.done $0x0;
	(pc) =	sbr.rel @p0 .LBB2_1-.Ltmp1, $4  }
0x22: {  	[sflag:s8] =	ssyncadd.s32 $0xFFFFC000  }
0x23: {  	[hbm4b:s10+s2] =	stream.linear.scatter [tilespmem:s7], [sflag:$0x2], $0x8000, $0x38;
	[tilespmem:$0x8100] =	vst v63  }
0x24: {  	_ =	swait.ge [sflag:s3], $0x8000  }
0x25: {  	[sflag:s3] =	ssyncset.done $0x0  }
.LBB2_2:
0x26: {  	[sflag:s3] =	ssyncadd.s32 $0xFFFF8000  }
0x27: {  	_ =	sfence.sel $0x180000  }
0x28: {  	[bflag:$0x0] =	sbarrier.arrive $0xFFFF  }
0x29: {  	p0 =	sne.s32 s0, $0x0;
	_ =	strace $0x90000047  }
0x2a: {  	s0 =	sadd.s32 @!p0 $0x100000, s1;
	[bflag:$0x2] =	sbarrier.arrive $0xFFFF  }
0x2b: {  	[sflag:s0] =	ssyncadd.tile.s32 @!p0 $0x1;
	_ =	shalt  }
.Lfunc_end2:
_tile_overlayer_lowered:
.L_overlay_start_2:
0x2c: {  	(tag) =	ssettag $0x2  }
0x2d: {  	s0 =	rddreg [dreg:$0x0];
	s2 =	stileid.u32  }
0x2e: {  	s1 =	rddreg [dreg:$0x1];
	p0 =	sne.s32 s2, $0x0  }
0x2f: {  	s3 =	rddreg [dreg:$0x2];
	[bflag:$0x3] =	sbarrier.arrive $0xFFFF;
	s2 =	simm.s32 @!p0 $0x1C02  }
0x30: {  	[timem:s3], [sflag:s2] =	dma.local @!p0 [hbm:s0], s1  }
0x31: {  	s0 =	simm.s32 @!p0 $0x2  }
0x32: {  	_ =	swait.ge @!p0 [sflag:s0], s1  }
0x33: {  	s1 =	ssub.s32 @!p0 $0x0, s1;
	[sflag:s0] =	ssyncset.done @!p0 $0x0  }
0x34: {  	[sflag:s0] =	ssyncadd.s32 @!p0 s1  }
0x35: {  	[bflag:$0x3] =	sbarrier.arrive $0xFFFF  }
0x36: {  	_ =	shalt  }

// kernel: kernel.28.cloned.1.call-start
scs
__scs_entry_jumppad:
0x0: {  	(pc) =	sbr.rel $0x88, $3  }
0x1: {  	(tag) =	ssettag $0x0;
	lr =	simm.s32 $0x1  }
0x2: {  	[smem:$0x3F88] =	sst lr;
	_ =	strace $0xD0000000  }
0x3: {  	_ = 	snop  }
0x4: {  	_ = 	snop  }
0x5: {  	_ = 	snop  }
0x6: {  	_ = 	snop  }
0x7: {  	_ = 	snop  }
__scs_overlays_trampoline_lowered:
0x8: {  	[smem:$0x3F97] =	sst s0  }
0x9: {  	[smem:$0x3F98] =	sst s1  }
0xa: {  	[smem:$0x3F99] =	sst s2  }
0xb: {  	[smem:$0x3F9A] =	sst s3  }
0xc: {  	[smem:$0x3F9B] =	sst s4  }
0xd: {  	[smem:$0x3F9C] =	sst s5  }
0xe: {  	[smem:$0x3F9D] =	sst s6  }
0xf: {  	[smem:$0x3F9E] =	sst s7  }
0x10: {  	[smem:$0x3F9F] =	sst s8  }
0x11: {  	[smem:$0x3FA0] =	sst s9;
	s0 =	simm.s32 @!p0 $0x0  }
0x12: {  	s1 =	sld [smem:$0x3F86];
	s0 =	simm.s32 @p0 $0x1  }
0x13: {  	[smem:$0x3FA1] =	sst s0;
	s0 =	simm.s32 @!p1 $0x0  }
0x14: {  	s2 =	sld [smem:$0x3F85];
	s0 =	simm.s32 @p1 $0x1  }
0x15: {  	[smem:$0x3FA2] =	sst s0;
	s0 =	simm.s32 @!p2 $0x0  }
0x16: {  	s3 =	sld [smem:$0x3FDB];
	s0 =	simm.s32 @p2 $0x1  }
0x17: {  	s4 =	simm.s32 $0x1BF5;
	[smem:$0x3FA4] =	sst s0  }
0x18: {  	s0 =	sld [smem:$0x3F87];
	_ =	swait.ge [sflag:s4], $0x0  }
0x19: {  	s7 =	sld [smem:$0x3F88]  }
0x1a: {  	s8 =	sadd.s32 $0xFFFFE003, lr  }
0x1b: {  	s9 =	sadd.s32 $0xFFFFFEF7, lr;
	s5 =	simm.s32 $0xFFFFFFFF;
	p2 =	slt.u32 s8, $0xFFFFF086  }
0x1c: {  	p1 =	slt.u32 s9, $0xF7A;
	s5 =	simm.s32 @!p2 $0x0  }
0x1d: {  	s5 =	simm.s32 @p1 $0x1;
	p0 =	seq.s32 s7, s2  }
0x1e: {  	s7 =	smul.u32 @!p0 $0xF7A, s2;
	p2 =	seq.s32 @!p0 s5, $0x0  }
0x1f: {  	s9 =	smul.u32 $0xF7A, s1;
	s8 =	simm.s32 @!p0 $0x1BF5;
	p2 =	por !p2, p0  }
0x20: {  	[sflag:s8] =	ssyncset.s32 @!p0 $0xFFFFF086;
	s6 =	sadd.s32 @!p0 s3, s7;
	s7 =	simm.s32 @!p0 $0x108  }
0x21: {  	s3 =	sadd.s32 s3, s9;
	s6 =	sadd.s32 @!p0 $0x88, s6;
	s7 =	simm.s32 @p2 $0x1082  }
0x22: {  	[simem:s7], [sflag:s8] =	dma.local @!p0 [hbm:s6], $0xF7A  }
0x23: {  	s9 =	sor.u32 $0xD0000000, s2;
	s6 =	simm.s32 $0x108;
	_ =	swait.ge @!p0 [sflag:s8], $0x0  }
0x24: {  	s3 =	sadd.s32 $0x88, s3;
	s6 =	simm.s32 @!p1 $0x1082;
	[sflag:s4] =	ssyncset.s32 $0xFFFFF086  }
0x25: {  	[simem:s6], [sflag:s4] =	dma.local [hbm:s3], $0xF7A  }
0x26: {  	[smem:$0x3F88] =	sst s1;
	(tag) =	ssettag s2;
	_ =	strace s9  }
0x27: {  	s1 =	sld [smem:$0x3F98]  }
0x28: {  	s2 =	sld [smem:$0x3F99]  }
0x29: {  	s4 =	sld [smem:$0x3F9B]  }
0x2a: {  	p0 =	seq.s32 s5, $0x0;
	s5 =	sld [smem:$0x3F9C]  }
0x2b: {  	s6 =	sld [smem:$0x3F9D]  }
0x2c: {  	s7 =	sld [smem:$0x3F9E]  }
0x2d: {  	s3 =	simm.s32 $0x108;
	s8 =	sld [smem:$0x3F9F]  }
0x2e: {  	s3 =	simm.s32 @!p0 $0x1082;
	s9 =	sld [smem:$0x3FA0]  }
0x2f: {  	lr =	sadd.s32 s0, s3;
	s0 =	sld [smem:$0x3F97]  }
0x30: {  	s3 =	sld [smem:$0x3F9A]  }
0x31: {  	[smem:$0x3FA3] =	sst s10  }
0x32: {  	s10 =	sld [smem:$0x3FA1];
	_ =	sdelay $0x3  }
0x33: {  	p0 =	seq.s32 s10, $0x1;
	s10 =	sld [smem:$0x3FA3];
	_ =	sdelay $0x3  }
0x34: {  	[smem:$0x3FA3] =	sst s10  }
0x35: {  	s10 =	sld [smem:$0x3FA2];
	_ =	sdelay $0x3  }
0x36: {  	p1 =	seq.s32 s10, $0x1;
	s10 =	sld [smem:$0x3FA3];
	_ =	sdelay $0x3  }
0x37: {  	[smem:$0x3FA3] =	sst s10  }
0x38: {  	s10 =	sld [smem:$0x3FA4]  }
0x39: {  	_ = 	snop;
	(pc) =	sbr.ind lr, $3  }
0x3a: {  	_ = 	snop  }
0x3b: {  	_ = 	snop  }
0x3c: {  	p2 =	seq.s32 s10, $0x1;
	s10 =	sld [smem:$0x3FA3]  }
0x3d: {  	_ =	shalt  }
0x3e: {  	_ =	shalt  }
0x3f: {  	_ =	shalt  }
0x40: {  	_ =	shalt  }
0x41: {  	_ =	shalt  }
0x42: {  	_ =	shalt  }
0x43: {  	_ =	shalt  }
0x44: {  	_ =	shalt  }
0x45: {  	_ =	shalt  }
0x46: {  	_ =	shalt  }
0x47: {  	_ =	shalt  }
0x48: {  	_ =	shalt  }
0x49: {  	_ =	shalt  }
0x4a: {  	_ =	shalt  }
0x4b: {  	_ =	shalt  }
0x4c: {  	_ =	shalt  }
0x4d: {  	_ =	shalt  }
0x4e: {  	_ =	shalt  }
0x4f: {  	_ =	shalt  }
0x50: {  	_ =	shalt  }
0x51: {  	_ =	shalt  }
0x52: {  	_ =	shalt  }
0x53: {  	_ =	shalt  }
0x54: {  	_ =	shalt  }
0x55: {  	_ =	shalt  }
0x56: {  	_ =	shalt  }
0x57: {  	_ =	shalt  }
0x58: {  	_ =	shalt  }
0x59: {  	_ =	shalt  }
0x5a: {  	_ =	shalt  }
0x5b: {  	_ =	shalt  }
0x5c: {  	_ =	shalt  }
0x5d: {  	_ =	shalt  }
0x5e: {  	_ =	shalt  }
0x5f: {  	_ =	shalt  }
0x60: {  	_ =	shalt  }
0x61: {  	_ =	shalt  }
0x62: {  	_ =	shalt  }
0x63: {  	_ =	shalt  }
0x64: {  	_ =	shalt  }
0x65: {  	_ =	shalt  }
0x66: {  	_ =	shalt  }
0x67: {  	_ =	shalt  }
0x68: {  	_ =	shalt  }
0x69: {  	_ =	shalt  }
0x6a: {  	_ =	shalt  }
0x6b: {  	_ =	shalt  }
0x6c: {  	_ =	shalt  }
0x6d: {  	_ =	shalt  }
0x6e: {  	_ =	shalt  }
0x6f: {  	_ =	shalt  }
0x70: {  	_ =	shalt  }
0x71: {  	_ =	shalt  }
0x72: {  	_ =	shalt  }
0x73: {  	_ =	shalt  }
0x74: {  	_ =	shalt  }
0x75: {  	_ =	shalt  }
0x76: {  	_ =	shalt  }
0x77: {  	_ =	shalt  }
0x78: {  	_ =	shalt  }
0x79: {  	_ =	shalt  }
0x7a: {  	_ =	shalt  }
0x7b: {  	_ =	shalt  }
0x7c: {  	_ =	shalt  }
0x7d: {  	_ =	shalt  }
0x7e: {  	_ =	shalt  }
0x7f: {  	_ =	shalt  }
0x80: {  	_ =	shalt  }
0x81: {  	_ =	shalt  }
0x82: {  	_ =	shalt  }
0x83: {  	_ =	shalt  }
0x84: {  	_ =	shalt  }
0x85: {  	_ =	shalt  }
0x86: {  	_ =	shalt  }
0x87: {  	_ =	shalt  }
.Lfunc_end0:
.L_simem_size_0:
called_computation.3_lowered:
.L_overlay_start_0:
0x88: {  	s2 =	sld [smem:$0x3FD9]  }
0x89: {  	s3 =	sld [smem:$0x3FFE];
	_ =	sdelay $0x1  }
0x8a: {  	s1 =	srdreg.scid  }
0x8b: {  	s0 =	sand.u32 $0x1, s1  }
0x8c: {  	s17 =	sshll.u32 s0, $0xA;
	s2 =	sadd.s32 s3, s2  }
0x8d: {  	s2 =	sadd.s32 s2, s17  }
0x8e: {  	[smem:$0x3FAF] =	sst s2  }
0x8f: {  	_ = 	snop  }
0x90: {  	(tm) =	ssettm $0x1  }
0x91: {  	s18 =	sld [smem:$0x3FFB];
	_ =	sdelay $0x3  }
0x92: {  	_ =	strace s18  }
0x93: {  	s2 =	sld [smem:$0x3FFC];
	_ =	sdelay $0x3  }
0x94: {  	_ =	strace s2  }
0x95: {  	s2 =	sld [smem:$0x3FFD];
	_ =	sdelay $0x3  }
0x96: {  	_ =	strace s2  }
0x97: {  	_ =	strace $0x8FFFFFFF  }
0x98: {  	s19 =	sld [smem:$0x3FDB];
	_ =	sdelay $0x1  }
0x99: {  	s20 =	simm.s32 $_scs_section_size  }
0x9a: {  	s4 =	simm.s32 $_size__tile_overlayer_lowered;
	s5 =	simm.s32 $_tile_overlayer_lowered  }
0x9b: {  	s6 =	simm.s32 $0x1BFF;
	s21 =	sshll.u32 s5, $0x1;
	s3 =	sadd.s32 s20, s19  }
0x9c: {  	s22 =	simm.s32 $0x0;
	s4 =	sshll.u32 s4, $0x1;
	s5 =	sadd.s32 s21, s3  }
0x9d: {  	[timem:s22], [sflag:s6] =	dma.local [hbm:s5], s4  }
0x9e: {  	_ =	swait.ge [sflag:s6], s4  }
0x9f: {  	s4 =	ssub.s32 $0x0, s4;
	[sflag:s6] =	ssyncset.done $0x0  }
0xa0: {  	[sflag:s6] =	ssyncadd.s32 s4;
	_ =	sdelay $0x1  }
0xa1: {  	s23 =	simm.s32 $0x1B8B  }
0xa2: {  	_ =	swait.ge [sflag:s23], $0x1  }
0xa3: {  	[sflag:s23] =	ssyncset.done $0x0  }
0xa4: {  	[sflag:s23] =	ssyncadd.s32 $0xFFFFFFFF  }
0xa5: {  	s4 =	sld [smem:$0x0]  }
0xa6: {  	s5 =	sand.u32 $0xFFFFFFFE, s1  }
0xa7: {  	p0 =	sne.s32 s1, s5  }
0xa8: {  	s5 =	sshll.u32 @p0 s5, $0xE  }
0xa9: {  	s5 =	sadd.s32 @p0 $0x11B8D, s5;
	s6 =	sshll.u32 @p0 s4, $0x11  }
0xaa: {  	s5 =	sor.u32 @p0 s6, s5  }
0xab: {  	[sflag:s5] =	ssyncadd.remote.s32 @p0 $0x1;
	_ =	sdelay $0x1  }
0xac: {  	s5 =	simm.s32 @p0 $0x1B8D  }
0xad: {  	_ =	swait.eq @p0 [sflag:s5], $0x1  }
0xae: {  	[sflag:s5] =	ssyncadd.s32 @p0 $0xFFFFFFFF  }
0xaf: {  	s6 =	sshll.u32 @!p0 s1, $0xE  }
0xb0: {  	s6 =	sor.u32 @!p0 $0x4000, s6;
	s5 =	simm.s32 @!p0 $0x1B8D  }
0xb1: {  	s4 =	sshll.u32 @!p0 s4, $0x11;
	s6 =	sadd.s32 @!p0 $0x11B8D, s6;
	_ =	swait.eq @!p0 [sflag:s5], $0x1  }
0xb2: {  	s4 =	sor.u32 @!p0 s4, s6;
	[sflag:s5] =	ssyncadd.s32 @!p0 $0xFFFFFFFF  }
0xb3: {  	s25 =	simm.s32 $0x1B8E;
	s24 =	sld [smem:$0x3FFE];
	[sflag:s4] =	ssyncadd.remote.s32 @!p0 $0x1  }
0xb4: {  	s26 =	simm.s32 $execute0_lowered;
	[smem:$0x3FD2] =	sst s25  }
0xb5: {  	s5 =	sshll.u32 s26, $0x1;
	_ =	strace $0x8000004C;
	[dreg:$0x1] =	wrdreg $0xFFFFFFFF  }
0xb6: {  	s28 =	simm.s32 $_size_execute0_lowered;
	s3 =	sadd.s32 s3, s5;
	[dreg:$0x0] =	wrdreg $0x0  }
0xb7: {  	s5 =	sshll.u32 s28, $0x1;
	[dreg:$0x2] =	wrdreg s3  }
0xb8: {  	[dreg:$0x3] =	wrdreg s5  }
0xb9: {  	[dreg:$0x4] =	wrdreg $0xC0  }
0xba: {  	_ =	task [dreg:s22], $0x5FFFF  }
0xbb: {  	[dreg:$0x1] =	wrdreg $0xFFFFFFFF  }
0xbc: {  	[dreg:$0x0] =	wrdreg $0x60  }
0xbd: {  	[dreg:$0x2] =	wrdreg s24  }
0xbe: {  	[dreg:$0x3] =	wrdreg $0x81000  }
0xbf: {  	[dreg:$0x4] =	wrdreg $0xA  }
0xc0: {  	_ =	task.clear_ibuf [dreg:s22], $0x5FFFF;
	_ =	strace $0x9000004C  }
0xc1: {  	s29 =	simm.s32 $0xA;
	_ =	strace $0x8000004E  }
0xc2: {  	_ =	swait.ge [sflag:s29], $0x1  }
0xc3: {  	[sflag:s29] =	ssyncadd.s32 $0xFFFFFFFF  }
0xc4: {  	_ =	strace $0x9000004E  }
0xc5: {  	_ =	sfence  }
0xc6: {  	s30 =	sld [smem:$0x0];
	_ =	sdelay $0x2  }
0xc7: {  	s31 =	sshll.u32 s1, $0xD;
	s1 =	sshrl.u32 s1, $0x2  }
0xc8: {  	s4 =	sand.u32 $0x4000, s31;
	s1 =	sadd.s32 s1, s30  }
0xc9: {  	s0 =	sor.u32 s4, s0;
	s1 =	sshll.u32 s1, $0x11  }
0xca: {  	s0 =	sor.u32 s1, s0  }
0xcb: {  	s0 =	sadd.s32 $0x8F2B, s0  }
0xcc: {  	[sflag:s0] =	ssyncadd.remote.s32 $0x1  }
0xcd: {  	_ =	sfence.sel $0xFFFF  }
0xce: {  	[dreg:$0x0] =	wrdreg $0xFFFFFFFF;
	(pc) =	sbr.abs _section_cstart, $3  }
0xcf: {  	[dreg:$0x1] =	wrdreg $0xFFFFFFFF  }
0xd0: {  	_ =	task.clear_ibuf [dreg:s22], $0x2FFFF;
	_ =	strace $0x9FFFFFFF  }
0xd1: {  	(tm) =	ssettm $0x7FFFFFFF  }
tec
execute0_lowered:
.L_overlay_start_1:
0x0: {  	(tag) =	ssettag $0x1  }
0x1: {  	s1 =	srdreg.scid;
	s0 =	stileid.u32  }
0x2: {  	s9 =	rddreg [dreg:$0x0];
	s13 =	sand.u32 $0x1, s1;
	s4 =	sshll.u32 s0, $0x1  }
0x3: {  	s2 =	rddreg [dreg:$0x1];
	s3 =	simm.s32 $0x0;
	s10 =	sor.u32 s13, s4  }
0x4: {  	s5 =	simm.s32 $0x1;
	s1 =	rddreg [dreg:$0x2];
	s4 =	sshll.u32 s10, $0x5  }
0x5: {  	[smem:$0x7FF] =	sst s3;
	s6 =	sshll.u32 s0, $0xC;
	s4 =	sadd.s32 s4, s9  }
0x6: {  	s7 =	sshll.u32 s0, $0xF;
	_ =	strace $0x8000004D;
	s4 =	sadd.s32 $0x8C00, s4  }
0x7: {  	[tilespmem:s3], [sflag:$0x1] =	stream.linear.gather [hbm4b:s4+s3], $0x100, $0x38;
	[tilespmem:$0x10100] =	vst v63  }
0x8: {  	s30 =	sshll.u32 s0, $0x6;
	s14 =	sadd.s32 s6, s9;
	_ =	swait.ge [sflag:s5], $0x100  }
0x9: {  	s8 =	sadd.s32 s7, s2;
	s7 =	sor.u32 $0x1C01, s30;
	[sflag:s5] =	ssyncset.done $0x0  }
0xa: {  	s6 =	sadd.s32 $0x39000, s14;
	s8 =	sshrl.u32 s8, $0x3;
	[sflag:s5] =	ssyncadd.s32 $0xFFFFFF00  }
0xb: {  	[spmem:s8], [sflag:s7] =	dma.local [hbm:s6], $0x1000  }
0xc: {  	_ =	swait.ge [sflag:s5], $0x1000  }
0xd: {  	s10 =	sshll.u32 s10, $0xC;
	[sflag:s5] =	ssyncset.done $0x0  }
0xe: {  	s9 =	sadd.s32 s10, s9;
	[sflag:s5] =	ssyncadd.s32 $0xFFFFF000  }
0xf: {  	s10 =	simm.s32 $0x100;
	s9 =	sadd.s32 $0x19000, s9;
	[bflag:$0x0] =	sbarrier.arrive $0xFFFF  }
0x10: {  	[tilespmem:s10], [sflag:$0x1] =	stream.linear.gather [hbm4b:s9+s3], $0x8000, $0x38;
	[tilespmem:$0x10100] =	vst v63  }
0x11: {  	_ =	swait.ge [sflag:s5], $0x8000  }
0x12: {  	[sflag:s5] =	ssyncset.done $0x0  }
0x13: {  	s11 =	simm.s32 $0x80;
	[sflag:s5] =	ssyncadd.s32 $0xFFFF8000  }
0x14: {  	[spmem:s2] =	stream.indirect.scatter.add.f32 [tilespmem:s10], [sflag:$0x1], $0x80, s3, s11, $0xb8;
	[tilespmem:$0x10100] =	vst v63  }
0x15: {  	_ =	swait.ge [sflag:s5], $0x4000  }
0x16: {  	s12 =	simm.s32 $0x4100;
	s15 =	ssub.s32 $0x2, s13;
	[sflag:s5] =	ssyncset.done $0x0  }
0x17: {  	s13 =	sshll.u32 s13, $0x10;
	s31 =	sshrl.u32 s15, $0x1;
	[sflag:s5] =	ssyncadd.s32 $0xFFFFC000  }
0x18: {  	[spmem:s2] =	stream.indirect.scatter.add.f32 [tilespmem:s12], [sflag:$0x1], $0x80, s11, s11, $0xb8;
	[tilespmem:$0x10100] =	vst v63  }
0x19: {  	s13 =	sadd.s32 s13, s14;
	s14 =	ssub.s32 s15, s31;
	_ =	swait.ge [sflag:s5], $0x4000  }
0x1a: {  	s14 =	smax.u32 s14, $0x1;
	[sflag:s5] =	ssyncset.done $0x0  }
0x1b: {  	p0 =	sne.s32 s14, $0x1;
	[sflag:s5] =	ssyncadd.s32 $0xFFFFC000  }
.Ltmp0:
0x1c: {  	s13 =	sadd.s32 $0xC9000, s13;
	[bflag:$0x0] =	sbarrier.arrive $0xFFFF;
	(pc) =	sbr.rel @!p0 .LBB2_2-.Ltmp0, $4  }
0x1d: {  	[hbm:s13], [sflag:s7] =	dma.local [spmem:s8], $0x1000  }
0x1e: {  	_ =	swait.ge [sflag:s5], $0x1000  }
0x1f: {  	[sflag:s5] =	ssyncset.done $0x0  }
0x20: {  	s14 =	sadd.s32 $0xFFFFFFFF, s14;
	[sflag:s5] =	ssyncadd.s32 $0xFFFFF000  }
.LBB2_1:
0x21: {  	p0 =	sne.s32 s14, $0x1;
	s14 =	sadd.s32 $0xFFFFFFFF, s14;
	[bflag:$0x0] =	sbarrier.arrive $0xFFFF  }
0x22: {  	[tilespmem:s3], [sflag:$0x1] =	stream.linear.gather [hbm4b:s4+s3], $0x100, $0x38;
	[tilespmem:$0x10100] =	vst v63  }
0x23: {  	_ =	swait.ge [sflag:s5], $0x100  }
0x24: {  	[sflag:s5] =	ssyncset.done $0x0  }
0x25: {  	[sflag:s5] =	ssyncadd.s32 $0xFFFFFF00  }
0x26: {  	[spmem:s8], [sflag:s7] =	dma.local [hbm:s6], $0x1000  }
0x27: {  	_ =	swait.ge [sflag:s5], $0x1000  }
0x28: {  	[sflag:s5] =	ssyncset.done $0x0  }
0x29: {  	[sflag:s5] =	ssyncadd.s32 $0xFFFFF000  }
0x2a: {  	[bflag:$0x0] =	sbarrier.arrive $0xFFFF  }
0x2b: {  	[tilespmem:s10], [sflag:$0x1] =	stream.linear.gather [hbm4b:s9+s3], $0x8000, $0x38;
	[tilespmem:$0x10100] =	vst v63  }
0x2c: {  	_ =	swait.ge [sflag:s5], $0x8000  }
0x2d: {  	[sflag:s5] =	ssyncset.done $0x0  }
0x2e: {  	[sflag:s5] =	ssyncadd.s32 $0xFFFF8000  }
0x2f: {  	[spmem:s2] =	stream.indirect.scatter.add.f32 [tilespmem:s10], [sflag:$0x1], $0x80, s3, s11, $0xb8;
	[tilespmem:$0x10100] =	vst v63  }
0x30: {  	_ =	swait.ge [sflag:s5], $0x4000  }
0x31: {  	[sflag:s5] =	ssyncset.done $0x0  }
0x32: {  	[sflag:s5] =	ssyncadd.s32 $0xFFFFC000  }
0x33: {  	[spmem:s2] =	stream.indirect.scatter.add.f32 [tilespmem:s12], [sflag:$0x1], $0x80, s11, s11, $0xb8;
	[tilespmem:$0x10100] =	vst v63  }
0x34: {  	_ =	swait.ge [sflag:s5], $0x4000  }
0x35: {  	[sflag:s5] =	ssyncset.done $0x0  }
0x36: {  	[sflag:s5] =	ssyncadd.s32 $0xFFFFC000  }
.Ltmp1:
0x37: {  	[bflag:$0x0] =	sbarrier.arrive $0xFFFF;
	(pc) =	sbr.rel @p0 .LBB2_1-.Ltmp1, $4  }
0x38: {  	[hbm:s13], [sflag:s7] =	dma.local [spmem:s8], $0x1000  }
0x39: {  	_ =	swait.ge [sflag:s5], $0x1000  }
0x3a: {  	[sflag:s5] =	ssyncset.done $0x0  }
0x3b: {  	[sflag:s5] =	ssyncadd.s32 $0xFFFFF000  }
.LBB2_2:
0x3c: {  	[bflag:$0x0] =	sbarrier.arrive $0xFFFF  }
0x3d: {  	_ =	sfence.sel $0x180000  }
0x3e: {  	[bflag:$0x0] =	sbarrier.arrive $0xFFFF  }
0x3f: {  	p0 =	sne.s32 s0, $0x0;
	_ =	strace $0x9000004D  }
0x40: {  	s0 =	sadd.s32 @!p0 $0x100000, s1;
	[bflag:$0x2] =	sbarrier.arrive $0xFFFF  }
0x41: {  	[sflag:s0] =	ssyncadd.tile.s32 @!p0 $0x1;
	_ =	shalt  }
.Lfunc_end2:
_tile_overlayer_lowered:
.L_overlay_start_2:
0x42: {  	(tag) =	ssettag $0x2  }
0x43: {  	s0 =	rddreg [dreg:$0x0];
	s2 =	stileid.u32  }
0x44: {  	s1 =	rddreg [dreg:$0x1];
	p0 =	sne.s32 s2, $0x0  }
0x45: {  	s3 =	rddreg [dreg:$0x2];
	[bflag:$0x3] =	sbarrier.arrive $0xFFFF;
	s2 =	simm.s32 @!p0 $0x1C01  }
0x46: {  	[timem:s3], [sflag:s2] =	dma.local @!p0 [hbm:s0], s1  }
0x47: {  	s0 =	simm.s32 @!p0 $0x1  }
0x48: {  	_ =	swait.ge @!p0 [sflag:s0], s1  }
0x49: {  	s1 =	ssub.s32 @!p0 $0x0, s1;
	[sflag:s0] =	ssyncset.done @!p0 $0x0  }
0x4a: {  	[sflag:s0] =	ssyncadd.s32 @!p0 s1  }
0x4b: {  	[bflag:$0x3] =	sbarrier.arrive $0xFFFF  }
0x4c: {  	_ =	shalt  }

// kernel: kernel.31.cloned.1.call-start
scs
__scs_entry_jumppad:
0x0: {  	(pc) =	sbr.rel $0x88, $3  }
0x1: {  	(tag) =	ssettag $0x0;
	lr =	simm.s32 $0x1  }
0x2: {  	[smem:$0x3F88] =	sst lr;
	_ =	strace $0xD0000000  }
0x3: {  	_ = 	snop  }
0x4: {  	_ = 	snop  }
0x5: {  	_ = 	snop  }
0x6: {  	_ = 	snop  }
0x7: {  	_ = 	snop  }
__scs_overlays_trampoline_lowered:
0x8: {  	[smem:$0x3F97] =	sst s0  }
0x9: {  	[smem:$0x3F98] =	sst s1  }
0xa: {  	[smem:$0x3F99] =	sst s2  }
0xb: {  	[smem:$0x3F9A] =	sst s3  }
0xc: {  	[smem:$0x3F9B] =	sst s4  }
0xd: {  	[smem:$0x3F9C] =	sst s5  }
0xe: {  	[smem:$0x3F9D] =	sst s6  }
0xf: {  	[smem:$0x3F9E] =	sst s7  }
0x10: {  	[smem:$0x3F9F] =	sst s8  }
0x11: {  	[smem:$0x3FA0] =	sst s9;
	s0 =	simm.s32 @!p0 $0x0  }
0x12: {  	s1 =	sld [smem:$0x3F86];
	s0 =	simm.s32 @p0 $0x1  }
0x13: {  	[smem:$0x3FA1] =	sst s0;
	s0 =	simm.s32 @!p1 $0x0  }
0x14: {  	s2 =	sld [smem:$0x3F85];
	s0 =	simm.s32 @p1 $0x1  }
0x15: {  	[smem:$0x3FA2] =	sst s0;
	s0 =	simm.s32 @!p2 $0x0  }
0x16: {  	s3 =	sld [smem:$0x3FDB];
	s0 =	simm.s32 @p2 $0x1  }
0x17: {  	s4 =	simm.s32 $0x1BF5;
	[smem:$0x3FA4] =	sst s0  }
0x18: {  	s0 =	sld [smem:$0x3F87];
	_ =	swait.ge [sflag:s4], $0x0  }
0x19: {  	s7 =	sld [smem:$0x3F88]  }
0x1a: {  	s8 =	sadd.s32 $0xFFFFE003, lr  }
0x1b: {  	s9 =	sadd.s32 $0xFFFFFEF7, lr;
	s5 =	simm.s32 $0xFFFFFFFF;
	p2 =	slt.u32 s8, $0xFFFFF086  }
0x1c: {  	p1 =	slt.u32 s9, $0xF7A;
	s5 =	simm.s32 @!p2 $0x0  }
0x1d: {  	s5 =	simm.s32 @p1 $0x1;
	p0 =	seq.s32 s7, s2  }
0x1e: {  	s7 =	smul.u32 @!p0 $0xF7A, s2;
	p2 =	seq.s32 @!p0 s5, $0x0  }
0x1f: {  	s9 =	smul.u32 $0xF7A, s1;
	s8 =	simm.s32 @!p0 $0x1BF5;
	p2 =	por !p2, p0  }
0x20: {  	[sflag:s8] =	ssyncset.s32 @!p0 $0xFFFFF086;
	s6 =	sadd.s32 @!p0 s3, s7;
	s7 =	simm.s32 @!p0 $0x108  }
0x21: {  	s3 =	sadd.s32 s3, s9;
	s6 =	sadd.s32 @!p0 $0x88, s6;
	s7 =	simm.s32 @p2 $0x1082  }
0x22: {  	[simem:s7], [sflag:s8] =	dma.local @!p0 [hbm:s6], $0xF7A  }
0x23: {  	s9 =	sor.u32 $0xD0000000, s2;
	s6 =	simm.s32 $0x108;
	_ =	swait.ge @!p0 [sflag:s8], $0x0  }
0x24: {  	s3 =	sadd.s32 $0x88, s3;
	s6 =	simm.s32 @!p1 $0x1082;
	[sflag:s4] =	ssyncset.s32 $0xFFFFF086  }
0x25: {  	[simem:s6], [sflag:s4] =	dma.local [hbm:s3], $0xF7A  }
0x26: {  	[smem:$0x3F88] =	sst s1;
	(tag) =	ssettag s2;
	_ =	strace s9  }
0x27: {  	s1 =	sld [smem:$0x3F98]  }
0x28: {  	s2 =	sld [smem:$0x3F99]  }
0x29: {  	s4 =	sld [smem:$0x3F9B]  }
0x2a: {  	p0 =	seq.s32 s5, $0x0;
	s5 =	sld [smem:$0x3F9C]  }
0x2b: {  	s6 =	sld [smem:$0x3F9D]  }
0x2c: {  	s7 =	sld [smem:$0x3F9E]  }
0x2d: {  	s3 =	simm.s32 $0x108;
	s8 =	sld [smem:$0x3F9F]  }
0x2e: {  	s3 =	simm.s32 @!p0 $0x1082;
	s9 =	sld [smem:$0x3FA0]  }
0x2f: {  	lr =	sadd.s32 s0, s3;
	s0 =	sld [smem:$0x3F97]  }
0x30: {  	s3 =	sld [smem:$0x3F9A]  }
0x31: {  	[smem:$0x3FA3] =	sst s10  }
0x32: {  	s10 =	sld [smem:$0x3FA1];
	_ =	sdelay $0x3  }
0x33: {  	p0 =	seq.s32 s10, $0x1;
	s10 =	sld [smem:$0x3FA3];
	_ =	sdelay $0x3  }
0x34: {  	[smem:$0x3FA3] =	sst s10  }
0x35: {  	s10 =	sld [smem:$0x3FA2];
	_ =	sdelay $0x3  }
0x36: {  	p1 =	seq.s32 s10, $0x1;
	s10 =	sld [smem:$0x3FA3];
	_ =	sdelay $0x3  }
0x37: {  	[smem:$0x3FA3] =	sst s10  }
0x38: {  	s10 =	sld [smem:$0x3FA4]  }
0x39: {  	_ = 	snop;
	(pc) =	sbr.ind lr, $3  }
0x3a: {  	_ = 	snop  }
0x3b: {  	_ = 	snop  }
0x3c: {  	p2 =	seq.s32 s10, $0x1;
	s10 =	sld [smem:$0x3FA3]  }
0x3d: {  	_ =	shalt  }
0x3e: {  	_ =	shalt  }
0x3f: {  	_ =	shalt  }
0x40: {  	_ =	shalt  }
0x41: {  	_ =	shalt  }
0x42: {  	_ =	shalt  }
0x43: {  	_ =	shalt  }
0x44: {  	_ =	shalt  }
0x45: {  	_ =	shalt  }
0x46: {  	_ =	shalt  }
0x47: {  	_ =	shalt  }
0x48: {  	_ =	shalt  }
0x49: {  	_ =	shalt  }
0x4a: {  	_ =	shalt  }
0x4b: {  	_ =	shalt  }
0x4c: {  	_ =	shalt  }
0x4d: {  	_ =	shalt  }
0x4e: {  	_ =	shalt  }
0x4f: {  	_ =	shalt  }
0x50: {  	_ =	shalt  }
0x51: {  	_ =	shalt  }
0x52: {  	_ =	shalt  }
0x53: {  	_ =	shalt  }
0x54: {  	_ =	shalt  }
0x55: {  	_ =	shalt  }
0x56: {  	_ =	shalt  }
0x57: {  	_ =	shalt  }
0x58: {  	_ =	shalt  }
0x59: {  	_ =	shalt  }
0x5a: {  	_ =	shalt  }
0x5b: {  	_ =	shalt  }
0x5c: {  	_ =	shalt  }
0x5d: {  	_ =	shalt  }
0x5e: {  	_ =	shalt  }
0x5f: {  	_ =	shalt  }
0x60: {  	_ =	shalt  }
0x61: {  	_ =	shalt  }
0x62: {  	_ =	shalt  }
0x63: {  	_ =	shalt  }
0x64: {  	_ =	shalt  }
0x65: {  	_ =	shalt  }
0x66: {  	_ =	shalt  }
0x67: {  	_ =	shalt  }
0x68: {  	_ =	shalt  }
0x69: {  	_ =	shalt  }
0x6a: {  	_ =	shalt  }
0x6b: {  	_ =	shalt  }
0x6c: {  	_ =	shalt  }
0x6d: {  	_ =	shalt  }
0x6e: {  	_ =	shalt  }
0x6f: {  	_ =	shalt  }
0x70: {  	_ =	shalt  }
0x71: {  	_ =	shalt  }
0x72: {  	_ =	shalt  }
0x73: {  	_ =	shalt  }
0x74: {  	_ =	shalt  }
0x75: {  	_ =	shalt  }
0x76: {  	_ =	shalt  }
0x77: {  	_ =	shalt  }
0x78: {  	_ =	shalt  }
0x79: {  	_ =	shalt  }
0x7a: {  	_ =	shalt  }
0x7b: {  	_ =	shalt  }
0x7c: {  	_ =	shalt  }
0x7d: {  	_ =	shalt  }
0x7e: {  	_ =	shalt  }
0x7f: {  	_ =	shalt  }
0x80: {  	_ =	shalt  }
0x81: {  	_ =	shalt  }
0x82: {  	_ =	shalt  }
0x83: {  	_ =	shalt  }
0x84: {  	_ =	shalt  }
0x85: {  	_ =	shalt  }
0x86: {  	_ =	shalt  }
0x87: {  	_ =	shalt  }
.Lfunc_end0:
.L_simem_size_0:
called_computation.4_lowered:
.L_overlay_start_0:
0x88: {  	s2 =	sld [smem:$0x3FD9]  }
0x89: {  	s3 =	sld [smem:$0x3FFE];
	_ =	sdelay $0x1  }
0x8a: {  	s1 =	srdreg.scid  }
0x8b: {  	s0 =	sand.u32 $0x1, s1  }
0x8c: {  	s16 =	sshll.u32 s0, $0xA;
	s2 =	sadd.s32 s3, s2  }
0x8d: {  	s2 =	sadd.s32 s2, s16  }
0x8e: {  	[smem:$0x3FAF] =	sst s2  }
0x8f: {  	_ = 	snop  }
0x90: {  	(tm) =	ssettm $0x1  }
0x91: {  	s17 =	sld [smem:$0x3FFB];
	_ =	sdelay $0x3  }
0x92: {  	_ =	strace s17  }
0x93: {  	s2 =	sld [smem:$0x3FFC];
	_ =	sdelay $0x3  }
0x94: {  	_ =	strace s2  }
0x95: {  	s2 =	sld [smem:$0x3FFD];
	_ =	sdelay $0x3  }
0x96: {  	_ =	strace s2  }
0x97: {  	_ =	strace $0x8FFFFFFF  }
0x98: {  	s18 =	sld [smem:$0x3FDB];
	_ =	sdelay $0x1  }
0x99: {  	s19 =	simm.s32 $_scs_section_size  }
0x9a: {  	s4 =	simm.s32 $_size__tile_overlayer_lowered;
	s5 =	simm.s32 $_tile_overlayer_lowered  }
0x9b: {  	s22 =	simm.s32 $0x1BFF;
	s21 =	sshll.u32 s5, $0x1;
	s2 =	sadd.s32 s19, s18  }
0x9c: {  	s6 =	simm.s32 $0x0;
	s20 =	sshll.u32 s4, $0x1;
	s4 =	sadd.s32 s21, s2  }
0x9d: {  	[timem:s6], [sflag:s22] =	dma.local [hbm:s4], s20  }
0x9e: {  	_ =	swait.ge [sflag:s22], s20  }
0x9f: {  	s3 =	ssub.s32 $0x0, s20;
	[sflag:s22] =	ssyncset.done $0x0  }
0xa0: {  	[sflag:s22] =	ssyncadd.s32 s3;
	_ =	sdelay $0x1  }
0xa1: {  	s23 =	simm.s32 $0x1B8B  }
0xa2: {  	_ =	swait.ge [sflag:s23], $0x1  }
0xa3: {  	[sflag:s23] =	ssyncset.done $0x0  }
0xa4: {  	s25 =	simm.s32 $0x1B8E;
	s24 =	sld [smem:$0x3FFE];
	[sflag:s23] =	ssyncadd.s32 $0xFFFFFFFF  }
0xa5: {  	s26 =	simm.s32 $execute0_lowered;
	[smem:$0x3FD2] =	sst s25  }
0xa6: {  	s4 =	sshll.u32 s26, $0x1;
	_ =	strace $0x8000004F;
	[dreg:$0x1] =	wrdreg $0xFFFFFFFF  }
0xa7: {  	s28 =	simm.s32 $_size_execute0_lowered;
	s2 =	sadd.s32 s2, s4;
	[dreg:$0x0] =	wrdreg $0x0  }
0xa8: {  	s4 =	sshll.u32 s28, $0x1;
	[dreg:$0x2] =	wrdreg s2  }
0xa9: {  	[dreg:$0x3] =	wrdreg s4  }
0xaa: {  	[dreg:$0x4] =	wrdreg $0xC0  }
0xab: {  	_ =	task [dreg:s6], $0x5FFFF  }
0xac: {  	[dreg:$0x1] =	wrdreg $0xFFFFFFFF  }
0xad: {  	[dreg:$0x0] =	wrdreg $0x60  }
0xae: {  	[dreg:$0x2] =	wrdreg s24  }
0xaf: {  	[dreg:$0x3] =	wrdreg $0x9  }
0xb0: {  	_ =	task.clear_ibuf [dreg:s6], $0x4FFFF;
	_ =	strace $0x9000004F  }
0xb1: {  	s29 =	simm.s32 $0x9;
	_ =	strace $0x80000051  }
0xb2: {  	_ =	swait.ge [sflag:s29], $0x1  }
0xb3: {  	[sflag:s29] =	ssyncadd.s32 $0xFFFFFFFF  }
0xb4: {  	_ =	strace $0x90000051  }
0xb5: {  	_ =	sfence  }
0xb6: {  	s30 =	sld [smem:$0x0];
	_ =	sdelay $0x2  }
0xb7: {  	s31 =	sshll.u32 s1, $0xD;
	s1 =	sshrl.u32 s1, $0x2  }
0xb8: {  	s3 =	sand.u32 $0x4000, s31;
	s1 =	sadd.s32 s1, s30  }
0xb9: {  	s0 =	sor.u32 s3, s0;
	s1 =	sshll.u32 s1, $0x11  }
0xba: {  	s0 =	sor.u32 s1, s0  }
0xbb: {  	s0 =	sadd.s32 $0x8F2B, s0  }
0xbc: {  	[sflag:s0] =	ssyncadd.remote.s32 $0x1  }
0xbd: {  	_ =	sfence.sel $0xFFFF  }
0xbe: {  	[dreg:$0x0] =	wrdreg $0xFFFFFFFF;
	(pc) =	sbr.abs _section_cstart, $3  }
0xbf: {  	[dreg:$0x1] =	wrdreg $0xFFFFFFFF  }
0xc0: {  	_ =	task.clear_ibuf [dreg:s6], $0x2FFFF;
	_ =	strace $0x9FFFFFFF  }
0xc1: {  	(tm) =	ssettm $0x7FFFFFFF  }
tec
execute0_lowered:
.L_overlay_start_1:
0x0: {  	(tag) =	ssettag $0x1  }
0x1: {  	s1 =	srdreg.scid;
	s0 =	stileid.u32  }
0x2: {  	s3 =	rddreg [dreg:$0x0];
	s19 =	simm.s32 $0x900;
	s20 =	simm.s32 $0x1100  }
0x3: {  	s21 =	simm.s32 $0x1900;
	s23 =	simm.s32 $0x2100;
	s24 =	simm.s32 $0x2900  }
0x4: {  	s25 =	simm.s32 $0x3100;
	s26 =	simm.s32 $0x3900;
	s6 =	simm.s32 $0x100  }
0x5: {  	s8 =	simm.s32 $0x4900;
	s9 =	simm.s32 $0x5100;
	s10 =	simm.s32 $0x5900  }
0x6: {  	s11 =	simm.s32 $0x6100;
	s12 =	simm.s32 $0x6900;
	s13 =	simm.s32 $0x7100  }
0x7: {  	s14 =	simm.s32 $0x7900;
	s1 =	sand.u32 $0x1, s1;
	s2 =	sshll.u32 s0, $0x1  }
0x8: {  	s15 =	simm.s32 $0x1;
	s4 =	sor.u32 s1, s2;
	s2 =	simm.s32 $0x0  }
0x9: {  	s16 =	simm.s32 $0x8100;
	s17 =	simm.s32 $0x8900;
	[smem:$0x7FF] =	sst s2  }
0xa: {  	s18 =	simm.s32 $0x9100;
	_ =	strace $0x80000050;
	[dreg:$0x4] =	wrdreg s19  }
0xb: {  	s28 =	simm.s32 $0xD900;
	s29 =	simm.s32 $0xE100;
	[dreg:$0x5] =	wrdreg s20  }
0xc: {  	s30 =	simm.s32 $0xE900;
	s31 =	simm.s32 $0xF100;
	[dreg:$0x6] =	wrdreg s21  }
0xd: {  	s1 =	ssub.s32 $0x2, s1;
	s5 =	sshll.u32 s4, $0x5;
	[dreg:$0x7] =	wrdreg s23  }
0xe: {  	s4 =	sshll.u32 s4, $0xD;
	s22 =	sshrl.u32 s1, $0x1;
	[dreg:$0x8] =	wrdreg s24  }
0xf: {  	s5 =	sadd.s32 s5, s3;
	s4 =	sadd.s32 s4, s3;
	[dreg:$0x9] =	wrdreg s25  }
0x10: {  	s3 =	sadd.s32 $0x49000, s3;
	s1 =	ssub.s32 s1, s22;
	[dreg:$0xa] =	wrdreg s26  }
0x11: {  	s19 =	simm.s32 $0x9900;
	s20 =	simm.s32 $0xA100;
	s21 =	simm.s32 $0xA900  }
0x12: {  	s22 =	simm.s32 $0xB100;
	s23 =	simm.s32 $0xB900;
	s5 =	sadd.s32 $0x8800, s5  }
0x13: {  	v2 =	vlaneseq.u32;
	s24 =	simm.s32 $0xC100;
	s4 =	sadd.s32 $0xC9000, s4;
	[dreg:$0x2] =	wrdreg s5  }
0x14: {  	vm0 =	vmmov $0xffff;
	v1 =	vshrl.u32 v2, $0x3;
	s25 =	simm.s32 $0xC900;
	s26 =	simm.s32 $0xD100;
	[dreg:$0x3] =	wrdreg s4  }
0x15: {  	v0 =	vand.u32 $0x7, v2;
	v2 =	vor.u32 $0x8, v2;
	v1 =	vmul.u32 $0x8, v1;
	s4 =	smax.u32 s1, $0x1;
	s5 =	simm.s32 $0x2;
	s1 =	simm.s32 $0xF900  }
.LBB2_1:
0x16: {  	s0 =	rddreg [dreg:$0x2]  }
0x17: {  	[tilespmem:s2], [sflag:$0x2] =	stream.linear.gather [hbm4b:s0+s2], $0x100, $0x38;
	[tilespmem:$0x10100] =	vst v63  }
0x18: {  	_ =	swait.ge [sflag:s5], $0x100  }
0x19: {  	[sflag:s5] =	ssyncset.done $0x0  }
0x1a: {  	[sflag:s5] =	ssyncadd.s32 $0xFFFFFF00  }
0x1b: {  	v3 =	vld [tilespmem:$0x0];
	_ =	sdelay $0x4  }
0x1c: {  	v4 =	vshll.u32 v3, $0x1  }
0x1d: {  	v3 =	vand.u32 $0x7, v3;
	v4 =	vand.u32 $0xFFFFFFF0, v4  }
0x1e: {  	v3 =	vor.u32 v3, v4  }
0x1f: {  	v4 =	vperm.xlane v3, v0;
	_ =	sdelay $0x1  }
0x20: {  	v3 =	vperm.xlane v3, v2;
	v4 =	vadd.s32 v1, v4;
	_ =	sdelay $0x1  }
0x21: {  	v3 =	vadd.s32 v1, v3;
	_ =	sdelay $0x2  }
0x22: {  	[tilespmem:s6], [sflag:$0x1] =	stream.indirect_vreg.gather [hbm4b:s3+s2], $0x80, v4, vm0, $0xb8;
	[tilespmem:$0x10100] =	vst v63  }
0x23: {  	s7 =	rddreg [dreg:$0x4]  }
0x24: {  	[tilespmem:s7], [sflag:$0x1] =	stream.indirect_vreg.gather [hbm4b:s3+s2], $0x80, v3, vm0, $0xb8;
	[tilespmem:$0x10100] =	vst v63  }
0x25: {  	v3 =	vld [tilespmem:$0x10];
	_ =	sdelay $0x4  }
0x26: {  	v49 =	vshll.u32 v3, $0x1  }
0x27: {  	v3 =	vand.u32 $0x7, v3;
	v4 =	vand.u32 $0xFFFFFFF0, v49  }
0x28: {  	v3 =	vor.u32 v3, v4  }
0x29: {  	v4 =	vperm.xlane v3, v0;
	_ =	sdelay $0x1  }
0x2a: {  	v3 =	vperm.xlane v3, v2;
	v4 =	vadd.s32 v1, v4;
	_ =	sdelay $0x1  }
0x2b: {  	v3 =	vadd.s32 v1, v3;
	_ =	sdelay $0x1  }
0x2c: {  	s0 =	rddreg [dreg:$0x5]  }
0x2d: {  	[tilespmem:s0], [sflag:$0x1] =	stream.indirect_vreg.gather [hbm4b:s3+s2], $0x80, v4, vm0, $0xb8;
	[tilespmem:$0x10100] =	vst v63  }
0x2e: {  	s7 =	rddreg [dreg:$0x6]  }
0x2f: {  	[tilespmem:s7], [sflag:$0x1] =	stream.indirect_vreg.gather [hbm4b:s3+s2], $0x80, v3, vm0, $0xb8;
	[tilespmem:$0x10100] =	vst v63  }
0x30: {  	v3 =	vld [tilespmem:$0x20];
	_ =	sdelay $0x4  }
0x31: {  	v50 =	vshll.u32 v3, $0x1  }
0x32: {  	v3 =	vand.u32 $0x7, v3;
	v4 =	vand.u32 $0xFFFFFFF0, v50  }
0x33: {  	v3 =	vor.u32 v3, v4  }
0x34: {  	v4 =	vperm.xlane v3, v0;
	_ =	sdelay $0x1  }
0x35: {  	v3 =	vperm.xlane v3, v2;
	v4 =	vadd.s32 v1, v4;
	_ =	sdelay $0x1  }
0x36: {  	v3 =	vadd.s32 v1, v3;
	_ =	sdelay $0x1  }
0x37: {  	s0 =	rddreg [dreg:$0x7]  }
0x38: {  	[tilespmem:s0], [sflag:$0x1] =	stream.indirect_vreg.gather [hbm4b:s3+s2], $0x80, v4, vm0, $0xb8;
	[tilespmem:$0x10100] =	vst v63  }
0x39: {  	s7 =	rddreg [dreg:$0x8]  }
0x3a: {  	[tilespmem:s7], [sflag:$0x1] =	stream.indirect_vreg.gather [hbm4b:s3+s2], $0x80, v3, vm0, $0xb8;
	[tilespmem:$0x10100] =	vst v63  }
0x3b: {  	v3 =	vld [tilespmem:$0x30];
	_ =	sdelay $0x4  }
0x3c: {  	v51 =	vshll.u32 v3, $0x1  }
0x3d: {  	v3 =	vand.u32 $0x7, v3;
	v4 =	vand.u32 $0xFFFFFFF0, v51  }
0x3e: {  	v3 =	vor.u32 v3, v4  }
0x3f: {  	v4 =	vperm.xlane v3, v0;
	_ =	sdelay $0x1  }
0x40: {  	v3 =	vperm.xlane v3, v2;
	v4 =	vadd.s32 v1, v4;
	_ =	sdelay $0x1  }
0x41: {  	v3 =	vadd.s32 v1, v3;
	_ =	sdelay $0x1  }
0x42: {  	s0 =	rddreg [dreg:$0x9]  }
0x43: {  	[tilespmem:s0], [sflag:$0x1] =	stream.indirect_vreg.gather [hbm4b:s3+s2], $0x80, v4, vm0, $0xb8;
	[tilespmem:$0x10100] =	vst v63  }
0x44: {  	s7 =	rddreg [dreg:$0xa]  }
0x45: {  	[tilespmem:s7], [sflag:$0x1] =	stream.indirect_vreg.gather [hbm4b:s3+s2], $0x80, v3, vm0, $0xb8;
	[tilespmem:$0x10100] =	vst v63  }
0x46: {  	v3 =	vld [tilespmem:$0x40];
	_ =	sdelay $0x4  }
0x47: {  	v52 =	vshll.u32 v3, $0x1  }
0x48: {  	v3 =	vand.u32 $0x7, v3;
	v4 =	vand.u32 $0xFFFFFFF0, v52  }
0x49: {  	v3 =	vor.u32 v3, v4  }
0x4a: {  	v4 =	vperm.xlane v3, v0;
	_ =	sdelay $0x1  }
0x4b: {  	v3 =	vperm.xlane v3, v2;
	v4 =	vadd.s32 v1, v4;
	_ =	sdelay $0x1  }
0x4c: {  	v3 =	vadd.s32 v1, v3;
	_ =	sdelay $0x1  }
0x4d: {  	s7 =	simm.s32 $0x4100  }
0x4e: {  	[tilespmem:s7], [sflag:$0x1] =	stream.indirect_vreg.gather [hbm4b:s3+s2], $0x80, v4, vm0, $0xb8;
	[tilespmem:$0x10100] =	vst v63  }
0x4f: {  	_ = 	snop  }
0x50: {  	[tilespmem:s8], [sflag:$0x1] =	stream.indirect_vreg.gather [hbm4b:s3+s2], $0x80, v3, vm0, $0xb8;
	[tilespmem:$0x10100] =	vst v63  }
0x51: {  	v3 =	vld [tilespmem:$0x50];
	_ =	sdelay $0x4  }
0x52: {  	v53 =	vshll.u32 v3, $0x1  }
0x53: {  	v3 =	vand.u32 $0x7, v3;
	v4 =	vand.u32 $0xFFFFFFF0, v53  }
0x54: {  	v3 =	vor.u32 v3, v4  }
0x55: {  	v4 =	vperm.xlane v3, v0;
	_ =	sdelay $0x1  }
0x56: {  	v3 =	vperm.xlane v3, v2;
	v4 =	vadd.s32 v1, v4;
	_ =	sdelay $0x1  }
0x57: {  	v3 =	vadd.s32 v1, v3;
	_ =	sdelay $0x2  }
0x58: {  	[tilespmem:s9], [sflag:$0x1] =	stream.indirect_vreg.gather [hbm4b:s3+s2], $0x80, v4, vm0, $0xb8;
	[tilespmem:$0x10100] =	vst v63  }
0x59: {  	_ = 	snop  }
0x5a: {  	[tilespmem:s10], [sflag:$0x1] =	stream.indirect_vreg.gather [hbm4b:s3+s2], $0x80, v3, vm0, $0xb8;
	[tilespmem:$0x10100] =	vst v63  }
0x5b: {  	v3 =	vld [tilespmem:$0x60];
	_ =	sdelay $0x4  }
0x5c: {  	v54 =	vshll.u32 v3, $0x1  }
0x5d: {  	v3 =	vand.u32 $0x7, v3;
	v4 =	vand.u32 $0xFFFFFFF0, v54  }
0x5e: {  	v3 =	vor.u32 v3, v4  }
0x5f: {  	v4 =	vperm.xlane v3, v0;
	_ =	sdelay $0x1  }
0x60: {  	v3 =	vperm.xlane v3, v2;
	v4 =	vadd.s32 v1, v4;
	_ =	sdelay $0x1  }
0x61: {  	v3 =	vadd.s32 v1, v3;
	_ =	sdelay $0x2  }
0x62: {  	[tilespmem:s11], [sflag:$0x1] =	stream.indirect_vreg.gather [hbm4b:s3+s2], $0x80, v4, vm0, $0xb8;
	[tilespmem:$0x10100] =	vst v63  }
0x63: {  	_ = 	snop  }
0x64: {  	[tilespmem:s12], [sflag:$0x1] =	stream.indirect_vreg.gather [hbm4b:s3+s2], $0x80, v3, vm0, $0xb8;
	[tilespmem:$0x10100] =	vst v63  }
0x65: {  	v3 =	vld [tilespmem:$0x70];
	_ =	sdelay $0x4  }
0x66: {  	v55 =	vshll.u32 v3, $0x1  }
0x67: {  	v3 =	vand.u32 $0x7, v3;
	v4 =	vand.u32 $0xFFFFFFF0, v55  }
0x68: {  	v3 =	vor.u32 v3, v4  }
0x69: {  	v4 =	vperm.xlane v3, v0;
	_ =	sdelay $0x1  }
0x6a: {  	v3 =	vperm.xlane v3, v2;
	v4 =	vadd.s32 v1, v4;
	_ =	sdelay $0x1  }
0x6b: {  	v3 =	vadd.s32 v1, v3;
	_ =	sdelay $0x2  }
0x6c: {  	[tilespmem:s13], [sflag:$0x1] =	stream.indirect_vreg.gather [hbm4b:s3+s2], $0x80, v4, vm0, $0xb8;
	[tilespmem:$0x10100] =	vst v63  }
0x6d: {  	_ = 	snop  }
0x6e: {  	[tilespmem:s14], [sflag:$0x1] =	stream.indirect_vreg.gather [hbm4b:s3+s2], $0x80, v3, vm0, $0xb8;
	[tilespmem:$0x10100] =	vst v63  }
0x6f: {  	_ =	swait.ge [sflag:s15], $0x8000  }
0x70: {  	[sflag:s15] =	ssyncset.done $0x0  }
0x71: {  	[sflag:s15] =	ssyncadd.s32 $0xFFFF8000  }
0x72: {  	v3 =	vld [tilespmem:$0x80];
	_ =	sdelay $0x4  }
0x73: {  	v56 =	vshll.u32 v3, $0x1  }
0x74: {  	v3 =	vand.u32 $0x7, v3;
	v4 =	vand.u32 $0xFFFFFFF0, v56  }
0x75: {  	v3 =	vor.u32 v3, v4  }
0x76: {  	v4 =	vperm.xlane v3, v0;
	_ =	sdelay $0x1  }
0x77: {  	v3 =	vperm.xlane v3, v2;
	v4 =	vadd.s32 v1, v4;
	_ =	sdelay $0x1  }
0x78: {  	v3 =	vadd.s32 v1, v3;
	_ =	sdelay $0x2  }
0x79: {  	[tilespmem:s16], [sflag:$0x1] =	stream.indirect_vreg.gather [hbm4b:s3+s2], $0x80, v4, vm0, $0xb8;
	[tilespmem:$0x10100] =	vst v63  }
0x7a: {  	_ = 	snop  }
0x7b: {  	[tilespmem:s17], [sflag:$0x1] =	stream.indirect_vreg.gather [hbm4b:s3+s2], $0x80, v3, vm0, $0xb8;
	[tilespmem:$0x10100] =	vst v63  }
0x7c: {  	v3 =	vld [tilespmem:$0x90];
	_ =	sdelay $0x4  }
0x7d: {  	v57 =	vshll.u32 v3, $0x1  }
0x7e: {  	v3 =	vand.u32 $0x7, v3;
	v4 =	vand.u32 $0xFFFFFFF0, v57  }
0x7f: {  	v3 =	vor.u32 v3, v4  }
0x80: {  	v4 =	vperm.xlane v3, v0;
	_ =	sdelay $0x1  }
0x81: {  	v3 =	vperm.xlane v3, v2;
	v4 =	vadd.s32 v1, v4;
	_ =	sdelay $0x1  }
0x82: {  	v3 =	vadd.s32 v1, v3;
	_ =	sdelay $0x2  }
0x83: {  	[tilespmem:s18], [sflag:$0x1] =	stream.indirect_vreg.gather [hbm4b:s3+s2], $0x80, v4, vm0, $0xb8;
	[tilespmem:$0x10100] =	vst v63  }
0x84: {  	_ = 	snop  }
0x85: {  	[tilespmem:s19], [sflag:$0x1] =	stream.indirect_vreg.gather [hbm4b:s3+s2], $0x80, v3, vm0, $0xb8;
	[tilespmem:$0x10100] =	vst v63  }
0x86: {  	v3 =	vld [tilespmem:$0xA0];
	_ =	sdelay $0x4  }
0x87: {  	v58 =	vshll.u32 v3, $0x1  }
0x88: {  	v3 =	vand.u32 $0x7, v3;
	v4 =	vand.u32 $0xFFFFFFF0, v58  }
0x89: {  	v3 =	vor.u32 v3, v4  }
0x8a: {  	v4 =	vperm.xlane v3, v0;
	_ =	sdelay $0x1  }
0x8b: {  	v3 =	vperm.xlane v3, v2;
	v4 =	vadd.s32 v1, v4;
	_ =	sdelay $0x1  }
0x8c: {  	v3 =	vadd.s32 v1, v3;
	_ =	sdelay $0x2  }
0x8d: {  	[tilespmem:s20], [sflag:$0x1] =	stream.indirect_vreg.gather [hbm4b:s3+s2], $0x80, v4, vm0, $0xb8;
	[tilespmem:$0x10100] =	vst v63  }
0x8e: {  	_ = 	snop  }
0x8f: {  	[tilespmem:s21], [sflag:$0x1] =	stream.indirect_vreg.gather [hbm4b:s3+s2], $0x80, v3, vm0, $0xb8;
	[tilespmem:$0x10100] =	vst v63  }
0x90: {  	v3 =	vld [tilespmem:$0xB0];
	_ =	sdelay $0x4  }
0x91: {  	v59 =	vshll.u32 v3, $0x1  }
0x92: {  	v3 =	vand.u32 $0x7, v3;
	v4 =	vand.u32 $0xFFFFFFF0, v59  }
0x93: {  	v3 =	vor.u32 v3, v4  }
0x94: {  	v4 =	vperm.xlane v3, v0;
	_ =	sdelay $0x1  }
0x95: {  	v3 =	vperm.xlane v3, v2;
	v4 =	vadd.s32 v1, v4;
	_ =	sdelay $0x1  }
0x96: {  	v3 =	vadd.s32 v1, v3;
	_ =	sdelay $0x2  }
0x97: {  	[tilespmem:s22], [sflag:$0x1] =	stream.indirect_vreg.gather [hbm4b:s3+s2], $0x80, v4, vm0, $0xb8;
	[tilespmem:$0x10100] =	vst v63  }
0x98: {  	_ = 	snop  }
0x99: {  	[tilespmem:s23], [sflag:$0x1] =	stream.indirect_vreg.gather [hbm4b:s3+s2], $0x80, v3, vm0, $0xb8;
	[tilespmem:$0x10100] =	vst v63  }
0x9a: {  	v3 =	vld [tilespmem:$0xC0];
	_ =	sdelay $0x4  }
0x9b: {  	v60 =	vshll.u32 v3, $0x1  }
0x9c: {  	v3 =	vand.u32 $0x7, v3;
	v4 =	vand.u32 $0xFFFFFFF0, v60  }
0x9d: {  	v3 =	vor.u32 v3, v4  }
0x9e: {  	v4 =	vperm.xlane v3, v0;
	_ =	sdelay $0x1  }
0x9f: {  	v3 =	vperm.xlane v3, v2;
	v4 =	vadd.s32 v1, v4;
	_ =	sdelay $0x1  }
0xa0: {  	v3 =	vadd.s32 v1, v3;
	_ =	sdelay $0x2  }
0xa1: {  	[tilespmem:s24], [sflag:$0x1] =	stream.indirect_vreg.gather [hbm4b:s3+s2], $0x80, v4, vm0, $0xb8;
	[tilespmem:$0x10100] =	vst v63  }
0xa2: {  	_ = 	snop  }
0xa3: {  	[tilespmem:s25], [sflag:$0x1] =	stream.indirect_vreg.gather [hbm4b:s3+s2], $0x80, v3, vm0, $0xb8;
	[tilespmem:$0x10100] =	vst v63  }
0xa4: {  	v3 =	vld [tilespmem:$0xD0];
	_ =	sdelay $0x4  }
0xa5: {  	v61 =	vshll.u32 v3, $0x1  }
0xa6: {  	v3 =	vand.u32 $0x7, v3;
	v4 =	vand.u32 $0xFFFFFFF0, v61  }
0xa7: {  	v3 =	vor.u32 v3, v4  }
0xa8: {  	v4 =	vperm.xlane v3, v0;
	_ =	sdelay $0x1  }
0xa9: {  	v3 =	vperm.xlane v3, v2;
	v4 =	vadd.s32 v1, v4;
	_ =	sdelay $0x1  }
0xaa: {  	v3 =	vadd.s32 v1, v3;
	_ =	sdelay $0x2  }
0xab: {  	[tilespmem:s26], [sflag:$0x1] =	stream.indirect_vreg.gather [hbm4b:s3+s2], $0x80, v4, vm0, $0xb8;
	[tilespmem:$0x10100] =	vst v63  }
0xac: {  	_ = 	snop  }
0xad: {  	[tilespmem:s28], [sflag:$0x1] =	stream.indirect_vreg.gather [hbm4b:s3+s2], $0x80, v3, vm0, $0xb8;
	[tilespmem:$0x10100] =	vst v63  }
0xae: {  	v3 =	vld [tilespmem:$0xE0];
	_ =	sdelay $0x4  }
0xaf: {  	v62 =	vshll.u32 v3, $0x1  }
0xb0: {  	v3 =	vand.u32 $0x7, v3;
	v4 =	vand.u32 $0xFFFFFFF0, v62  }
0xb1: {  	v3 =	vor.u32 v3, v4  }
0xb2: {  	v4 =	vperm.xlane v3, v0;
	_ =	sdelay $0x1  }
0xb3: {  	v3 =	vperm.xlane v3, v2;
	v4 =	vadd.s32 v1, v4;
	_ =	sdelay $0x1  }
0xb4: {  	v3 =	vadd.s32 v1, v3;
	_ =	sdelay $0x2  }
0xb5: {  	[tilespmem:s29], [sflag:$0x1] =	stream.indirect_vreg.gather [hbm4b:s3+s2], $0x80, v4, vm0, $0xb8;
	[tilespmem:$0x10100] =	vst v63  }
0xb6: {  	_ = 	snop  }
0xb7: {  	[tilespmem:s30], [sflag:$0x1] =	stream.indirect_vreg.gather [hbm4b:s3+s2], $0x80, v3, vm0, $0xb8;
	[tilespmem:$0x10100] =	vst v63  }
0xb8: {  	v3 =	vld [tilespmem:$0xF0];
	_ =	sdelay $0x4  }
0xb9: {  	v63 =	vshll.u32 v3, $0x1  }
0xba: {  	v3 =	vand.u32 $0x7, v3;
	v4 =	vand.u32 $0xFFFFFFF0, v63  }
0xbb: {  	v3 =	vor.u32 v3, v4  }
0xbc: {  	v4 =	vperm.xlane v3, v0;
	_ =	sdelay $0x1  }
0xbd: {  	v3 =	vperm.xlane v3, v2;
	v4 =	vadd.s32 v1, v4;
	_ =	sdelay $0x1  }
0xbe: {  	v3 =	vadd.s32 v1, v3;
	_ =	sdelay $0x2  }
0xbf: {  	[tilespmem:s31], [sflag:$0x1] =	stream.indirect_vreg.gather [hbm4b:s3+s2], $0x80, v4, vm0, $0xb8;
	[tilespmem:$0x10100] =	vst v63  }
0xc0: {  	_ = 	snop  }
0xc1: {  	[tilespmem:s1], [sflag:$0x1] =	stream.indirect_vreg.gather [hbm4b:s3+s2], $0x80, v3, vm0, $0xb8;
	[tilespmem:$0x10100] =	vst v63  }
0xc2: {  	_ =	swait.ge [sflag:s15], $0x8000  }
0xc3: {  	p0 =	sne.s32 s4, $0x1;
	[sflag:s15] =	ssyncset.done $0x0  }
.Ltmp0:
0xc4: {  	s7 =	rddreg [dreg:$0x3];
	[sflag:s15] =	ssyncadd.s32 $0xFFFF8000;
	(pc) =	sbr.rel @p0 .LBB2_1-.Ltmp0, $4  }
0xc5: {  	[hbm4b:s7+s2] =	stream.linear.scatter [tilespmem:s6], [sflag:$0x2], $0x10000, $0x38;
	[tilespmem:$0x10100] =	vst v63  }
0xc6: {  	_ =	swait.ge [sflag:s5], $0x10000  }
0xc7: {  	[sflag:s5] =	ssyncset.done $0x0  }
0xc8: {  	s4 =	sadd.s32 $0xFFFFFFFF, s4;
	[sflag:s5] =	ssyncadd.s32 $0xFFFF0000  }
0xc9: {  	_ =	sfence.sel $0x180000  }
0xca: {  	[bflag:$0x0] =	sbarrier.arrive $0xFFFF  }
0xcb: {  	_ =	strace $0x90000050  }
0xcc: {  	s0 =	stileid.u32;
	[bflag:$0x2] =	sbarrier.arrive $0xFFFF  }
0xcd: {  	p0 =	sne.s32 s0, $0x0;
	s0 =	rddreg [dreg:$0x1]  }
0xce: {  	s0 =	sadd.s32 @!p0 $0x100000, s0  }
0xcf: {  	[sflag:s0] =	ssyncadd.tile.s32 @!p0 $0x1;
	_ =	shalt  }
.Lfunc_end2:
_tile_overlayer_lowered:
.L_overlay_start_2:
0xd0: {  	(tag) =	ssettag $0x2  }
0xd1: {  	s0 =	rddreg [dreg:$0x0];
	s2 =	stileid.u32  }
0xd2: {  	s1 =	rddreg [dreg:$0x1];
	p0 =	sne.s32 s2, $0x0  }
0xd3: {  	s3 =	rddreg [dreg:$0x2];
	[bflag:$0x3] =	sbarrier.arrive $0xFFFF;
	s2 =	simm.s32 @!p0 $0x1C02  }
0xd4: {  	[timem:s3], [sflag:s2] =	dma.local @!p0 [hbm:s0], s1  }
0xd5: {  	s0 =	simm.s32 @!p0 $0x2  }
0xd6: {  	_ =	swait.ge @!p0 [sflag:s0], s1  }
0xd7: {  	s1 =	ssub.s32 @!p0 $0x0, s1;
	[sflag:s0] =	ssyncset.done @!p0 $0x0  }
0xd8: {  	[sflag:s0] =	ssyncadd.s32 @!p0 s1  }
0xd9: {  	[bflag:$0x3] =	sbarrier.arrive $0xFFFF  }
0xda: {  	_ =	shalt  }

// kernel: kernel.34.cloned.1.call-start
scs
__scs_entry_jumppad:
0x0: {  	(pc) =	sbr.rel $0x88, $3  }
0x1: {  	(tag) =	ssettag $0x0;
	lr =	simm.s32 $0x1  }
0x2: {  	[smem:$0x3F88] =	sst lr;
	_ =	strace $0xD0000000  }
0x3: {  	_ = 	snop  }
0x4: {  	_ = 	snop  }
0x5: {  	_ = 	snop  }
0x6: {  	_ = 	snop  }
0x7: {  	_ = 	snop  }
__scs_overlays_trampoline_lowered:
0x8: {  	[smem:$0x3F97] =	sst s0  }
0x9: {  	[smem:$0x3F98] =	sst s1  }
0xa: {  	[smem:$0x3F99] =	sst s2  }
0xb: {  	[smem:$0x3F9A] =	sst s3  }
0xc: {  	[smem:$0x3F9B] =	sst s4  }
0xd: {  	[smem:$0x3F9C] =	sst s5  }
0xe: {  	[smem:$0x3F9D] =	sst s6  }
0xf: {  	[smem:$0x3F9E] =	sst s7  }
0x10: {  	[smem:$0x3F9F] =	sst s8  }
0x11: {  	[smem:$0x3FA0] =	sst s9;
	s0 =	simm.s32 @!p0 $0x0  }
0x12: {  	s1 =	sld [smem:$0x3F86];
	s0 =	simm.s32 @p0 $0x1  }
0x13: {  	[smem:$0x3FA1] =	sst s0;
	s0 =	simm.s32 @!p1 $0x0  }
0x14: {  	s2 =	sld [smem:$0x3F85];
	s0 =	simm.s32 @p1 $0x1  }
0x15: {  	[smem:$0x3FA2] =	sst s0;
	s0 =	simm.s32 @!p2 $0x0  }
0x16: {  	s3 =	sld [smem:$0x3FDB];
	s0 =	simm.s32 @p2 $0x1  }
0x17: {  	s4 =	simm.s32 $0x1BF5;
	[smem:$0x3FA4] =	sst s0  }
0x18: {  	s0 =	sld [smem:$0x3F87];
	_ =	swait.ge [sflag:s4], $0x0  }
0x19: {  	s7 =	sld [smem:$0x3F88]  }
0x1a: {  	s8 =	sadd.s32 $0xFFFFE003, lr  }
0x1b: {  	s9 =	sadd.s32 $0xFFFFFEF7, lr;
	s5 =	simm.s32 $0xFFFFFFFF;
	p2 =	slt.u32 s8, $0xFFFFF086  }
0x1c: {  	p1 =	slt.u32 s9, $0xF7A;
	s5 =	simm.s32 @!p2 $0x0  }
0x1d: {  	s5 =	simm.s32 @p1 $0x1;
	p0 =	seq.s32 s7, s2  }
0x1e: {  	s7 =	smul.u32 @!p0 $0xF7A, s2;
	p2 =	seq.s32 @!p0 s5, $0x0  }
0x1f: {  	s9 =	smul.u32 $0xF7A, s1;
	s8 =	simm.s32 @!p0 $0x1BF5;
	p2 =	por !p2, p0  }
0x20: {  	[sflag:s8] =	ssyncset.s32 @!p0 $0xFFFFF086;
	s6 =	sadd.s32 @!p0 s3, s7;
	s7 =	simm.s32 @!p0 $0x108  }
0x21: {  	s3 =	sadd.s32 s3, s9;
	s6 =	sadd.s32 @!p0 $0x88, s6;
	s7 =	simm.s32 @p2 $0x1082  }
0x22: {  	[simem:s7], [sflag:s8] =	dma.local @!p0 [hbm:s6], $0xF7A  }
0x23: {  	s9 =	sor.u32 $0xD0000000, s2;
	s6 =	simm.s32 $0x108;
	_ =	swait.ge @!p0 [sflag:s8], $0x0  }
0x24: {  	s3 =	sadd.s32 $0x88, s3;
	s6 =	simm.s32 @!p1 $0x1082;
	[sflag:s4] =	ssyncset.s32 $0xFFFFF086  }
0x25: {  	[simem:s6], [sflag:s4] =	dma.local [hbm:s3], $0xF7A  }
0x26: {  	[smem:$0x3F88] =	sst s1;
	(tag) =	ssettag s2;
	_ =	strace s9  }
0x27: {  	s1 =	sld [smem:$0x3F98]  }
0x28: {  	s2 =	sld [smem:$0x3F99]  }
0x29: {  	s4 =	sld [smem:$0x3F9B]  }
0x2a: {  	p0 =	seq.s32 s5, $0x0;
	s5 =	sld [smem:$0x3F9C]  }
0x2b: {  	s6 =	sld [smem:$0x3F9D]  }
0x2c: {  	s7 =	sld [smem:$0x3F9E]  }
0x2d: {  	s3 =	simm.s32 $0x108;
	s8 =	sld [smem:$0x3F9F]  }
0x2e: {  	s3 =	simm.s32 @!p0 $0x1082;
	s9 =	sld [smem:$0x3FA0]  }
0x2f: {  	lr =	sadd.s32 s0, s3;
	s0 =	sld [smem:$0x3F97]  }
0x30: {  	s3 =	sld [smem:$0x3F9A]  }
0x31: {  	[smem:$0x3FA3] =	sst s10  }
0x32: {  	s10 =	sld [smem:$0x3FA1];
	_ =	sdelay $0x3  }
0x33: {  	p0 =	seq.s32 s10, $0x1;
	s10 =	sld [smem:$0x3FA3];
	_ =	sdelay $0x3  }
0x34: {  	[smem:$0x3FA3] =	sst s10  }
0x35: {  	s10 =	sld [smem:$0x3FA2];
	_ =	sdelay $0x3  }
0x36: {  	p1 =	seq.s32 s10, $0x1;
	s10 =	sld [smem:$0x3FA3];
	_ =	sdelay $0x3  }
0x37: {  	[smem:$0x3FA3] =	sst s10  }
0x38: {  	s10 =	sld [smem:$0x3FA4]  }
0x39: {  	_ = 	snop;
	(pc) =	sbr.ind lr, $3  }
0x3a: {  	_ = 	snop  }
0x3b: {  	_ = 	snop  }
0x3c: {  	p2 =	seq.s32 s10, $0x1;
	s10 =	sld [smem:$0x3FA3]  }
0x3d: {  	_ =	shalt  }
0x3e: {  	_ =	shalt  }
0x3f: {  	_ =	shalt  }
0x40: {  	_ =	shalt  }
0x41: {  	_ =	shalt  }
0x42: {  	_ =	shalt  }
0x43: {  	_ =	shalt  }
0x44: {  	_ =	shalt  }
0x45: {  	_ =	shalt  }
0x46: {  	_ =	shalt  }
0x47: {  	_ =	shalt  }
0x48: {  	_ =	shalt  }
0x49: {  	_ =	shalt  }
0x4a: {  	_ =	shalt  }
0x4b: {  	_ =	shalt  }
0x4c: {  	_ =	shalt  }
0x4d: {  	_ =	shalt  }
0x4e: {  	_ =	shalt  }
0x4f: {  	_ =	shalt  }
0x50: {  	_ =	shalt  }
0x51: {  	_ =	shalt  }
0x52: {  	_ =	shalt  }
0x53: {  	_ =	shalt  }
0x54: {  	_ =	shalt  }
0x55: {  	_ =	shalt  }
0x56: {  	_ =	shalt  }
0x57: {  	_ =	shalt  }
0x58: {  	_ =	shalt  }
0x59: {  	_ =	shalt  }
0x5a: {  	_ =	shalt  }
0x5b: {  	_ =	shalt  }
0x5c: {  	_ =	shalt  }
0x5d: {  	_ =	shalt  }
0x5e: {  	_ =	shalt  }
0x5f: {  	_ =	shalt  }
0x60: {  	_ =	shalt  }
0x61: {  	_ =	shalt  }
0x62: {  	_ =	shalt  }
0x63: {  	_ =	shalt  }
0x64: {  	_ =	shalt  }
0x65: {  	_ =	shalt  }
0x66: {  	_ =	shalt  }
0x67: {  	_ =	shalt  }
0x68: {  	_ =	shalt  }
0x69: {  	_ =	shalt  }
0x6a: {  	_ =	shalt  }
0x6b: {  	_ =	shalt  }
0x6c: {  	_ =	shalt  }
0x6d: {  	_ =	shalt  }
0x6e: {  	_ =	shalt  }
0x6f: {  	_ =	shalt  }
0x70: {  	_ =	shalt  }
0x71: {  	_ =	shalt  }
0x72: {  	_ =	shalt  }
0x73: {  	_ =	shalt  }
0x74: {  	_ =	shalt  }
0x75: {  	_ =	shalt  }
0x76: {  	_ =	shalt  }
0x77: {  	_ =	shalt  }
0x78: {  	_ =	shalt  }
0x79: {  	_ =	shalt  }
0x7a: {  	_ =	shalt  }
0x7b: {  	_ =	shalt  }
0x7c: {  	_ =	shalt  }
0x7d: {  	_ =	shalt  }
0x7e: {  	_ =	shalt  }
0x7f: {  	_ =	shalt  }
0x80: {  	_ =	shalt  }
0x81: {  	_ =	shalt  }
0x82: {  	_ =	shalt  }
0x83: {  	_ =	shalt  }
0x84: {  	_ =	shalt  }
0x85: {  	_ =	shalt  }
0x86: {  	_ =	shalt  }
0x87: {  	_ =	shalt  }
.Lfunc_end0:
.L_simem_size_0:
called_computation.5_lowered:
.L_overlay_start_0:
0x88: {  	s2 =	sld [smem:$0x3FD9]  }
0x89: {  	s3 =	sld [smem:$0x3FFE];
	_ =	sdelay $0x1  }
0x8a: {  	s1 =	srdreg.scid  }
0x8b: {  	s0 =	sand.u32 $0x1, s1  }
0x8c: {  	s16 =	sshll.u32 s0, $0xA;
	s2 =	sadd.s32 s3, s2  }
0x8d: {  	s2 =	sadd.s32 s2, s16  }
0x8e: {  	[smem:$0x3FAF] =	sst s2  }
0x8f: {  	_ = 	snop  }
0x90: {  	(tm) =	ssettm $0x1  }
0x91: {  	s17 =	sld [smem:$0x3FFB];
	_ =	sdelay $0x3  }
0x92: {  	_ =	strace s17  }
0x93: {  	s2 =	sld [smem:$0x3FFC];
	_ =	sdelay $0x3  }
0x94: {  	_ =	strace s2  }
0x95: {  	s2 =	sld [smem:$0x3FFD];
	_ =	sdelay $0x3  }
0x96: {  	_ =	strace s2  }
0x97: {  	_ =	strace $0x8FFFFFFF  }
0x98: {  	s18 =	sld [smem:$0x3FDB];
	_ =	sdelay $0x1  }
0x99: {  	s19 =	simm.s32 $_scs_section_size  }
0x9a: {  	s4 =	simm.s32 $_size__tile_overlayer_lowered;
	s5 =	simm.s32 $_tile_overlayer_lowered  }
0x9b: {  	s22 =	simm.s32 $0x1BFF;
	s21 =	sshll.u32 s5, $0x1;
	s2 =	sadd.s32 s19, s18  }
0x9c: {  	s6 =	simm.s32 $0x0;
	s20 =	sshll.u32 s4, $0x1;
	s4 =	sadd.s32 s21, s2  }
0x9d: {  	[timem:s6], [sflag:s22] =	dma.local [hbm:s4], s20  }
0x9e: {  	_ =	swait.ge [sflag:s22], s20  }
0x9f: {  	s3 =	ssub.s32 $0x0, s20;
	[sflag:s22] =	ssyncset.done $0x0  }
0xa0: {  	[sflag:s22] =	ssyncadd.s32 s3;
	_ =	sdelay $0x1  }
0xa1: {  	s23 =	simm.s32 $0x1B8B  }
0xa2: {  	_ =	swait.ge [sflag:s23], $0x1  }
0xa3: {  	[sflag:s23] =	ssyncset.done $0x0  }
0xa4: {  	s25 =	simm.s32 $0x1B8E;
	s24 =	sld [smem:$0x3FFE];
	[sflag:s23] =	ssyncadd.s32 $0xFFFFFFFF  }
0xa5: {  	s26 =	simm.s32 $execute0_lowered;
	[smem:$0x3FD2] =	sst s25  }
0xa6: {  	s4 =	sshll.u32 s26, $0x1;
	_ =	strace $0x80000052;
	[dreg:$0x1] =	wrdreg $0xFFFFFFFF  }
0xa7: {  	s28 =	simm.s32 $_size_execute0_lowered;
	s2 =	sadd.s32 s2, s4;
	[dreg:$0x0] =	wrdreg $0x0  }
0xa8: {  	s4 =	sshll.u32 s28, $0x1;
	[dreg:$0x2] =	wrdreg s2  }
0xa9: {  	[dreg:$0x3] =	wrdreg s4  }
0xaa: {  	[dreg:$0x4] =	wrdreg $0xC0  }
0xab: {  	_ =	task [dreg:s6], $0x5FFFF  }
0xac: {  	[dreg:$0x1] =	wrdreg $0xFFFFFFFF  }
0xad: {  	[dreg:$0x0] =	wrdreg $0x60  }
0xae: {  	[dreg:$0x2] =	wrdreg s24  }
0xaf: {  	[dreg:$0x3] =	wrdreg $0x81000  }
0xb0: {  	[dreg:$0x4] =	wrdreg $0x9  }
0xb1: {  	_ =	task.clear_ibuf [dreg:s6], $0x5FFFF;
	_ =	strace $0x90000052  }
0xb2: {  	s29 =	simm.s32 $0x9;
	_ =	strace $0x80000054  }
0xb3: {  	_ =	swait.ge [sflag:s29], $0x1  }
0xb4: {  	[sflag:s29] =	ssyncadd.s32 $0xFFFFFFFF  }
0xb5: {  	_ =	strace $0x90000054  }
0xb6: {  	_ =	sfence  }
0xb7: {  	s30 =	sld [smem:$0x0];
	_ =	sdelay $0x2  }
0xb8: {  	s31 =	sshll.u32 s1, $0xD;
	s1 =	sshrl.u32 s1, $0x2  }
0xb9: {  	s3 =	sand.u32 $0x4000, s31;
	s1 =	sadd.s32 s1, s30  }
0xba: {  	s0 =	sor.u32 s3, s0;
	s1 =	sshll.u32 s1, $0x11  }
0xbb: {  	s0 =	sor.u32 s1, s0  }
0xbc: {  	s0 =	sadd.s32 $0x8F2B, s0  }
0xbd: {  	[sflag:s0] =	ssyncadd.remote.s32 $0x1  }
0xbe: {  	_ =	sfence.sel $0xFFFF  }
0xbf: {  	[dreg:$0x0] =	wrdreg $0xFFFFFFFF;
	(pc) =	sbr.abs _section_cstart, $3  }
0xc0: {  	[dreg:$0x1] =	wrdreg $0xFFFFFFFF  }
0xc1: {  	_ =	task.clear_ibuf [dreg:s6], $0x2FFFF;
	_ =	strace $0x9FFFFFFF  }
0xc2: {  	(tm) =	ssettm $0x7FFFFFFF  }
0xc3: {  	_ =	shalt  }
tec
execute0_lowered:
.L_overlay_start_1:
0x0: {  	(tag) =	ssettag $0x1  }
0x1: {  	s1 =	srdreg.scid;
	s0 =	stileid.u32  }
0x2: {  	s9 =	rddreg [dreg:$0x0];
	s13 =	sand.u32 $0x1, s1;
	s4 =	sshll.u32 s0, $0x1  }
0x3: {  	s2 =	rddreg [dreg:$0x1];
	s3 =	simm.s32 $0x0;
	s10 =	sor.u32 s13, s4  }
0x4: {  	s5 =	simm.s32 $0x1;
	s1 =	rddreg [dreg:$0x2];
	s4 =	sshll.u32 s10, $0x5  }
0x5: {  	[smem:$0x7FF] =	sst s3;
	s6 =	sshll.u32 s0, $0xC;
	s4 =	sadd.s32 s4, s9  }
0x6: {  	s7 =	sshll.u32 s0, $0xF;
	_ =	strace $0x80000053;
	s4 =	sadd.s32 $0x8C00, s4  }
0x7: {  	[tilespmem:s3], [sflag:$0x1] =	stream.linear.gather [hbm4b:s4+s3], $0x100, $0x38;
	[tilespmem:$0x10100] =	vst v63  }
0x8: {  	s30 =	sshll.u32 s0, $0x6;
	s14 =	sadd.s32 s6, s9;
	_ =	swait.ge [sflag:s5], $0x100  }
0x9: {  	s8 =	sadd.s32 s7, s2;
	s7 =	sor.u32 $0x1C01, s30;
	[sflag:s5] =	ssyncset.done $0x0  }
0xa: {  	s6 =	sadd.s32 $0x39000, s14;
	s8 =	sshrl.u32 s8, $0x3;
	[sflag:s5] =	ssyncadd.s32 $0xFFFFFF00  }
0xb: {  	[spmem:s8], [sflag:s7] =	dma.local [hbm:s6], $0x1000  }
0xc: {  	_ =	swait.ge [sflag:s5], $0x1000  }
0xd: {  	s10 =	sshll.u32 s10, $0xC;
	[sflag:s5] =	ssyncset.done $0x0  }
0xe: {  	s9 =	sadd.s32 s10, s9;
	[sflag:s5] =	ssyncadd.s32 $0xFFFFF000  }
0xf: {  	s10 =	simm.s32 $0x100;
	s9 =	sadd.s32 $0x9000, s9;
	[bflag:$0x0] =	sbarrier.arrive $0xFFFF  }
0x10: {  	[tilespmem:s10], [sflag:$0x1] =	stream.linear.gather [hbm4b:s9+s3], $0x8000, $0x38;
	[tilespmem:$0x10100] =	vst v63  }
0x11: {  	_ =	swait.ge [sflag:s5], $0x8000  }
0x12: {  	[sflag:s5] =	ssyncset.done $0x0  }
0x13: {  	s11 =	simm.s32 $0x80;
	[sflag:s5] =	ssyncadd.s32 $0xFFFF8000  }
0x14: {  	[spmem:s2] =	stream.indirect.scatter.add.f32 [tilespmem:s10], [sflag:$0x1], $0x80, s3, s11, $0xb8;
	[tilespmem:$0x10100] =	vst v63  }
0x15: {  	_ =	swait.ge [sflag:s5], $0x4000  }
0x16: {  	s12 =	simm.s32 $0x4100;
	s15 =	ssub.s32 $0x2, s13;
	[sflag:s5] =	ssyncset.done $0x0  }
0x17: {  	s13 =	sshll.u32 s13, $0x10;
	s31 =	sshrl.u32 s15, $0x1;
	[sflag:s5] =	ssyncadd.s32 $0xFFFFC000  }
0x18: {  	[spmem:s2] =	stream.indirect.scatter.add.f32 [tilespmem:s12], [sflag:$0x1], $0x80, s11, s11, $0xb8;
	[tilespmem:$0x10100] =	vst v63  }
0x19: {  	s13 =	sadd.s32 s13, s14;
	s14 =	ssub.s32 s15, s31;
	_ =	swait.ge [sflag:s5], $0x4000  }
0x1a: {  	s14 =	smax.u32 s14, $0x1;
	[sflag:s5] =	ssyncset.done $0x0  }
0x1b: {  	p0 =	sne.s32 s14, $0x1;
	[sflag:s5] =	ssyncadd.s32 $0xFFFFC000  }
.Ltmp0:
0x1c: {  	s13 =	sadd.s32 $0xC9000, s13;
	[bflag:$0x0] =	sbarrier.arrive $0xFFFF;
	(pc) =	sbr.rel @!p0 .LBB2_2-.Ltmp0, $4  }
0x1d: {  	[hbm:s13], [sflag:s7] =	dma.local [spmem:s8], $0x1000  }
0x1e: {  	_ =	swait.ge [sflag:s5], $0x1000  }
0x1f: {  	[sflag:s5] =	ssyncset.done $0x0  }
0x20: {  	s14 =	sadd.s32 $0xFFFFFFFF, s14;
	[sflag:s5] =	ssyncadd.s32 $0xFFFFF000  }
.LBB2_1:
0x21: {  	p0 =	sne.s32 s14, $0x1;
	s14 =	sadd.s32 $0xFFFFFFFF, s14;
	[bflag:$0x0] =	sbarrier.arrive $0xFFFF  }
0x22: {  	[tilespmem:s3], [sflag:$0x1] =	stream.linear.gather [hbm4b:s4+s3], $0x100, $0x38;
	[tilespmem:$0x10100] =	vst v63  }
0x23: {  	_ =	swait.ge [sflag:s5], $0x100  }
0x24: {  	[sflag:s5] =	ssyncset.done $0x0  }
0x25: {  	[sflag:s5] =	ssyncadd.s32 $0xFFFFFF00  }
0x26: {  	[spmem:s8], [sflag:s7] =	dma.local [hbm:s6], $0x1000  }
0x27: {  	_ =	swait.ge [sflag:s5], $0x1000  }
0x28: {  	[sflag:s5] =	ssyncset.done $0x0  }
0x29: {  	[sflag:s5] =	ssyncadd.s32 $0xFFFFF000  }
0x2a: {  	[bflag:$0x0] =	sbarrier.arrive $0xFFFF  }
0x2b: {  	[tilespmem:s10], [sflag:$0x1] =	stream.linear.gather [hbm4b:s9+s3], $0x8000, $0x38;
	[tilespmem:$0x10100] =	vst v63  }
0x2c: {  	_ =	swait.ge [sflag:s5], $0x8000  }
0x2d: {  	[sflag:s5] =	ssyncset.done $0x0  }
0x2e: {  	[sflag:s5] =	ssyncadd.s32 $0xFFFF8000  }
0x2f: {  	[spmem:s2] =	stream.indirect.scatter.add.f32 [tilespmem:s10], [sflag:$0x1], $0x80, s3, s11, $0xb8;
	[tilespmem:$0x10100] =	vst v63  }
0x30: {  	_ =	swait.ge [sflag:s5], $0x4000  }
0x31: {  	[sflag:s5] =	ssyncset.done $0x0  }
0x32: {  	[sflag:s5] =	ssyncadd.s32 $0xFFFFC000  }
0x33: {  	[spmem:s2] =	stream.indirect.scatter.add.f32 [tilespmem:s12], [sflag:$0x1], $0x80, s11, s11, $0xb8;
	[tilespmem:$0x10100] =	vst v63  }
0x34: {  	_ =	swait.ge [sflag:s5], $0x4000  }
0x35: {  	[sflag:s5] =	ssyncset.done $0x0  }
0x36: {  	[sflag:s5] =	ssyncadd.s32 $0xFFFFC000  }
.Ltmp1:
0x37: {  	[bflag:$0x0] =	sbarrier.arrive $0xFFFF;
	(pc) =	sbr.rel @p0 .LBB2_1-.Ltmp1, $4  }
0x38: {  	[hbm:s13], [sflag:s7] =	dma.local [spmem:s8], $0x1000  }
0x39: {  	_ =	swait.ge [sflag:s5], $0x1000  }
0x3a: {  	[sflag:s5] =	ssyncset.done $0x0  }
0x3b: {  	[sflag:s5] =	ssyncadd.s32 $0xFFFFF000  }
.LBB2_2:
0x3c: {  	[bflag:$0x0] =	sbarrier.arrive $0xFFFF  }
0x3d: {  	_ =	sfence.sel $0x180000  }
0x3e: {  	[bflag:$0x0] =	sbarrier.arrive $0xFFFF  }
0x3f: {  	p0 =	sne.s32 s0, $0x0;
	_ =	strace $0x90000053  }
0x40: {  	s0 =	sadd.s32 @!p0 $0x100000, s1;
	[bflag:$0x2] =	sbarrier.arrive $0xFFFF  }
0x41: {  	[sflag:s0] =	ssyncadd.tile.s32 @!p0 $0x1;
	_ =	shalt  }
.Lfunc_end2:
_tile_overlayer_lowered:
.L_overlay_start_2:
0x42: {  	(tag) =	ssettag $0x2  }
0x43: {  	s0 =	rddreg [dreg:$0x0];
	s2 =	stileid.u32  }
0x44: {  	s1 =	rddreg [dreg:$0x1];
	p0 =	sne.s32 s2, $0x0  }
0x45: {  	s3 =	rddreg [dreg:$0x2];
	[bflag:$0x3] =	sbarrier.arrive $0xFFFF;
	s2 =	simm.s32 @!p0 $0x1C01  }
0x46: {  	[timem:s3], [sflag:s2] =	dma.local @!p0 [hbm:s0], s1  }
0x47: {  	s0 =	simm.s32 @!p0 $0x1  }
0x48: {  	_ =	swait.ge @!p0 [sflag:s0], s1  }
0x49: {  	s1 =	ssub.s32 @!p0 $0x0, s1;
	[sflag:s0] =	ssyncset.done @!p0 $0x0  }
0x4a: {  	[sflag:s0] =	ssyncadd.s32 @!p0 s1  }
0x4b: {  	[bflag:$0x3] =	sbarrier.arrive $0xFFFF  }
0x4c: {  	_ =	shalt  }

// kernel: kernel.37.cloned.1.call-start
scs
__scs_entry_jumppad:
0x0: {  	(pc) =	sbr.rel $0x88, $3  }
0x1: {  	(tag) =	ssettag $0x0;
	lr =	simm.s32 $0x1  }
0x2: {  	[smem:$0x3F88] =	sst lr;
	_ =	strace $0xD0000000  }
0x3: {  	_ = 	snop  }
0x4: {  	_ = 	snop  }
0x5: {  	_ = 	snop  }
0x6: {  	_ = 	snop  }
0x7: {  	_ = 	snop  }
__scs_overlays_trampoline_lowered:
0x8: {  	[smem:$0x3F97] =	sst s0  }
0x9: {  	[smem:$0x3F98] =	sst s1  }
0xa: {  	[smem:$0x3F99] =	sst s2  }
0xb: {  	[smem:$0x3F9A] =	sst s3  }
0xc: {  	[smem:$0x3F9B] =	sst s4  }
0xd: {  	[smem:$0x3F9C] =	sst s5  }
0xe: {  	[smem:$0x3F9D] =	sst s6  }
0xf: {  	[smem:$0x3F9E] =	sst s7  }
0x10: {  	[smem:$0x3F9F] =	sst s8  }
0x11: {  	[smem:$0x3FA0] =	sst s9;
	s0 =	simm.s32 @!p0 $0x0  }
0x12: {  	s1 =	sld [smem:$0x3F86];
	s0 =	simm.s32 @p0 $0x1  }
0x13: {  	[smem:$0x3FA1] =	sst s0;
	s0 =	simm.s32 @!p1 $0x0  }
0x14: {  	s2 =	sld [smem:$0x3F85];
	s0 =	simm.s32 @p1 $0x1  }
0x15: {  	[smem:$0x3FA2] =	sst s0;
	s0 =	simm.s32 @!p2 $0x0  }
0x16: {  	s3 =	sld [smem:$0x3FDB];
	s0 =	simm.s32 @p2 $0x1  }
0x17: {  	s4 =	simm.s32 $0x1BF5;
	[smem:$0x3FA4] =	sst s0  }
0x18: {  	s0 =	sld [smem:$0x3F87];
	_ =	swait.ge [sflag:s4], $0x0  }
0x19: {  	s7 =	sld [smem:$0x3F88]  }
0x1a: {  	s8 =	sadd.s32 $0xFFFFE003, lr  }
0x1b: {  	s9 =	sadd.s32 $0xFFFFFEF7, lr;
	s5 =	simm.s32 $0xFFFFFFFF;
	p2 =	slt.u32 s8, $0xFFFFF086  }
0x1c: {  	p1 =	slt.u32 s9, $0xF7A;
	s5 =	simm.s32 @!p2 $0x0  }
0x1d: {  	s5 =	simm.s32 @p1 $0x1;
	p0 =	seq.s32 s7, s2  }
0x1e: {  	s7 =	smul.u32 @!p0 $0xF7A, s2;
	p2 =	seq.s32 @!p0 s5, $0x0  }
0x1f: {  	s9 =	smul.u32 $0xF7A, s1;
	s8 =	simm.s32 @!p0 $0x1BF5;
	p2 =	por !p2, p0  }
0x20: {  	[sflag:s8] =	ssyncset.s32 @!p0 $0xFFFFF086;
	s6 =	sadd.s32 @!p0 s3, s7;
	s7 =	simm.s32 @!p0 $0x108  }
0x21: {  	s3 =	sadd.s32 s3, s9;
	s6 =	sadd.s32 @!p0 $0x88, s6;
	s7 =	simm.s32 @p2 $0x1082  }
0x22: {  	[simem:s7], [sflag:s8] =	dma.local @!p0 [hbm:s6], $0xF7A  }
0x23: {  	s9 =	sor.u32 $0xD0000000, s2;
	s6 =	simm.s32 $0x108;
	_ =	swait.ge @!p0 [sflag:s8], $0x0  }
0x24: {  	s3 =	sadd.s32 $0x88, s3;
	s6 =	simm.s32 @!p1 $0x1082;
	[sflag:s4] =	ssyncset.s32 $0xFFFFF086  }
0x25: {  	[simem:s6], [sflag:s4] =	dma.local [hbm:s3], $0xF7A  }
0x26: {  	[smem:$0x3F88] =	sst s1;
	(tag) =	ssettag s2;
	_ =	strace s9  }
0x27: {  	s1 =	sld [smem:$0x3F98]  }
0x28: {  	s2 =	sld [smem:$0x3F99]  }
0x29: {  	s4 =	sld [smem:$0x3F9B]  }
0x2a: {  	p0 =	seq.s32 s5, $0x0;
	s5 =	sld [smem:$0x3F9C]  }
0x2b: {  	s6 =	sld [smem:$0x3F9D]  }
0x2c: {  	s7 =	sld [smem:$0x3F9E]  }
0x2d: {  	s3 =	simm.s32 $0x108;
	s8 =	sld [smem:$0x3F9F]  }
0x2e: {  	s3 =	simm.s32 @!p0 $0x1082;
	s9 =	sld [smem:$0x3FA0]  }
0x2f: {  	lr =	sadd.s32 s0, s3;
	s0 =	sld [smem:$0x3F97]  }
0x30: {  	s3 =	sld [smem:$0x3F9A]  }
0x31: {  	[smem:$0x3FA3] =	sst s10  }
0x32: {  	s10 =	sld [smem:$0x3FA1];
	_ =	sdelay $0x3  }
0x33: {  	p0 =	seq.s32 s10, $0x1;
	s10 =	sld [smem:$0x3FA3];
	_ =	sdelay $0x3  }
0x34: {  	[smem:$0x3FA3] =	sst s10  }
0x35: {  	s10 =	sld [smem:$0x3FA2];
	_ =	sdelay $0x3  }
0x36: {  	p1 =	seq.s32 s10, $0x1;
	s10 =	sld [smem:$0x3FA3];
	_ =	sdelay $0x3  }
0x37: {  	[smem:$0x3FA3] =	sst s10  }
0x38: {  	s10 =	sld [smem:$0x3FA4]  }
0x39: {  	_ = 	snop;
	(pc) =	sbr.ind lr, $3  }
0x3a: {  	_ = 	snop  }
0x3b: {  	_ = 	snop  }
0x3c: {  	p2 =	seq.s32 s10, $0x1;
	s10 =	sld [smem:$0x3FA3]  }
0x3d: {  	_ =	shalt  }
0x3e: {  	_ =	shalt  }
0x3f: {  	_ =	shalt  }
0x40: {  	_ =	shalt  }
0x41: {  	_ =	shalt  }
0x42: {  	_ =	shalt  }
0x43: {  	_ =	shalt  }
0x44: {  	_ =	shalt  }
0x45: {  	_ =	shalt  }
0x46: {  	_ =	shalt  }
0x47: {  	_ =	shalt  }
0x48: {  	_ =	shalt  }
0x49: {  	_ =	shalt  }
0x4a: {  	_ =	shalt  }
0x4b: {  	_ =	shalt  }
0x4c: {  	_ =	shalt  }
0x4d: {  	_ =	shalt  }
0x4e: {  	_ =	shalt  }
0x4f: {  	_ =	shalt  }
0x50: {  	_ =	shalt  }
0x51: {  	_ =	shalt  }
0x52: {  	_ =	shalt  }
0x53: {  	_ =	shalt  }
0x54: {  	_ =	shalt  }
0x55: {  	_ =	shalt  }
0x56: {  	_ =	shalt  }
0x57: {  	_ =	shalt  }
0x58: {  	_ =	shalt  }
0x59: {  	_ =	shalt  }
0x5a: {  	_ =	shalt  }
0x5b: {  	_ =	shalt  }
0x5c: {  	_ =	shalt  }
0x5d: {  	_ =	shalt  }
0x5e: {  	_ =	shalt  }
0x5f: {  	_ =	shalt  }
0x60: {  	_ =	shalt  }
0x61: {  	_ =	shalt  }
0x62: {  	_ =	shalt  }
0x63: {  	_ =	shalt  }
0x64: {  	_ =	shalt  }
0x65: {  	_ =	shalt  }
0x66: {  	_ =	shalt  }
0x67: {  	_ =	shalt  }
0x68: {  	_ =	shalt  }
0x69: {  	_ =	shalt  }
0x6a: {  	_ =	shalt  }
0x6b: {  	_ =	shalt  }
0x6c: {  	_ =	shalt  }
0x6d: {  	_ =	shalt  }
0x6e: {  	_ =	shalt  }
0x6f: {  	_ =	shalt  }
0x70: {  	_ =	shalt  }
0x71: {  	_ =	shalt  }
0x72: {  	_ =	shalt  }
0x73: {  	_ =	shalt  }
0x74: {  	_ =	shalt  }
0x75: {  	_ =	shalt  }
0x76: {  	_ =	shalt  }
0x77: {  	_ =	shalt  }
0x78: {  	_ =	shalt  }
0x79: {  	_ =	shalt  }
0x7a: {  	_ =	shalt  }
0x7b: {  	_ =	shalt  }
0x7c: {  	_ =	shalt  }
0x7d: {  	_ =	shalt  }
0x7e: {  	_ =	shalt  }
0x7f: {  	_ =	shalt  }
0x80: {  	_ =	shalt  }
0x81: {  	_ =	shalt  }
0x82: {  	_ =	shalt  }
0x83: {  	_ =	shalt  }
0x84: {  	_ =	shalt  }
0x85: {  	_ =	shalt  }
0x86: {  	_ =	shalt  }
0x87: {  	_ =	shalt  }
.Lfunc_end0:
.L_simem_size_0:
called_computation.6_lowered:
.L_overlay_start_0:
0x88: {  	s2 =	sld [smem:$0x3FD9]  }
0x89: {  	s3 =	sld [smem:$0x3FFE];
	_ =	sdelay $0x1  }
0x8a: {  	s1 =	srdreg.scid  }
0x8b: {  	s0 =	sand.u32 $0x1, s1  }
0x8c: {  	s16 =	sshll.u32 s0, $0xA;
	s2 =	sadd.s32 s3, s2  }
0x8d: {  	s2 =	sadd.s32 s2, s16  }
0x8e: {  	[smem:$0x3FAF] =	sst s2  }
0x8f: {  	_ = 	snop  }
0x90: {  	(tm) =	ssettm $0x1  }
0x91: {  	s17 =	sld [smem:$0x3FFB];
	_ =	sdelay $0x3  }
0x92: {  	_ =	strace s17  }
0x93: {  	s2 =	sld [smem:$0x3FFC];
	_ =	sdelay $0x3  }
0x94: {  	_ =	strace s2  }
0x95: {  	s2 =	sld [smem:$0x3FFD];
	_ =	sdelay $0x3  }
0x96: {  	_ =	strace s2  }
0x97: {  	_ =	strace $0x8FFFFFFF  }
0x98: {  	s18 =	sld [smem:$0x3FDB];
	_ =	sdelay $0x1  }
0x99: {  	s19 =	simm.s32 $_scs_section_size  }
0x9a: {  	s4 =	simm.s32 $_size__tile_overlayer_lowered;
	s5 =	simm.s32 $_tile_overlayer_lowered  }
0x9b: {  	s22 =	simm.s32 $0x1BFF;
	s21 =	sshll.u32 s5, $0x1;
	s2 =	sadd.s32 s19, s18  }
0x9c: {  	s6 =	simm.s32 $0x0;
	s20 =	sshll.u32 s4, $0x1;
	s4 =	sadd.s32 s21, s2  }
0x9d: {  	[timem:s6], [sflag:s22] =	dma.local [hbm:s4], s20  }
0x9e: {  	_ =	swait.ge [sflag:s22], s20  }
0x9f: {  	s3 =	ssub.s32 $0x0, s20;
	[sflag:s22] =	ssyncset.done $0x0  }
0xa0: {  	[sflag:s22] =	ssyncadd.s32 s3;
	_ =	sdelay $0x1  }
0xa1: {  	s23 =	simm.s32 $0x1B8B  }
0xa2: {  	_ =	swait.ge [sflag:s23], $0x1  }
0xa3: {  	[sflag:s23] =	ssyncset.done $0x0  }
0xa4: {  	s25 =	simm.s32 $0x1B8E;
	s24 =	sld [smem:$0x3FFE];
	[sflag:s23] =	ssyncadd.s32 $0xFFFFFFFF  }
0xa5: {  	s26 =	simm.s32 $execute0_lowered;
	[smem:$0x3FD2] =	sst s25  }
0xa6: {  	s4 =	sshll.u32 s26, $0x1;
	_ =	strace $0x80000055;
	[dreg:$0x1] =	wrdreg $0xFFFFFFFF  }
0xa7: {  	s28 =	simm.s32 $_size_execute0_lowered;
	s2 =	sadd.s32 s2, s4;
	[dreg:$0x0] =	wrdreg $0x0  }
0xa8: {  	s4 =	sshll.u32 s28, $0x1;
	[dreg:$0x2] =	wrdreg s2  }
0xa9: {  	[dreg:$0x3] =	wrdreg s4  }
0xaa: {  	[dreg:$0x4] =	wrdreg $0xC0  }
0xab: {  	_ =	task [dreg:s6], $0x5FFFF  }
0xac: {  	[dreg:$0x1] =	wrdreg $0xFFFFFFFF  }
0xad: {  	[dreg:$0x0] =	wrdreg $0x60  }
0xae: {  	[dreg:$0x2] =	wrdreg s24  }
0xaf: {  	[dreg:$0x3] =	wrdreg $0x9  }
0xb0: {  	_ =	task.clear_ibuf [dreg:s6], $0x4FFFF;
	_ =	strace $0x90000055  }
0xb1: {  	s29 =	simm.s32 $0x9;
	_ =	strace $0x80000057  }
0xb2: {  	_ =	swait.ge [sflag:s29], $0x1  }
0xb3: {  	[sflag:s29] =	ssyncadd.s32 $0xFFFFFFFF  }
0xb4: {  	_ =	strace $0x90000057  }
0xb5: {  	_ =	sfence  }
0xb6: {  	s30 =	sld [smem:$0x0];
	_ =	sdelay $0x2  }
0xb7: {  	s31 =	sshll.u32 s1, $0xD;
	s1 =	sshrl.u32 s1, $0x2  }
0xb8: {  	s3 =	sand.u32 $0x4000, s31;
	s1 =	sadd.s32 s1, s30  }
0xb9: {  	s0 =	sor.u32 s3, s0;
	s1 =	sshll.u32 s1, $0x11  }
0xba: {  	s0 =	sor.u32 s1, s0  }
0xbb: {  	s0 =	sadd.s32 $0x8F2B, s0  }
0xbc: {  	[sflag:s0] =	ssyncadd.remote.s32 $0x1  }
0xbd: {  	_ =	sfence.sel $0xFFFF  }
0xbe: {  	[dreg:$0x0] =	wrdreg $0xFFFFFFFF;
	(pc) =	sbr.abs _section_cstart, $3  }
0xbf: {  	[dreg:$0x1] =	wrdreg $0xFFFFFFFF  }
0xc0: {  	_ =	task.clear_ibuf [dreg:s6], $0x2FFFF;
	_ =	strace $0x9FFFFFFF  }
0xc1: {  	(tm) =	ssettm $0x7FFFFFFF  }
tec
execute0_lowered:
.L_overlay_start_1:
0x0: {  	(tag) =	ssettag $0x1  }
0x1: {  	s1 =	srdreg.scid;
	s0 =	stileid.u32  }
0x2: {  	s3 =	rddreg [dreg:$0x0];
	s19 =	simm.s32 $0x900;
	s20 =	simm.s32 $0x1100  }
0x3: {  	s21 =	simm.s32 $0x1900;
	s23 =	simm.s32 $0x2100;
	s24 =	simm.s32 $0x2900  }
0x4: {  	s25 =	simm.s32 $0x3100;
	s26 =	simm.s32 $0x3900;
	s6 =	simm.s32 $0x100  }
0x5: {  	s8 =	simm.s32 $0x4900;
	s9 =	simm.s32 $0x5100;
	s10 =	simm.s32 $0x5900  }
0x6: {  	s11 =	simm.s32 $0x6100;
	s12 =	simm.s32 $0x6900;
	s13 =	simm.s32 $0x7100  }
0x7: {  	s14 =	simm.s32 $0x7900;
	s1 =	sand.u32 $0x1, s1;
	s2 =	sshll.u32 s0, $0x1  }
0x8: {  	s15 =	simm.s32 $0x1;
	s4 =	sor.u32 s1, s2;
	s2 =	simm.s32 $0x0  }
0x9: {  	s16 =	simm.s32 $0x8100;
	s17 =	simm.s32 $0x8900;
	[smem:$0x7FF] =	sst s2  }
0xa: {  	s18 =	simm.s32 $0x9100;
	_ =	strace $0x80000056;
	[dreg:$0x4] =	wrdreg s19  }
0xb: {  	s28 =	simm.s32 $0xD900;
	s29 =	simm.s32 $0xE100;
	[dreg:$0x5] =	wrdreg s20  }
0xc: {  	s30 =	simm.s32 $0xE900;
	s31 =	simm.s32 $0xF100;
	[dreg:$0x6] =	wrdreg s21  }
0xd: {  	s1 =	ssub.s32 $0x2, s1;
	s5 =	sshll.u32 s4, $0x5;
	[dreg:$0x7] =	wrdreg s23  }
0xe: {  	s4 =	sshll.u32 s4, $0xD;
	s22 =	sshrl.u32 s1, $0x1;
	[dreg:$0x8] =	wrdreg s24  }
0xf: {  	s5 =	sadd.s32 s5, s3;
	s4 =	sadd.s32 s4, s3;
	[dreg:$0x9] =	wrdreg s25  }
0x10: {  	s3 =	sadd.s32 $0x9000, s3;
	s1 =	ssub.s32 s1, s22;
	[dreg:$0xa] =	wrdreg s26  }
0x11: {  	s19 =	simm.s32 $0x9900;
	s20 =	simm.s32 $0xA100;
	s21 =	simm.s32 $0xA900  }
0x12: {  	s22 =	simm.s32 $0xB100;
	s23 =	simm.s32 $0xB900;
	s5 =	sadd.s32 $0x8800, s5  }
0x13: {  	v2 =	vlaneseq.u32;
	s24 =	simm.s32 $0xC100;
	s4 =	sadd.s32 $0x49000, s4;
	[dreg:$0x2] =	wrdreg s5  }
0x14: {  	vm0 =	vmmov $0xffff;
	v1 =	vshrl.u32 v2, $0x3;
	s25 =	simm.s32 $0xC900;
	s26 =	simm.s32 $0xD100;
	[dreg:$0x3] =	wrdreg s4  }
0x15: {  	v0 =	vand.u32 $0x7, v2;
	v2 =	vor.u32 $0x8, v2;
	v1 =	vmul.u32 $0x8, v1;
	s4 =	smax.u32 s1, $0x1;
	s5 =	simm.s32 $0x2;
	s1 =	simm.s32 $0xF900  }
.LBB2_1:
0x16: {  	s0 =	rddreg [dreg:$0x2]  }
0x17: {  	[tilespmem:s2], [sflag:$0x2] =	stream.linear.gather [hbm4b:s0+s2], $0x100, $0x38;
	[tilespmem:$0x10100] =	vst v63  }
0x18: {  	_ =	swait.ge [sflag:s5], $0x100  }
0x19: {  	[sflag:s5] =	ssyncset.done $0x0  }
0x1a: {  	[sflag:s5] =	ssyncadd.s32 $0xFFFFFF00  }
0x1b: {  	v3 =	vld [tilespmem:$0x0];
	_ =	sdelay $0x4  }
0x1c: {  	v4 =	vshll.u32 v3, $0x1  }
0x1d: {  	v3 =	vand.u32 $0x7, v3;
	v4 =	vand.u32 $0xFFFFFFF0, v4  }
0x1e: {  	v3 =	vor.u32 v3, v4  }
0x1f: {  	v4 =	vperm.xlane v3, v0;
	_ =	sdelay $0x1  }
0x20: {  	v3 =	vperm.xlane v3, v2;
	v4 =	vadd.s32 v1, v4;
	_ =	sdelay $0x1  }
0x21: {  	v3 =	vadd.s32 v1, v3;
	_ =	sdelay $0x2  }
0x22: {  	[tilespmem:s6], [sflag:$0x1] =	stream.indirect_vreg.gather [hbm4b:s3+s2], $0x80, v4, vm0, $0xb8;
	[tilespmem:$0x10100] =	vst v63  }
0x23: {  	s7 =	rddreg [dreg:$0x4]  }
0x24: {  	[tilespmem:s7], [sflag:$0x1] =	stream.indirect_vreg.gather [hbm4b:s3+s2], $0x80, v3, vm0, $0xb8;
	[tilespmem:$0x10100] =	vst v63  }
0x25: {  	v3 =	vld [tilespmem:$0x10];
	_ =	sdelay $0x4  }
0x26: {  	v49 =	vshll.u32 v3, $0x1  }
0x27: {  	v3 =	vand.u32 $0x7, v3;
	v4 =	vand.u32 $0xFFFFFFF0, v49  }
0x28: {  	v3 =	vor.u32 v3, v4  }
0x29: {  	v4 =	vperm.xlane v3, v0;
	_ =	sdelay $0x1  }
0x2a: {  	v3 =	vperm.xlane v3, v2;
	v4 =	vadd.s32 v1, v4;
	_ =	sdelay $0x1  }
0x2b: {  	v3 =	vadd.s32 v1, v3;
	_ =	sdelay $0x1  }
0x2c: {  	s0 =	rddreg [dreg:$0x5]  }
0x2d: {  	[tilespmem:s0], [sflag:$0x1] =	stream.indirect_vreg.gather [hbm4b:s3+s2], $0x80, v4, vm0, $0xb8;
	[tilespmem:$0x10100] =	vst v63  }
0x2e: {  	s7 =	rddreg [dreg:$0x6]  }
0x2f: {  	[tilespmem:s7], [sflag:$0x1] =	stream.indirect_vreg.gather [hbm4b:s3+s2], $0x80, v3, vm0, $0xb8;
	[tilespmem:$0x10100] =	vst v63  }
0x30: {  	v3 =	vld [tilespmem:$0x20];
	_ =	sdelay $0x4  }
0x31: {  	v50 =	vshll.u32 v3, $0x1  }
0x32: {  	v3 =	vand.u32 $0x7, v3;
	v4 =	vand.u32 $0xFFFFFFF0, v50  }
0x33: {  	v3 =	vor.u32 v3, v4  }
0x34: {  	v4 =	vperm.xlane v3, v0;
	_ =	sdelay $0x1  }
0x35: {  	v3 =	vperm.xlane v3, v2;
	v4 =	vadd.s32 v1, v4;
	_ =	sdelay $0x1  }
0x36: {  	v3 =	vadd.s32 v1, v3;
	_ =	sdelay $0x1  }
0x37: {  	s0 =	rddreg [dreg:$0x7]  }
0x38: {  	[tilespmem:s0], [sflag:$0x1] =	stream.indirect_vreg.gather [hbm4b:s3+s2], $0x80, v4, vm0, $0xb8;
	[tilespmem:$0x10100] =	vst v63  }
0x39: {  	s7 =	rddreg [dreg:$0x8]  }
0x3a: {  	[tilespmem:s7], [sflag:$0x1] =	stream.indirect_vreg.gather [hbm4b:s3+s2], $0x80, v3, vm0, $0xb8;
	[tilespmem:$0x10100] =	vst v63  }
0x3b: {  	v3 =	vld [tilespmem:$0x30];
	_ =	sdelay $0x4  }
0x3c: {  	v51 =	vshll.u32 v3, $0x1  }
0x3d: {  	v3 =	vand.u32 $0x7, v3;
	v4 =	vand.u32 $0xFFFFFFF0, v51  }
0x3e: {  	v3 =	vor.u32 v3, v4  }
0x3f: {  	v4 =	vperm.xlane v3, v0;
	_ =	sdelay $0x1  }
0x40: {  	v3 =	vperm.xlane v3, v2;
	v4 =	vadd.s32 v1, v4;
	_ =	sdelay $0x1  }
0x41: {  	v3 =	vadd.s32 v1, v3;
	_ =	sdelay $0x1  }
0x42: {  	s0 =	rddreg [dreg:$0x9]  }
0x43: {  	[tilespmem:s0], [sflag:$0x1] =	stream.indirect_vreg.gather [hbm4b:s3+s2], $0x80, v4, vm0, $0xb8;
	[tilespmem:$0x10100] =	vst v63  }
0x44: {  	s7 =	rddreg [dreg:$0xa]  }
0x45: {  	[tilespmem:s7], [sflag:$0x1] =	stream.indirect_vreg.gather [hbm4b:s3+s2], $0x80, v3, vm0, $0xb8;
	[tilespmem:$0x10100] =	vst v63  }
0x46: {  	v3 =	vld [tilespmem:$0x40];
	_ =	sdelay $0x4  }
0x47: {  	v52 =	vshll.u32 v3, $0x1  }
0x48: {  	v3 =	vand.u32 $0x7, v3;
	v4 =	vand.u32 $0xFFFFFFF0, v52  }
0x49: {  	v3 =	vor.u32 v3, v4  }
0x4a: {  	v4 =	vperm.xlane v3, v0;
	_ =	sdelay $0x1  }
0x4b: {  	v3 =	vperm.xlane v3, v2;
	v4 =	vadd.s32 v1, v4;
	_ =	sdelay $0x1  }
0x4c: {  	v3 =	vadd.s32 v1, v3;
	_ =	sdelay $0x1  }
0x4d: {  	s7 =	simm.s32 $0x4100  }
0x4e: {  	[tilespmem:s7], [sflag:$0x1] =	stream.indirect_vreg.gather [hbm4b:s3+s2], $0x80, v4, vm0, $0xb8;
	[tilespmem:$0x10100] =	vst v63  }
0x4f: {  	_ = 	snop  }
0x50: {  	[tilespmem:s8], [sflag:$0x1] =	stream.indirect_vreg.gather [hbm4b:s3+s2], $0x80, v3, vm0, $0xb8;
	[tilespmem:$0x10100] =	vst v63  }
0x51: {  	v3 =	vld [tilespmem:$0x50];
	_ =	sdelay $0x4  }
0x52: {  	v53 =	vshll.u32 v3, $0x1  }
0x53: {  	v3 =	vand.u32 $0x7, v3;
	v4 =	vand.u32 $0xFFFFFFF0, v53  }
0x54: {  	v3 =	vor.u32 v3, v4  }
0x55: {  	v4 =	vperm.xlane v3, v0;
	_ =	sdelay $0x1  }
0x56: {  	v3 =	vperm.xlane v3, v2;
	v4 =	vadd.s32 v1, v4;
	_ =	sdelay $0x1  }
0x57: {  	v3 =	vadd.s32 v1, v3;
	_ =	sdelay $0x2  }
0x58: {  	[tilespmem:s9], [sflag:$0x1] =	stream.indirect_vreg.gather [hbm4b:s3+s2], $0x80, v4, vm0, $0xb8;
	[tilespmem:$0x10100] =	vst v63  }
0x59: {  	_ = 	snop  }
0x5a: {  	[tilespmem:s10], [sflag:$0x1] =	stream.indirect_vreg.gather [hbm4b:s3+s2], $0x80, v3, vm0, $0xb8;
	[tilespmem:$0x10100] =	vst v63  }
0x5b: {  	v3 =	vld [tilespmem:$0x60];
	_ =	sdelay $0x4  }
0x5c: {  	v54 =	vshll.u32 v3, $0x1  }
0x5d: {  	v3 =	vand.u32 $0x7, v3;
	v4 =	vand.u32 $0xFFFFFFF0, v54  }
0x5e: {  	v3 =	vor.u32 v3, v4  }
0x5f: {  	v4 =	vperm.xlane v3, v0;
	_ =	sdelay $0x1  }
0x60: {  	v3 =	vperm.xlane v3, v2;
	v4 =	vadd.s32 v1, v4;
	_ =	sdelay $0x1  }
0x61: {  	v3 =	vadd.s32 v1, v3;
	_ =	sdelay $0x2  }
0x62: {  	[tilespmem:s11], [sflag:$0x1] =	stream.indirect_vreg.gather [hbm4b:s3+s2], $0x80, v4, vm0, $0xb8;
	[tilespmem:$0x10100] =	vst v63  }
0x63: {  	_ = 	snop  }
0x64: {  	[tilespmem:s12], [sflag:$0x1] =	stream.indirect_vreg.gather [hbm4b:s3+s2], $0x80, v3, vm0, $0xb8;
	[tilespmem:$0x10100] =	vst v63  }
0x65: {  	v3 =	vld [tilespmem:$0x70];
	_ =	sdelay $0x4  }
0x66: {  	v55 =	vshll.u32 v3, $0x1  }
0x67: {  	v3 =	vand.u32 $0x7, v3;
	v4 =	vand.u32 $0xFFFFFFF0, v55  }
0x68: {  	v3 =	vor.u32 v3, v4  }
0x69: {  	v4 =	vperm.xlane v3, v0;
	_ =	sdelay $0x1  }
0x6a: {  	v3 =	vperm.xlane v3, v2;
	v4 =	vadd.s32 v1, v4;
	_ =	sdelay $0x1  }
0x6b: {  	v3 =	vadd.s32 v1, v3;
	_ =	sdelay $0x2  }
0x6c: {  	[tilespmem:s13], [sflag:$0x1] =	stream.indirect_vreg.gather [hbm4b:s3+s2], $0x80, v4, vm0, $0xb8;
	[tilespmem:$0x10100] =	vst v63  }
0x6d: {  	_ = 	snop  }
0x6e: {  	[tilespmem:s14], [sflag:$0x1] =	stream.indirect_vreg.gather [hbm4b:s3+s2], $0x80, v3, vm0, $0xb8;
	[tilespmem:$0x10100] =	vst v63  }
0x6f: {  	_ =	swait.ge [sflag:s15], $0x8000  }
0x70: {  	[sflag:s15] =	ssyncset.done $0x0  }
0x71: {  	[sflag:s15] =	ssyncadd.s32 $0xFFFF8000  }
0x72: {  	v3 =	vld [tilespmem:$0x80];
	_ =	sdelay $0x4  }
0x73: {  	v56 =	vshll.u32 v3, $0x1  }
0x74: {  	v3 =	vand.u32 $0x7, v3;
	v4 =	vand.u32 $0xFFFFFFF0, v56  }
0x75: {  	v3 =	vor.u32 v3, v4  }
0x76: {  	v4 =	vperm.xlane v3, v0;
	_ =	sdelay $0x1  }
0x77: {  	v3 =	vperm.xlane v3, v2;
	v4 =	vadd.s32 v1, v4;
	_ =	sdelay $0x1  }
0x78: {  	v3 =	vadd.s32 v1, v3;
	_ =	sdelay $0x2  }
0x79: {  	[tilespmem:s16], [sflag:$0x1] =	stream.indirect_vreg.gather [hbm4b:s3+s2], $0x80, v4, vm0, $0xb8;
	[tilespmem:$0x10100] =	vst v63  }
0x7a: {  	_ = 	snop  }
0x7b: {  	[tilespmem:s17], [sflag:$0x1] =	stream.indirect_vreg.gather [hbm4b:s3+s2], $0x80, v3, vm0, $0xb8;
	[tilespmem:$0x10100] =	vst v63  }
0x7c: {  	v3 =	vld [tilespmem:$0x90];
	_ =	sdelay $0x4  }
0x7d: {  	v57 =	vshll.u32 v3, $0x1  }
0x7e: {  	v3 =	vand.u32 $0x7, v3;
	v4 =	vand.u32 $0xFFFFFFF0, v57  }
0x7f: {  	v3 =	vor.u32 v3, v4  }
0x80: {  	v4 =	vperm.xlane v3, v0;
	_ =	sdelay $0x1  }
0x81: {  	v3 =	vperm.xlane v3, v2;
	v4 =	vadd.s32 v1, v4;
	_ =	sdelay $0x1  }
0x82: {  	v3 =	vadd.s32 v1, v3;
	_ =	sdelay $0x2  }
0x83: {  	[tilespmem:s18], [sflag:$0x1] =	stream.indirect_vreg.gather [hbm4b:s3+s2], $0x80, v4, vm0, $0xb8;
	[tilespmem:$0x10100] =	vst v63  }
0x84: {  	_ = 	snop  }
0x85: {  	[tilespmem:s19], [sflag:$0x1] =	stream.indirect_vreg.gather [hbm4b:s3+s2], $0x80, v3, vm0, $0xb8;
	[tilespmem:$0x10100] =	vst v63  }
0x86: {  	v3 =	vld [tilespmem:$0xA0];
	_ =	sdelay $0x4  }
0x87: {  	v58 =	vshll.u32 v3, $0x1  }
0x88: {  	v3 =	vand.u32 $0x7, v3;
	v4 =	vand.u32 $0xFFFFFFF0, v58  }
0x89: {  	v3 =	vor.u32 v3, v4  }
0x8a: {  	v4 =	vperm.xlane v3, v0;
	_ =	sdelay $0x1  }
0x8b: {  	v3 =	vperm.xlane v3, v2;
	v4 =	vadd.s32 v1, v4;
	_ =	sdelay $0x1  }
0x8c: {  	v3 =	vadd.s32 v1, v3;
	_ =	sdelay $0x2  }
0x8d: {  	[tilespmem:s20], [sflag:$0x1] =	stream.indirect_vreg.gather [hbm4b:s3+s2], $0x80, v4, vm0, $0xb8;
	[tilespmem:$0x10100] =	vst v63  }
0x8e: {  	_ = 	snop  }
0x8f: {  	[tilespmem:s21], [sflag:$0x1] =	stream.indirect_vreg.gather [hbm4b:s3+s2], $0x80, v3, vm0, $0xb8;
	[tilespmem:$0x10100] =	vst v63  }
0x90: {  	v3 =	vld [tilespmem:$0xB0];
	_ =	sdelay $0x4  }
0x91: {  	v59 =	vshll.u32 v3, $0x1  }
0x92: {  	v3 =	vand.u32 $0x7, v3;
	v4 =	vand.u32 $0xFFFFFFF0, v59  }
0x93: {  	v3 =	vor.u32 v3, v4  }
0x94: {  	v4 =	vperm.xlane v3, v0;
	_ =	sdelay $0x1  }
0x95: {  	v3 =	vperm.xlane v3, v2;
	v4 =	vadd.s32 v1, v4;
	_ =	sdelay $0x1  }
0x96: {  	v3 =	vadd.s32 v1, v3;
	_ =	sdelay $0x2  }
0x97: {  	[tilespmem:s22], [sflag:$0x1] =	stream.indirect_vreg.gather [hbm4b:s3+s2], $0x80, v4, vm0, $0xb8;
	[tilespmem:$0x10100] =	vst v63  }
0x98: {  	_ = 	snop  }
0x99: {  	[tilespmem:s23], [sflag:$0x1] =	stream.indirect_vreg.gather [hbm4b:s3+s2], $0x80, v3, vm0, $0xb8;
	[tilespmem:$0x10100] =	vst v63  }
0x9a: {  	v3 =	vld [tilespmem:$0xC0];
	_ =	sdelay $0x4  }
0x9b: {  	v60 =	vshll.u32 v3, $0x1  }
0x9c: {  	v3 =	vand.u32 $0x7, v3;
	v4 =	vand.u32 $0xFFFFFFF0, v60  }
0x9d: {  	v3 =	vor.u32 v3, v4  }
0x9e: {  	v4 =	vperm.xlane v3, v0;
	_ =	sdelay $0x1  }
0x9f: {  	v3 =	vperm.xlane v3, v2;
	v4 =	vadd.s32 v1, v4;
	_ =	sdelay $0x1  }
0xa0: {  	v3 =	vadd.s32 v1, v3;
	_ =	sdelay $0x2  }
0xa1: {  	[tilespmem:s24], [sflag:$0x1] =	stream.indirect_vreg.gather [hbm4b:s3+s2], $0x80, v4, vm0, $0xb8;
	[tilespmem:$0x10100] =	vst v63  }
0xa2: {  	_ = 	snop  }
0xa3: {  	[tilespmem:s25], [sflag:$0x1] =	stream.indirect_vreg.gather [hbm4b:s3+s2], $0x80, v3, vm0, $0xb8;
	[tilespmem:$0x10100] =	vst v63  }
0xa4: {  	v3 =	vld [tilespmem:$0xD0];
	_ =	sdelay $0x4  }
0xa5: {  	v61 =	vshll.u32 v3, $0x1  }
0xa6: {  	v3 =	vand.u32 $0x7, v3;
	v4 =	vand.u32 $0xFFFFFFF0, v61  }
0xa7: {  	v3 =	vor.u32 v3, v4  }
0xa8: {  	v4 =	vperm.xlane v3, v0;
	_ =	sdelay $0x1  }
0xa9: {  	v3 =	vperm.xlane v3, v2;
	v4 =	vadd.s32 v1, v4;
	_ =	sdelay $0x1  }
0xaa: {  	v3 =	vadd.s32 v1, v3;
	_ =	sdelay $0x2  }
0xab: {  	[tilespmem:s26], [sflag:$0x1] =	stream.indirect_vreg.gather [hbm4b:s3+s2], $0x80, v4, vm0, $0xb8;
	[tilespmem:$0x10100] =	vst v63  }
0xac: {  	_ = 	snop  }
0xad: {  	[tilespmem:s28], [sflag:$0x1] =	stream.indirect_vreg.gather [hbm4b:s3+s2], $0x80, v3, vm0, $0xb8;
	[tilespmem:$0x10100] =	vst v63  }
0xae: {  	v3 =	vld [tilespmem:$0xE0];
	_ =	sdelay $0x4  }
0xaf: {  	v62 =	vshll.u32 v3, $0x1  }
0xb0: {  	v3 =	vand.u32 $0x7, v3;
	v4 =	vand.u32 $0xFFFFFFF0, v62  }
0xb1: {  	v3 =	vor.u32 v3, v4  }
0xb2: {  	v4 =	vperm.xlane v3, v0;
	_ =	sdelay $0x1  }
0xb3: {  	v3 =	vperm.xlane v3, v2;
	v4 =	vadd.s32 v1, v4;
	_ =	sdelay $0x1  }
0xb4: {  	v3 =	vadd.s32 v1, v3;
	_ =	sdelay $0x2  }
0xb5: {  	[tilespmem:s29], [sflag:$0x1] =	stream.indirect_vreg.gather [hbm4b:s3+s2], $0x80, v4, vm0, $0xb8;
	[tilespmem:$0x10100] =	vst v63  }
0xb6: {  	_ = 	snop  }
0xb7: {  	[tilespmem:s30], [sflag:$0x1] =	stream.indirect_vreg.gather [hbm4b:s3+s2], $0x80, v3, vm0, $0xb8;
	[tilespmem:$0x10100] =	vst v63  }
0xb8: {  	v3 =	vld [tilespmem:$0xF0];
	_ =	sdelay $0x4  }
0xb9: {  	v63 =	vshll.u32 v3, $0x1  }
0xba: {  	v3 =	vand.u32 $0x7, v3;
	v4 =	vand.u32 $0xFFFFFFF0, v63  }
0xbb: {  	v3 =	vor.u32 v3, v4  }
0xbc: {  	v4 =	vperm.xlane v3, v0;
	_ =	sdelay $0x1  }
0xbd: {  	v3 =	vperm.xlane v3, v2;
	v4 =	vadd.s32 v1, v4;
	_ =	sdelay $0x1  }
0xbe: {  	v3 =	vadd.s32 v1, v3;
	_ =	sdelay $0x2  }
0xbf: {  	[tilespmem:s31], [sflag:$0x1] =	stream.indirect_vreg.gather [hbm4b:s3+s2], $0x80, v4, vm0, $0xb8;
	[tilespmem:$0x10100] =	vst v63  }
0xc0: {  	_ = 	snop  }
0xc1: {  	[tilespmem:s1], [sflag:$0x1] =	stream.indirect_vreg.gather [hbm4b:s3+s2], $0x80, v3, vm0, $0xb8;
	[tilespmem:$0x10100] =	vst v63  }
0xc2: {  	_ =	swait.ge [sflag:s15], $0x8000  }
0xc3: {  	p0 =	sne.s32 s4, $0x1;
	[sflag:s15] =	ssyncset.done $0x0  }
.Ltmp0:
0xc4: {  	s7 =	rddreg [dreg:$0x3];
	[sflag:s15] =	ssyncadd.s32 $0xFFFF8000;
	(pc) =	sbr.rel @p0 .LBB2_1-.Ltmp0, $4  }
0xc5: {  	[hbm4b:s7+s2] =	stream.linear.scatter [tilespmem:s6], [sflag:$0x2], $0x10000, $0x38;
	[tilespmem:$0x10100] =	vst v63  }
0xc6: {  	_ =	swait.ge [sflag:s5], $0x10000  }
0xc7: {  	[sflag:s5] =	ssyncset.done $0x0  }
0xc8: {  	s4 =	sadd.s32 $0xFFFFFFFF, s4;
	[sflag:s5] =	ssyncadd.s32 $0xFFFF0000  }
0xc9: {  	_ =	sfence.sel $0x180000  }
0xca: {  	[bflag:$0x0] =	sbarrier.arrive $0xFFFF  }
0xcb: {  	_ =	strace $0x90000056  }
0xcc: {  	s0 =	stileid.u32;
	[bflag:$0x2] =	sbarrier.arrive $0xFFFF  }
0xcd: {  	p0 =	sne.s32 s0, $0x0;
	s0 =	rddreg [dreg:$0x1]  }
0xce: {  	s0 =	sadd.s32 @!p0 $0x100000, s0  }
0xcf: {  	[sflag:s0] =	ssyncadd.tile.s32 @!p0 $0x1;
	_ =	shalt  }
.Lfunc_end2:
_tile_overlayer_lowered:
.L_overlay_start_2:
0xd0: {  	(tag) =	ssettag $0x2  }
0xd1: {  	s0 =	rddreg [dreg:$0x0];
	s2 =	stileid.u32  }
0xd2: {  	s1 =	rddreg [dreg:$0x1];
	p0 =	sne.s32 s2, $0x0  }
0xd3: {  	s3 =	rddreg [dreg:$0x2];
	[bflag:$0x3] =	sbarrier.arrive $0xFFFF;
	s2 =	simm.s32 @!p0 $0x1C02  }
0xd4: {  	[timem:s3], [sflag:s2] =	dma.local @!p0 [hbm:s0], s1  }
0xd5: {  	s0 =	simm.s32 @!p0 $0x2  }
0xd6: {  	_ =	swait.ge @!p0 [sflag:s0], s1  }
0xd7: {  	s1 =	ssub.s32 @!p0 $0x0, s1;
	[sflag:s0] =	ssyncset.done @!p0 $0x0  }
0xd8: {  	[sflag:s0] =	ssyncadd.s32 @!p0 s1  }
0xd9: {  	[bflag:$0x3] =	sbarrier.arrive $0xFFFF  }
0xda: {  	_ =	shalt  }

// kernel: kernel.40.cloned.1.call-start
scs
__scs_entry_jumppad:
0x0: {  	(pc) =	sbr.rel $0x88, $3  }
0x1: {  	(tag) =	ssettag $0x0;
	lr =	simm.s32 $0x1  }
0x2: {  	[smem:$0x3F88] =	sst lr;
	_ =	strace $0xD0000000  }
0x3: {  	_ = 	snop  }
0x4: {  	_ = 	snop  }
0x5: {  	_ = 	snop  }
0x6: {  	_ = 	snop  }
0x7: {  	_ = 	snop  }
__scs_overlays_trampoline_lowered:
0x8: {  	[smem:$0x3F97] =	sst s0  }
0x9: {  	[smem:$0x3F98] =	sst s1  }
0xa: {  	[smem:$0x3F99] =	sst s2  }
0xb: {  	[smem:$0x3F9A] =	sst s3  }
0xc: {  	[smem:$0x3F9B] =	sst s4  }
0xd: {  	[smem:$0x3F9C] =	sst s5  }
0xe: {  	[smem:$0x3F9D] =	sst s6  }
0xf: {  	[smem:$0x3F9E] =	sst s7  }
0x10: {  	[smem:$0x3F9F] =	sst s8  }
0x11: {  	[smem:$0x3FA0] =	sst s9;
	s0 =	simm.s32 @!p0 $0x0  }
0x12: {  	s1 =	sld [smem:$0x3F86];
	s0 =	simm.s32 @p0 $0x1  }
0x13: {  	[smem:$0x3FA1] =	sst s0;
	s0 =	simm.s32 @!p1 $0x0  }
0x14: {  	s2 =	sld [smem:$0x3F85];
	s0 =	simm.s32 @p1 $0x1  }
0x15: {  	[smem:$0x3FA2] =	sst s0;
	s0 =	simm.s32 @!p2 $0x0  }
0x16: {  	s3 =	sld [smem:$0x3FDB];
	s0 =	simm.s32 @p2 $0x1  }
0x17: {  	s4 =	simm.s32 $0x1BF5;
	[smem:$0x3FA4] =	sst s0  }
0x18: {  	s0 =	sld [smem:$0x3F87];
	_ =	swait.ge [sflag:s4], $0x0  }
0x19: {  	s7 =	sld [smem:$0x3F88]  }
0x1a: {  	s8 =	sadd.s32 $0xFFFFE003, lr  }
0x1b: {  	s9 =	sadd.s32 $0xFFFFFEF7, lr;
	s5 =	simm.s32 $0xFFFFFFFF;
	p2 =	slt.u32 s8, $0xFFFFF086  }
0x1c: {  	p1 =	slt.u32 s9, $0xF7A;
	s5 =	simm.s32 @!p2 $0x0  }
0x1d: {  	s5 =	simm.s32 @p1 $0x1;
	p0 =	seq.s32 s7, s2  }
0x1e: {  	s7 =	smul.u32 @!p0 $0xF7A, s2;
	p2 =	seq.s32 @!p0 s5, $0x0  }
0x1f: {  	s9 =	smul.u32 $0xF7A, s1;
	s8 =	simm.s32 @!p0 $0x1BF5;
	p2 =	por !p2, p0  }
0x20: {  	[sflag:s8] =	ssyncset.s32 @!p0 $0xFFFFF086;
	s6 =	sadd.s32 @!p0 s3, s7;
	s7 =	simm.s32 @!p0 $0x108  }
0x21: {  	s3 =	sadd.s32 s3, s9;
	s6 =	sadd.s32 @!p0 $0x88, s6;
	s7 =	simm.s32 @p2 $0x1082  }
0x22: {  	[simem:s7], [sflag:s8] =	dma.local @!p0 [hbm:s6], $0xF7A  }
0x23: {  	s9 =	sor.u32 $0xD0000000, s2;
	s6 =	simm.s32 $0x108;
	_ =	swait.ge @!p0 [sflag:s8], $0x0  }
0x24: {  	s3 =	sadd.s32 $0x88, s3;
	s6 =	simm.s32 @!p1 $0x1082;
	[sflag:s4] =	ssyncset.s32 $0xFFFFF086  }
0x25: {  	[simem:s6], [sflag:s4] =	dma.local [hbm:s3], $0xF7A  }
0x26: {  	[smem:$0x3F88] =	sst s1;
	(tag) =	ssettag s2;
	_ =	strace s9  }
0x27: {  	s1 =	sld [smem:$0x3F98]  }
0x28: {  	s2 =	sld [smem:$0x3F99]  }
0x29: {  	s4 =	sld [smem:$0x3F9B]  }
0x2a: {  	p0 =	seq.s32 s5, $0x0;
	s5 =	sld [smem:$0x3F9C]  }
0x2b: {  	s6 =	sld [smem:$0x3F9D]  }
0x2c: {  	s7 =	sld [smem:$0x3F9E]  }
0x2d: {  	s3 =	simm.s32 $0x108;
	s8 =	sld [smem:$0x3F9F]  }
0x2e: {  	s3 =	simm.s32 @!p0 $0x1082;
	s9 =	sld [smem:$0x3FA0]  }
0x2f: {  	lr =	sadd.s32 s0, s3;
	s0 =	sld [smem:$0x3F97]  }
0x30: {  	s3 =	sld [smem:$0x3F9A]  }
0x31: {  	[smem:$0x3FA3] =	sst s10  }
0x32: {  	s10 =	sld [smem:$0x3FA1];
	_ =	sdelay $0x3  }
0x33: {  	p0 =	seq.s32 s10, $0x1;
	s10 =	sld [smem:$0x3FA3];
	_ =	sdelay $0x3  }
0x34: {  	[smem:$0x3FA3] =	sst s10  }
0x35: {  	s10 =	sld [smem:$0x3FA2];
	_ =	sdelay $0x3  }
0x36: {  	p1 =	seq.s32 s10, $0x1;
	s10 =	sld [smem:$0x3FA3];
	_ =	sdelay $0x3  }
0x37: {  	[smem:$0x3FA3] =	sst s10  }
0x38: {  	s10 =	sld [smem:$0x3FA4]  }
0x39: {  	_ = 	snop;
	(pc) =	sbr.ind lr, $3  }
0x3a: {  	_ = 	snop  }
0x3b: {  	_ = 	snop  }
0x3c: {  	p2 =	seq.s32 s10, $0x1;
	s10 =	sld [smem:$0x3FA3]  }
0x3d: {  	_ =	shalt  }
0x3e: {  	_ =	shalt  }
0x3f: {  	_ =	shalt  }
0x40: {  	_ =	shalt  }
0x41: {  	_ =	shalt  }
0x42: {  	_ =	shalt  }
0x43: {  	_ =	shalt  }
0x44: {  	_ =	shalt  }
0x45: {  	_ =	shalt  }
0x46: {  	_ =	shalt  }
0x47: {  	_ =	shalt  }
0x48: {  	_ =	shalt  }
0x49: {  	_ =	shalt  }
0x4a: {  	_ =	shalt  }
0x4b: {  	_ =	shalt  }
0x4c: {  	_ =	shalt  }
0x4d: {  	_ =	shalt  }
0x4e: {  	_ =	shalt  }
0x4f: {  	_ =	shalt  }
0x50: {  	_ =	shalt  }
0x51: {  	_ =	shalt  }
0x52: {  	_ =	shalt  }
0x53: {  	_ =	shalt  }
0x54: {  	_ =	shalt  }
0x55: {  	_ =	shalt  }
0x56: {  	_ =	shalt  }
0x57: {  	_ =	shalt  }
0x58: {  	_ =	shalt  }
0x59: {  	_ =	shalt  }
0x5a: {  	_ =	shalt  }
0x5b: {  	_ =	shalt  }
0x5c: {  	_ =	shalt  }
0x5d: {  	_ =	shalt  }
0x5e: {  	_ =	shalt  }
0x5f: {  	_ =	shalt  }
0x60: {  	_ =	shalt  }
0x61: {  	_ =	shalt  }
0x62: {  	_ =	shalt  }
0x63: {  	_ =	shalt  }
0x64: {  	_ =	shalt  }
0x65: {  	_ =	shalt  }
0x66: {  	_ =	shalt  }
0x67: {  	_ =	shalt  }
0x68: {  	_ =	shalt  }
0x69: {  	_ =	shalt  }
0x6a: {  	_ =	shalt  }
0x6b: {  	_ =	shalt  }
0x6c: {  	_ =	shalt  }
0x6d: {  	_ =	shalt  }
0x6e: {  	_ =	shalt  }
0x6f: {  	_ =	shalt  }
0x70: {  	_ =	shalt  }
0x71: {  	_ =	shalt  }
0x72: {  	_ =	shalt  }
0x73: {  	_ =	shalt  }
0x74: {  	_ =	shalt  }
0x75: {  	_ =	shalt  }
0x76: {  	_ =	shalt  }
0x77: {  	_ =	shalt  }
0x78: {  	_ =	shalt  }
0x79: {  	_ =	shalt  }
0x7a: {  	_ =	shalt  }
0x7b: {  	_ =	shalt  }
0x7c: {  	_ =	shalt  }
0x7d: {  	_ =	shalt  }
0x7e: {  	_ =	shalt  }
0x7f: {  	_ =	shalt  }
0x80: {  	_ =	shalt  }
0x81: {  	_ =	shalt  }
0x82: {  	_ =	shalt  }
0x83: {  	_ =	shalt  }
0x84: {  	_ =	shalt  }
0x85: {  	_ =	shalt  }
0x86: {  	_ =	shalt  }
0x87: {  	_ =	shalt  }
.Lfunc_end0:
.L_simem_size_0:
called_computation.7_lowered:
.L_overlay_start_0:
0x88: {  	s2 =	sld [smem:$0x3FD9]  }
0x89: {  	s3 =	sld [smem:$0x3FFE];
	_ =	sdelay $0x1  }
0x8a: {  	s1 =	srdreg.scid  }
0x8b: {  	s0 =	sand.u32 $0x1, s1  }
0x8c: {  	s16 =	sshll.u32 s0, $0xA;
	s2 =	sadd.s32 s3, s2  }
0x8d: {  	s2 =	sadd.s32 s2, s16  }
0x8e: {  	[smem:$0x3FAF] =	sst s2  }
0x8f: {  	_ = 	snop  }
0x90: {  	(tm) =	ssettm $0x1  }
0x91: {  	s17 =	sld [smem:$0x3FFB];
	_ =	sdelay $0x3  }
0x92: {  	_ =	strace s17  }
0x93: {  	s2 =	sld [smem:$0x3FFC];
	_ =	sdelay $0x3  }
0x94: {  	_ =	strace s2  }
0x95: {  	s2 =	sld [smem:$0x3FFD];
	_ =	sdelay $0x3  }
0x96: {  	_ =	strace s2  }
0x97: {  	_ =	strace $0x8FFFFFFF  }
0x98: {  	s18 =	sld [smem:$0x3FDB];
	_ =	sdelay $0x1  }
0x99: {  	s19 =	simm.s32 $_scs_section_size  }
0x9a: {  	s4 =	simm.s32 $_size__tile_overlayer_lowered;
	s5 =	simm.s32 $_tile_overlayer_lowered  }
0x9b: {  	s22 =	simm.s32 $0x1BFF;
	s21 =	sshll.u32 s5, $0x1;
	s2 =	sadd.s32 s19, s18  }
0x9c: {  	s6 =	simm.s32 $0x0;
	s20 =	sshll.u32 s4, $0x1;
	s4 =	sadd.s32 s21, s2  }
0x9d: {  	[timem:s6], [sflag:s22] =	dma.local [hbm:s4], s20  }
0x9e: {  	_ =	swait.ge [sflag:s22], s20  }
0x9f: {  	s3 =	ssub.s32 $0x0, s20;
	[sflag:s22] =	ssyncset.done $0x0  }
0xa0: {  	[sflag:s22] =	ssyncadd.s32 s3;
	_ =	sdelay $0x1  }
0xa1: {  	s23 =	simm.s32 $0x1B8B  }
0xa2: {  	_ =	swait.ge [sflag:s23], $0x1  }
0xa3: {  	[sflag:s23] =	ssyncset.done $0x0  }
0xa4: {  	s25 =	simm.s32 $0x1B8E;
	s24 =	sld [smem:$0x3FFE];
	[sflag:s23] =	ssyncadd.s32 $0xFFFFFFFF  }
0xa5: {  	s26 =	simm.s32 $execute0_lowered;
	[smem:$0x3FD2] =	sst s25  }
0xa6: {  	s4 =	sshll.u32 s26, $0x1;
	_ =	strace $0x80000058;
	[dreg:$0x1] =	wrdreg $0xFFFFFFFF  }
0xa7: {  	s28 =	simm.s32 $_size_execute0_lowered;
	s2 =	sadd.s32 s2, s4;
	[dreg:$0x0] =	wrdreg $0x0  }
0xa8: {  	s4 =	sshll.u32 s28, $0x1;
	[dreg:$0x2] =	wrdreg s2  }
0xa9: {  	[dreg:$0x3] =	wrdreg s4  }
0xaa: {  	[dreg:$0x4] =	wrdreg $0xC0  }
0xab: {  	_ =	task [dreg:s6], $0x5FFFF  }
0xac: {  	[dreg:$0x1] =	wrdreg $0xFFFFFFFF  }
0xad: {  	[dreg:$0x0] =	wrdreg $0x60  }
0xae: {  	[dreg:$0x2] =	wrdreg s24  }
0xaf: {  	[dreg:$0x3] =	wrdreg $0x81000  }
0xb0: {  	[dreg:$0x4] =	wrdreg $0xA  }
0xb1: {  	_ =	task.clear_ibuf [dreg:s6], $0x5FFFF;
	_ =	strace $0x90000058  }
0xb2: {  	s29 =	simm.s32 $0xA;
	_ =	strace $0x8000005A  }
0xb3: {  	_ =	swait.ge [sflag:s29], $0x1  }
0xb4: {  	[sflag:s29] =	ssyncadd.s32 $0xFFFFFFFF  }
0xb5: {  	_ =	strace $0x9000005A  }
0xb6: {  	_ =	sfence  }
0xb7: {  	s30 =	sld [smem:$0x0];
	_ =	sdelay $0x2  }
0xb8: {  	s31 =	sshll.u32 s1, $0xD;
	s1 =	sshrl.u32 s1, $0x2  }
0xb9: {  	s3 =	sand.u32 $0x4000, s31;
	s1 =	sadd.s32 s1, s30  }
0xba: {  	s0 =	sor.u32 s3, s0;
	s1 =	sshll.u32 s1, $0x11  }
0xbb: {  	s0 =	sor.u32 s1, s0  }
0xbc: {  	s0 =	sadd.s32 $0x8F2B, s0  }
0xbd: {  	[sflag:s0] =	ssyncadd.remote.s32 $0x1  }
0xbe: {  	_ =	sfence.sel $0xFFFF  }
0xbf: {  	[dreg:$0x0] =	wrdreg $0xFFFFFFFF;
	(pc) =	sbr.abs _section_cstart, $3  }
0xc0: {  	[dreg:$0x1] =	wrdreg $0xFFFFFFFF  }
0xc1: {  	_ =	task.clear_ibuf [dreg:s6], $0x2FFFF;
	_ =	strace $0x9FFFFFFF  }
0xc2: {  	(tm) =	ssettm $0x7FFFFFFF  }
0xc3: {  	_ =	shalt  }
tec
execute0_lowered:
.L_overlay_start_1:
0x0: {  	(tag) =	ssettag $0x1  }
0x1: {  	s1 =	srdreg.scid;
	s0 =	stileid.u32  }
0x2: {  	s15 =	rddreg [dreg:$0x0];
	s18 =	sand.u32 $0x1, s1;
	s4 =	sshll.u32 s0, $0x1  }
0x3: {  	s2 =	rddreg [dreg:$0x1];
	s3 =	simm.s32 $0x0;
	s9 =	sor.u32 s18, s4  }
0x4: {  	s5 =	simm.s32 $0x1;
	s1 =	rddreg [dreg:$0x2];
	s4 =	sshll.u32 s9, $0x5  }
0x5: {  	[smem:$0x7FF] =	sst s3;
	s6 =	sshll.u32 s0, $0xC;
	s4 =	sadd.s32 s4, s15  }
0x6: {  	s7 =	sshll.u32 s0, $0xF;
	_ =	strace $0x80000059;
	s4 =	sadd.s32 $0x8C00, s4  }
0x7: {  	[tilespmem:s3], [sflag:$0x1] =	stream.linear.gather [hbm4b:s4+s3], $0x100, $0x38;
	[tilespmem:$0x10100] =	vst v63  }
0x8: {  	s30 =	sshll.u32 s0, $0x6;
	s6 =	sadd.s32 s6, s15;
	_ =	swait.ge [sflag:s5], $0x100  }
0x9: {  	s8 =	sadd.s32 s7, s2;
	s7 =	sor.u32 $0x1C01, s30;
	[sflag:s5] =	ssyncset.done $0x0  }
0xa: {  	s6 =	sadd.s32 $0x39000, s6;
	s8 =	sshrl.u32 s8, $0x3;
	[sflag:s5] =	ssyncadd.s32 $0xFFFFFF00  }
0xb: {  	[spmem:s8], [sflag:s7] =	dma.local [hbm:s6], $0x1000  }
0xc: {  	_ =	swait.ge [sflag:s5], $0x1000  }
0xd: {  	s10 =	simm.s32 $0x400;
	s9 =	sshll.u32 s9, $0xD;
	[sflag:s5] =	ssyncset.done $0x0  }
0xe: {  	s11 =	simm.s32 $0x800;
	s17 =	sadd.s32 s9, s15;
	[sflag:s5] =	ssyncadd.s32 $0xFFFFF000  }
0xf: {  	s12 =	simm.s32 $0x100;
	s9 =	sadd.s32 $0x49000, s17;
	[bflag:$0x0] =	sbarrier.arrive $0xFFFF  }
0x10: {  	[tilespmem:s12], [sflag:$0x1] =	stream.strided.gather [hbm4b:s9+s10], $0x8000, s11, s10, $0x38;
	[tilespmem:$0x10100] =	vst v63  }
0x11: {  	_ =	swait.ge [sflag:s5], $0x8000  }
0x12: {  	[sflag:s5] =	ssyncset.done $0x0  }
0x13: {  	s13 =	simm.s32 $0x80;
	[sflag:s5] =	ssyncadd.s32 $0xFFFF8000  }
0x14: {  	[spmem:s2] =	stream.indirect.scatter.add.f32 [tilespmem:s12], [sflag:$0x1], $0x80, s3, s13, $0xb8;
	[tilespmem:$0x10100] =	vst v63  }
0x15: {  	_ =	swait.ge [sflag:s5], $0x4000  }
0x16: {  	[sflag:s5] =	ssyncset.done $0x0  }
0x17: {  	s14 =	simm.s32 $0x4100;
	[sflag:s5] =	ssyncadd.s32 $0xFFFFC000  }
0x18: {  	[spmem:s2] =	stream.indirect.scatter.add.f32 [tilespmem:s14], [sflag:$0x1], $0x80, s13, s13, $0xb8;
	[tilespmem:$0x10100] =	vst v63  }
0x19: {  	s16 =	sshll.u32 s0, $0xD;
	s19 =	sshll.u32 s18, $0x11;
	_ =	swait.ge [sflag:s5], $0x4000  }
0x1a: {  	s16 =	sor.u32 s16, s19;
	[sflag:s5] =	ssyncset.done $0x0  }
0x1b: {  	s19 =	sadd.s32 s16, s15;
	[sflag:s5] =	ssyncadd.s32 $0xFFFFC000  }
0x1c: {  	s16 =	simm.s32 $0x8;
	s15 =	sadd.s32 $0x89000, s19;
	[bflag:$0x0] =	sbarrier.arrive $0xFFFF  }
0x1d: {  	[hbm:s15@s12], [sflag:s7] =	dma.strided [spmem:s8@s13], $0x1000, s16, $0x10   }
0x1e: {  	_ =	swait.ge [sflag:s5], $0x1000  }
0x1f: {  	[sflag:s5] =	ssyncset.done $0x0  }
0x20: {  	[sflag:s5] =	ssyncadd.s32 $0xFFFFF000  }
0x21: {  	[bflag:$0x0] =	sbarrier.arrive $0xFFFF  }
0x22: {  	[spmem:s8], [sflag:s7] =	dma.local [hbm:s6], $0x1000  }
0x23: {  	_ =	swait.ge [sflag:s5], $0x1000  }
0x24: {  	[sflag:s5] =	ssyncset.done $0x0  }
0x25: {  	[sflag:s5] =	ssyncadd.s32 $0xFFFFF000  }
0x26: {  	s17 =	sadd.s32 $0x49080, s17;
	[bflag:$0x0] =	sbarrier.arrive $0xFFFF  }
0x27: {  	[tilespmem:s12], [sflag:$0x1] =	stream.strided.gather [hbm4b:s17+s10], $0x8000, s11, s10, $0x38;
	[tilespmem:$0x10100] =	vst v63  }
0x28: {  	_ =	swait.ge [sflag:s5], $0x8000  }
0x29: {  	[sflag:s5] =	ssyncset.done $0x0  }
0x2a: {  	[sflag:s5] =	ssyncadd.s32 $0xFFFF8000  }
0x2b: {  	[spmem:s2] =	stream.indirect.scatter.add.f32 [tilespmem:s12], [sflag:$0x1], $0x80, s3, s13, $0xb8;
	[tilespmem:$0x10100] =	vst v63  }
0x2c: {  	_ =	swait.ge [sflag:s5], $0x4000  }
0x2d: {  	s18 =	ssub.s32 $0x2, s18;
	[sflag:s5] =	ssyncset.done $0x0  }
0x2e: {  	s20 =	sshrl.u32 s18, $0x1;
	[sflag:s5] =	ssyncadd.s32 $0xFFFFC000  }
0x2f: {  	[spmem:s2] =	stream.indirect.scatter.add.f32 [tilespmem:s14], [sflag:$0x1], $0x80, s13, s13, $0xb8;
	[tilespmem:$0x10100] =	vst v63  }
0x30: {  	s20 =	ssub.s32 s18, s20;
	_ =	swait.ge [sflag:s5], $0x4000  }
0x31: {  	s31 =	smax.u32 s20, $0x1;
	[sflag:s5] =	ssyncset.done $0x0  }
0x32: {  	p0 =	sne.s32 s31, $0x1;
	[sflag:s5] =	ssyncadd.s32 $0xFFFFC000  }
.Ltmp0:
0x33: {  	s18 =	sadd.s32 $0x89080, s19;
	[bflag:$0x0] =	sbarrier.arrive $0xFFFF;
	(pc) =	sbr.rel @!p0 .LBB2_2-.Ltmp0, $4  }
0x34: {  	[hbm:s18@s12], [sflag:s7] =	dma.strided [spmem:s8@s13], $0x1000, s16, $0x10   }
0x35: {  	_ =	swait.ge [sflag:s5], $0x1000  }
0x36: {  	[sflag:s5] =	ssyncset.done $0x0  }
0x37: {  	s19 =	sadd.s32 $0xFFFFFFFF, s31;
	[sflag:s5] =	ssyncadd.s32 $0xFFFFF000  }
.LBB2_1:
0x38: {  	p0 =	sne.s32 s19, $0x1;
	s19 =	sadd.s32 $0xFFFFFFFF, s19;
	[bflag:$0x0] =	sbarrier.arrive $0xFFFF  }
0x39: {  	[tilespmem:s3], [sflag:$0x1] =	stream.linear.gather [hbm4b:s4+s3], $0x100, $0x38;
	[tilespmem:$0x10100] =	vst v63  }
0x3a: {  	_ =	swait.ge [sflag:s5], $0x100  }
0x3b: {  	[sflag:s5] =	ssyncset.done $0x0  }
0x3c: {  	[sflag:s5] =	ssyncadd.s32 $0xFFFFFF00  }
0x3d: {  	[spmem:s8], [sflag:s7] =	dma.local [hbm:s6], $0x1000  }
0x3e: {  	_ =	swait.ge [sflag:s5], $0x1000  }
0x3f: {  	[sflag:s5] =	ssyncset.done $0x0  }
0x40: {  	[sflag:s5] =	ssyncadd.s32 $0xFFFFF000  }
0x41: {  	[bflag:$0x0] =	sbarrier.arrive $0xFFFF  }
0x42: {  	[tilespmem:s12], [sflag:$0x1] =	stream.strided.gather [hbm4b:s9+s10], $0x8000, s11, s10, $0x38;
	[tilespmem:$0x10100] =	vst v63  }
0x43: {  	_ =	swait.ge [sflag:s5], $0x8000  }
0x44: {  	[sflag:s5] =	ssyncset.done $0x0  }
0x45: {  	[sflag:s5] =	ssyncadd.s32 $0xFFFF8000  }
0x46: {  	[spmem:s2] =	stream.indirect.scatter.add.f32 [tilespmem:s12], [sflag:$0x1], $0x80, s3, s13, $0xb8;
	[tilespmem:$0x10100] =	vst v63  }
0x47: {  	_ =	swait.ge [sflag:s5], $0x4000  }
0x48: {  	[sflag:s5] =	ssyncset.done $0x0  }
0x49: {  	[sflag:s5] =	ssyncadd.s32 $0xFFFFC000  }
0x4a: {  	[spmem:s2] =	stream.indirect.scatter.add.f32 [tilespmem:s14], [sflag:$0x1], $0x80, s13, s13, $0xb8;
	[tilespmem:$0x10100] =	vst v63  }
0x4b: {  	_ =	swait.ge [sflag:s5], $0x4000  }
0x4c: {  	[sflag:s5] =	ssyncset.done $0x0  }
0x4d: {  	[sflag:s5] =	ssyncadd.s32 $0xFFFFC000  }
0x4e: {  	[bflag:$0x0] =	sbarrier.arrive $0xFFFF  }
0x4f: {  	[hbm:s15@s12], [sflag:s7] =	dma.strided [spmem:s8@s13], $0x1000, s16, $0x10   }
0x50: {  	_ =	swait.ge [sflag:s5], $0x1000  }
0x51: {  	[sflag:s5] =	ssyncset.done $0x0  }
0x52: {  	[sflag:s5] =	ssyncadd.s32 $0xFFFFF000  }
0x53: {  	[bflag:$0x0] =	sbarrier.arrive $0xFFFF  }
0x54: {  	[spmem:s8], [sflag:s7] =	dma.local [hbm:s6], $0x1000  }
0x55: {  	_ =	swait.ge [sflag:s5], $0x1000  }
0x56: {  	[sflag:s5] =	ssyncset.done $0x0  }
0x57: {  	[sflag:s5] =	ssyncadd.s32 $0xFFFFF000  }
0x58: {  	[bflag:$0x0] =	sbarrier.arrive $0xFFFF  }
0x59: {  	[tilespmem:s12], [sflag:$0x1] =	stream.strided.gather [hbm4b:s17+s10], $0x8000, s11, s10, $0x38;
	[tilespmem:$0x10100] =	vst v63  }
0x5a: {  	_ =	swait.ge [sflag:s5], $0x8000  }
0x5b: {  	[sflag:s5] =	ssyncset.done $0x0  }
0x5c: {  	[sflag:s5] =	ssyncadd.s32 $0xFFFF8000  }
0x5d: {  	[spmem:s2] =	stream.indirect.scatter.add.f32 [tilespmem:s12], [sflag:$0x1], $0x80, s3, s13, $0xb8;
	[tilespmem:$0x10100] =	vst v63  }
0x5e: {  	_ =	swait.ge [sflag:s5], $0x4000  }
0x5f: {  	[sflag:s5] =	ssyncset.done $0x0  }
0x60: {  	[sflag:s5] =	ssyncadd.s32 $0xFFFFC000  }
0x61: {  	[spmem:s2] =	stream.indirect.scatter.add.f32 [tilespmem:s14], [sflag:$0x1], $0x80, s13, s13, $0xb8;
	[tilespmem:$0x10100] =	vst v63  }
0x62: {  	_ =	swait.ge [sflag:s5], $0x4000  }
0x63: {  	[sflag:s5] =	ssyncset.done $0x0  }
0x64: {  	[sflag:s5] =	ssyncadd.s32 $0xFFFFC000  }
.Ltmp1:
0x65: {  	[bflag:$0x0] =	sbarrier.arrive $0xFFFF;
	(pc) =	sbr.rel @p0 .LBB2_1-.Ltmp1, $4  }
0x66: {  	[hbm:s18@s12], [sflag:s7] =	dma.strided [spmem:s8@s13], $0x1000, s16, $0x10   }
0x67: {  	_ =	swait.ge [sflag:s5], $0x1000  }
0x68: {  	[sflag:s5] =	ssyncset.done $0x0  }
0x69: {  	[sflag:s5] =	ssyncadd.s32 $0xFFFFF000  }
.LBB2_2:
0x6a: {  	[bflag:$0x0] =	sbarrier.arrive $0xFFFF  }
0x6b: {  	_ =	sfence.sel $0x180000  }
0x6c: {  	[bflag:$0x0] =	sbarrier.arrive $0xFFFF  }
0x6d: {  	p0 =	sne.s32 s0, $0x0;
	_ =	strace $0x90000059  }
0x6e: {  	s0 =	sadd.s32 @!p0 $0x100000, s1;
	[bflag:$0x2] =	sbarrier.arrive $0xFFFF  }
0x6f: {  	[sflag:s0] =	ssyncadd.tile.s32 @!p0 $0x1;
	_ =	shalt  }
.Lfunc_end2:
_tile_overlayer_lowered:
.L_overlay_start_2:
0x70: {  	(tag) =	ssettag $0x2  }
0x71: {  	s0 =	rddreg [dreg:$0x0];
	s2 =	stileid.u32  }
0x72: {  	s1 =	rddreg [dreg:$0x1];
	p0 =	sne.s32 s2, $0x0  }
0x73: {  	s3 =	rddreg [dreg:$0x2];
	[bflag:$0x3] =	sbarrier.arrive $0xFFFF;
	s2 =	simm.s32 @!p0 $0x1C01  }
0x74: {  	[timem:s3], [sflag:s2] =	dma.local @!p0 [hbm:s0], s1  }
0x75: {  	s0 =	simm.s32 @!p0 $0x1  }
0x76: {  	_ =	swait.ge @!p0 [sflag:s0], s1  }
0x77: {  	s1 =	ssub.s32 @!p0 $0x0, s1;
	[sflag:s0] =	ssyncset.done @!p0 $0x0  }
0x78: {  	[sflag:s0] =	ssyncadd.s32 @!p0 s1  }
0x79: {  	[bflag:$0x3] =	sbarrier.arrive $0xFFFF  }
0x7a: {  	_ =	shalt  }

// kernel: kernel.43.cloned.1.call-start
scs
__scs_entry_jumppad:
0x0: {  	(pc) =	sbr.rel $0x88, $3  }
0x1: {  	(tag) =	ssettag $0x0;
	lr =	simm.s32 $0x1  }
0x2: {  	[smem:$0x3F88] =	sst lr;
	_ =	strace $0xD0000000  }
0x3: {  	_ = 	snop  }
0x4: {  	_ = 	snop  }
0x5: {  	_ = 	snop  }
0x6: {  	_ = 	snop  }
0x7: {  	_ = 	snop  }
__scs_overlays_trampoline_lowered:
0x8: {  	[smem:$0x3F97] =	sst s0  }
0x9: {  	[smem:$0x3F98] =	sst s1  }
0xa: {  	[smem:$0x3F99] =	sst s2  }
0xb: {  	[smem:$0x3F9A] =	sst s3  }
0xc: {  	[smem:$0x3F9B] =	sst s4  }
0xd: {  	[smem:$0x3F9C] =	sst s5  }
0xe: {  	[smem:$0x3F9D] =	sst s6  }
0xf: {  	[smem:$0x3F9E] =	sst s7  }
0x10: {  	[smem:$0x3F9F] =	sst s8  }
0x11: {  	[smem:$0x3FA0] =	sst s9;
	s0 =	simm.s32 @!p0 $0x0  }
0x12: {  	s1 =	sld [smem:$0x3F86];
	s0 =	simm.s32 @p0 $0x1  }
0x13: {  	[smem:$0x3FA1] =	sst s0;
	s0 =	simm.s32 @!p1 $0x0  }
0x14: {  	s2 =	sld [smem:$0x3F85];
	s0 =	simm.s32 @p1 $0x1  }
0x15: {  	[smem:$0x3FA2] =	sst s0;
	s0 =	simm.s32 @!p2 $0x0  }
0x16: {  	s3 =	sld [smem:$0x3FDB];
	s0 =	simm.s32 @p2 $0x1  }
0x17: {  	s4 =	simm.s32 $0x1BF5;
	[smem:$0x3FA4] =	sst s0  }
0x18: {  	s0 =	sld [smem:$0x3F87];
	_ =	swait.ge [sflag:s4], $0x0  }
0x19: {  	s7 =	sld [smem:$0x3F88]  }
0x1a: {  	s8 =	sadd.s32 $0xFFFFE003, lr  }
0x1b: {  	s9 =	sadd.s32 $0xFFFFFEF7, lr;
	s5 =	simm.s32 $0xFFFFFFFF;
	p2 =	slt.u32 s8, $0xFFFFF086  }
0x1c: {  	p1 =	slt.u32 s9, $0xF7A;
	s5 =	simm.s32 @!p2 $0x0  }
0x1d: {  	s5 =	simm.s32 @p1 $0x1;
	p0 =	seq.s32 s7, s2  }
0x1e: {  	s7 =	smul.u32 @!p0 $0xF7A, s2;
	p2 =	seq.s32 @!p0 s5, $0x0  }
0x1f: {  	s9 =	smul.u32 $0xF7A, s1;
	s8 =	simm.s32 @!p0 $0x1BF5;
	p2 =	por !p2, p0  }
0x20: {  	[sflag:s8] =	ssyncset.s32 @!p0 $0xFFFFF086;
	s6 =	sadd.s32 @!p0 s3, s7;
	s7 =	simm.s32 @!p0 $0x108  }
0x21: {  	s3 =	sadd.s32 s3, s9;
	s6 =	sadd.s32 @!p0 $0x88, s6;
	s7 =	simm.s32 @p2 $0x1082  }
0x22: {  	[simem:s7], [sflag:s8] =	dma.local @!p0 [hbm:s6], $0xF7A  }
0x23: {  	s9 =	sor.u32 $0xD0000000, s2;
	s6 =	simm.s32 $0x108;
	_ =	swait.ge @!p0 [sflag:s8], $0x0  }
0x24: {  	s3 =	sadd.s32 $0x88, s3;
	s6 =	simm.s32 @!p1 $0x1082;
	[sflag:s4] =	ssyncset.s32 $0xFFFFF086  }
0x25: {  	[simem:s6], [sflag:s4] =	dma.local [hbm:s3], $0xF7A  }
0x26: {  	[smem:$0x3F88] =	sst s1;
	(tag) =	ssettag s2;
	_ =	strace s9  }
0x27: {  	s1 =	sld [smem:$0x3F98]  }
0x28: {  	s2 =	sld [smem:$0x3F99]  }
0x29: {  	s4 =	sld [smem:$0x3F9B]  }
0x2a: {  	p0 =	seq.s32 s5, $0x0;
	s5 =	sld [smem:$0x3F9C]  }
0x2b: {  	s6 =	sld [smem:$0x3F9D]  }
0x2c: {  	s7 =	sld [smem:$0x3F9E]  }
0x2d: {  	s3 =	simm.s32 $0x108;
	s8 =	sld [smem:$0x3F9F]  }
0x2e: {  	s3 =	simm.s32 @!p0 $0x1082;
	s9 =	sld [smem:$0x3FA0]  }
0x2f: {  	lr =	sadd.s32 s0, s3;
	s0 =	sld [smem:$0x3F97]  }
0x30: {  	s3 =	sld [smem:$0x3F9A]  }
0x31: {  	[smem:$0x3FA3] =	sst s10  }
0x32: {  	s10 =	sld [smem:$0x3FA1];
	_ =	sdelay $0x3  }
0x33: {  	p0 =	seq.s32 s10, $0x1;
	s10 =	sld [smem:$0x3FA3];
	_ =	sdelay $0x3  }
0x34: {  	[smem:$0x3FA3] =	sst s10  }
0x35: {  	s10 =	sld [smem:$0x3FA2];
	_ =	sdelay $0x3  }
0x36: {  	p1 =	seq.s32 s10, $0x1;
	s10 =	sld [smem:$0x3FA3];
	_ =	sdelay $0x3  }
0x37: {  	[smem:$0x3FA3] =	sst s10  }
0x38: {  	s10 =	sld [smem:$0x3FA4]  }
0x39: {  	_ = 	snop;
	(pc) =	sbr.ind lr, $3  }
0x3a: {  	_ = 	snop  }
0x3b: {  	_ = 	snop  }
0x3c: {  	p2 =	seq.s32 s10, $0x1;
	s10 =	sld [smem:$0x3FA3]  }
0x3d: {  	_ =	shalt  }
0x3e: {  	_ =	shalt  }
0x3f: {  	_ =	shalt  }
0x40: {  	_ =	shalt  }
0x41: {  	_ =	shalt  }
0x42: {  	_ =	shalt  }
0x43: {  	_ =	shalt  }
0x44: {  	_ =	shalt  }
0x45: {  	_ =	shalt  }
0x46: {  	_ =	shalt  }
0x47: {  	_ =	shalt  }
0x48: {  	_ =	shalt  }
0x49: {  	_ =	shalt  }
0x4a: {  	_ =	shalt  }
0x4b: {  	_ =	shalt  }
0x4c: {  	_ =	shalt  }
0x4d: {  	_ =	shalt  }
0x4e: {  	_ =	shalt  }
0x4f: {  	_ =	shalt  }
0x50: {  	_ =	shalt  }
0x51: {  	_ =	shalt  }
0x52: {  	_ =	shalt  }
0x53: {  	_ =	shalt  }
0x54: {  	_ =	shalt  }
0x55: {  	_ =	shalt  }
0x56: {  	_ =	shalt  }
0x57: {  	_ =	shalt  }
0x58: {  	_ =	shalt  }
0x59: {  	_ =	shalt  }
0x5a: {  	_ =	shalt  }
0x5b: {  	_ =	shalt  }
0x5c: {  	_ =	shalt  }
0x5d: {  	_ =	shalt  }
0x5e: {  	_ =	shalt  }
0x5f: {  	_ =	shalt  }
0x60: {  	_ =	shalt  }
0x61: {  	_ =	shalt  }
0x62: {  	_ =	shalt  }
0x63: {  	_ =	shalt  }
0x64: {  	_ =	shalt  }
0x65: {  	_ =	shalt  }
0x66: {  	_ =	shalt  }
0x67: {  	_ =	shalt  }
0x68: {  	_ =	shalt  }
0x69: {  	_ =	shalt  }
0x6a: {  	_ =	shalt  }
0x6b: {  	_ =	shalt  }
0x6c: {  	_ =	shalt  }
0x6d: {  	_ =	shalt  }
0x6e: {  	_ =	shalt  }
0x6f: {  	_ =	shalt  }
0x70: {  	_ =	shalt  }
0x71: {  	_ =	shalt  }
0x72: {  	_ =	shalt  }
0x73: {  	_ =	shalt  }
0x74: {  	_ =	shalt  }
0x75: {  	_ =	shalt  }
0x76: {  	_ =	shalt  }
0x77: {  	_ =	shalt  }
0x78: {  	_ =	shalt  }
0x79: {  	_ =	shalt  }
0x7a: {  	_ =	shalt  }
0x7b: {  	_ =	shalt  }
0x7c: {  	_ =	shalt  }
0x7d: {  	_ =	shalt  }
0x7e: {  	_ =	shalt  }
0x7f: {  	_ =	shalt  }
0x80: {  	_ =	shalt  }
0x81: {  	_ =	shalt  }
0x82: {  	_ =	shalt  }
0x83: {  	_ =	shalt  }
0x84: {  	_ =	shalt  }
0x85: {  	_ =	shalt  }
0x86: {  	_ =	shalt  }
0x87: {  	_ =	shalt  }
.Lfunc_end0:
.L_simem_size_0:
called_computation.8_lowered:
.L_overlay_start_0:
0x88: {  	s2 =	sld [smem:$0x3FD9]  }
0x89: {  	s3 =	sld [smem:$0x3FFE];
	_ =	sdelay $0x1  }
0x8a: {  	s1 =	srdreg.scid  }
0x8b: {  	s0 =	sand.u32 $0x1, s1  }
0x8c: {  	s17 =	sshll.u32 s0, $0xA;
	s2 =	sadd.s32 s3, s2  }
0x8d: {  	s2 =	sadd.s32 s2, s17  }
0x8e: {  	[smem:$0x3FAF] =	sst s2  }
0x8f: {  	_ = 	snop  }
0x90: {  	s18 =	sld [smem:$0x3FC6];
	(tm) =	ssettm $0x1  }
0x91: {  	s19 =	sld [smem:$0x3FFB];
	_ =	sdelay $0x3  }
0x92: {  	_ =	strace s19  }
0x93: {  	s2 =	sld [smem:$0x3FFC];
	_ =	sdelay $0x3  }
0x94: {  	_ =	strace s2  }
0x95: {  	s2 =	sld [smem:$0x3FFD];
	_ =	sdelay $0x3  }
0x96: {  	_ =	strace s2  }
0x97: {  	_ =	strace $0x8FFFFFFF  }
0x98: {  	s20 =	sld [smem:$0x3FDB];
	_ =	sdelay $0x1  }
0x99: {  	s4 =	simm.s32 $_scs_section_size  }
0x9a: {  	s5 =	simm.s32 $_size__tile_overlayer_lowered;
	s6 =	simm.s32 $_tile_overlayer_lowered  }
0x9b: {  	s7 =	simm.s32 $0x1BFF;
	s21 =	sshll.u32 s6, $0x1;
	s4 =	sadd.s32 s4, s20  }
0x9c: {  	s22 =	simm.s32 $0x0;
	s5 =	sshll.u32 s5, $0x1;
	s6 =	sadd.s32 s21, s4  }
0x9d: {  	[timem:s22], [sflag:s7] =	dma.local [hbm:s6], s5  }
0x9e: {  	_ =	swait.ge [sflag:s7], s5  }
0x9f: {  	s5 =	ssub.s32 $0x0, s5;
	[sflag:s7] =	ssyncset.done $0x0  }
0xa0: {  	[sflag:s7] =	ssyncadd.s32 s5;
	_ =	sdelay $0x1  }
0xa1: {  	s23 =	simm.s32 $0x1B8B  }
0xa2: {  	_ =	swait.ge [sflag:s23], $0x1  }
0xa3: {  	[sflag:s23] =	ssyncset.done $0x0  }
0xa4: {  	[sflag:s23] =	ssyncadd.s32 $0xFFFFFFFF  }
0xa5: {  	s5 =	sld [smem:$0x0]  }
0xa6: {  	s6 =	sand.u32 $0xFFFFFFFE, s1  }
0xa7: {  	p0 =	sne.s32 s1, s6  }
0xa8: {  	s6 =	sshll.u32 @p0 s6, $0xE  }
0xa9: {  	s6 =	sadd.s32 @p0 $0x11B8D, s6;
	s7 =	sshll.u32 @p0 s5, $0x11  }
0xaa: {  	s6 =	sor.u32 @p0 s7, s6  }
0xab: {  	[sflag:s6] =	ssyncadd.remote.s32 @p0 $0x1;
	_ =	sdelay $0x1  }
0xac: {  	s6 =	simm.s32 @p0 $0x1B8D  }
0xad: {  	_ =	swait.eq @p0 [sflag:s6], $0x1  }
0xae: {  	[sflag:s6] =	ssyncadd.s32 @p0 $0xFFFFFFFF  }
0xaf: {  	s7 =	sshll.u32 @!p0 s1, $0xE  }
0xb0: {  	s7 =	sor.u32 @!p0 $0x4000, s7;
	s6 =	simm.s32 @!p0 $0x1B8D  }
0xb1: {  	s5 =	sshll.u32 @!p0 s5, $0x11;
	s7 =	sadd.s32 @!p0 $0x11B8D, s7;
	_ =	swait.eq @!p0 [sflag:s6], $0x1  }
0xb2: {  	s5 =	sor.u32 @!p0 s5, s7;
	[sflag:s6] =	ssyncadd.s32 @!p0 $0xFFFFFFFF  }
0xb3: {  	s25 =	simm.s32 $0x1B8E;
	s24 =	sld [smem:$0x3FFE];
	[sflag:s5] =	ssyncadd.remote.s32 @!p0 $0x1  }
0xb4: {  	s26 =	simm.s32 $execute0_lowered;
	[smem:$0x3FD2] =	sst s25  }
0xb5: {  	s6 =	sshll.u32 s26, $0x1;
	_ =	strace $0x8000005E;
	[dreg:$0x1] =	wrdreg $0xFFFFFFFF  }
0xb6: {  	s28 =	simm.s32 $_size_execute0_lowered;
	s4 =	sadd.s32 s4, s6;
	[dreg:$0x0] =	wrdreg $0x0  }
0xb7: {  	s6 =	sshll.u32 s28, $0x1;
	[dreg:$0x2] =	wrdreg s4  }
0xb8: {  	[dreg:$0x3] =	wrdreg s6  }
0xb9: {  	[dreg:$0x4] =	wrdreg $0xC0  }
0xba: {  	_ =	task [dreg:s22], $0x5FFFF  }
0xbb: {  	[dreg:$0x1] =	wrdreg $0xFFFFFFFF  }
0xbc: {  	[dreg:$0x0] =	wrdreg $0x60  }
0xbd: {  	[dreg:$0x2] =	wrdreg s24  }
0xbe: {  	[dreg:$0x3] =	wrdreg s18  }
0xbf: {  	[dreg:$0x4] =	wrdreg $0x40800  }
0xc0: {  	[dreg:$0x5] =	wrdreg $0xA  }
0xc1: {  	_ =	task.clear_ibuf [dreg:s22], $0x6FFFF;
	_ =	strace $0x9000005E  }
0xc2: {  	s29 =	simm.s32 $0xA;
	_ =	strace $0x80000060  }
0xc3: {  	_ =	swait.ge [sflag:s29], $0x1  }
0xc4: {  	[sflag:s29] =	ssyncadd.s32 $0xFFFFFFFF  }
0xc5: {  	_ =	strace $0x90000060  }
0xc6: {  	_ =	sfence  }
0xc7: {  	s30 =	sld [smem:$0x0];
	_ =	sdelay $0x2  }
0xc8: {  	s31 =	sshll.u32 s1, $0xD;
	s1 =	sshrl.u32 s1, $0x2  }
0xc9: {  	s4 =	sand.u32 $0x4000, s31;
	s1 =	sadd.s32 s1, s30  }
0xca: {  	s0 =	sor.u32 s4, s0;
	s1 =	sshll.u32 s1, $0x11  }
0xcb: {  	s0 =	sor.u32 s1, s0  }
0xcc: {  	s0 =	sadd.s32 $0x8F2B, s0  }
0xcd: {  	[sflag:s0] =	ssyncadd.remote.s32 $0x1  }
0xce: {  	_ =	sfence.sel $0xFFFF  }
0xcf: {  	[dreg:$0x0] =	wrdreg $0xFFFFFFFF;
	(pc) =	sbr.abs _section_cstart, $3  }
0xd0: {  	[dreg:$0x1] =	wrdreg $0xFFFFFFFF  }
0xd1: {  	_ =	task.clear_ibuf [dreg:s22], $0x2FFFF;
	_ =	strace $0x9FFFFFFF  }
0xd2: {  	(tm) =	ssettm $0x7FFFFFFF  }
0xd3: {  	_ =	shalt  }
tec
execute0_lowered:
.L_overlay_start_1:
0x0: {  	(tag) =	ssettag $0x1  }
0x1: {  	s13 =	rddreg [dreg:$0x0]  }
0x2: {  	s4 =	rddreg [dreg:$0x1]  }
0x3: {  	s2 =	rddreg [dreg:$0x2]  }
0x4: {  	s0 =	rddreg [dreg:$0x3]  }
0x5: {  	s5 =	srdreg.scid;
	s1 =	stileid.u32  }
0x6: {  	s3 =	simm.s32 $0x0;
	s19 =	sand.u32 $0x1, s5;
	s29 =	sshll.u32 s1, $0x1  }
0x7: {  	[smem:$0x7FF] =	sst s3;
	s6 =	sshll.u32 s1, $0x8;
	s5 =	sor.u32 s19, s29  }
0x8: {  	s7 =	sshll.u32 s1, $0xB;
	s9 =	smul.u32 $0x1800, s5;
	s5 =	sshll.u32 s5, $0x4  }
0x9: {  	_ =	strace $0x8000005F;
	s4 =	sadd.s32 s4, s5;
	s5 =	simm.s32 $0x1  }
0xa: {  	[tilespmem:s3], [sflag:$0x1] =	stream.linear.gather [hbm4b:s4+s3], $0x80, $0x38;
	[tilespmem:$0x4880] =	vst v63  }
0xb: {  	s30 =	sshll.u32 s1, $0x6;
	s6 =	sadd.s32 s6, s13;
	_ =	swait.ge [sflag:s5], $0x80  }
0xc: {  	s8 =	sadd.s32 s7, s2;
	s7 =	sor.u32 $0x1C01, s30;
	[sflag:s5] =	ssyncset.done $0x0  }
0xd: {  	s6 =	sadd.s32 $0x29000, s6;
	s8 =	sshrl.u32 s8, $0x3;
	[sflag:s5] =	ssyncadd.s32 $0xFFFFFF80  }
0xe: {  	[spmem:s8], [sflag:s7] =	dma.local [hbm:s6], $0x100  }
0xf: {  	_ =	swait.ge [sflag:s5], $0x100  }
0x10: {  	s10 =	simm.s32 $0x400;
	[sflag:s5] =	ssyncset.done $0x0  }
0x11: {  	s11 =	simm.s32 $0xC00;
	s18 =	sadd.s32 s9, s13;
	[sflag:s5] =	ssyncadd.s32 $0xFFFFFF00  }
0x12: {  	s12 =	simm.s32 $0x80;
	s9 =	sadd.s32 $0x2C000, s18;
	[bflag:$0x0] =	sbarrier.arrive $0xFFFF  }
0x13: {  	[tilespmem:s12], [sflag:$0x1] =	stream.strided.gather [hbm4b:s9+s10], $0x4000, s11, s10, $0x38;
	[tilespmem:$0x4880] =	vst v63  }
0x14: {  	_ =	swait.ge [sflag:s5], $0x4000  }
0x15: {  	s15 =	smul.u32 $0x1800, s1;
	[sflag:s5] =	ssyncset.done $0x0  }
0x16: {  	s14 =	smul.u32 $0x18000, s19;
	[sflag:s5] =	ssyncadd.s32 $0xFFFFC000  }
0x17: {  	[spmem:s2] =	stream.indirect.scatter.add.f32 [tilespmem:s12], [sflag:$0x1], $0x80, s3, s12, $0xb8;
	[tilespmem:$0x4880] =	vst v63  }
0x18: {  	s14 =	sadd.s32 s15, s14;
	_ =	swait.ge [sflag:s5], $0x4000  }
0x19: {  	s14 =	sshrl.u32 s14, $0x3;
	[sflag:s5] =	ssyncset.done $0x0  }
0x1a: {  	s15 =	simm.s32 $0x180;
	s20 =	sadd.s32 s14, s13;
	[sflag:s5] =	ssyncadd.s32 $0xFFFFC000  }
0x1b: {  	s14 =	simm.s32 $0x8;
	s13 =	sadd.s32 $0x8800, s20;
	[bflag:$0x0] =	sbarrier.arrive $0xFFFF  }
0x1c: {  	[hbm:s13@s15], [sflag:s7] =	dma.strided [spmem:s8@s12], $0x100, s14, $0x10   }
0x1d: {  	_ =	swait.ge [sflag:s5], $0x100  }
0x1e: {  	[sflag:s5] =	ssyncset.done $0x0  }
0x1f: {  	[sflag:s5] =	ssyncadd.s32 $0xFFFFFF00  }
0x20: {  	[bflag:$0x0] =	sbarrier.arrive $0xFFFF  }
0x21: {  	[spmem:s8], [sflag:s7] =	dma.local [hbm:s6], $0x100  }
0x22: {  	_ =	swait.ge [sflag:s5], $0x100  }
0x23: {  	[sflag:s5] =	ssyncset.done $0x0  }
0x24: {  	[sflag:s5] =	ssyncadd.s32 $0xFFFFFF00  }
0x25: {  	s16 =	sadd.s32 $0x2C080, s18;
	[bflag:$0x0] =	sbarrier.arrive $0xFFFF  }
0x26: {  	[tilespmem:s12], [sflag:$0x1] =	stream.strided.gather [hbm4b:s16+s10], $0x4000, s11, s10, $0x38;
	[tilespmem:$0x4880] =	vst v63  }
0x27: {  	_ =	swait.ge [sflag:s5], $0x4000  }
0x28: {  	[sflag:s5] =	ssyncset.done $0x0  }
0x29: {  	[sflag:s5] =	ssyncadd.s32 $0xFFFFC000  }
0x2a: {  	[spmem:s2] =	stream.indirect.scatter.add.f32 [tilespmem:s12], [sflag:$0x1], $0x80, s3, s12, $0xb8;
	[tilespmem:$0x4880] =	vst v63  }
0x2b: {  	_ =	swait.ge [sflag:s5], $0x4000  }
0x2c: {  	[sflag:s5] =	ssyncset.done $0x0  }
0x2d: {  	[sflag:s5] =	ssyncadd.s32 $0xFFFFC000  }
0x2e: {  	s17 =	sadd.s32 $0x8880, s20;
	[bflag:$0x0] =	sbarrier.arrive $0xFFFF  }
0x2f: {  	[hbm:s17@s15], [sflag:s7] =	dma.strided [spmem:s8@s12], $0x100, s14, $0x10   }
0x30: {  	_ =	swait.ge [sflag:s5], $0x100  }
0x31: {  	[sflag:s5] =	ssyncset.done $0x0  }
0x32: {  	[sflag:s5] =	ssyncadd.s32 $0xFFFFFF00  }
0x33: {  	[bflag:$0x0] =	sbarrier.arrive $0xFFFF  }
0x34: {  	[spmem:s8], [sflag:s7] =	dma.local [hbm:s6], $0x100  }
0x35: {  	_ =	swait.ge [sflag:s5], $0x100  }
0x36: {  	[sflag:s5] =	ssyncset.done $0x0  }
0x37: {  	[sflag:s5] =	ssyncadd.s32 $0xFFFFFF00  }
0x38: {  	s18 =	sadd.s32 $0x2C100, s18;
	[bflag:$0x0] =	sbarrier.arrive $0xFFFF  }
0x39: {  	[tilespmem:s12], [sflag:$0x1] =	stream.strided.gather [hbm4b:s18+s10], $0x4000, s11, s10, $0x38;
	[tilespmem:$0x4880] =	vst v63  }
0x3a: {  	_ =	swait.ge [sflag:s5], $0x4000  }
0x3b: {  	s19 =	ssub.s32 $0x2, s19;
	[sflag:s5] =	ssyncset.done $0x0  }
0x3c: {  	s21 =	sshrl.u32 s19, $0x1;
	[sflag:s5] =	ssyncadd.s32 $0xFFFFC000  }
0x3d: {  	[spmem:s2] =	stream.indirect.scatter.add.f32 [tilespmem:s12], [sflag:$0x1], $0x80, s3, s12, $0xb8;
	[tilespmem:$0x4880] =	vst v63  }
0x3e: {  	s21 =	ssub.s32 s19, s21;
	_ =	swait.ge [sflag:s5], $0x4000  }
0x3f: {  	s31 =	smax.u32 s21, $0x1;
	[sflag:s5] =	ssyncset.done $0x0  }
0x40: {  	p0 =	sne.s32 s31, $0x1;
	[sflag:s5] =	ssyncadd.s32 $0xFFFFC000  }
.Ltmp0:
0x41: {  	s19 =	sadd.s32 $0x8900, s20;
	[bflag:$0x0] =	sbarrier.arrive $0xFFFF;
	(pc) =	sbr.rel @!p0 .LBB2_2-.Ltmp0, $4  }
0x42: {  	[hbm:s19@s15], [sflag:s7] =	dma.strided [spmem:s8@s12], $0x100, s14, $0x10   }
0x43: {  	_ =	swait.ge [sflag:s5], $0x100  }
0x44: {  	[sflag:s5] =	ssyncset.done $0x0  }
0x45: {  	s20 =	sadd.s32 $0xFFFFFFFF, s31;
	[sflag:s5] =	ssyncadd.s32 $0xFFFFFF00  }
.LBB2_1:
0x46: {  	p0 =	sne.s32 s20, $0x1;
	s20 =	sadd.s32 $0xFFFFFFFF, s20;
	[bflag:$0x0] =	sbarrier.arrive $0xFFFF  }
0x47: {  	[tilespmem:s3], [sflag:$0x1] =	stream.linear.gather [hbm4b:s4+s3], $0x80, $0x38;
	[tilespmem:$0x4880] =	vst v63  }
0x48: {  	_ =	swait.ge [sflag:s5], $0x80  }
0x49: {  	[sflag:s5] =	ssyncset.done $0x0  }
0x4a: {  	[sflag:s5] =	ssyncadd.s32 $0xFFFFFF80  }
0x4b: {  	[spmem:s8], [sflag:s7] =	dma.local [hbm:s6], $0x100  }
0x4c: {  	_ =	swait.ge [sflag:s5], $0x100  }
0x4d: {  	[sflag:s5] =	ssyncset.done $0x0  }
0x4e: {  	[sflag:s5] =	ssyncadd.s32 $0xFFFFFF00  }
0x4f: {  	[bflag:$0x0] =	sbarrier.arrive $0xFFFF  }
0x50: {  	[tilespmem:s12], [sflag:$0x1] =	stream.strided.gather [hbm4b:s9+s10], $0x4000, s11, s10, $0x38;
	[tilespmem:$0x4880] =	vst v63  }
0x51: {  	_ =	swait.ge [sflag:s5], $0x4000  }
0x52: {  	[sflag:s5] =	ssyncset.done $0x0  }
0x53: {  	[sflag:s5] =	ssyncadd.s32 $0xFFFFC000  }
0x54: {  	[spmem:s2] =	stream.indirect.scatter.add.f32 [tilespmem:s12], [sflag:$0x1], $0x80, s3, s12, $0xb8;
	[tilespmem:$0x4880] =	vst v63  }
0x55: {  	_ =	swait.ge [sflag:s5], $0x4000  }
0x56: {  	[sflag:s5] =	ssyncset.done $0x0  }
0x57: {  	[sflag:s5] =	ssyncadd.s32 $0xFFFFC000  }
0x58: {  	[bflag:$0x0] =	sbarrier.arrive $0xFFFF  }
0x59: {  	[hbm:s13@s15], [sflag:s7] =	dma.strided [spmem:s8@s12], $0x100, s14, $0x10   }
0x5a: {  	_ =	swait.ge [sflag:s5], $0x100  }
0x5b: {  	[sflag:s5] =	ssyncset.done $0x0  }
0x5c: {  	[sflag:s5] =	ssyncadd.s32 $0xFFFFFF00  }
0x5d: {  	[bflag:$0x0] =	sbarrier.arrive $0xFFFF  }
0x5e: {  	[spmem:s8], [sflag:s7] =	dma.local [hbm:s6], $0x100  }
0x5f: {  	_ =	swait.ge [sflag:s5], $0x100  }
0x60: {  	[sflag:s5] =	ssyncset.done $0x0  }
0x61: {  	[sflag:s5] =	ssyncadd.s32 $0xFFFFFF00  }
0x62: {  	[bflag:$0x0] =	sbarrier.arrive $0xFFFF  }
0x63: {  	[tilespmem:s12], [sflag:$0x1] =	stream.strided.gather [hbm4b:s16+s10], $0x4000, s11, s10, $0x38;
	[tilespmem:$0x4880] =	vst v63  }
0x64: {  	_ =	swait.ge [sflag:s5], $0x4000  }
0x65: {  	[sflag:s5] =	ssyncset.done $0x0  }
0x66: {  	[sflag:s5] =	ssyncadd.s32 $0xFFFFC000  }
0x67: {  	[spmem:s2] =	stream.indirect.scatter.add.f32 [tilespmem:s12], [sflag:$0x1], $0x80, s3, s12, $0xb8;
	[tilespmem:$0x4880] =	vst v63  }
0x68: {  	_ =	swait.ge [sflag:s5], $0x4000  }
0x69: {  	[sflag:s5] =	ssyncset.done $0x0  }
0x6a: {  	[sflag:s5] =	ssyncadd.s32 $0xFFFFC000  }
0x6b: {  	[bflag:$0x0] =	sbarrier.arrive $0xFFFF  }
0x6c: {  	[hbm:s17@s15], [sflag:s7] =	dma.strided [spmem:s8@s12], $0x100, s14, $0x10   }
0x6d: {  	_ =	swait.ge [sflag:s5], $0x100  }
0x6e: {  	[sflag:s5] =	ssyncset.done $0x0  }
0x6f: {  	[sflag:s5] =	ssyncadd.s32 $0xFFFFFF00  }
0x70: {  	[bflag:$0x0] =	sbarrier.arrive $0xFFFF  }
0x71: {  	[spmem:s8], [sflag:s7] =	dma.local [hbm:s6], $0x100  }
0x72: {  	_ =	swait.ge [sflag:s5], $0x100  }
0x73: {  	[sflag:s5] =	ssyncset.done $0x0  }
0x74: {  	[sflag:s5] =	ssyncadd.s32 $0xFFFFFF00  }
0x75: {  	[bflag:$0x0] =	sbarrier.arrive $0xFFFF  }
0x76: {  	[tilespmem:s12], [sflag:$0x1] =	stream.strided.gather [hbm4b:s18+s10], $0x4000, s11, s10, $0x38;
	[tilespmem:$0x4880] =	vst v63  }
0x77: {  	_ =	swait.ge [sflag:s5], $0x4000  }
0x78: {  	[sflag:s5] =	ssyncset.done $0x0  }
0x79: {  	[sflag:s5] =	ssyncadd.s32 $0xFFFFC000  }
0x7a: {  	[spmem:s2] =	stream.indirect.scatter.add.f32 [tilespmem:s12], [sflag:$0x1], $0x80, s3, s12, $0xb8;
	[tilespmem:$0x4880] =	vst v63  }
0x7b: {  	_ =	swait.ge [sflag:s5], $0x4000  }
0x7c: {  	[sflag:s5] =	ssyncset.done $0x0  }
0x7d: {  	[sflag:s5] =	ssyncadd.s32 $0xFFFFC000  }
.Ltmp1:
0x7e: {  	[bflag:$0x0] =	sbarrier.arrive $0xFFFF;
	(pc) =	sbr.rel @p0 .LBB2_1-.Ltmp1, $4  }
0x7f: {  	[hbm:s19@s15], [sflag:s7] =	dma.strided [spmem:s8@s12], $0x100, s14, $0x10   }
0x80: {  	_ =	swait.ge [sflag:s5], $0x100  }
0x81: {  	[sflag:s5] =	ssyncset.done $0x0  }
0x82: {  	[sflag:s5] =	ssyncadd.s32 $0xFFFFFF00  }
.LBB2_2:
0x83: {  	[bflag:$0x0] =	sbarrier.arrive $0xFFFF  }
0x84: {  	_ =	sfence.sel $0x180000  }
0x85: {  	[bflag:$0x0] =	sbarrier.arrive $0xFFFF  }
0x86: {  	p0 =	sne.s32 s1, $0x0;
	_ =	strace $0x9000005F  }
0x87: {  	s0 =	sadd.s32 @!p0 $0x100000, s0;
	[bflag:$0x2] =	sbarrier.arrive $0xFFFF  }
0x88: {  	[sflag:s0] =	ssyncadd.tile.s32 @!p0 $0x1;
	_ =	shalt  }
.Lfunc_end2:
_tile_overlayer_lowered:
.L_overlay_start_2:
0x89: {  	(tag) =	ssettag $0x2  }
0x8a: {  	s0 =	rddreg [dreg:$0x0];
	s2 =	stileid.u32  }
0x8b: {  	s1 =	rddreg [dreg:$0x1];
	p0 =	sne.s32 s2, $0x0  }
0x8c: {  	s3 =	rddreg [dreg:$0x2];
	[bflag:$0x3] =	sbarrier.arrive $0xFFFF;
	s2 =	simm.s32 @!p0 $0x1C01  }
0x8d: {  	[timem:s3], [sflag:s2] =	dma.local @!p0 [hbm:s0], s1  }
0x8e: {  	s0 =	simm.s32 @!p0 $0x1  }
0x8f: {  	_ =	swait.ge @!p0 [sflag:s0], s1  }
0x90: {  	s1 =	ssub.s32 @!p0 $0x0, s1;
	[sflag:s0] =	ssyncset.done @!p0 $0x0  }
0x91: {  	[sflag:s0] =	ssyncadd.s32 @!p0 s1  }
0x92: {  	[bflag:$0x3] =	sbarrier.arrive $0xFFFF  }
0x93: {  	_ =	shalt  }

</sc_bundles>
